<compile_context>
chip_gen: v7x
topology: tpu7x:2x2x1
jax: 0.10.2.dev20260603
libtpu: 0.0.44.dev20260713+nightly
codegen_flags: <defaults>
</compile_context>

<pallas_src>
import functools

import jax
import jax.numpy as jnp
from jax import lax
from jax.experimental import pallas as pl
from jax.experimental.pallas import tpu as pltpu
from jax.experimental.pallas import tpu_sc as plsc

N = 10000
D = 128
E = 320000

NC = 2
NS = 16
NW = NC * NS
EPW = E // NW
K = 80
NCHUNK = EPW // K
NPAD = 10240
RPS = NPAD // NS

_mesh = plsc.VectorSubcoreMesh(core_axis_name="c", subcore_axis_name="s")


def _sc_edge_body(y_hbm, src_hbm, dst_hbm, w_hbm, out_hbm,
                  h_sh, src_v, dst_v, w_v, src_c, dst_c, rows_v, sem):
    c = lax.axis_index("c")
    s = lax.axis_index("s")
    base = (c * NS + s) * EPW

    zvec = jnp.zeros((16,), jnp.float32)

    def _zrow(r, carry):
        for j in range(D // 16):
            rows_v[r, pl.ds(16 * j, 16)] = zvec
        return carry

    lax.fori_loop(0, K, _zrow, 0)
    for t in range(RPS // K):
        pltpu.sync_copy(rows_v, h_sh.at[pl.ds(s * RPS + t * K, K)])

    pltpu.sync_copy(src_hbm.at[pl.ds(base, EPW)], src_v)
    pltpu.sync_copy(dst_hbm.at[pl.ds(base, EPW)], dst_v)
    pltpu.sync_copy(w_hbm.at[pl.ds(base, EPW)], w_v)
    plsc.subcore_barrier()

    def _chunk(i, carry):
        for g in range(K // 16):
            src_c[pl.ds(g * 16, 16)] = src_v[pl.ds(i * K + g * 16, 16)]
            dst_c[pl.ds(g * 16, 16)] = dst_v[pl.ds(i * K + g * 16, 16)]
        pltpu.async_copy(y_hbm.at[src_c], rows_v, sem).wait()

        def _grp(g, gcarry):
            wvec = w_v[pl.ds(i * K + g * 16, 16)]
            for lane in range(16):
                wb = jnp.broadcast_to(wvec[lane], (16,))
                e = g * 16 + lane
                for j in range(D // 16):
                    rows_v[e, pl.ds(16 * j, 16)] = (
                        rows_v[e, pl.ds(16 * j, 16)] * wb)
            return gcarry

        lax.fori_loop(0, K // 16, _grp, 0)
        pltpu.sync_copy(rows_v, h_sh.at[dst_c], add=True)
        return carry

    lax.fori_loop(0, NCHUNK, _chunk, 0)
    plsc.subcore_barrier()
    pltpu.sync_copy(h_sh.at[pl.ds(s * RPS, RPS)],
                    out_hbm.at[c, pl.ds(s * RPS, RPS)])


_sc_edge = pl.kernel(
    _sc_edge_body,
    out_type=jax.ShapeDtypeStruct((NC, NPAD, D), jnp.float32),
    mesh=_mesh,
    scratch_types=[
        pltpu.VMEM_SHARED((NPAD, D), jnp.float32),
        pltpu.VMEM((EPW,), jnp.int32),
        pltpu.VMEM((EPW,), jnp.int32),
        pltpu.VMEM((EPW,), jnp.float32),
        pltpu.VMEM((K,), jnp.int32),
        pltpu.VMEM((K,), jnp.int32),
        pltpu.VMEM((K, D), jnp.float32),
        pltpu.SemaphoreType.DMA,
    ],
    name="sc_edge_pass",
)


def _tc_pre_body(x_ref, W_ref, Lw_ref, Lb_ref, y_ref, z_ref):
    xv = x_ref[...]
    y_ref[...] = jnp.dot(xv, W_ref[...], preferred_element_type=jnp.float32)
    z_ref[...] = (jnp.dot(xv, Lw_ref[...], preferred_element_type=jnp.float32)
                  + Lb_ref[...])


_tc_pre = pl.pallas_call(
    _tc_pre_body,
    out_shape=(jax.ShapeDtypeStruct((N, D), jnp.float32),
               jax.ShapeDtypeStruct((N, D), jnp.float32)),
)


def _layer_norm(t, g, b):
    mu = jnp.mean(t, axis=-1, keepdims=True)
    xc = t - mu
    var = jnp.mean(xc * xc, axis=-1, keepdims=True)
    return xc / jnp.sqrt(var + 1e-5) * g + b


def _tc_mid_body(z_ref, hp_ref, g_ref, b_ref, W_ref, Lw_ref, Lb_ref,
                 y_ref, z1_ref):
    t = z_ref[...] + hp_ref[0, :N] + hp_ref[1, :N]
    x1 = _layer_norm(t, g_ref[...], b_ref[...])
    y_ref[...] = jnp.dot(x1, W_ref[...], preferred_element_type=jnp.float32)
    z1_ref[...] = (jnp.dot(x1, Lw_ref[...], preferred_element_type=jnp.float32)
                   + Lb_ref[...])


_tc_mid = pl.pallas_call(
    _tc_mid_body,
    out_shape=(jax.ShapeDtypeStruct((N, D), jnp.float32),
               jax.ShapeDtypeStruct((N, D), jnp.float32)),
)


def _tc_post_body(z_ref, hp_ref, g_ref, b_ref, o_ref):
    t = z_ref[...] + hp_ref[0, :N] + hp_ref[1, :N]
    o_ref[...] = _layer_norm(t, g_ref[...], b_ref[...])


_tc_post = pl.pallas_call(
    _tc_post_body,
    out_shape=jax.ShapeDtypeStruct((N, D), jnp.float32),
)


def kernel(x, edge_index, w, W0, W1, L0w, L0b, L1w, L1b, g0, b0, g1, b1):
    src_f = edge_index[0]
    dst_f = edge_index[1]

    L0b2 = L0b.reshape(1, D)
    L1b2 = L1b.reshape(1, D)
    g02, b02 = g0.reshape(1, D), b0.reshape(1, D)
    g12, b12 = g1.reshape(1, D), b1.reshape(1, D)

    y0, z0 = _tc_pre(x, W0, L0w, L0b2)
    hp0 = _sc_edge(y0, src_f, dst_f, w)
    y1, z1 = _tc_mid(z0, hp0, g02, b02, W1, L1w, L1b2)
    hp1 = _sc_edge(y1, src_f, dst_f, w)
    return _tc_post(z1, hp1, g12, b12)

# --- scband reference (transcript-rebuilt; emitter-appended) ---
"""Pipeline reference for scband-graph-net-87436944212144 (READ-ONLY COPY).

The authoritative reference and input builder live on the scoring server;
editing this copy changes nothing except your own understanding.
"""

import jax, jax.numpy as jnp
import numpy as np

N = 10000
E = 320000
D = 128

def setup_inputs(seed: int = 0) -> dict:
    key = jax.random.key(seed)
    ks = jax.random.split(key, 16)
    x = jax.random.normal(ks[0], (N, D), dtype=jnp.float32)
    edge_index = jax.random.randint(ks[1], (2, E), 0, N, dtype=jnp.int32)
    w = jax.random.uniform(ks[2], (E,), dtype=jnp.float32)
    s = 1.0 / np.sqrt(D)
    W0 = jax.random.normal(ks[3], (D, D), dtype=jnp.float32) * s
    W1 = jax.random.normal(ks[4], (D, D), dtype=jnp.float32) * s
    L0w = jax.random.normal(ks[5], (D, D), dtype=jnp.float32) * s
    L0b = jnp.zeros((D,), dtype=jnp.float32)
    L1w = jax.random.normal(ks[6], (D, D), dtype=jnp.float32) * s
    L1b = jnp.zeros((D,), dtype=jnp.float32)
    g0 = jnp.ones((D,), dtype=jnp.float32)
    b0 = jnp.zeros((D,), dtype=jnp.float32)
    g1 = jnp.ones((D,), dtype=jnp.float32)
    b1 = jnp.zeros((D,), dtype=jnp.float32)
    return {"x": x, "edge_index": edge_index, "w": w,
            "W0": W0, "W1": W1, "L0w": L0w, "L0b": L0b,
            "L1w": L1w, "L1b": L1b, "g0": g0, "b0": b0,
            "g1": g1, "b1": b1}

def reference(x, edge_index, w, W0, W1, L0w, L0b, L1w, L1b, g0, b0, g1, b1):
    # Euclidean manifold: exp/log are identity maps.
    src = edge_index[0]
    dst = edge_index[1]

    def layer(x, Wc, Lw, Lb, g, b):
        # conv: weighted message passing (gather src features, scale by edge weight, scatter-add to dst)
        msgs = x[src] * w[:, None]
        agg = jax.ops.segment_sum(msgs, dst, num_segments=N)
        h = agg @ Wc
        # res: x = lin(log(x)) + log(h)
        x = (x @ Lw + Lb) + h
        # layer norm
        mu = jnp.mean(x, axis=-1, keepdims=True)
        var = jnp.var(x, axis=-1, keepdims=True)
        x = (x - mu) / jnp.sqrt(var + 1e-5) * g + b
        return x

    x = layer(x, W0, L0w, L0b, g0, b0)
    x = layer(x, W1, L1w, L1b, g1, b1)
    # cat=False -> return log(x) = x (Euclidean)
    return x

if __name__ == "__main__":
    import jax
    _d = setup_inputs()
    print(jax.jit(kernel)(*tuple(_d.values())))

</pallas_src>

<mosaic_0001>
#map = affine_map<(d0, d1) -> (0, 0)>
#map1 = affine_map<(d0, d1) -> (0)>
#map2 = affine_map<(d0, d1) -> (0, 0, 0)>
module attributes {stable_mosaic.version = 14 : i64} {
  func.func @sc_edge_pass(%arg0: i32, %arg1: i32, %arg2: memref<10000x128xf32, #tpu.memory_space<hbm>>, %arg3: memref<320000xi32, #tpu.memory_space<hbm>>, %arg4: memref<320000xi32, #tpu.memory_space<hbm>>, %arg5: memref<320000xf32, #tpu.memory_space<hbm>>, %arg6: memref<2x10240x128xf32, #tpu.memory_space<hbm>>, %arg7: memref<10240x128xf32, #tpu.memory_space<vmem_shared>>, %arg8: memref<10000xi32, #tpu.memory_space<vmem>>, %arg9: memref<10000xi32, #tpu.memory_space<vmem>>, %arg10: memref<10000xf32, #tpu.memory_space<vmem>>, %arg11: memref<80xi32, #tpu.memory_space<vmem>>, %arg12: memref<80xi32, #tpu.memory_space<vmem>>, %arg13: memref<80x128xf32, #tpu.memory_space<vmem>>, %arg14: memref<!tpu.dma_semaphore, #tpu.memory_space<semaphore_mem>>) attributes {dimension_semantics = [#tpu.dimension_semantics<core_parallel>, #tpu.dimension_semantics<subcore_parallel>], iteration_bounds = array<i64: 2, 16>, scalar_prefetch = 0 : i64, scratch_operands = 8 : i64, tpu.core_type = #tpu.core_type<sc_vector_subcore>, window_params = [{transform_indices = #map}, {transform_indices = #map1}, {transform_indices = #map1}, {transform_indices = #map1}, {transform_indices = #map2}]} {
    %mul3A = arith.constant 16 : i32
    %mul3A_0 = arith.muli %arg0, %mul3A : i32
    %add3A = arith.addi %mul3A_0, %arg1 : i32
    %mul3A_1 = arith.constant 10000 : i32
    %mul3A_2 = arith.muli %add3A, %mul3A_1 : i32
    %broadcast_in_dim3A = arith.constant 0.000000e+00 : f32
    %broadcast_in_dim3A_3 = vector.broadcast %broadcast_in_dim3A : f32 to vector<16xf32>
    %scan3A = arith.constant 0 : i32
    %scan3A_4 = arith.constant 0 : i32
    %scan3A_5 = arith.constant 80 : i32
    %scan3A_6 = arith.addi %scan3A_4, %scan3A_5 : i32
    %scan3A_7 = arith.constant 1 : i32
    scf.for %scan3A_52 = %scan3A_4 to %scan3A_6 step %scan3A_7  : i32 {
      %swap3A = arith.index_cast %scan3A_52 : i32 to index
      %swap3A_53 = arith.constant 0 : index
      %swap3A_54 = tpu.vector_load %arg13[%swap3A, %swap3A_53] {strides = array<i32>} : memref<80x128xf32, #tpu.memory_space<vmem>>, vector<1x16xf32>,
      %swap3A_55 = vector.shape_cast %swap3A_54 : vector<1x16xf32> to vector<16xf32>
      %swap3A_56 = vector.shape_cast %broadcast_in_dim3A_3 : vector<16xf32> to vector<1x16xf32>
      tpu.vector_store %arg13[%swap3A, %swap3A_53], %swap3A_56 {strides = array<i32>} : memref<80x128xf32, #tpu.memory_space<vmem>>, vector<1x16xf32>,
      %swap3A_57 = arith.index_cast %scan3A_52 : i32 to index
      %swap3A_58 = arith.constant 16 : index
      %swap3A_59 = tpu.vector_load %arg13[%swap3A_57, %swap3A_58] {strides = array<i32>} : memref<80x128xf32, #tpu.memory_space<vmem>>, vector<1x16xf32>,
      %swap3A_60 = vector.shape_cast %swap3A_59 : vector<1x16xf32> to vector<16xf32>
      %swap3A_61 = vector.shape_cast %broadcast_in_dim3A_3 : vector<16xf32> to vector<1x16xf32>
      tpu.vector_store %arg13[%swap3A_57, %swap3A_58], %swap3A_61 {strides = array<i32>} : memref<80x128xf32, #tpu.memory_space<vmem>>, vector<1x16xf32>,
      %swap3A_62 = arith.index_cast %scan3A_52 : i32 to index
      %swap3A_63 = arith.constant 32 : index
      %swap3A_64 = tpu.vector_load %arg13[%swap3A_62, %swap3A_63] {strides = array<i32>} : memref<80x128xf32, #tpu.memory_space<vmem>>, vector<1x16xf32>,
      %swap3A_65 = vector.shape_cast %swap3A_64 : vector<1x16xf32> to vector<16xf32>
      %swap3A_66 = vector.shape_cast %broadcast_in_dim3A_3 : vector<16xf32> to vector<1x16xf32>
      tpu.vector_store %arg13[%swap3A_62, %swap3A_63], %swap3A_66 {strides = array<i32>} : memref<80x128xf32, #tpu.memory_space<vmem>>, vector<1x16xf32>,
      %swap3A_67 = arith.index_cast %scan3A_52 : i32 to index
      %swap3A_68 = arith.constant 48 : index
      %swap3A_69 = tpu.vector_load %arg13[%swap3A_67, %swap3A_68] {strides = array<i32>} : memref<80x128xf32, #tpu.memory_space<vmem>>, vector<1x16xf32>,
      %swap3A_70 = vector.shape_cast %swap3A_69 : vector<1x16xf32> to vector<16xf32>
      %swap3A_71 = vector.shape_cast %broadcast_in_dim3A_3 : vector<16xf32> to vector<1x16xf32>
      tpu.vector_store %arg13[%swap3A_67, %swap3A_68], %swap3A_71 {strides = array<i32>} : memref<80x128xf32, #tpu.memory_space<vmem>>, vector<1x16xf32>,
      %swap3A_72 = arith.index_cast %scan3A_52 : i32 to index
      %swap3A_73 = arith.constant 64 : index
      %swap3A_74 = tpu.vector_load %arg13[%swap3A_72, %swap3A_73] {strides = array<i32>} : memref<80x128xf32, #tpu.memory_space<vmem>>, vector<1x16xf32>,
      %swap3A_75 = vector.shape_cast %swap3A_74 : vector<1x16xf32> to vector<16xf32>
      %swap3A_76 = vector.shape_cast %broadcast_in_dim3A_3 : vector<16xf32> to vector<1x16xf32>
      tpu.vector_store %arg13[%swap3A_72, %swap3A_73], %swap3A_76 {strides = array<i32>} : memref<80x128xf32, #tpu.memory_space<vmem>>, vector<1x16xf32>,
      %swap3A_77 = arith.index_cast %scan3A_52 : i32 to index
      %swap3A_78 = arith.constant 80 : index
      %swap3A_79 = tpu.vector_load %arg13[%swap3A_77, %swap3A_78] {strides = array<i32>} : memref<80x128xf32, #tpu.memory_space<vmem>>, vector<1x16xf32>,
      %swap3A_80 = vector.shape_cast %swap3A_79 : vector<1x16xf32> to vector<16xf32>
      %swap3A_81 = vector.shape_cast %broadcast_in_dim3A_3 : vector<16xf32> to vector<1x16xf32>
      tpu.vector_store %arg13[%swap3A_77, %swap3A_78], %swap3A_81 {strides = array<i32>} : memref<80x128xf32, #tpu.memory_space<vmem>>, vector<1x16xf32>,
      %swap3A_82 = arith.index_cast %scan3A_52 : i32 to index
      %swap3A_83 = arith.constant 96 : index
      %swap3A_84 = tpu.vector_load %arg13[%swap3A_82, %swap3A_83] {strides = array<i32>} : memref<80x128xf32, #tpu.memory_space<vmem>>, vector<1x16xf32>,
      %swap3A_85 = vector.shape_cast %swap3A_84 : vector<1x16xf32> to vector<16xf32>
      %swap3A_86 = vector.shape_cast %broadcast_in_dim3A_3 : vector<16xf32> to vector<1x16xf32>
      tpu.vector_store %arg13[%swap3A_82, %swap3A_83], %swap3A_86 {strides = array<i32>} : memref<80x128xf32, #tpu.memory_space<vmem>>, vector<1x16xf32>,
      %swap3A_87 = arith.index_cast %scan3A_52 : i32 to index
      %swap3A_88 = arith.constant 112 : index
      %swap3A_89 = tpu.vector_load %arg13[%swap3A_87, %swap3A_88] {strides = array<i32>} : memref<80x128xf32, #tpu.memory_space<vmem>>, vector<1x16xf32>,
      %swap3A_90 = vector.shape_cast %swap3A_89 : vector<1x16xf32> to vector<16xf32>
      %swap3A_91 = vector.shape_cast %broadcast_in_dim3A_3 : vector<16xf32> to vector<1x16xf32>
      tpu.vector_store %arg13[%swap3A_87, %swap3A_88], %swap3A_91 {strides = array<i32>} : memref<80x128xf32, #tpu.memory_space<vmem>>, vector<1x16xf32>,
    }
    %scan3A_8 = arith.constant 80 : i32
    %mul3A_9 = arith.constant 640 : i32
    %mul3A_10 = arith.muli %arg1, %mul3A_9 : i32
    %add3A_11 = arith.constant 0 : i32
    %add3A_12 = arith.addi %mul3A_10, %add3A_11 : i32
    "tpu.region"() ({
      %run_scoped3A = tpu.sem_alloc : memref<!tpu.dma_semaphore, #tpu.memory_space<semaphore_mem>>
      %dma_start3A = arith.constant 0 : i32
      %dma_start3A_52 = tpu.memref_slice %arg7[%add3A_12, %dma_start3A] : memref<10240x128xf32, #tpu.memory_space<vmem_shared>> -> memref<80x128xf32, #tpu.memory_space<vmem_shared>>
      %dma_start3A_53 = arith.constant 0 : i32
      %dma_start3A_54 = tpu.memref_slice %arg7[%add3A_12, %dma_start3A_53] : memref<10240x128xf32, #tpu.memory_space<vmem_shared>> -> memref<80x128xf32, #tpu.memory_space<vmem_shared>>
      tpu.enqueue_dma source(%arg13 : memref<80x128xf32, #tpu.memory_space<vmem>>) target(%dma_start3A_54 : memref<80x128xf32, #tpu.memory_space<vmem_shared>>) target_semaphore(%run_scoped3A : memref<!tpu.dma_semaphore, #tpu.memory_space<semaphore_mem>>)
      %dma_wait3A = arith.constant 0 : i32
      %dma_wait3A_55 = tpu.memref_slice %arg7[%add3A_12, %dma_wait3A] : memref<10240x128xf32, #tpu.memory_space<vmem_shared>> -> memref<80x128xf32, #tpu.memory_space<vmem_shared>>
      %dma_wait3A_56 = arith.constant 0 : i32
      %dma_wait3A_57 = tpu.memref_slice %arg7[%add3A_12, %dma_wait3A_56] : memref<10240x128xf32, #tpu.memory_space<vmem_shared>> -> memref<80x128xf32, #tpu.memory_space<vmem_shared>>
      tpu.wait_dma2 semaphore(%run_scoped3A : memref<!tpu.dma_semaphore, #tpu.memory_space<semaphore_mem>>) src(%arg13 : memref<80x128xf32, #tpu.memory_space<vmem>>) dst(%dma_wait3A_57 : memref<80x128xf32, #tpu.memory_space<vmem_shared>>)
      tpu.yield
    }) : () -> ()
    %mul3A_13 = arith.constant 640 : i32
    %mul3A_14 = arith.muli %arg1, %mul3A_13 : i32
    %add3A_15 = arith.constant 80 : i32
    %add3A_16 = arith.addi %mul3A_14, %add3A_15 : i32
    "tpu.region"() ({
      %run_scoped3A = tpu.sem_alloc : memref<!tpu.dma_semaphore, #tpu.memory_space<semaphore_mem>>
      %dma_start3A = arith.constant 0 : i32
      %dma_start3A_52 = tpu.memref_slice %arg7[%add3A_16, %dma_start3A] : memref<10240x128xf32, #tpu.memory_space<vmem_shared>> -> memref<80x128xf32, #tpu.memory_space<vmem_shared>>
      %dma_start3A_53 = arith.constant 0 : i32
      %dma_start3A_54 = tpu.memref_slice %arg7[%add3A_16, %dma_start3A_53] : memref<10240x128xf32, #tpu.memory_space<vmem_shared>> -> memref<80x128xf32, #tpu.memory_space<vmem_shared>>
      tpu.enqueue_dma source(%arg13 : memref<80x128xf32, #tpu.memory_space<vmem>>) target(%dma_start3A_54 : memref<80x128xf32, #tpu.memory_space<vmem_shared>>) target_semaphore(%run_scoped3A : memref<!tpu.dma_semaphore, #tpu.memory_space<semaphore_mem>>)
      %dma_wait3A = arith.constant 0 : i32
      %dma_wait3A_55 = tpu.memref_slice %arg7[%add3A_16, %dma_wait3A] : memref<10240x128xf32, #tpu.memory_space<vmem_shared>> -> memref<80x128xf32, #tpu.memory_space<vmem_shared>>
      %dma_wait3A_56 = arith.constant 0 : i32
      %dma_wait3A_57 = tpu.memref_slice %arg7[%add3A_16, %dma_wait3A_56] : memref<10240x128xf32, #tpu.memory_space<vmem_shared>> -> memref<80x128xf32, #tpu.memory_space<vmem_shared>>
      tpu.wait_dma2 semaphore(%run_scoped3A : memref<!tpu.dma_semaphore, #tpu.memory_space<semaphore_mem>>) src(%arg13 : memref<80x128xf32, #tpu.memory_space<vmem>>) dst(%dma_wait3A_57 : memref<80x128xf32, #tpu.memory_space<vmem_shared>>)
      tpu.yield
    }) : () -> ()
    %mul3A_17 = arith.constant 640 : i32
    %mul3A_18 = arith.muli %arg1, %mul3A_17 : i32
    %add3A_19 = arith.constant 160 : i32
    %add3A_20 = arith.addi %mul3A_18, %add3A_19 : i32
    "tpu.region"() ({
      %run_scoped3A = tpu.sem_alloc : memref<!tpu.dma_semaphore, #tpu.memory_space<semaphore_mem>>
      %dma_start3A = arith.constant 0 : i32
      %dma_start3A_52 = tpu.memref_slice %arg7[%add3A_20, %dma_start3A] : memref<10240x128xf32, #tpu.memory_space<vmem_shared>> -> memref<80x128xf32, #tpu.memory_space<vmem_shared>>
      %dma_start3A_53 = arith.constant 0 : i32
      %dma_start3A_54 = tpu.memref_slice %arg7[%add3A_20, %dma_start3A_53] : memref<10240x128xf32, #tpu.memory_space<vmem_shared>> -> memref<80x128xf32, #tpu.memory_space<vmem_shared>>
      tpu.enqueue_dma source(%arg13 : memref<80x128xf32, #tpu.memory_space<vmem>>) target(%dma_start3A_54 : memref<80x128xf32, #tpu.memory_space<vmem_shared>>) target_semaphore(%run_scoped3A : memref<!tpu.dma_semaphore, #tpu.memory_space<semaphore_mem>>)
      %dma_wait3A = arith.constant 0 : i32
      %dma_wait3A_55 = tpu.memref_slice %arg7[%add3A_20, %dma_wait3A] : memref<10240x128xf32, #tpu.memory_space<vmem_shared>> -> memref<80x128xf32, #tpu.memory_space<vmem_shared>>
      %dma_wait3A_56 = arith.constant 0 : i32
      %dma_wait3A_57 = tpu.memref_slice %arg7[%add3A_20, %dma_wait3A_56] : memref<10240x128xf32, #tpu.memory_space<vmem_shared>> -> memref<80x128xf32, #tpu.memory_space<vmem_shared>>
      tpu.wait_dma2 semaphore(%run_scoped3A : memref<!tpu.dma_semaphore, #tpu.memory_space<semaphore_mem>>) src(%arg13 : memref<80x128xf32, #tpu.memory_space<vmem>>) dst(%dma_wait3A_57 : memref<80x128xf32, #tpu.memory_space<vmem_shared>>)
      tpu.yield
    }) : () -> ()
    %mul3A_21 = arith.constant 640 : i32
    %mul3A_22 = arith.muli %arg1, %mul3A_21 : i32
    %add3A_23 = arith.constant 240 : i32
    %add3A_24 = arith.addi %mul3A_22, %add3A_23 : i32
    "tpu.region"() ({
      %run_scoped3A = tpu.sem_alloc : memref<!tpu.dma_semaphore, #tpu.memory_space<semaphore_mem>>
      %dma_start3A = arith.constant 0 : i32
      %dma_start3A_52 = tpu.memref_slice %arg7[%add3A_24, %dma_start3A] : memref<10240x128xf32, #tpu.memory_space<vmem_shared>> -> memref<80x128xf32, #tpu.memory_space<vmem_shared>>
      %dma_start3A_53 = arith.constant 0 : i32
      %dma_start3A_54 = tpu.memref_slice %arg7[%add3A_24, %dma_start3A_53] : memref<10240x128xf32, #tpu.memory_space<vmem_shared>> -> memref<80x128xf32, #tpu.memory_space<vmem_shared>>
      tpu.enqueue_dma source(%arg13 : memref<80x128xf32, #tpu.memory_space<vmem>>) target(%dma_start3A_54 : memref<80x128xf32, #tpu.memory_space<vmem_shared>>) target_semaphore(%run_scoped3A : memref<!tpu.dma_semaphore, #tpu.memory_space<semaphore_mem>>)
      %dma_wait3A = arith.constant 0 : i32
      %dma_wait3A_55 = tpu.memref_slice %arg7[%add3A_24, %dma_wait3A] : memref<10240x128xf32, #tpu.memory_space<vmem_shared>> -> memref<80x128xf32, #tpu.memory_space<vmem_shared>>
      %dma_wait3A_56 = arith.constant 0 : i32
      %dma_wait3A_57 = tpu.memref_slice %arg7[%add3A_24, %dma_wait3A_56] : memref<10240x128xf32, #tpu.memory_space<vmem_shared>> -> memref<80x128xf32, #tpu.memory_space<vmem_shared>>
      tpu.wait_dma2 semaphore(%run_scoped3A : memref<!tpu.dma_semaphore, #tpu.memory_space<semaphore_mem>>) src(%arg13 : memref<80x128xf32, #tpu.memory_space<vmem>>) dst(%dma_wait3A_57 : memref<80x128xf32, #tpu.memory_space<vmem_shared>>)
      tpu.yield
    }) : () -> ()
    %mul3A_25 = arith.constant 640 : i32
    %mul3A_26 = arith.muli %arg1, %mul3A_25 : i32
    %add3A_27 = arith.constant 320 : i32
    %add3A_28 = arith.addi %mul3A_26, %add3A_27 : i32
    "tpu.region"() ({
      %run_scoped3A = tpu.sem_alloc : memref<!tpu.dma_semaphore, #tpu.memory_space<semaphore_mem>>
      %dma_start3A = arith.constant 0 : i32
      %dma_start3A_52 = tpu.memref_slice %arg7[%add3A_28, %dma_start3A] : memref<10240x128xf32, #tpu.memory_space<vmem_shared>> -> memref<80x128xf32, #tpu.memory_space<vmem_shared>>
      %dma_start3A_53 = arith.constant 0 : i32
      %dma_start3A_54 = tpu.memref_slice %arg7[%add3A_28, %dma_start3A_53] : memref<10240x128xf32, #tpu.memory_space<vmem_shared>> -> memref<80x128xf32, #tpu.memory_space<vmem_shared>>
      tpu.enqueue_dma source(%arg13 : memref<80x128xf32, #tpu.memory_space<vmem>>) target(%dma_start3A_54 : memref<80x128xf32, #tpu.memory_space<vmem_shared>>) target_semaphore(%run_scoped3A : memref<!tpu.dma_semaphore, #tpu.memory_space<semaphore_mem>>)
      %dma_wait3A = arith.constant 0 : i32
      %dma_wait3A_55 = tpu.memref_slice %arg7[%add3A_28, %dma_wait3A] : memref<10240x128xf32, #tpu.memory_space<vmem_shared>> -> memref<80x128xf32, #tpu.memory_space<vmem_shared>>
      %dma_wait3A_56 = arith.constant 0 : i32
      %dma_wait3A_57 = tpu.memref_slice %arg7[%add3A_28, %dma_wait3A_56] : memref<10240x128xf32, #tpu.memory_space<vmem_shared>> -> memref<80x128xf32, #tpu.memory_space<vmem_shared>>
      tpu.wait_dma2 semaphore(%run_scoped3A : memref<!tpu.dma_semaphore, #tpu.memory_space<semaphore_mem>>) src(%arg13 : memref<80x128xf32, #tpu.memory_space<vmem>>) dst(%dma_wait3A_57 : memref<80x128xf32, #tpu.memory_space<vmem_shared>>)
      tpu.yield
    }) : () -> ()
    %mul3A_29 = arith.constant 640 : i32
    %mul3A_30 = arith.muli %arg1, %mul3A_29 : i32
    %add3A_31 = arith.constant 400 : i32
    %add3A_32 = arith.addi %mul3A_30, %add3A_31 : i32
    "tpu.region"() ({
      %run_scoped3A = tpu.sem_alloc : memref<!tpu.dma_semaphore, #tpu.memory_space<semaphore_mem>>
      %dma_start3A = arith.constant 0 : i32
      %dma_start3A_52 = tpu.memref_slice %arg7[%add3A_32, %dma_start3A] : memref<10240x128xf32, #tpu.memory_space<vmem_shared>> -> memref<80x128xf32, #tpu.memory_space<vmem_shared>>
      %dma_start3A_53 = arith.constant 0 : i32
      %dma_start3A_54 = tpu.memref_slice %arg7[%add3A_32, %dma_start3A_53] : memref<10240x128xf32, #tpu.memory_space<vmem_shared>> -> memref<80x128xf32, #tpu.memory_space<vmem_shared>>
      tpu.enqueue_dma source(%arg13 : memref<80x128xf32, #tpu.memory_space<vmem>>) target(%dma_start3A_54 : memref<80x128xf32, #tpu.memory_space<vmem_shared>>) target_semaphore(%run_scoped3A : memref<!tpu.dma_semaphore, #tpu.memory_space<semaphore_mem>>)
      %dma_wait3A = arith.constant 0 : i32
      %dma_wait3A_55 = tpu.memref_slice %arg7[%add3A_32, %dma_wait3A] : memref<10240x128xf32, #tpu.memory_space<vmem_shared>> -> memref<80x128xf32, #tpu.memory_space<vmem_shared>>
      %dma_wait3A_56 = arith.constant 0 : i32
      %dma_wait3A_57 = tpu.memref_slice %arg7[%add3A_32, %dma_wait3A_56] : memref<10240x128xf32, #tpu.memory_space<vmem_shared>> -> memref<80x128xf32, #tpu.memory_space<vmem_shared>>
      tpu.wait_dma2 semaphore(%run_scoped3A : memref<!tpu.dma_semaphore, #tpu.memory_space<semaphore_mem>>) src(%arg13 : memref<80x128xf32, #tpu.memory_space<vmem>>) dst(%dma_wait3A_57 : memref<80x128xf32, #tpu.memory_space<vmem_shared>>)
      tpu.yield
    }) : () -> ()
    %mul3A_33 = arith.constant 640 : i32
    %mul3A_34 = arith.muli %arg1, %mul3A_33 : i32
    %add3A_35 = arith.constant 480 : i32
    %add3A_36 = arith.addi %mul3A_34, %add3A_35 : i32
    "tpu.region"() ({
      %run_scoped3A = tpu.sem_alloc : memref<!tpu.dma_semaphore, #tpu.memory_space<semaphore_mem>>
      %dma_start3A = arith.constant 0 : i32
      %dma_start3A_52 = tpu.memref_slice %arg7[%add3A_36, %dma_start3A] : memref<10240x128xf32, #tpu.memory_space<vmem_shared>> -> memref<80x128xf32, #tpu.memory_space<vmem_shared>>
      %dma_start3A_53 = arith.constant 0 : i32
      %dma_start3A_54 = tpu.memref_slice %arg7[%add3A_36, %dma_start3A_53] : memref<10240x128xf32, #tpu.memory_space<vmem_shared>> -> memref<80x128xf32, #tpu.memory_space<vmem_shared>>
      tpu.enqueue_dma source(%arg13 : memref<80x128xf32, #tpu.memory_space<vmem>>) target(%dma_start3A_54 : memref<80x128xf32, #tpu.memory_space<vmem_shared>>) target_semaphore(%run_scoped3A : memref<!tpu.dma_semaphore, #tpu.memory_space<semaphore_mem>>)
      %dma_wait3A = arith.constant 0 : i32
      %dma_wait3A_55 = tpu.memref_slice %arg7[%add3A_36, %dma_wait3A] : memref<10240x128xf32, #tpu.memory_space<vmem_shared>> -> memref<80x128xf32, #tpu.memory_space<vmem_shared>>
      %dma_wait3A_56 = arith.constant 0 : i32
      %dma_wait3A_57 = tpu.memref_slice %arg7[%add3A_36, %dma_wait3A_56] : memref<10240x128xf32, #tpu.memory_space<vmem_shared>> -> memref<80x128xf32, #tpu.memory_space<vmem_shared>>
      tpu.wait_dma2 semaphore(%run_scoped3A : memref<!tpu.dma_semaphore, #tpu.memory_space<semaphore_mem>>) src(%arg13 : memref<80x128xf32, #tpu.memory_space<vmem>>) dst(%dma_wait3A_57 : memref<80x128xf32, #tpu.memory_space<vmem_shared>>)
      tpu.yield
    }) : () -> ()
    %mul3A_37 = arith.constant 640 : i32
    %mul3A_38 = arith.muli %arg1, %mul3A_37 : i32
    %add3A_39 = arith.constant 560 : i32
    %add3A_40 = arith.addi %mul3A_38, %add3A_39 : i32
    "tpu.region"() ({
      %run_scoped3A = tpu.sem_alloc : memref<!tpu.dma_semaphore, #tpu.memory_space<semaphore_mem>>
      %dma_start3A = arith.constant 0 : i32
      %dma_start3A_52 = tpu.memref_slice %arg7[%add3A_40, %dma_start3A] : memref<10240x128xf32, #tpu.memory_space<vmem_shared>> -> memref<80x128xf32, #tpu.memory_space<vmem_shared>>
      %dma_start3A_53 = arith.constant 0 : i32
      %dma_start3A_54 = tpu.memref_slice %arg7[%add3A_40, %dma_start3A_53] : memref<10240x128xf32, #tpu.memory_space<vmem_shared>> -> memref<80x128xf32, #tpu.memory_space<vmem_shared>>
      tpu.enqueue_dma source(%arg13 : memref<80x128xf32, #tpu.memory_space<vmem>>) target(%dma_start3A_54 : memref<80x128xf32, #tpu.memory_space<vmem_shared>>) target_semaphore(%run_scoped3A : memref<!tpu.dma_semaphore, #tpu.memory_space<semaphore_mem>>)
      %dma_wait3A = arith.constant 0 : i32
      %dma_wait3A_55 = tpu.memref_slice %arg7[%add3A_40, %dma_wait3A] : memref<10240x128xf32, #tpu.memory_space<vmem_shared>> -> memref<80x128xf32, #tpu.memory_space<vmem_shared>>
      %dma_wait3A_56 = arith.constant 0 : i32
      %dma_wait3A_57 = tpu.memref_slice %arg7[%add3A_40, %dma_wait3A_56] : memref<10240x128xf32, #tpu.memory_space<vmem_shared>> -> memref<80x128xf32, #tpu.memory_space<vmem_shared>>
      tpu.wait_dma2 semaphore(%run_scoped3A : memref<!tpu.dma_semaphore, #tpu.memory_space<semaphore_mem>>) src(%arg13 : memref<80x128xf32, #tpu.memory_space<vmem>>) dst(%dma_wait3A_57 : memref<80x128xf32, #tpu.memory_space<vmem_shared>>)
      tpu.yield
    }) : () -> ()
    "tpu.region"() ({
      %run_scoped3A = tpu.sem_alloc : memref<!tpu.dma_semaphore, #tpu.memory_space<semaphore_mem>>
      %dma_start3A = tpu.memref_slice %arg3[%mul3A_2] : memref<320000xi32, #tpu.memory_space<hbm>> -> memref<10000xi32, #tpu.memory_space<hbm>>
      %dma_start3A_52 = tpu.memref_slice %arg3[%mul3A_2] : memref<320000xi32, #tpu.memory_space<hbm>> -> memref<10000xi32, #tpu.memory_space<hbm>>
      tpu.enqueue_dma source(%dma_start3A_52 : memref<10000xi32, #tpu.memory_space<hbm>>) target(%arg8 : memref<10000xi32, #tpu.memory_space<vmem>>) target_semaphore(%run_scoped3A : memref<!tpu.dma_semaphore, #tpu.memory_space<semaphore_mem>>)
      %dma_wait3A = tpu.memref_slice %arg3[%mul3A_2] : memref<320000xi32, #tpu.memory_space<hbm>> -> memref<10000xi32, #tpu.memory_space<hbm>>
      %dma_wait3A_53 = tpu.memref_slice %arg3[%mul3A_2] : memref<320000xi32, #tpu.memory_space<hbm>> -> memref<10000xi32, #tpu.memory_space<hbm>>
      tpu.wait_dma2 semaphore(%run_scoped3A : memref<!tpu.dma_semaphore, #tpu.memory_space<semaphore_mem>>) src(%dma_wait3A_53 : memref<10000xi32, #tpu.memory_space<hbm>>) dst(%arg8 : memref<10000xi32, #tpu.memory_space<vmem>>)
      tpu.yield
    }) : () -> ()
    "tpu.region"() ({
      %run_scoped3A = tpu.sem_alloc : memref<!tpu.dma_semaphore, #tpu.memory_space<semaphore_mem>>
      %dma_start3A = tpu.memref_slice %arg4[%mul3A_2] : memref<320000xi32, #tpu.memory_space<hbm>> -> memref<10000xi32, #tpu.memory_space<hbm>>
      %dma_start3A_52 = tpu.memref_slice %arg4[%mul3A_2] : memref<320000xi32, #tpu.memory_space<hbm>> -> memref<10000xi32, #tpu.memory_space<hbm>>
      tpu.enqueue_dma source(%dma_start3A_52 : memref<10000xi32, #tpu.memory_space<hbm>>) target(%arg9 : memref<10000xi32, #tpu.memory_space<vmem>>) target_semaphore(%run_scoped3A : memref<!tpu.dma_semaphore, #tpu.memory_space<semaphore_mem>>)
      %dma_wait3A = tpu.memref_slice %arg4[%mul3A_2] : memref<320000xi32, #tpu.memory_space<hbm>> -> memref<10000xi32, #tpu.memory_space<hbm>>
      %dma_wait3A_53 = tpu.memref_slice %arg4[%mul3A_2] : memref<320000xi32, #tpu.memory_space<hbm>> -> memref<10000xi32, #tpu.memory_space<hbm>>
      tpu.wait_dma2 semaphore(%run_scoped3A : memref<!tpu.dma_semaphore, #tpu.memory_space<semaphore_mem>>) src(%dma_wait3A_53 : memref<10000xi32, #tpu.memory_space<hbm>>) dst(%arg9 : memref<10000xi32, #tpu.memory_space<vmem>>)
      tpu.yield
    }) : () -> ()
    "tpu.region"() ({
      %run_scoped3A = tpu.sem_alloc : memref<!tpu.dma_semaphore, #tpu.memory_space<semaphore_mem>>
      %dma_start3A = tpu.memref_slice %arg5[%mul3A_2] : memref<320000xf32, #tpu.memory_space<hbm>> -> memref<10000xf32, #tpu.memory_space<hbm>>
      %dma_start3A_52 = tpu.memref_slice %arg5[%mul3A_2] : memref<320000xf32, #tpu.memory_space<hbm>> -> memref<10000xf32, #tpu.memory_space<hbm>>
      tpu.enqueue_dma source(%dma_start3A_52 : memref<10000xf32, #tpu.memory_space<hbm>>) target(%arg10 : memref<10000xf32, #tpu.memory_space<vmem>>) target_semaphore(%run_scoped3A : memref<!tpu.dma_semaphore, #tpu.memory_space<semaphore_mem>>)
      %dma_wait3A = tpu.memref_slice %arg5[%mul3A_2] : memref<320000xf32, #tpu.memory_space<hbm>> -> memref<10000xf32, #tpu.memory_space<hbm>>
      %dma_wait3A_53 = tpu.memref_slice %arg5[%mul3A_2] : memref<320000xf32, #tpu.memory_space<hbm>> -> memref<10000xf32, #tpu.memory_space<hbm>>
      tpu.wait_dma2 semaphore(%run_scoped3A : memref<!tpu.dma_semaphore, #tpu.memory_space<semaphore_mem>>) src(%dma_wait3A_53 : memref<10000xf32, #tpu.memory_space<hbm>>) dst(%arg10 : memref<10000xf32, #tpu.memory_space<vmem>>)
      tpu.yield
    }) : () -> ()
    %barrier3A = arith.constant 0 : index
    tpu.barrier barrier_id(%barrier3A)
    %scan3A_41 = arith.constant 0 : i32
    %scan3A_42 = arith.constant 0 : i32
    %scan3A_43 = arith.constant 125 : i32
    %scan3A_44 = arith.addi %scan3A_42, %scan3A_43 : i32
    %scan3A_45 = arith.constant 1 : i32
    scf.for %scan3A_52 = %scan3A_42 to %scan3A_44 step %scan3A_45  : i32 {
      %mul3A_53 = arith.constant 80 : i32
      %mul3A_54 = arith.muli %scan3A_52, %mul3A_53 : i32
      %add3A_55 = arith.constant 0 : i32
      %add3A_56 = arith.addi %mul3A_54, %add3A_55 : i32
      %get3A = arith.index_cast %add3A_56 : i32 to index
      %get3A_57 = tpu.vector_load %arg8[%get3A] {strides = array<i32>} : memref<10000xi32, #tpu.memory_space<vmem>>, vector<16xi32>,
      %get3A_58 = vector.shape_cast %get3A_57 : vector<16xi32> to vector<16xi32>
      %swap3A = arith.constant 0 : index
      %swap3A_59 = tpu.vector_load %arg11[%swap3A] {strides = array<i32>} : memref<80xi32, #tpu.memory_space<vmem>>, vector<16xi32>,
      %swap3A_60 = vector.shape_cast %swap3A_59 : vector<16xi32> to vector<16xi32>
      %swap3A_61 = vector.shape_cast %get3A_58 : vector<16xi32> to vector<16xi32>
      tpu.vector_store %arg11[%swap3A], %swap3A_61 {strides = array<i32>} : memref<80xi32, #tpu.memory_space<vmem>>, vector<16xi32>,
      %mul3A_62 = arith.constant 80 : i32
      %mul3A_63 = arith.muli %scan3A_52, %mul3A_62 : i32
      %add3A_64 = arith.constant 0 : i32
      %add3A_65 = arith.addi %mul3A_63, %add3A_64 : i32
      %get3A_66 = arith.index_cast %add3A_65 : i32 to index
      %get3A_67 = tpu.vector_load %arg9[%get3A_66] {strides = array<i32>} : memref<10000xi32, #tpu.memory_space<vmem>>, vector<16xi32>,
      %get3A_68 = vector.shape_cast %get3A_67 : vector<16xi32> to vector<16xi32>
      %swap3A_69 = arith.constant 0 : index
      %swap3A_70 = tpu.vector_load %arg12[%swap3A_69] {strides = array<i32>} : memref<80xi32, #tpu.memory_space<vmem>>, vector<16xi32>,
      %swap3A_71 = vector.shape_cast %swap3A_70 : vector<16xi32> to vector<16xi32>
      %swap3A_72 = vector.shape_cast %get3A_68 : vector<16xi32> to vector<16xi32>
      tpu.vector_store %arg12[%swap3A_69], %swap3A_72 {strides = array<i32>} : memref<80xi32, #tpu.memory_space<vmem>>, vector<16xi32>,
      %mul3A_73 = arith.constant 80 : i32
      %mul3A_74 = arith.muli %scan3A_52, %mul3A_73 : i32
      %add3A_75 = arith.constant 16 : i32
      %add3A_76 = arith.addi %mul3A_74, %add3A_75 : i32
      %get3A_77 = arith.index_cast %add3A_76 : i32 to index
      %get3A_78 = tpu.vector_load %arg8[%get3A_77] {strides = array<i32>} : memref<10000xi32, #tpu.memory_space<vmem>>, vector<16xi32>,
      %get3A_79 = vector.shape_cast %get3A_78 : vector<16xi32> to vector<16xi32>
      %swap3A_80 = arith.constant 16 : index
      %swap3A_81 = tpu.vector_load %arg11[%swap3A_80] {strides = array<i32>} : memref<80xi32, #tpu.memory_space<vmem>>, vector<16xi32>,
      %swap3A_82 = vector.shape_cast %swap3A_81 : vector<16xi32> to vector<16xi32>
      %swap3A_83 = vector.shape_cast %get3A_79 : vector<16xi32> to vector<16xi32>
      tpu.vector_store %arg11[%swap3A_80], %swap3A_83 {strides = array<i32>} : memref<80xi32, #tpu.memory_space<vmem>>, vector<16xi32>,
      %mul3A_84 = arith.constant 80 : i32
      %mul3A_85 = arith.muli %scan3A_52, %mul3A_84 : i32
      %add3A_86 = arith.constant 16 : i32
      %add3A_87 = arith.addi %mul3A_85, %add3A_86 : i32
      %get3A_88 = arith.index_cast %add3A_87 : i32 to index
      %get3A_89 = tpu.vector_load %arg9[%get3A_88] {strides = array<i32>} : memref<10000xi32, #tpu.memory_space<vmem>>, vector<16xi32>,
      %get3A_90 = vector.shape_cast %get3A_89 : vector<16xi32> to vector<16xi32>
      %swap3A_91 = arith.constant 16 : index
      %swap3A_92 = tpu.vector_load %arg12[%swap3A_91] {strides = array<i32>} : memref<80xi32, #tpu.memory_space<vmem>>, vector<16xi32>,
      %swap3A_93 = vector.shape_cast %swap3A_92 : vector<16xi32> to vector<16xi32>
      %swap3A_94 = vector.shape_cast %get3A_90 : vector<16xi32> to vector<16xi32>
      tpu.vector_store %arg12[%swap3A_91], %swap3A_94 {strides = array<i32>} : memref<80xi32, #tpu.memory_space<vmem>>, vector<16xi32>,
      %mul3A_95 = arith.constant 80 : i32
      %mul3A_96 = arith.muli %scan3A_52, %mul3A_95 : i32
      %add3A_97 = arith.constant 32 : i32
      %add3A_98 = arith.addi %mul3A_96, %add3A_97 : i32
      %get3A_99 = arith.index_cast %add3A_98 : i32 to index
      %get3A_100 = tpu.vector_load %arg8[%get3A_99] {strides = array<i32>} : memref<10000xi32, #tpu.memory_space<vmem>>, vector<16xi32>,
      %get3A_101 = vector.shape_cast %get3A_100 : vector<16xi32> to vector<16xi32>
      %swap3A_102 = arith.constant 32 : index
      %swap3A_103 = tpu.vector_load %arg11[%swap3A_102] {strides = array<i32>} : memref<80xi32, #tpu.memory_space<vmem>>, vector<16xi32>,
      %swap3A_104 = vector.shape_cast %swap3A_103 : vector<16xi32> to vector<16xi32>
      %swap3A_105 = vector.shape_cast %get3A_101 : vector<16xi32> to vector<16xi32>
      tpu.vector_store %arg11[%swap3A_102], %swap3A_105 {strides = array<i32>} : memref<80xi32, #tpu.memory_space<vmem>>, vector<16xi32>,
      %mul3A_106 = arith.constant 80 : i32
      %mul3A_107 = arith.muli %scan3A_52, %mul3A_106 : i32
      %add3A_108 = arith.constant 32 : i32
      %add3A_109 = arith.addi %mul3A_107, %add3A_108 : i32
      %get3A_110 = arith.index_cast %add3A_109 : i32 to index
      %get3A_111 = tpu.vector_load %arg9[%get3A_110] {strides = array<i32>} : memref<10000xi32, #tpu.memory_space<vmem>>, vector<16xi32>,
      %get3A_112 = vector.shape_cast %get3A_111 : vector<16xi32> to vector<16xi32>
      %swap3A_113 = arith.constant 32 : index
      %swap3A_114 = tpu.vector_load %arg12[%swap3A_113] {strides = array<i32>} : memref<80xi32, #tpu.memory_space<vmem>>, vector<16xi32>,
      %swap3A_115 = vector.shape_cast %swap3A_114 : vector<16xi32> to vector<16xi32>
      %swap3A_116 = vector.shape_cast %get3A_112 : vector<16xi32> to vector<16xi32>
      tpu.vector_store %arg12[%swap3A_113], %swap3A_116 {strides = array<i32>} : memref<80xi32, #tpu.memory_space<vmem>>, vector<16xi32>,
      %mul3A_117 = arith.constant 80 : i32
      %mul3A_118 = arith.muli %scan3A_52, %mul3A_117 : i32
      %add3A_119 = arith.constant 48 : i32
      %add3A_120 = arith.addi %mul3A_118, %add3A_119 : i32
      %get3A_121 = arith.index_cast %add3A_120 : i32 to index
      %get3A_122 = tpu.vector_load %arg8[%get3A_121] {strides = array<i32>} : memref<10000xi32, #tpu.memory_space<vmem>>, vector<16xi32>,
      %get3A_123 = vector.shape_cast %get3A_122 : vector<16xi32> to vector<16xi32>
      %swap3A_124 = arith.constant 48 : index
      %swap3A_125 = tpu.vector_load %arg11[%swap3A_124] {strides = array<i32>} : memref<80xi32, #tpu.memory_space<vmem>>, vector<16xi32>,
      %swap3A_126 = vector.shape_cast %swap3A_125 : vector<16xi32> to vector<16xi32>
      %swap3A_127 = vector.shape_cast %get3A_123 : vector<16xi32> to vector<16xi32>
      tpu.vector_store %arg11[%swap3A_124], %swap3A_127 {strides = array<i32>} : memref<80xi32, #tpu.memory_space<vmem>>, vector<16xi32>,
      %mul3A_128 = arith.constant 80 : i32
      %mul3A_129 = arith.muli %scan3A_52, %mul3A_128 : i32
      %add3A_130 = arith.constant 48 : i32
      %add3A_131 = arith.addi %mul3A_129, %add3A_130 : i32
      %get3A_132 = arith.index_cast %add3A_131 : i32 to index
      %get3A_133 = tpu.vector_load %arg9[%get3A_132] {strides = array<i32>} : memref<10000xi32, #tpu.memory_space<vmem>>, vector<16xi32>,
      %get3A_134 = vector.shape_cast %get3A_133 : vector<16xi32> to vector<16xi32>
      %swap3A_135 = arith.constant 48 : index
      %swap3A_136 = tpu.vector_load %arg12[%swap3A_135] {strides = array<i32>} : memref<80xi32, #tpu.memory_space<vmem>>, vector<16xi32>,
      %swap3A_137 = vector.shape_cast %swap3A_136 : vector<16xi32> to vector<16xi32>
      %swap3A_138 = vector.shape_cast %get3A_134 : vector<16xi32> to vector<16xi32>
      tpu.vector_store %arg12[%swap3A_135], %swap3A_138 {strides = array<i32>} : memref<80xi32, #tpu.memory_space<vmem>>, vector<16xi32>,
      %mul3A_139 = arith.constant 80 : i32
      %mul3A_140 = arith.muli %scan3A_52, %mul3A_139 : i32
      %add3A_141 = arith.constant 64 : i32
      %add3A_142 = arith.addi %mul3A_140, %add3A_141 : i32
      %get3A_143 = arith.index_cast %add3A_142 : i32 to index
      %get3A_144 = tpu.vector_load %arg8[%get3A_143] {strides = array<i32>} : memref<10000xi32, #tpu.memory_space<vmem>>, vector<16xi32>,
      %get3A_145 = vector.shape_cast %get3A_144 : vector<16xi32> to vector<16xi32>
      %swap3A_146 = arith.constant 64 : index
      %swap3A_147 = tpu.vector_load %arg11[%swap3A_146] {strides = array<i32>} : memref<80xi32, #tpu.memory_space<vmem>>, vector<16xi32>,
      %swap3A_148 = vector.shape_cast %swap3A_147 : vector<16xi32> to vector<16xi32>
      %swap3A_149 = vector.shape_cast %get3A_145 : vector<16xi32> to vector<16xi32>
      tpu.vector_store %arg11[%swap3A_146], %swap3A_149 {strides = array<i32>} : memref<80xi32, #tpu.memory_space<vmem>>, vector<16xi32>,
      %mul3A_150 = arith.constant 80 : i32
      %mul3A_151 = arith.muli %scan3A_52, %mul3A_150 : i32
      %add3A_152 = arith.constant 64 : i32
      %add3A_153 = arith.addi %mul3A_151, %add3A_152 : i32
      %get3A_154 = arith.index_cast %add3A_153 : i32 to index
      %get3A_155 = tpu.vector_load %arg9[%get3A_154] {strides = array<i32>} : memref<10000xi32, #tpu.memory_space<vmem>>, vector<16xi32>,
      %get3A_156 = vector.shape_cast %get3A_155 : vector<16xi32> to vector<16xi32>
      %swap3A_157 = arith.constant 64 : index
      %swap3A_158 = tpu.vector_load %arg12[%swap3A_157] {strides = array<i32>} : memref<80xi32, #tpu.memory_space<vmem>>, vector<16xi32>,
      %swap3A_159 = vector.shape_cast %swap3A_158 : vector<16xi32> to vector<16xi32>
      %swap3A_160 = vector.shape_cast %get3A_156 : vector<16xi32> to vector<16xi32>
      tpu.vector_store %arg12[%swap3A_157], %swap3A_160 {strides = array<i32>} : memref<80xi32, #tpu.memory_space<vmem>>, vector<16xi32>,
      %dma_start3A = arith.constant 0 : i32
      %dma_start3A_161 = arith.constant 0 : i32
      %dma_start3A_162 = tpu.memref_slice %arg2[%dma_start3A, %dma_start3A_161] : memref<10000x128xf32, #tpu.memory_space<hbm>> -> memref<10000x128xf32, #tpu.memory_space<hbm>>
      tpu.enqueue_indirect_dma source(%dma_start3A_162 : memref<10000x128xf32, #tpu.memory_space<hbm>>) target(%arg13 : memref<80x128xf32, #tpu.memory_space<vmem>>) offsets(%arg11 : memref<80xi32, #tpu.memory_space<vmem>>) semaphore(%arg14 : memref<!tpu.dma_semaphore, #tpu.memory_space<semaphore_mem>>)
      %dma_wait3A = arith.constant 0 : i32
      %dma_wait3A_163 = arith.constant 0 : i32
      %dma_wait3A_164 = tpu.memref_slice %arg2[%dma_wait3A, %dma_wait3A_163] : memref<10000x128xf32, #tpu.memory_space<hbm>> -> memref<10000x128xf32, #tpu.memory_space<hbm>>
      tpu.wait_indirect_dma semaphore(%arg14 : memref<!tpu.dma_semaphore, #tpu.memory_space<semaphore_mem>>) src(%dma_wait3A_164 : memref<10000x128xf32, #tpu.memory_space<hbm>>) dst(%arg13 : memref<80x128xf32, #tpu.memory_space<vmem>>)
      %scan3A_165 = arith.constant 0 : i32
      %scan3A_166 = arith.constant 0 : i32
      %scan3A_167 = arith.constant 5 : i32
      %scan3A_168 = arith.addi %scan3A_166, %scan3A_167 : i32
      %scan3A_169 = arith.constant 1 : i32
      scf.for %scan3A_171 = %scan3A_166 to %scan3A_168 step %scan3A_169  : i32 {
        %mul3A_172 = arith.constant 80 : i32
        %mul3A_173 = arith.muli %scan3A_52, %mul3A_172 : i32
        %mul3A_174 = arith.constant 16 : i32
        %mul3A_175 = arith.muli %scan3A_171, %mul3A_174 : i32
        %add3A_176 = arith.addi %mul3A_173, %mul3A_175 : i32
        %get3A_177 = arith.index_cast %add3A_176 : i32 to index
        %get3A_178 = tpu.vector_load %arg10[%get3A_177] {strides = array<i32>} : memref<10000xf32, #tpu.memory_space<vmem>>, vector<16xf32>,
        %get3A_179 = vector.shape_cast %get3A_178 : vector<16xf32> to vector<16xf32>
        %slice3A = vector.extract_strided_slice %get3A_179 {offsets = [0], sizes = [1], strides = [1]} : vector<16xf32> to vector<1xf32>
        %squeeze3A = vector.extract %slice3A[0] : f32 from vector<1xf32>
        %broadcast_in_dim3A_180 = vector.broadcast %squeeze3A : f32 to vector<16xf32>
        %mul3A_181 = arith.constant 16 : i32
        %mul3A_182 = arith.muli %scan3A_171, %mul3A_181 : i32
        %add3A_183 = arith.constant 0 : i32
        %add3A_184 = arith.addi %mul3A_182, %add3A_183 : i32
        %get3A_185 = arith.index_cast %add3A_184 : i32 to index
        %get3A_186 = arith.constant 0 : index
        %get3A_187 = tpu.vector_load %arg13[%get3A_185, %get3A_186] {strides = array<i32>} : memref<80x128xf32, #tpu.memory_space<vmem>>, vector<1x16xf32>,
        %get3A_188 = vector.shape_cast %get3A_187 : vector<1x16xf32> to vector<16xf32>
        %mul3A_189 = arith.mulf %get3A_188, %broadcast_in_dim3A_180 : vector<16xf32>
        %swap3A_190 = arith.index_cast %add3A_184 : i32 to index
        %swap3A_191 = arith.constant 0 : index
        %swap3A_192 = tpu.vector_load %arg13[%swap3A_190, %swap3A_191] {strides = array<i32>} : memref<80x128xf32, #tpu.memory_space<vmem>>, vector<1x16xf32>,
        %swap3A_193 = vector.shape_cast %swap3A_192 : vector<1x16xf32> to vector<16xf32>
        %swap3A_194 = vector.shape_cast %mul3A_189 : vector<16xf32> to vector<1x16xf32>
        tpu.vector_store %arg13[%swap3A_190, %swap3A_191], %swap3A_194 {strides = array<i32>} : memref<80x128xf32, #tpu.memory_space<vmem>>, vector<1x16xf32>,
        %get3A_195 = arith.index_cast %add3A_184 : i32 to index
        %get3A_196 = arith.constant 16 : index
        %get3A_197 = tpu.vector_load %arg13[%get3A_195, %get3A_196] {strides = array<i32>} : memref<80x128xf32, #tpu.memory_space<vmem>>, vector<1x16xf32>,
        %get3A_198 = vector.shape_cast %get3A_197 : vector<1x16xf32> to vector<16xf32>
        %mul3A_199 = arith.mulf %get3A_198, %broadcast_in_dim3A_180 : vector<16xf32>
        %swap3A_200 = arith.index_cast %add3A_184 : i32 to index
        %swap3A_201 = arith.constant 16 : index
        %swap3A_202 = tpu.vector_load %arg13[%swap3A_200, %swap3A_201] {strides = array<i32>} : memref<80x128xf32, #tpu.memory_space<vmem>>, vector<1x16xf32>,
        %swap3A_203 = vector.shape_cast %swap3A_202 : vector<1x16xf32> to vector<16xf32>
        %swap3A_204 = vector.shape_cast %mul3A_199 : vector<16xf32> to vector<1x16xf32>
        tpu.vector_store %arg13[%swap3A_200, %swap3A_201], %swap3A_204 {strides = array<i32>} : memref<80x128xf32, #tpu.memory_space<vmem>>, vector<1x16xf32>,
        %get3A_205 = arith.index_cast %add3A_184 : i32 to index
        %get3A_206 = arith.constant 32 : index
        %get3A_207 = tpu.vector_load %arg13[%get3A_205, %get3A_206] {strides = array<i32>} : memref<80x128xf32, #tpu.memory_space<vmem>>, vector<1x16xf32>,
        %get3A_208 = vector.shape_cast %get3A_207 : vector<1x16xf32> to vector<16xf32>
        %mul3A_209 = arith.mulf %get3A_208, %broadcast_in_dim3A_180 : vector<16xf32>
        %swap3A_210 = arith.index_cast %add3A_184 : i32 to index
        %swap3A_211 = arith.constant 32 : index
        %swap3A_212 = tpu.vector_load %arg13[%swap3A_210, %swap3A_211] {strides = array<i32>} : memref<80x128xf32, #tpu.memory_space<vmem>>, vector<1x16xf32>,
        %swap3A_213 = vector.shape_cast %swap3A_212 : vector<1x16xf32> to vector<16xf32>
        %swap3A_214 = vector.shape_cast %mul3A_209 : vector<16xf32> to vector<1x16xf32>
        tpu.vector_store %arg13[%swap3A_210, %swap3A_211], %swap3A_214 {strides = array<i32>} : memref<80x128xf32, #tpu.memory_space<vmem>>, vector<1x16xf32>,
        %get3A_215 = arith.index_cast %add3A_184 : i32 to index
        %get3A_216 = arith.constant 48 : index
        %get3A_217 = tpu.vector_load %arg13[%get3A_215, %get3A_216] {strides = array<i32>} : memref<80x128xf32, #tpu.memory_space<vmem>>, vector<1x16xf32>,
        %get3A_218 = vector.shape_cast %get3A_217 : vector<1x16xf32> to vector<16xf32>
        %mul3A_219 = arith.mulf %get3A_218, %broadcast_in_dim3A_180 : vector<16xf32>
        %swap3A_220 = arith.index_cast %add3A_184 : i32 to index
        %swap3A_221 = arith.constant 48 : index
        %swap3A_222 = tpu.vector_load %arg13[%swap3A_220, %swap3A_221] {strides = array<i32>} : memref<80x128xf32, #tpu.memory_space<vmem>>, vector<1x16xf32>,
        %swap3A_223 = vector.shape_cast %swap3A_222 : vector<1x16xf32> to vector<16xf32>
        %swap3A_224 = vector.shape_cast %mul3A_219 : vector<16xf32> to vector<1x16xf32>
        tpu.vector_store %arg13[%swap3A_220, %swap3A_221], %swap3A_224 {strides = array<i32>} : memref<80x128xf32, #tpu.memory_space<vmem>>, vector<1x16xf32>,
        %get3A_225 = arith.index_cast %add3A_184 : i32 to index
        %get3A_226 = arith.constant 64 : index
        %get3A_227 = tpu.vector_load %arg13[%get3A_225, %get3A_226] {strides = array<i32>} : memref<80x128xf32, #tpu.memory_space<vmem>>, vector<1x16xf32>,
        %get3A_228 = vector.shape_cast %get3A_227 : vector<1x16xf32> to vector<16xf32>
        %mul3A_229 = arith.mulf %get3A_228, %broadcast_in_dim3A_180 : vector<16xf32>
        %swap3A_230 = arith.index_cast %add3A_184 : i32 to index
        %swap3A_231 = arith.constant 64 : index
        %swap3A_232 = tpu.vector_load %arg13[%swap3A_230, %swap3A_231] {strides = array<i32>} : memref<80x128xf32, #tpu.memory_space<vmem>>, vector<1x16xf32>,
        %swap3A_233 = vector.shape_cast %swap3A_232 : vector<1x16xf32> to vector<16xf32>
        %swap3A_234 = vector.shape_cast %mul3A_229 : vector<16xf32> to vector<1x16xf32>
        tpu.vector_store %arg13[%swap3A_230, %swap3A_231], %swap3A_234 {strides = array<i32>} : memref<80x128xf32, #tpu.memory_space<vmem>>, vector<1x16xf32>,
        %get3A_235 = arith.index_cast %add3A_184 : i32 to index
        %get3A_236 = arith.constant 80 : index
        %get3A_237 = tpu.vector_load %arg13[%get3A_235, %get3A_236] {strides = array<i32>} : memref<80x128xf32, #tpu.memory_space<vmem>>, vector<1x16xf32>,
        %get3A_238 = vector.shape_cast %get3A_237 : vector<1x16xf32> to vector<16xf32>
        %mul3A_239 = arith.mulf %get3A_238, %broadcast_in_dim3A_180 : vector<16xf32>
        %swap3A_240 = arith.index_cast %add3A_184 : i32 to index
        %swap3A_241 = arith.constant 80 : index
        %swap3A_242 = tpu.vector_load %arg13[%swap3A_240, %swap3A_241] {strides = array<i32>} : memref<80x128xf32, #tpu.memory_space<vmem>>, vector<1x16xf32>,
        %swap3A_243 = vector.shape_cast %swap3A_242 : vector<1x16xf32> to vector<16xf32>
        %swap3A_244 = vector.shape_cast %mul3A_239 : vector<16xf32> to vector<1x16xf32>
        tpu.vector_store %arg13[%swap3A_240, %swap3A_241], %swap3A_244 {strides = array<i32>} : memref<80x128xf32, #tpu.memory_space<vmem>>, vector<1x16xf32>,
        %get3A_245 = arith.index_cast %add3A_184 : i32 to index
        %get3A_246 = arith.constant 96 : index
        %get3A_247 = tpu.vector_load %arg13[%get3A_245, %get3A_246] {strides = array<i32>} : memref<80x128xf32, #tpu.memory_space<vmem>>, vector<1x16xf32>,
        %get3A_248 = vector.shape_cast %get3A_247 : vector<1x16xf32> to vector<16xf32>
        %mul3A_249 = arith.mulf %get3A_248, %broadcast_in_dim3A_180 : vector<16xf32>
        %swap3A_250 = arith.index_cast %add3A_184 : i32 to index
        %swap3A_251 = arith.constant 96 : index
        %swap3A_252 = tpu.vector_load %arg13[%swap3A_250, %swap3A_251] {strides = array<i32>} : memref<80x128xf32, #tpu.memory_space<vmem>>, vector<1x16xf32>,
        %swap3A_253 = vector.shape_cast %swap3A_252 : vector<1x16xf32> to vector<16xf32>
        %swap3A_254 = vector.shape_cast %mul3A_249 : vector<16xf32> to vector<1x16xf32>
        tpu.vector_store %arg13[%swap3A_250, %swap3A_251], %swap3A_254 {strides = array<i32>} : memref<80x128xf32, #tpu.memory_space<vmem>>, vector<1x16xf32>,
        %get3A_255 = arith.index_cast %add3A_184 : i32 to index
        %get3A_256 = arith.constant 112 : index
        %get3A_257 = tpu.vector_load %arg13[%get3A_255, %get3A_256] {strides = array<i32>} : memref<80x128xf32, #tpu.memory_space<vmem>>, vector<1x16xf32>,
        %get3A_258 = vector.shape_cast %get3A_257 : vector<1x16xf32> to vector<16xf32>
        %mul3A_259 = arith.mulf %get3A_258, %broadcast_in_dim3A_180 : vector<16xf32>
        %swap3A_260 = arith.index_cast %add3A_184 : i32 to index
        %swap3A_261 = arith.constant 112 : index
        %swap3A_262 = tpu.vector_load %arg13[%swap3A_260, %swap3A_261] {strides = array<i32>} : memref<80x128xf32, #tpu.memory_space<vmem>>, vector<1x16xf32>,
        %swap3A_263 = vector.shape_cast %swap3A_262 : vector<1x16xf32> to vector<16xf32>
        %swap3A_264 = vector.shape_cast %mul3A_259 : vector<16xf32> to vector<1x16xf32>
        tpu.vector_store %arg13[%swap3A_260, %swap3A_261], %swap3A_264 {strides = array<i32>} : memref<80x128xf32, #tpu.memory_space<vmem>>, vector<1x16xf32>,
        %slice3A_265 = vector.extract_strided_slice %get3A_179 {offsets = [1], sizes = [1], strides = [1]} : vector<16xf32> to vector<1xf32>
        %squeeze3A_266 = vector.extract %slice3A_265[0] : f32 from vector<1xf32>
        %broadcast_in_dim3A_267 = vector.broadcast %squeeze3A_266 : f32 to vector<16xf32>
        %mul3A_268 = arith.constant 16 : i32
        %mul3A_269 = arith.muli %scan3A_171, %mul3A_268 : i32
        %add3A_270 = arith.constant 1 : i32
        %add3A_271 = arith.addi %mul3A_269, %add3A_270 : i32
        %get3A_272 = arith.index_cast %add3A_271 : i32 to index
        %get3A_273 = arith.constant 0 : index
        %get3A_274 = tpu.vector_load %arg13[%get3A_272, %get3A_273] {strides = array<i32>} : memref<80x128xf32, #tpu.memory_space<vmem>>, vector<1x16xf32>,
        %get3A_275 = vector.shape_cast %get3A_274 : vector<1x16xf32> to vector<16xf32>
        %mul3A_276 = arith.mulf %get3A_275, %broadcast_in_dim3A_267 : vector<16xf32>
        %swap3A_277 = arith.index_cast %add3A_271 : i32 to index
        %swap3A_278 = arith.constant 0 : index
        %swap3A_279 = tpu.vector_load %arg13[%swap3A_277, %swap3A_278] {strides = array<i32>} : memref<80x128xf32, #tpu.memory_space<vmem>>, vector<1x16xf32>,
        %swap3A_280 = vector.shape_cast %swap3A_279 : vector<1x16xf32> to vector<16xf32>
        %swap3A_281 = vector.shape_cast %mul3A_276 : vector<16xf32> to vector<1x16xf32>
        tpu.vector_store %arg13[%swap3A_277, %swap3A_278], %swap3A_281 {strides = array<i32>} : memref<80x128xf32, #tpu.memory_space<vmem>>, vector<1x16xf32>,
        %get3A_282 = arith.index_cast %add3A_271 : i32 to index
        %get3A_283 = arith.constant 16 : index
        %get3A_284 = tpu.vector_load %arg13[%get3A_282, %get3A_283] {strides = array<i32>} : memref<80x128xf32, #tpu.memory_space<vmem>>, vector<1x16xf32>,
        %get3A_285 = vector.shape_cast %get3A_284 : vector<1x16xf32> to vector<16xf32>
        %mul3A_286 = arith.mulf %get3A_285, %broadcast_in_dim3A_267 : vector<16xf32>
        %swap3A_287 = arith.index_cast %add3A_271 : i32 to index
        %swap3A_288 = arith.constant 16 : index
        %swap3A_289 = tpu.vector_load %arg13[%swap3A_287, %swap3A_288] {strides = array<i32>} : memref<80x128xf32, #tpu.memory_space<vmem>>, vector<1x16xf32>,
        %swap3A_290 = vector.shape_cast %swap3A_289 : vector<1x16xf32> to vector<16xf32>
        %swap3A_291 = vector.shape_cast %mul3A_286 : vector<16xf32> to vector<1x16xf32>
        tpu.vector_store %arg13[%swap3A_287, %swap3A_288], %swap3A_291 {strides = array<i32>} : memref<80x128xf32, #tpu.memory_space<vmem>>, vector<1x16xf32>,
        %get3A_292 = arith.index_cast %add3A_271 : i32 to index
        %get3A_293 = arith.constant 32 : index
        %get3A_294 = tpu.vector_load %arg13[%get3A_292, %get3A_293] {strides = array<i32>} : memref<80x128xf32, #tpu.memory_space<vmem>>, vector<1x16xf32>,
        %get3A_295 = vector.shape_cast %get3A_294 : vector<1x16xf32> to vector<16xf32>
        %mul3A_296 = arith.mulf %get3A_295, %broadcast_in_dim3A_267 : vector<16xf32>
        %swap3A_297 = arith.index_cast %add3A_271 : i32 to index
        %swap3A_298 = arith.constant 32 : index
        %swap3A_299 = tpu.vector_load %arg13[%swap3A_297, %swap3A_298] {strides = array<i32>} : memref<80x128xf32, #tpu.memory_space<vmem>>, vector<1x16xf32>,
        %swap3A_300 = vector.shape_cast %swap3A_299 : vector<1x16xf32> to vector<16xf32>
        %swap3A_301 = vector.shape_cast %mul3A_296 : vector<16xf32> to vector<1x16xf32>
        tpu.vector_store %arg13[%swap3A_297, %swap3A_298], %swap3A_301 {strides = array<i32>} : memref<80x128xf32, #tpu.memory_space<vmem>>, vector<1x16xf32>,
        %get3A_302 = arith.index_cast %add3A_271 : i32 to index
        %get3A_303 = arith.constant 48 : index
        %get3A_304 = tpu.vector_load %arg13[%get3A_302, %get3A_303] {strides = array<i32>} : memref<80x128xf32, #tpu.memory_space<vmem>>, vector<1x16xf32>,
        %get3A_305 = vector.shape_cast %get3A_304 : vector<1x16xf32> to vector<16xf32>
        %mul3A_306 = arith.mulf %get3A_305, %broadcast_in_dim3A_267 : vector<16xf32>
        %swap3A_307 = arith.index_cast %add3A_271 : i32 to index
        %swap3A_308 = arith.constant 48 : index
        %swap3A_309 = tpu.vector_load %arg13[%swap3A_307, %swap3A_308] {strides = array<i32>} : memref<80x128xf32, #tpu.memory_space<vmem>>, vector<1x16xf32>,
        %swap3A_310 = vector.shape_cast %swap3A_309 : vector<1x16xf32> to vector<16xf32>
        %swap3A_311 = vector.shape_cast %mul3A_306 : vector<16xf32> to vector<1x16xf32>
        tpu.vector_store %arg13[%swap3A_307, %swap3A_308], %swap3A_311 {strides = array<i32>} : memref<80x128xf32, #tpu.memory_space<vmem>>, vector<1x16xf32>,
        %get3A_312 = arith.index_cast %add3A_271 : i32 to index
        %get3A_313 = arith.constant 64 : index
        %get3A_314 = tpu.vector_load %arg13[%get3A_312, %get3A_313] {strides = array<i32>} : memref<80x128xf32, #tpu.memory_space<vmem>>, vector<1x16xf32>,
        %get3A_315 = vector.shape_cast %get3A_314 : vector<1x16xf32> to vector<16xf32>
        %mul3A_316 = arith.mulf %get3A_315, %broadcast_in_dim3A_267 : vector<16xf32>
        %swap3A_317 = arith.index_cast %add3A_271 : i32 to index
        %swap3A_318 = arith.constant 64 : index
        %swap3A_319 = tpu.vector_load %arg13[%swap3A_317, %swap3A_318] {strides = array<i32>} : memref<80x128xf32, #tpu.memory_space<vmem>>, vector<1x16xf32>,
        %swap3A_320 = vector.shape_cast %swap3A_319 : vector<1x16xf32> to vector<16xf32>
        %swap3A_321 = vector.shape_cast %mul3A_316 : vector<16xf32> to vector<1x16xf32>
        tpu.vector_store %arg13[%swap3A_317, %swap3A_318], %swap3A_321 {strides = array<i32>} : memref<80x128xf32, #tpu.memory_space<vmem>>, vector<1x16xf32>,
        %get3A_322 = arith.index_cast %add3A_271 : i32 to index
        %get3A_323 = arith.constant 80 : index
        %get3A_324 = tpu.vector_load %arg13[%get3A_322, %get3A_323] {strides = array<i32>} : memref<80x128xf32, #tpu.memory_space<vmem>>, vector<1x16xf32>,
        %get3A_325 = vector.shape_cast %get3A_324 : vector<1x16xf32> to vector<16xf32>
        %mul3A_326 = arith.mulf %get3A_325, %broadcast_in_dim3A_267 : vector<16xf32>
        %swap3A_327 = arith.index_cast %add3A_271 : i32 to index
        %swap3A_328 = arith.constant 80 : index
        %swap3A_329 = tpu.vector_load %arg13[%swap3A_327, %swap3A_328] {strides = array<i32>} : memref<80x128xf32, #tpu.memory_space<vmem>>, vector<1x16xf32>,
        %swap3A_330 = vector.shape_cast %swap3A_329 : vector<1x16xf32> to vector<16xf32>
        %swap3A_331 = vector.shape_cast %mul3A_326 : vector<16xf32> to vector<1x16xf32>
        tpu.vector_store %arg13[%swap3A_327, %swap3A_328], %swap3A_331 {strides = array<i32>} : memref<80x128xf32, #tpu.memory_space<vmem>>, vector<1x16xf32>,
        %get3A_332 = arith.index_cast %add3A_271 : i32 to index
        %get3A_333 = arith.constant 96 : index
        %get3A_334 = tpu.vector_load %arg13[%get3A_332, %get3A_333] {strides = array<i32>} : memref<80x128xf32, #tpu.memory_space<vmem>>, vector<1x16xf32>,
        %get3A_335 = vector.shape_cast %get3A_334 : vector<1x16xf32> to vector<16xf32>
        %mul3A_336 = arith.mulf %get3A_335, %broadcast_in_dim3A_267 : vector<16xf32>
        %swap3A_337 = arith.index_cast %add3A_271 : i32 to index
        %swap3A_338 = arith.constant 96 : index
        %swap3A_339 = tpu.vector_load %arg13[%swap3A_337, %swap3A_338] {strides = array<i32>} : memref<80x128xf32, #tpu.memory_space<vmem>>, vector<1x16xf32>,
        %swap3A_340 = vector.shape_cast %swap3A_339 : vector<1x16xf32> to vector<16xf32>
        %swap3A_341 = vector.shape_cast %mul3A_336 : vector<16xf32> to vector<1x16xf32>
        tpu.vector_store %arg13[%swap3A_337, %swap3A_338], %swap3A_341 {strides = array<i32>} : memref<80x128xf32, #tpu.memory_space<vmem>>, vector<1x16xf32>,
        %get3A_342 = arith.index_cast %add3A_271 : i32 to index
        %get3A_343 = arith.constant 112 : index
        %get3A_344 = tpu.vector_load %arg13[%get3A_342, %get3A_343] {strides = array<i32>} : memref<80x128xf32, #tpu.memory_space<vmem>>, vector<1x16xf32>,
        %get3A_345 = vector.shape_cast %get3A_344 : vector<1x16xf32> to vector<16xf32>
        %mul3A_346 = arith.mulf %get3A_345, %broadcast_in_dim3A_267 : vector<16xf32>
        %swap3A_347 = arith.index_cast %add3A_271 : i32 to index
        %swap3A_348 = arith.constant 112 : index
        %swap3A_349 = tpu.vector_load %arg13[%swap3A_347, %swap3A_348] {strides = array<i32>} : memref<80x128xf32, #tpu.memory_space<vmem>>, vector<1x16xf32>,
        %swap3A_350 = vector.shape_cast %swap3A_349 : vector<1x16xf32> to vector<16xf32>
        %swap3A_351 = vector.shape_cast %mul3A_346 : vector<16xf32> to vector<1x16xf32>
        tpu.vector_store %arg13[%swap3A_347, %swap3A_348], %swap3A_351 {strides = array<i32>} : memref<80x128xf32, #tpu.memory_space<vmem>>, vector<1x16xf32>,
        %slice3A_352 = vector.extract_strided_slice %get3A_179 {offsets = [2], sizes = [1], strides = [1]} : vector<16xf32> to vector<1xf32>
        %squeeze3A_353 = vector.extract %slice3A_352[0] : f32 from vector<1xf32>
        %broadcast_in_dim3A_354 = vector.broadcast %squeeze3A_353 : f32 to vector<16xf32>
        %mul3A_355 = arith.constant 16 : i32
        %mul3A_356 = arith.muli %scan3A_171, %mul3A_355 : i32
        %add3A_357 = arith.constant 2 : i32
        %add3A_358 = arith.addi %mul3A_356, %add3A_357 : i32
        %get3A_359 = arith.index_cast %add3A_358 : i32 to index
        %get3A_360 = arith.constant 0 : index
        %get3A_361 = tpu.vector_load %arg13[%get3A_359, %get3A_360] {strides = array<i32>} : memref<80x128xf32, #tpu.memory_space<vmem>>, vector<1x16xf32>,
        %get3A_362 = vector.shape_cast %get3A_361 : vector<1x16xf32> to vector<16xf32>
        %mul3A_363 = arith.mulf %get3A_362, %broadcast_in_dim3A_354 : vector<16xf32>
        %swap3A_364 = arith.index_cast %add3A_358 : i32 to index
        %swap3A_365 = arith.constant 0 : index
        %swap3A_366 = tpu.vector_load %arg13[%swap3A_364, %swap3A_365] {strides = array<i32>} : memref<80x128xf32, #tpu.memory_space<vmem>>, vector<1x16xf32>,
        %swap3A_367 = vector.shape_cast %swap3A_366 : vector<1x16xf32> to vector<16xf32>
        %swap3A_368 = vector.shape_cast %mul3A_363 : vector<16xf32> to vector<1x16xf32>
        tpu.vector_store %arg13[%swap3A_364, %swap3A_365], %swap3A_368 {strides = array<i32>} : memref<80x128xf32, #tpu.memory_space<vmem>>, vector<1x16xf32>,
        %get3A_369 = arith.index_cast %add3A_358 : i32 to index
        %get3A_370 = arith.constant 16 : index
        %get3A_371 = tpu.vector_load %arg13[%get3A_369, %get3A_370] {strides = array<i32>} : memref<80x128xf32, #tpu.memory_space<vmem>>, vector<1x16xf32>,
        %get3A_372 = vector.shape_cast %get3A_371 : vector<1x16xf32> to vector<16xf32>
        %mul3A_373 = arith.mulf %get3A_372, %broadcast_in_dim3A_354 : vector<16xf32>
        %swap3A_374 = arith.index_cast %add3A_358 : i32 to index
        %swap3A_375 = arith.constant 16 : index
        %swap3A_376 = tpu.vector_load %arg13[%swap3A_374, %swap3A_375] {strides = array<i32>} : memref<80x128xf32, #tpu.memory_space<vmem>>, vector<1x16xf32>,
        %swap3A_377 = vector.shape_cast %swap3A_376 : vector<1x16xf32> to vector<16xf32>
        %swap3A_378 = vector.shape_cast %mul3A_373 : vector<16xf32> to vector<1x16xf32>
        tpu.vector_store %arg13[%swap3A_374, %swap3A_375], %swap3A_378 {strides = array<i32>} : memref<80x128xf32, #tpu.memory_space<vmem>>, vector<1x16xf32>,
        %get3A_379 = arith.index_cast %add3A_358 : i32 to index
        %get3A_380 = arith.constant 32 : index
        %get3A_381 = tpu.vector_load %arg13[%get3A_379, %get3A_380] {strides = array<i32>} : memref<80x128xf32, #tpu.memory_space<vmem>>, vector<1x16xf32>,
        %get3A_382 = vector.shape_cast %get3A_381 : vector<1x16xf32> to vector<16xf32>
        %mul3A_383 = arith.mulf %get3A_382, %broadcast_in_dim3A_354 : vector<16xf32>
        %swap3A_384 = arith.index_cast %add3A_358 : i32 to index
        %swap3A_385 = arith.constant 32 : index
        %swap3A_386 = tpu.vector_load %arg13[%swap3A_384, %swap3A_385] {strides = array<i32>} : memref<80x128xf32, #tpu.memory_space<vmem>>, vector<1x16xf32>,
        %swap3A_387 = vector.shape_cast %swap3A_386 : vector<1x16xf32> to vector<16xf32>
        %swap3A_388 = vector.shape_cast %mul3A_383 : vector<16xf32> to vector<1x16xf32>
        tpu.vector_store %arg13[%swap3A_384, %swap3A_385], %swap3A_388 {strides = array<i32>} : memref<80x128xf32, #tpu.memory_space<vmem>>, vector<1x16xf32>,
        %get3A_389 = arith.index_cast %add3A_358 : i32 to index
        %get3A_390 = arith.constant 48 : index
        %get3A_391 = tpu.vector_load %arg13[%get3A_389, %get3A_390] {strides = array<i32>} : memref<80x128xf32, #tpu.memory_space<vmem>>, vector<1x16xf32>,
        %get3A_392 = vector.shape_cast %get3A_391 : vector<1x16xf32> to vector<16xf32>
        %mul3A_393 = arith.mulf %get3A_392, %broadcast_in_dim3A_354 : vector<16xf32>
        %swap3A_394 = arith.index_cast %add3A_358 : i32 to index
        %swap3A_395 = arith.constant 48 : index
        %swap3A_396 = tpu.vector_load %arg13[%swap3A_394, %swap3A_395] {strides = array<i32>} : memref<80x128xf32, #tpu.memory_space<vmem>>, vector<1x16xf32>,
        %swap3A_397 = vector.shape_cast %swap3A_396 : vector<1x16xf32> to vector<16xf32>
        %swap3A_398 = vector.shape_cast %mul3A_393 : vector<16xf32> to vector<1x16xf32>
        tpu.vector_store %arg13[%swap3A_394, %swap3A_395], %swap3A_398 {strides = array<i32>} : memref<80x128xf32, #tpu.memory_space<vmem>>, vector<1x16xf32>,
        %get3A_399 = arith.index_cast %add3A_358 : i32 to index
        %get3A_400 = arith.constant 64 : index
        %get3A_401 = tpu.vector_load %arg13[%get3A_399, %get3A_400] {strides = array<i32>} : memref<80x128xf32, #tpu.memory_space<vmem>>, vector<1x16xf32>,
        %get3A_402 = vector.shape_cast %get3A_401 : vector<1x16xf32> to vector<16xf32>
        %mul3A_403 = arith.mulf %get3A_402, %broadcast_in_dim3A_354 : vector<16xf32>
        %swap3A_404 = arith.index_cast %add3A_358 : i32 to index
        %swap3A_405 = arith.constant 64 : index
        %swap3A_406 = tpu.vector_load %arg13[%swap3A_404, %swap3A_405] {strides = array<i32>} : memref<80x128xf32, #tpu.memory_space<vmem>>, vector<1x16xf32>,
        %swap3A_407 = vector.shape_cast %swap3A_406 : vector<1x16xf32> to vector<16xf32>
        %swap3A_408 = vector.shape_cast %mul3A_403 : vector<16xf32> to vector<1x16xf32>
        tpu.vector_store %arg13[%swap3A_404, %swap3A_405], %swap3A_408 {strides = array<i32>} : memref<80x128xf32, #tpu.memory_space<vmem>>, vector<1x16xf32>,
        %get3A_409 = arith.index_cast %add3A_358 : i32 to index
        %get3A_410 = arith.constant 80 : index
        %get3A_411 = tpu.vector_load %arg13[%get3A_409, %get3A_410] {strides = array<i32>} : memref<80x128xf32, #tpu.memory_space<vmem>>, vector<1x16xf32>,
        %get3A_412 = vector.shape_cast %get3A_411 : vector<1x16xf32> to vector<16xf32>
        %mul3A_413 = arith.mulf %get3A_412, %broadcast_in_dim3A_354 : vector<16xf32>
        %swap3A_414 = arith.index_cast %add3A_358 : i32 to index
        %swap3A_415 = arith.constant 80 : index
        %swap3A_416 = tpu.vector_load %arg13[%swap3A_414, %swap3A_415] {strides = array<i32>} : memref<80x128xf32, #tpu.memory_space<vmem>>, vector<1x16xf32>,
        %swap3A_417 = vector.shape_cast %swap3A_416 : vector<1x16xf32> to vector<16xf32>
        %swap3A_418 = vector.shape_cast %mul3A_413 : vector<16xf32> to vector<1x16xf32>
        tpu.vector_store %arg13[%swap3A_414, %swap3A_415], %swap3A_418 {strides = array<i32>} : memref<80x128xf32, #tpu.memory_space<vmem>>, vector<1x16xf32>,
        %get3A_419 = arith.index_cast %add3A_358 : i32 to index
        %get3A_420 = arith.constant 96 : index
        %get3A_421 = tpu.vector_load %arg13[%get3A_419, %get3A_420] {strides = array<i32>} : memref<80x128xf32, #tpu.memory_space<vmem>>, vector<1x16xf32>,
        %get3A_422 = vector.shape_cast %get3A_421 : vector<1x16xf32> to vector<16xf32>
        %mul3A_423 = arith.mulf %get3A_422, %broadcast_in_dim3A_354 : vector<16xf32>
        %swap3A_424 = arith.index_cast %add3A_358 : i32 to index
        %swap3A_425 = arith.constant 96 : index
        %swap3A_426 = tpu.vector_load %arg13[%swap3A_424, %swap3A_425] {strides = array<i32>} : memref<80x128xf32, #tpu.memory_space<vmem>>, vector<1x16xf32>,
        %swap3A_427 = vector.shape_cast %swap3A_426 : vector<1x16xf32> to vector<16xf32>
        %swap3A_428 = vector.shape_cast %mul3A_423 : vector<16xf32> to vector<1x16xf32>
        tpu.vector_store %arg13[%swap3A_424, %swap3A_425], %swap3A_428 {strides = array<i32>} : memref<80x128xf32, #tpu.memory_space<vmem>>, vector<1x16xf32>,
        %get3A_429 = arith.index_cast %add3A_358 : i32 to index
        %get3A_430 = arith.constant 112 : index
        %get3A_431 = tpu.vector_load %arg13[%get3A_429, %get3A_430] {strides = array<i32>} : memref<80x128xf32, #tpu.memory_space<vmem>>, vector<1x16xf32>,
        %get3A_432 = vector.shape_cast %get3A_431 : vector<1x16xf32> to vector<16xf32>
        %mul3A_433 = arith.mulf %get3A_432, %broadcast_in_dim3A_354 : vector<16xf32>
        %swap3A_434 = arith.index_cast %add3A_358 : i32 to index
        %swap3A_435 = arith.constant 112 : index
        %swap3A_436 = tpu.vector_load %arg13[%swap3A_434, %swap3A_435] {strides = array<i32>} : memref<80x128xf32, #tpu.memory_space<vmem>>, vector<1x16xf32>,
        %swap3A_437 = vector.shape_cast %swap3A_436 : vector<1x16xf32> to vector<16xf32>
        %swap3A_438 = vector.shape_cast %mul3A_433 : vector<16xf32> to vector<1x16xf32>
        tpu.vector_store %arg13[%swap3A_434, %swap3A_435], %swap3A_438 {strides = array<i32>} : memref<80x128xf32, #tpu.memory_space<vmem>>, vector<1x16xf32>,
        %slice3A_439 = vector.extract_strided_slice %get3A_179 {offsets = [3], sizes = [1], strides = [1]} : vector<16xf32> to vector<1xf32>
        %squeeze3A_440 = vector.extract %slice3A_439[0] : f32 from vector<1xf32>
        %broadcast_in_dim3A_441 = vector.broadcast %squeeze3A_440 : f32 to vector<16xf32>
        %mul3A_442 = arith.constant 16 : i32
        %mul3A_443 = arith.muli %scan3A_171, %mul3A_442 : i32
        %add3A_444 = arith.constant 3 : i32
        %add3A_445 = arith.addi %mul3A_443, %add3A_444 : i32
        %get3A_446 = arith.index_cast %add3A_445 : i32 to index
        %get3A_447 = arith.constant 0 : index
        %get3A_448 = tpu.vector_load %arg13[%get3A_446, %get3A_447] {strides = array<i32>} : memref<80x128xf32, #tpu.memory_space<vmem>>, vector<1x16xf32>,
        %get3A_449 = vector.shape_cast %get3A_448 : vector<1x16xf32> to vector<16xf32>
        %mul3A_450 = arith.mulf %get3A_449, %broadcast_in_dim3A_441 : vector<16xf32>
        %swap3A_451 = arith.index_cast %add3A_445 : i32 to index
        %swap3A_452 = arith.constant 0 : index
        %swap3A_453 = tpu.vector_load %arg13[%swap3A_451, %swap3A_452] {strides = array<i32>} : memref<80x128xf32, #tpu.memory_space<vmem>>, vector<1x16xf32>,
        %swap3A_454 = vector.shape_cast %swap3A_453 : vector<1x16xf32> to vector<16xf32>
        %swap3A_455 = vector.shape_cast %mul3A_450 : vector<16xf32> to vector<1x16xf32>
        tpu.vector_store %arg13[%swap3A_451, %swap3A_452], %swap3A_455 {strides = array<i32>} : memref<80x128xf32, #tpu.memory_space<vmem>>, vector<1x16xf32>,
        %get3A_456 = arith.index_cast %add3A_445 : i32 to index
        %get3A_457 = arith.constant 16 : index
        %get3A_458 = tpu.vector_load %arg13[%get3A_456, %get3A_457] {strides = array<i32>} : memref<80x128xf32, #tpu.memory_space<vmem>>, vector<1x16xf32>,
        %get3A_459 = vector.shape_cast %get3A_458 : vector<1x16xf32> to vector<16xf32>
        %mul3A_460 = arith.mulf %get3A_459, %broadcast_in_dim3A_441 : vector<16xf32>
        %swap3A_461 = arith.index_cast %add3A_445 : i32 to index
        %swap3A_462 = arith.constant 16 : index
        %swap3A_463 = tpu.vector_load %arg13[%swap3A_461, %swap3A_462] {strides = array<i32>} : memref<80x128xf32, #tpu.memory_space<vmem>>, vector<1x16xf32>,
        %swap3A_464 = vector.shape_cast %swap3A_463 : vector<1x16xf32> to vector<16xf32>
        %swap3A_465 = vector.shape_cast %mul3A_460 : vector<16xf32> to vector<1x16xf32>
        tpu.vector_store %arg13[%swap3A_461, %swap3A_462], %swap3A_465 {strides = array<i32>} : memref<80x128xf32, #tpu.memory_space<vmem>>, vector<1x16xf32>,
        %get3A_466 = arith.index_cast %add3A_445 : i32 to index
        %get3A_467 = arith.constant 32 : index
        %get3A_468 = tpu.vector_load %arg13[%get3A_466, %get3A_467] {strides = array<i32>} : memref<80x128xf32, #tpu.memory_space<vmem>>, vector<1x16xf32>,
        %get3A_469 = vector.shape_cast %get3A_468 : vector<1x16xf32> to vector<16xf32>
        %mul3A_470 = arith.mulf %get3A_469, %broadcast_in_dim3A_441 : vector<16xf32>
        %swap3A_471 = arith.index_cast %add3A_445 : i32 to index
        %swap3A_472 = arith.constant 32 : index
        %swap3A_473 = tpu.vector_load %arg13[%swap3A_471, %swap3A_472] {strides = array<i32>} : memref<80x128xf32, #tpu.memory_space<vmem>>, vector<1x16xf32>,
        %swap3A_474 = vector.shape_cast %swap3A_473 : vector<1x16xf32> to vector<16xf32>
        %swap3A_475 = vector.shape_cast %mul3A_470 : vector<16xf32> to vector<1x16xf32>
        tpu.vector_store %arg13[%swap3A_471, %swap3A_472], %swap3A_475 {strides = array<i32>} : memref<80x128xf32, #tpu.memory_space<vmem>>, vector<1x16xf32>,
        %get3A_476 = arith.index_cast %add3A_445 : i32 to index
        %get3A_477 = arith.constant 48 : index
        %get3A_478 = tpu.vector_load %arg13[%get3A_476, %get3A_477] {strides = array<i32>} : memref<80x128xf32, #tpu.memory_space<vmem>>, vector<1x16xf32>,
        %get3A_479 = vector.shape_cast %get3A_478 : vector<1x16xf32> to vector<16xf32>
        %mul3A_480 = arith.mulf %get3A_479, %broadcast_in_dim3A_441 : vector<16xf32>
        %swap3A_481 = arith.index_cast %add3A_445 : i32 to index
        %swap3A_482 = arith.constant 48 : index
        %swap3A_483 = tpu.vector_load %arg13[%swap3A_481, %swap3A_482] {strides = array<i32>} : memref<80x128xf32, #tpu.memory_space<vmem>>, vector<1x16xf32>,
        %swap3A_484 = vector.shape_cast %swap3A_483 : vector<1x16xf32> to vector<16xf32>
        %swap3A_485 = vector.shape_cast %mul3A_480 : vector<16xf32> to vector<1x16xf32>
        tpu.vector_store %arg13[%swap3A_481, %swap3A_482], %swap3A_485 {strides = array<i32>} : memref<80x128xf32, #tpu.memory_space<vmem>>, vector<1x16xf32>,
        %get3A_486 = arith.index_cast %add3A_445 : i32 to index
        %get3A_487 = arith.constant 64 : index
        %get3A_488 = tpu.vector_load %arg13[%get3A_486, %get3A_487] {strides = array<i32>} : memref<80x128xf32, #tpu.memory_space<vmem>>, vector<1x16xf32>,
        %get3A_489 = vector.shape_cast %get3A_488 : vector<1x16xf32> to vector<16xf32>
        %mul3A_490 = arith.mulf %get3A_489, %broadcast_in_dim3A_441 : vector<16xf32>
        %swap3A_491 = arith.index_cast %add3A_445 : i32 to index
        %swap3A_492 = arith.constant 64 : index
        %swap3A_493 = tpu.vector_load %arg13[%swap3A_491, %swap3A_492] {strides = array<i32>} : memref<80x128xf32, #tpu.memory_space<vmem>>, vector<1x16xf32>,
        %swap3A_494 = vector.shape_cast %swap3A_493 : vector<1x16xf32> to vector<16xf32>
        %swap3A_495 = vector.shape_cast %mul3A_490 : vector<16xf32> to vector<1x16xf32>
        tpu.vector_store %arg13[%swap3A_491, %swap3A_492], %swap3A_495 {strides = array<i32>} : memref<80x128xf32, #tpu.memory_space<vmem>>, vector<1x16xf32>,
        %get3A_496 = arith.index_cast %add3A_445 : i32 to index
        %get3A_497 = arith.constant 80 : index
        %get3A_498 = tpu.vector_load %arg13[%get3A_496, %get3A_497] {strides = array<i32>} : memref<80x128xf32, #tpu.memory_space<vmem>>, vector<1x16xf32>,
        %get3A_499 = vector.shape_cast %get3A_498 : vector<1x16xf32> to vector<16xf32>
        %mul3A_500 = arith.mulf %get3A_499, %broadcast_in_dim3A_441 : vector<16xf32>
        %swap3A_501 = arith.index_cast %add3A_445 : i32 to index
        %swap3A_502 = arith.constant 80 : index
        %swap3A_503 = tpu.vector_load %arg13[%swap3A_501, %swap3A_502] {strides = array<i32>} : memref<80x128xf32, #tpu.memory_space<vmem>>, vector<1x16xf32>,
        %swap3A_504 = vector.shape_cast %swap3A_503 : vector<1x16xf32> to vector<16xf32>
        %swap3A_505 = vector.shape_cast %mul3A_500 : vector<16xf32> to vector<1x16xf32>
        tpu.vector_store %arg13[%swap3A_501, %swap3A_502], %swap3A_505 {strides = array<i32>} : memref<80x128xf32, #tpu.memory_space<vmem>>, vector<1x16xf32>,
        %get3A_506 = arith.index_cast %add3A_445 : i32 to index
        %get3A_507 = arith.constant 96 : index
        %get3A_508 = tpu.vector_load %arg13[%get3A_506, %get3A_507] {strides = array<i32>} : memref<80x128xf32, #tpu.memory_space<vmem>>, vector<1x16xf32>,
        %get3A_509 = vector.shape_cast %get3A_508 : vector<1x16xf32> to vector<16xf32>
        %mul3A_510 = arith.mulf %get3A_509, %broadcast_in_dim3A_441 : vector<16xf32>
        %swap3A_511 = arith.index_cast %add3A_445 : i32 to index
        %swap3A_512 = arith.constant 96 : index
        %swap3A_513 = tpu.vector_load %arg13[%swap3A_511, %swap3A_512] {strides = array<i32>} : memref<80x128xf32, #tpu.memory_space<vmem>>, vector<1x16xf32>,
        %swap3A_514 = vector.shape_cast %swap3A_513 : vector<1x16xf32> to vector<16xf32>
        %swap3A_515 = vector.shape_cast %mul3A_510 : vector<16xf32> to vector<1x16xf32>
        tpu.vector_store %arg13[%swap3A_511, %swap3A_512], %swap3A_515 {strides = array<i32>} : memref<80x128xf32, #tpu.memory_space<vmem>>, vector<1x16xf32>,
        %get3A_516 = arith.index_cast %add3A_445 : i32 to index
        %get3A_517 = arith.constant 112 : index
        %get3A_518 = tpu.vector_load %arg13[%get3A_516, %get3A_517] {strides = array<i32>} : memref<80x128xf32, #tpu.memory_space<vmem>>, vector<1x16xf32>,
        %get3A_519 = vector.shape_cast %get3A_518 : vector<1x16xf32> to vector<16xf32>
        %mul3A_520 = arith.mulf %get3A_519, %broadcast_in_dim3A_441 : vector<16xf32>
        %swap3A_521 = arith.index_cast %add3A_445 : i32 to index
        %swap3A_522 = arith.constant 112 : index
        %swap3A_523 = tpu.vector_load %arg13[%swap3A_521, %swap3A_522] {strides = array<i32>} : memref<80x128xf32, #tpu.memory_space<vmem>>, vector<1x16xf32>,
        %swap3A_524 = vector.shape_cast %swap3A_523 : vector<1x16xf32> to vector<16xf32>
        %swap3A_525 = vector.shape_cast %mul3A_520 : vector<16xf32> to vector<1x16xf32>
        tpu.vector_store %arg13[%swap3A_521, %swap3A_522], %swap3A_525 {strides = array<i32>} : memref<80x128xf32, #tpu.memory_space<vmem>>, vector<1x16xf32>,
        %slice3A_526 = vector.extract_strided_slice %get3A_179 {offsets = [4], sizes = [1], strides = [1]} : vector<16xf32> to vector<1xf32>
        %squeeze3A_527 = vector.extract %slice3A_526[0] : f32 from vector<1xf32>
        %broadcast_in_dim3A_528 = vector.broadcast %squeeze3A_527 : f32 to vector<16xf32>
        %mul3A_529 = arith.constant 16 : i32
        %mul3A_530 = arith.muli %scan3A_171, %mul3A_529 : i32
        %add3A_531 = arith.constant 4 : i32
        %add3A_532 = arith.addi %mul3A_530, %add3A_531 : i32
        %get3A_533 = arith.index_cast %add3A_532 : i32 to index
        %get3A_534 = arith.constant 0 : index
        %get3A_535 = tpu.vector_load %arg13[%get3A_533, %get3A_534] {strides = array<i32>} : memref<80x128xf32, #tpu.memory_space<vmem>>, vector<1x16xf32>,
        %get3A_536 = vector.shape_cast %get3A_535 : vector<1x16xf32> to vector<16xf32>
        %mul3A_537 = arith.mulf %get3A_536, %broadcast_in_dim3A_528 : vector<16xf32>
        %swap3A_538 = arith.index_cast %add3A_532 : i32 to index
        %swap3A_539 = arith.constant 0 : index
        %swap3A_540 = tpu.vector_load %arg13[%swap3A_538, %swap3A_539] {strides = array<i32>} : memref<80x128xf32, #tpu.memory_space<vmem>>, vector<1x16xf32>,
        %swap3A_541 = vector.shape_cast %swap3A_540 : vector<1x16xf32> to vector<16xf32>
        %swap3A_542 = vector.shape_cast %mul3A_537 : vector<16xf32> to vector<1x16xf32>
        tpu.vector_store %arg13[%swap3A_538, %swap3A_539], %swap3A_542 {strides = array<i32>} : memref<80x128xf32, #tpu.memory_space<vmem>>, vector<1x16xf32>,
        %get3A_543 = arith.index_cast %add3A_532 : i32 to index
        %get3A_544 = arith.constant 16 : index
        %get3A_545 = tpu.vector_load %arg13[%get3A_543, %get3A_544] {strides = array<i32>} : memref<80x128xf32, #tpu.memory_space<vmem>>, vector<1x16xf32>,
        %get3A_546 = vector.shape_cast %get3A_545 : vector<1x16xf32> to vector<16xf32>
        %mul3A_547 = arith.mulf %get3A_546, %broadcast_in_dim3A_528 : vector<16xf32>
        %swap3A_548 = arith.index_cast %add3A_532 : i32 to index
        %swap3A_549 = arith.constant 16 : index
        %swap3A_550 = tpu.vector_load %arg13[%swap3A_548, %swap3A_549] {strides = array<i32>} : memref<80x128xf32, #tpu.memory_space<vmem>>, vector<1x16xf32>,
        %swap3A_551 = vector.shape_cast %swap3A_550 : vector<1x16xf32> to vector<16xf32>
        %swap3A_552 = vector.shape_cast %mul3A_547 : vector<16xf32> to vector<1x16xf32>
        tpu.vector_store %arg13[%swap3A_548, %swap3A_549], %swap3A_552 {strides = array<i32>} : memref<80x128xf32, #tpu.memory_space<vmem>>, vector<1x16xf32>,
        %get3A_553 = arith.index_cast %add3A_532 : i32 to index
        %get3A_554 = arith.constant 32 : index
        %get3A_555 = tpu.vector_load %arg13[%get3A_553, %get3A_554] {strides = array<i32>} : memref<80x128xf32, #tpu.memory_space<vmem>>, vector<1x16xf32>,
        %get3A_556 = vector.shape_cast %get3A_555 : vector<1x16xf32> to vector<16xf32>
        %mul3A_557 = arith.mulf %get3A_556, %broadcast_in_dim3A_528 : vector<16xf32>
        %swap3A_558 = arith.index_cast %add3A_532 : i32 to index
        %swap3A_559 = arith.constant 32 : index
        %swap3A_560 = tpu.vector_load %arg13[%swap3A_558, %swap3A_559] {strides = array<i32>} : memref<80x128xf32, #tpu.memory_space<vmem>>, vector<1x16xf32>,
        %swap3A_561 = vector.shape_cast %swap3A_560 : vector<1x16xf32> to vector<16xf32>
        %swap3A_562 = vector.shape_cast %mul3A_557 : vector<16xf32> to vector<1x16xf32>
        tpu.vector_store %arg13[%swap3A_558, %swap3A_559], %swap3A_562 {strides = array<i32>} : memref<80x128xf32, #tpu.memory_space<vmem>>, vector<1x16xf32>,
        %get3A_563 = arith.index_cast %add3A_532 : i32 to index
        %get3A_564 = arith.constant 48 : index
        %get3A_565 = tpu.vector_load %arg13[%get3A_563, %get3A_564] {strides = array<i32>} : memref<80x128xf32, #tpu.memory_space<vmem>>, vector<1x16xf32>,
        %get3A_566 = vector.shape_cast %get3A_565 : vector<1x16xf32> to vector<16xf32>
        %mul3A_567 = arith.mulf %get3A_566, %broadcast_in_dim3A_528 : vector<16xf32>
        %swap3A_568 = arith.index_cast %add3A_532 : i32 to index
        %swap3A_569 = arith.constant 48 : index
        %swap3A_570 = tpu.vector_load %arg13[%swap3A_568, %swap3A_569] {strides = array<i32>} : memref<80x128xf32, #tpu.memory_space<vmem>>, vector<1x16xf32>,
        %swap3A_571 = vector.shape_cast %swap3A_570 : vector<1x16xf32> to vector<16xf32>
        %swap3A_572 = vector.shape_cast %mul3A_567 : vector<16xf32> to vector<1x16xf32>
        tpu.vector_store %arg13[%swap3A_568, %swap3A_569], %swap3A_572 {strides = array<i32>} : memref<80x128xf32, #tpu.memory_space<vmem>>, vector<1x16xf32>,
        %get3A_573 = arith.index_cast %add3A_532 : i32 to index
        %get3A_574 = arith.constant 64 : index
        %get3A_575 = tpu.vector_load %arg13[%get3A_573, %get3A_574] {strides = array<i32>} : memref<80x128xf32, #tpu.memory_space<vmem>>, vector<1x16xf32>,
        %get3A_576 = vector.shape_cast %get3A_575 : vector<1x16xf32> to vector<16xf32>
        %mul3A_577 = arith.mulf %get3A_576, %broadcast_in_dim3A_528 : vector<16xf32>
        %swap3A_578 = arith.index_cast %add3A_532 : i32 to index
        %swap3A_579 = arith.constant 64 : index
        %swap3A_580 = tpu.vector_load %arg13[%swap3A_578, %swap3A_579] {strides = array<i32>} : memref<80x128xf32, #tpu.memory_space<vmem>>, vector<1x16xf32>,
        %swap3A_581 = vector.shape_cast %swap3A_580 : vector<1x16xf32> to vector<16xf32>
        %swap3A_582 = vector.shape_cast %mul3A_577 : vector<16xf32> to vector<1x16xf32>
        tpu.vector_store %arg13[%swap3A_578, %swap3A_579], %swap3A_582 {strides = array<i32>} : memref<80x128xf32, #tpu.memory_space<vmem>>, vector<1x16xf32>,
        %get3A_583 = arith.index_cast %add3A_532 : i32 to index
        %get3A_584 = arith.constant 80 : index
        %get3A_585 = tpu.vector_load %arg13[%get3A_583, %get3A_584] {strides = array<i32>} : memref<80x128xf32, #tpu.memory_space<vmem>>, vector<1x16xf32>,
        %get3A_586 = vector.shape_cast %get3A_585 : vector<1x16xf32> to vector<16xf32>
        %mul3A_587 = arith.mulf %get3A_586, %broadcast_in_dim3A_528 : vector<16xf32>
        %swap3A_588 = arith.index_cast %add3A_532 : i32 to index
        %swap3A_589 = arith.constant 80 : index
        %swap3A_590 = tpu.vector_load %arg13[%swap3A_588, %swap3A_589] {strides = array<i32>} : memref<80x128xf32, #tpu.memory_space<vmem>>, vector<1x16xf32>,
        %swap3A_591 = vector.shape_cast %swap3A_590 : vector<1x16xf32> to vector<16xf32>
        %swap3A_592 = vector.shape_cast %mul3A_587 : vector<16xf32> to vector<1x16xf32>
        tpu.vector_store %arg13[%swap3A_588, %swap3A_589], %swap3A_592 {strides = array<i32>} : memref<80x128xf32, #tpu.memory_space<vmem>>, vector<1x16xf32>,
        %get3A_593 = arith.index_cast %add3A_532 : i32 to index
        %get3A_594 = arith.constant 96 : index
        %get3A_595 = tpu.vector_load %arg13[%get3A_593, %get3A_594] {strides = array<i32>} : memref<80x128xf32, #tpu.memory_space<vmem>>, vector<1x16xf32>,
        %get3A_596 = vector.shape_cast %get3A_595 : vector<1x16xf32> to vector<16xf32>
        %mul3A_597 = arith.mulf %get3A_596, %broadcast_in_dim3A_528 : vector<16xf32>
        %swap3A_598 = arith.index_cast %add3A_532 : i32 to index
        %swap3A_599 = arith.constant 96 : index
        %swap3A_600 = tpu.vector_load %arg13[%swap3A_598, %swap3A_599] {strides = array<i32>} : memref<80x128xf32, #tpu.memory_space<vmem>>, vector<1x16xf32>,
        %swap3A_601 = vector.shape_cast %swap3A_600 : vector<1x16xf32> to vector<16xf32>
        %swap3A_602 = vector.shape_cast %mul3A_597 : vector<16xf32> to vector<1x16xf32>
        tpu.vector_store %arg13[%swap3A_598, %swap3A_599], %swap3A_602 {strides = array<i32>} : memref<80x128xf32, #tpu.memory_space<vmem>>, vector<1x16xf32>,
        %get3A_603 = arith.index_cast %add3A_532 : i32 to index
        %get3A_604 = arith.constant 112 : index
        %get3A_605 = tpu.vector_load %arg13[%get3A_603, %get3A_604] {strides = array<i32>} : memref<80x128xf32, #tpu.memory_space<vmem>>, vector<1x16xf32>,
        %get3A_606 = vector.shape_cast %get3A_605 : vector<1x16xf32> to vector<16xf32>
        %mul3A_607 = arith.mulf %get3A_606, %broadcast_in_dim3A_528 : vector<16xf32>
        %swap3A_608 = arith.index_cast %add3A_532 : i32 to index
        %swap3A_609 = arith.constant 112 : index
        %swap3A_610 = tpu.vector_load %arg13[%swap3A_608, %swap3A_609] {strides = array<i32>} : memref<80x128xf32, #tpu.memory_space<vmem>>, vector<1x16xf32>,
        %swap3A_611 = vector.shape_cast %swap3A_610 : vector<1x16xf32> to vector<16xf32>
        %swap3A_612 = vector.shape_cast %mul3A_607 : vector<16xf32> to vector<1x16xf32>
        tpu.vector_store %arg13[%swap3A_608, %swap3A_609], %swap3A_612 {strides = array<i32>} : memref<80x128xf32, #tpu.memory_space<vmem>>, vector<1x16xf32>,
        %slice3A_613 = vector.extract_strided_slice %get3A_179 {offsets = [5], sizes = [1], strides = [1]} : vector<16xf32> to vector<1xf32>
        %squeeze3A_614 = vector.extract %slice3A_613[0] : f32 from vector<1xf32>
        %broadcast_in_dim3A_615 = vector.broadcast %squeeze3A_614 : f32 to vector<16xf32>
        %mul3A_616 = arith.constant 16 : i32
        %mul3A_617 = arith.muli %scan3A_171, %mul3A_616 : i32
        %add3A_618 = arith.constant 5 : i32
        %add3A_619 = arith.addi %mul3A_617, %add3A_618 : i32
        %get3A_620 = arith.index_cast %add3A_619 : i32 to index
        %get3A_621 = arith.constant 0 : index
        %get3A_622 = tpu.vector_load %arg13[%get3A_620, %get3A_621] {strides = array<i32>} : memref<80x128xf32, #tpu.memory_space<vmem>>, vector<1x16xf32>,
        %get3A_623 = vector.shape_cast %get3A_622 : vector<1x16xf32> to vector<16xf32>
        %mul3A_624 = arith.mulf %get3A_623, %broadcast_in_dim3A_615 : vector<16xf32>
        %swap3A_625 = arith.index_cast %add3A_619 : i32 to index
        %swap3A_626 = arith.constant 0 : index
        %swap3A_627 = tpu.vector_load %arg13[%swap3A_625, %swap3A_626] {strides = array<i32>} : memref<80x128xf32, #tpu.memory_space<vmem>>, vector<1x16xf32>,
        %swap3A_628 = vector.shape_cast %swap3A_627 : vector<1x16xf32> to vector<16xf32>
        %swap3A_629 = vector.shape_cast %mul3A_624 : vector<16xf32> to vector<1x16xf32>
        tpu.vector_store %arg13[%swap3A_625, %swap3A_626], %swap3A_629 {strides = array<i32>} : memref<80x128xf32, #tpu.memory_space<vmem>>, vector<1x16xf32>,
        %get3A_630 = arith.index_cast %add3A_619 : i32 to index
        %get3A_631 = arith.constant 16 : index
        %get3A_632 = tpu.vector_load %arg13[%get3A_630, %get3A_631] {strides = array<i32>} : memref<80x128xf32, #tpu.memory_space<vmem>>, vector<1x16xf32>,
        %get3A_633 = vector.shape_cast %get3A_632 : vector<1x16xf32> to vector<16xf32>
        %mul3A_634 = arith.mulf %get3A_633, %broadcast_in_dim3A_615 : vector<16xf32>
        %swap3A_635 = arith.index_cast %add3A_619 : i32 to index
        %swap3A_636 = arith.constant 16 : index
        %swap3A_637 = tpu.vector_load %arg13[%swap3A_635, %swap3A_636] {strides = array<i32>} : memref<80x128xf32, #tpu.memory_space<vmem>>, vector<1x16xf32>,
        %swap3A_638 = vector.shape_cast %swap3A_637 : vector<1x16xf32> to vector<16xf32>
        %swap3A_639 = vector.shape_cast %mul3A_634 : vector<16xf32> to vector<1x16xf32>
        tpu.vector_store %arg13[%swap3A_635, %swap3A_636], %swap3A_639 {strides = array<i32>} : memref<80x128xf32, #tpu.memory_space<vmem>>, vector<1x16xf32>,
        %get3A_640 = arith.index_cast %add3A_619 : i32 to index
        %get3A_641 = arith.constant 32 : index
        %get3A_642 = tpu.vector_load %arg13[%get3A_640, %get3A_641] {strides = array<i32>} : memref<80x128xf32, #tpu.memory_space<vmem>>, vector<1x16xf32>,
        %get3A_643 = vector.shape_cast %get3A_642 : vector<1x16xf32> to vector<16xf32>
        %mul3A_644 = arith.mulf %get3A_643, %broadcast_in_dim3A_615 : vector<16xf32>
        %swap3A_645 = arith.index_cast %add3A_619 : i32 to index
        %swap3A_646 = arith.constant 32 : index
        %swap3A_647 = tpu.vector_load %arg13[%swap3A_645, %swap3A_646] {strides = array<i32>} : memref<80x128xf32, #tpu.memory_space<vmem>>, vector<1x16xf32>,
        %swap3A_648 = vector.shape_cast %swap3A_647 : vector<1x16xf32> to vector<16xf32>
        %swap3A_649 = vector.shape_cast %mul3A_644 : vector<16xf32> to vector<1x16xf32>
        tpu.vector_store %arg13[%swap3A_645, %swap3A_646], %swap3A_649 {strides = array<i32>} : memref<80x128xf32, #tpu.memory_space<vmem>>, vector<1x16xf32>,
        %get3A_650 = arith.index_cast %add3A_619 : i32 to index
        %get3A_651 = arith.constant 48 : index
        %get3A_652 = tpu.vector_load %arg13[%get3A_650, %get3A_651] {strides = array<i32>} : memref<80x128xf32, #tpu.memory_space<vmem>>, vector<1x16xf32>,
        %get3A_653 = vector.shape_cast %get3A_652 : vector<1x16xf32> to vector<16xf32>
        %mul3A_654 = arith.mulf %get3A_653, %broadcast_in_dim3A_615 : vector<16xf32>
        %swap3A_655 = arith.index_cast %add3A_619 : i32 to index
        %swap3A_656 = arith.constant 48 : index
        %swap3A_657 = tpu.vector_load %arg13[%swap3A_655, %swap3A_656] {strides = array<i32>} : memref<80x128xf32, #tpu.memory_space<vmem>>, vector<1x16xf32>,
        %swap3A_658 = vector.shape_cast %swap3A_657 : vector<1x16xf32> to vector<16xf32>
        %swap3A_659 = vector.shape_cast %mul3A_654 : vector<16xf32> to vector<1x16xf32>
        tpu.vector_store %arg13[%swap3A_655, %swap3A_656], %swap3A_659 {strides = array<i32>} : memref<80x128xf32, #tpu.memory_space<vmem>>, vector<1x16xf32>,
        %get3A_660 = arith.index_cast %add3A_619 : i32 to index
        %get3A_661 = arith.constant 64 : index
        %get3A_662 = tpu.vector_load %arg13[%get3A_660, %get3A_661] {strides = array<i32>} : memref<80x128xf32, #tpu.memory_space<vmem>>, vector<1x16xf32>,
        %get3A_663 = vector.shape_cast %get3A_662 : vector<1x16xf32> to vector<16xf32>
        %mul3A_664 = arith.mulf %get3A_663, %broadcast_in_dim3A_615 : vector<16xf32>
        %swap3A_665 = arith.index_cast %add3A_619 : i32 to index
        %swap3A_666 = arith.constant 64 : index
        %swap3A_667 = tpu.vector_load %arg13[%swap3A_665, %swap3A_666] {strides = array<i32>} : memref<80x128xf32, #tpu.memory_space<vmem>>, vector<1x16xf32>,
        %swap3A_668 = vector.shape_cast %swap3A_667 : vector<1x16xf32> to vector<16xf32>
        %swap3A_669 = vector.shape_cast %mul3A_664 : vector<16xf32> to vector<1x16xf32>
        tpu.vector_store %arg13[%swap3A_665, %swap3A_666], %swap3A_669 {strides = array<i32>} : memref<80x128xf32, #tpu.memory_space<vmem>>, vector<1x16xf32>,
        %get3A_670 = arith.index_cast %add3A_619 : i32 to index
        %get3A_671 = arith.constant 80 : index
        %get3A_672 = tpu.vector_load %arg13[%get3A_670, %get3A_671] {strides = array<i32>} : memref<80x128xf32, #tpu.memory_space<vmem>>, vector<1x16xf32>,
        %get3A_673 = vector.shape_cast %get3A_672 : vector<1x16xf32> to vector<16xf32>
        %mul3A_674 = arith.mulf %get3A_673, %broadcast_in_dim3A_615 : vector<16xf32>
        %swap3A_675 = arith.index_cast %add3A_619 : i32 to index
        %swap3A_676 = arith.constant 80 : index
        %swap3A_677 = tpu.vector_load %arg13[%swap3A_675, %swap3A_676] {strides = array<i32>} : memref<80x128xf32, #tpu.memory_space<vmem>>, vector<1x16xf32>,
        %swap3A_678 = vector.shape_cast %swap3A_677 : vector<1x16xf32> to vector<16xf32>
        %swap3A_679 = vector.shape_cast %mul3A_674 : vector<16xf32> to vector<1x16xf32>
        tpu.vector_store %arg13[%swap3A_675, %swap3A_676], %swap3A_679 {strides = array<i32>} : memref<80x128xf32, #tpu.memory_space<vmem>>, vector<1x16xf32>,
        %get3A_680 = arith.index_cast %add3A_619 : i32 to index
        %get3A_681 = arith.constant 96 : index
        %get3A_682 = tpu.vector_load %arg13[%get3A_680, %get3A_681] {strides = array<i32>} : memref<80x128xf32, #tpu.memory_space<vmem>>, vector<1x16xf32>,
        %get3A_683 = vector.shape_cast %get3A_682 : vector<1x16xf32> to vector<16xf32>
        %mul3A_684 = arith.mulf %get3A_683, %broadcast_in_dim3A_615 : vector<16xf32>
        %swap3A_685 = arith.index_cast %add3A_619 : i32 to index
        %swap3A_686 = arith.constant 96 : index
        %swap3A_687 = tpu.vector_load %arg13[%swap3A_685, %swap3A_686] {strides = array<i32>} : memref<80x128xf32, #tpu.memory_space<vmem>>, vector<1x16xf32>,
        %swap3A_688 = vector.shape_cast %swap3A_687 : vector<1x16xf32> to vector<16xf32>
        %swap3A_689 = vector.shape_cast %mul3A_684 : vector<16xf32> to vector<1x16xf32>
        tpu.vector_store %arg13[%swap3A_685, %swap3A_686], %swap3A_689 {strides = array<i32>} : memref<80x128xf32, #tpu.memory_space<vmem>>, vector<1x16xf32>,
        %get3A_690 = arith.index_cast %add3A_619 : i32 to index
        %get3A_691 = arith.constant 112 : index
        %get3A_692 = tpu.vector_load %arg13[%get3A_690, %get3A_691] {strides = array<i32>} : memref<80x128xf32, #tpu.memory_space<vmem>>, vector<1x16xf32>,
        %get3A_693 = vector.shape_cast %get3A_692 : vector<1x16xf32> to vector<16xf32>
        %mul3A_694 = arith.mulf %get3A_693, %broadcast_in_dim3A_615 : vector<16xf32>
        %swap3A_695 = arith.index_cast %add3A_619 : i32 to index
        %swap3A_696 = arith.constant 112 : index
        %swap3A_697 = tpu.vector_load %arg13[%swap3A_695, %swap3A_696] {strides = array<i32>} : memref<80x128xf32, #tpu.memory_space<vmem>>, vector<1x16xf32>,
        %swap3A_698 = vector.shape_cast %swap3A_697 : vector<1x16xf32> to vector<16xf32>
        %swap3A_699 = vector.shape_cast %mul3A_694 : vector<16xf32> to vector<1x16xf32>
        tpu.vector_store %arg13[%swap3A_695, %swap3A_696], %swap3A_699 {strides = array<i32>} : memref<80x128xf32, #tpu.memory_space<vmem>>, vector<1x16xf32>,
        %slice3A_700 = vector.extract_strided_slice %get3A_179 {offsets = [6], sizes = [1], strides = [1]} : vector<16xf32> to vector<1xf32>
        %squeeze3A_701 = vector.extract %slice3A_700[0] : f32 from vector<1xf32>
        %broadcast_in_dim3A_702 = vector.broadcast %squeeze3A_701 : f32 to vector<16xf32>
        %mul3A_703 = arith.constant 16 : i32
        %mul3A_704 = arith.muli %scan3A_171, %mul3A_703 : i32
        %add3A_705 = arith.constant 6 : i32
        %add3A_706 = arith.addi %mul3A_704, %add3A_705 : i32
        %get3A_707 = arith.index_cast %add3A_706 : i32 to index
        %get3A_708 = arith.constant 0 : index
        %get3A_709 = tpu.vector_load %arg13[%get3A_707, %get3A_708] {strides = array<i32>} : memref<80x128xf32, #tpu.memory_space<vmem>>, vector<1x16xf32>,
        %get3A_710 = vector.shape_cast %get3A_709 : vector<1x16xf32> to vector<16xf32>
        %mul3A_711 = arith.mulf %get3A_710, %broadcast_in_dim3A_702 : vector<16xf32>
        %swap3A_712 = arith.index_cast %add3A_706 : i32 to index
        %swap3A_713 = arith.constant 0 : index
        %swap3A_714 = tpu.vector_load %arg13[%swap3A_712, %swap3A_713] {strides = array<i32>} : memref<80x128xf32, #tpu.memory_space<vmem>>, vector<1x16xf32>,
        %swap3A_715 = vector.shape_cast %swap3A_714 : vector<1x16xf32> to vector<16xf32>
        %swap3A_716 = vector.shape_cast %mul3A_711 : vector<16xf32> to vector<1x16xf32>
        tpu.vector_store %arg13[%swap3A_712, %swap3A_713], %swap3A_716 {strides = array<i32>} : memref<80x128xf32, #tpu.memory_space<vmem>>, vector<1x16xf32>,
        %get3A_717 = arith.index_cast %add3A_706 : i32 to index
        %get3A_718 = arith.constant 16 : index
        %get3A_719 = tpu.vector_load %arg13[%get3A_717, %get3A_718] {strides = array<i32>} : memref<80x128xf32, #tpu.memory_space<vmem>>, vector<1x16xf32>,
        %get3A_720 = vector.shape_cast %get3A_719 : vector<1x16xf32> to vector<16xf32>
        %mul3A_721 = arith.mulf %get3A_720, %broadcast_in_dim3A_702 : vector<16xf32>
        %swap3A_722 = arith.index_cast %add3A_706 : i32 to index
        %swap3A_723 = arith.constant 16 : index
        %swap3A_724 = tpu.vector_load %arg13[%swap3A_722, %swap3A_723] {strides = array<i32>} : memref<80x128xf32, #tpu.memory_space<vmem>>, vector<1x16xf32>,
        %swap3A_725 = vector.shape_cast %swap3A_724 : vector<1x16xf32> to vector<16xf32>
        %swap3A_726 = vector.shape_cast %mul3A_721 : vector<16xf32> to vector<1x16xf32>
        tpu.vector_store %arg13[%swap3A_722, %swap3A_723], %swap3A_726 {strides = array<i32>} : memref<80x128xf32, #tpu.memory_space<vmem>>, vector<1x16xf32>,
        %get3A_727 = arith.index_cast %add3A_706 : i32 to index
        %get3A_728 = arith.constant 32 : index
        %get3A_729 = tpu.vector_load %arg13[%get3A_727, %get3A_728] {strides = array<i32>} : memref<80x128xf32, #tpu.memory_space<vmem>>, vector<1x16xf32>,
        %get3A_730 = vector.shape_cast %get3A_729 : vector<1x16xf32> to vector<16xf32>
        %mul3A_731 = arith.mulf %get3A_730, %broadcast_in_dim3A_702 : vector<16xf32>
        %swap3A_732 = arith.index_cast %add3A_706 : i32 to index
        %swap3A_733 = arith.constant 32 : index
        %swap3A_734 = tpu.vector_load %arg13[%swap3A_732, %swap3A_733] {strides = array<i32>} : memref<80x128xf32, #tpu.memory_space<vmem>>, vector<1x16xf32>,
        %swap3A_735 = vector.shape_cast %swap3A_734 : vector<1x16xf32> to vector<16xf32>
        %swap3A_736 = vector.shape_cast %mul3A_731 : vector<16xf32> to vector<1x16xf32>
        tpu.vector_store %arg13[%swap3A_732, %swap3A_733], %swap3A_736 {strides = array<i32>} : memref<80x128xf32, #tpu.memory_space<vmem>>, vector<1x16xf32>,
        %get3A_737 = arith.index_cast %add3A_706 : i32 to index
        %get3A_738 = arith.constant 48 : index
        %get3A_739 = tpu.vector_load %arg13[%get3A_737, %get3A_738] {strides = array<i32>} : memref<80x128xf32, #tpu.memory_space<vmem>>, vector<1x16xf32>,
        %get3A_740 = vector.shape_cast %get3A_739 : vector<1x16xf32> to vector<16xf32>
        %mul3A_741 = arith.mulf %get3A_740, %broadcast_in_dim3A_702 : vector<16xf32>
        %swap3A_742 = arith.index_cast %add3A_706 : i32 to index
        %swap3A_743 = arith.constant 48 : index
        %swap3A_744 = tpu.vector_load %arg13[%swap3A_742, %swap3A_743] {strides = array<i32>} : memref<80x128xf32, #tpu.memory_space<vmem>>, vector<1x16xf32>,
        %swap3A_745 = vector.shape_cast %swap3A_744 : vector<1x16xf32> to vector<16xf32>
        %swap3A_746 = vector.shape_cast %mul3A_741 : vector<16xf32> to vector<1x16xf32>
        tpu.vector_store %arg13[%swap3A_742, %swap3A_743], %swap3A_746 {strides = array<i32>} : memref<80x128xf32, #tpu.memory_space<vmem>>, vector<1x16xf32>,
        %get3A_747 = arith.index_cast %add3A_706 : i32 to index
        %get3A_748 = arith.constant 64 : index
        %get3A_749 = tpu.vector_load %arg13[%get3A_747, %get3A_748] {strides = array<i32>} : memref<80x128xf32, #tpu.memory_space<vmem>>, vector<1x16xf32>,
        %get3A_750 = vector.shape_cast %get3A_749 : vector<1x16xf32> to vector<16xf32>
        %mul3A_751 = arith.mulf %get3A_750, %broadcast_in_dim3A_702 : vector<16xf32>
        %swap3A_752 = arith.index_cast %add3A_706 : i32 to index
        %swap3A_753 = arith.constant 64 : index
        %swap3A_754 = tpu.vector_load %arg13[%swap3A_752, %swap3A_753] {strides = array<i32>} : memref<80x128xf32, #tpu.memory_space<vmem>>, vector<1x16xf32>,
        %swap3A_755 = vector.shape_cast %swap3A_754 : vector<1x16xf32> to vector<16xf32>
        %swap3A_756 = vector.shape_cast %mul3A_751 : vector<16xf32> to vector<1x16xf32>
        tpu.vector_store %arg13[%swap3A_752, %swap3A_753], %swap3A_756 {strides = array<i32>} : memref<80x128xf32, #tpu.memory_space<vmem>>, vector<1x16xf32>,
        %get3A_757 = arith.index_cast %add3A_706 : i32 to index
        %get3A_758 = arith.constant 80 : index
        %get3A_759 = tpu.vector_load %arg13[%get3A_757, %get3A_758] {strides = array<i32>} : memref<80x128xf32, #tpu.memory_space<vmem>>, vector<1x16xf32>,
        %get3A_760 = vector.shape_cast %get3A_759 : vector<1x16xf32> to vector<16xf32>
        %mul3A_761 = arith.mulf %get3A_760, %broadcast_in_dim3A_702 : vector<16xf32>
        %swap3A_762 = arith.index_cast %add3A_706 : i32 to index
        %swap3A_763 = arith.constant 80 : index
        %swap3A_764 = tpu.vector_load %arg13[%swap3A_762, %swap3A_763] {strides = array<i32>} : memref<80x128xf32, #tpu.memory_space<vmem>>, vector<1x16xf32>,
        %swap3A_765 = vector.shape_cast %swap3A_764 : vector<1x16xf32> to vector<16xf32>
        %swap3A_766 = vector.shape_cast %mul3A_761 : vector<16xf32> to vector<1x16xf32>
        tpu.vector_store %arg13[%swap3A_762, %swap3A_763], %swap3A_766 {strides = array<i32>} : memref<80x128xf32, #tpu.memory_space<vmem>>, vector<1x16xf32>,
        %get3A_767 = arith.index_cast %add3A_706 : i32 to index
        %get3A_768 = arith.constant 96 : index
        %get3A_769 = tpu.vector_load %arg13[%get3A_767, %get3A_768] {strides = array<i32>} : memref<80x128xf32, #tpu.memory_space<vmem>>, vector<1x16xf32>,
        %get3A_770 = vector.shape_cast %get3A_769 : vector<1x16xf32> to vector<16xf32>
        %mul3A_771 = arith.mulf %get3A_770, %broadcast_in_dim3A_702 : vector<16xf32>
        %swap3A_772 = arith.index_cast %add3A_706 : i32 to index
        %swap3A_773 = arith.constant 96 : index
        %swap3A_774 = tpu.vector_load %arg13[%swap3A_772, %swap3A_773] {strides = array<i32>} : memref<80x128xf32, #tpu.memory_space<vmem>>, vector<1x16xf32>,
        %swap3A_775 = vector.shape_cast %swap3A_774 : vector<1x16xf32> to vector<16xf32>
        %swap3A_776 = vector.shape_cast %mul3A_771 : vector<16xf32> to vector<1x16xf32>
        tpu.vector_store %arg13[%swap3A_772, %swap3A_773], %swap3A_776 {strides = array<i32>} : memref<80x128xf32, #tpu.memory_space<vmem>>, vector<1x16xf32>,
        %get3A_777 = arith.index_cast %add3A_706 : i32 to index
        %get3A_778 = arith.constant 112 : index
        %get3A_779 = tpu.vector_load %arg13[%get3A_777, %get3A_778] {strides = array<i32>} : memref<80x128xf32, #tpu.memory_space<vmem>>, vector<1x16xf32>,
        %get3A_780 = vector.shape_cast %get3A_779 : vector<1x16xf32> to vector<16xf32>
        %mul3A_781 = arith.mulf %get3A_780, %broadcast_in_dim3A_702 : vector<16xf32>
        %swap3A_782 = arith.index_cast %add3A_706 : i32 to index
        %swap3A_783 = arith.constant 112 : index
        %swap3A_784 = tpu.vector_load %arg13[%swap3A_782, %swap3A_783] {strides = array<i32>} : memref<80x128xf32, #tpu.memory_space<vmem>>, vector<1x16xf32>,
        %swap3A_785 = vector.shape_cast %swap3A_784 : vector<1x16xf32> to vector<16xf32>
        %swap3A_786 = vector.shape_cast %mul3A_781 : vector<16xf32> to vector<1x16xf32>
        tpu.vector_store %arg13[%swap3A_782, %swap3A_783], %swap3A_786 {strides = array<i32>} : memref<80x128xf32, #tpu.memory_space<vmem>>, vector<1x16xf32>,
        %slice3A_787 = vector.extract_strided_slice %get3A_179 {offsets = [7], sizes = [1], strides = [1]} : vector<16xf32> to vector<1xf32>
        %squeeze3A_788 = vector.extract %slice3A_787[0] : f32 from vector<1xf32>
        %broadcast_in_dim3A_789 = vector.broadcast %squeeze3A_788 : f32 to vector<16xf32>
        %mul3A_790 = arith.constant 16 : i32
        %mul3A_791 = arith.muli %scan3A_171, %mul3A_790 : i32
        %add3A_792 = arith.constant 7 : i32
        %add3A_793 = arith.addi %mul3A_791, %add3A_792 : i32
        %get3A_794 = arith.index_cast %add3A_793 : i32 to index
        %get3A_795 = arith.constant 0 : index
        %get3A_796 = tpu.vector_load %arg13[%get3A_794, %get3A_795] {strides = array<i32>} : memref<80x128xf32, #tpu.memory_space<vmem>>, vector<1x16xf32>,
        %get3A_797 = vector.shape_cast %get3A_796 : vector<1x16xf32> to vector<16xf32>
        %mul3A_798 = arith.mulf %get3A_797, %broadcast_in_dim3A_789 : vector<16xf32>
        %swap3A_799 = arith.index_cast %add3A_793 : i32 to index
        %swap3A_800 = arith.constant 0 : index
        %swap3A_801 = tpu.vector_load %arg13[%swap3A_799, %swap3A_800] {strides = array<i32>} : memref<80x128xf32, #tpu.memory_space<vmem>>, vector<1x16xf32>,
        %swap3A_802 = vector.shape_cast %swap3A_801 : vector<1x16xf32> to vector<16xf32>
        %swap3A_803 = vector.shape_cast %mul3A_798 : vector<16xf32> to vector<1x16xf32>
        tpu.vector_store %arg13[%swap3A_799, %swap3A_800], %swap3A_803 {strides = array<i32>} : memref<80x128xf32, #tpu.memory_space<vmem>>, vector<1x16xf32>,
        %get3A_804 = arith.index_cast %add3A_793 : i32 to index
        %get3A_805 = arith.constant 16 : index
        %get3A_806 = tpu.vector_load %arg13[%get3A_804, %get3A_805] {strides = array<i32>} : memref<80x128xf32, #tpu.memory_space<vmem>>, vector<1x16xf32>,
        %get3A_807 = vector.shape_cast %get3A_806 : vector<1x16xf32> to vector<16xf32>
        %mul3A_808 = arith.mulf %get3A_807, %broadcast_in_dim3A_789 : vector<16xf32>
        %swap3A_809 = arith.index_cast %add3A_793 : i32 to index
        %swap3A_810 = arith.constant 16 : index
        %swap3A_811 = tpu.vector_load %arg13[%swap3A_809, %swap3A_810] {strides = array<i32>} : memref<80x128xf32, #tpu.memory_space<vmem>>, vector<1x16xf32>,
        %swap3A_812 = vector.shape_cast %swap3A_811 : vector<1x16xf32> to vector<16xf32>
        %swap3A_813 = vector.shape_cast %mul3A_808 : vector<16xf32> to vector<1x16xf32>
        tpu.vector_store %arg13[%swap3A_809, %swap3A_810], %swap3A_813 {strides = array<i32>} : memref<80x128xf32, #tpu.memory_space<vmem>>, vector<1x16xf32>,
        %get3A_814 = arith.index_cast %add3A_793 : i32 to index
        %get3A_815 = arith.constant 32 : index
        %get3A_816 = tpu.vector_load %arg13[%get3A_814, %get3A_815] {strides = array<i32>} : memref<80x128xf32, #tpu.memory_space<vmem>>, vector<1x16xf32>,
        %get3A_817 = vector.shape_cast %get3A_816 : vector<1x16xf32> to vector<16xf32>
        %mul3A_818 = arith.mulf %get3A_817, %broadcast_in_dim3A_789 : vector<16xf32>
        %swap3A_819 = arith.index_cast %add3A_793 : i32 to index
        %swap3A_820 = arith.constant 32 : index
        %swap3A_821 = tpu.vector_load %arg13[%swap3A_819, %swap3A_820] {strides = array<i32>} : memref<80x128xf32, #tpu.memory_space<vmem>>, vector<1x16xf32>,
        %swap3A_822 = vector.shape_cast %swap3A_821 : vector<1x16xf32> to vector<16xf32>
        %swap3A_823 = vector.shape_cast %mul3A_818 : vector<16xf32> to vector<1x16xf32>
        tpu.vector_store %arg13[%swap3A_819, %swap3A_820], %swap3A_823 {strides = array<i32>} : memref<80x128xf32, #tpu.memory_space<vmem>>, vector<1x16xf32>,
        %get3A_824 = arith.index_cast %add3A_793 : i32 to index
        %get3A_825 = arith.constant 48 : index
        %get3A_826 = tpu.vector_load %arg13[%get3A_824, %get3A_825] {strides = array<i32>} : memref<80x128xf32, #tpu.memory_space<vmem>>, vector<1x16xf32>,
        %get3A_827 = vector.shape_cast %get3A_826 : vector<1x16xf32> to vector<16xf32>
        %mul3A_828 = arith.mulf %get3A_827, %broadcast_in_dim3A_789 : vector<16xf32>
        %swap3A_829 = arith.index_cast %add3A_793 : i32 to index
        %swap3A_830 = arith.constant 48 : index
        %swap3A_831 = tpu.vector_load %arg13[%swap3A_829, %swap3A_830] {strides = array<i32>} : memref<80x128xf32, #tpu.memory_space<vmem>>, vector<1x16xf32>,
        %swap3A_832 = vector.shape_cast %swap3A_831 : vector<1x16xf32> to vector<16xf32>
        %swap3A_833 = vector.shape_cast %mul3A_828 : vector<16xf32> to vector<1x16xf32>
        tpu.vector_store %arg13[%swap3A_829, %swap3A_830], %swap3A_833 {strides = array<i32>} : memref<80x128xf32, #tpu.memory_space<vmem>>, vector<1x16xf32>,
        %get3A_834 = arith.index_cast %add3A_793 : i32 to index
        %get3A_835 = arith.constant 64 : index
        %get3A_836 = tpu.vector_load %arg13[%get3A_834, %get3A_835] {strides = array<i32>} : memref<80x128xf32, #tpu.memory_space<vmem>>, vector<1x16xf32>,
        %get3A_837 = vector.shape_cast %get3A_836 : vector<1x16xf32> to vector<16xf32>
        %mul3A_838 = arith.mulf %get3A_837, %broadcast_in_dim3A_789 : vector<16xf32>
        %swap3A_839 = arith.index_cast %add3A_793 : i32 to index
        %swap3A_840 = arith.constant 64 : index
        %swap3A_841 = tpu.vector_load %arg13[%swap3A_839, %swap3A_840] {strides = array<i32>} : memref<80x128xf32, #tpu.memory_space<vmem>>, vector<1x16xf32>,
        %swap3A_842 = vector.shape_cast %swap3A_841 : vector<1x16xf32> to vector<16xf32>
        %swap3A_843 = vector.shape_cast %mul3A_838 : vector<16xf32> to vector<1x16xf32>
        tpu.vector_store %arg13[%swap3A_839, %swap3A_840], %swap3A_843 {strides = array<i32>} : memref<80x128xf32, #tpu.memory_space<vmem>>, vector<1x16xf32>,
        %get3A_844 = arith.index_cast %add3A_793 : i32 to index
        %get3A_845 = arith.constant 80 : index
        %get3A_846 = tpu.vector_load %arg13[%get3A_844, %get3A_845] {strides = array<i32>} : memref<80x128xf32, #tpu.memory_space<vmem>>, vector<1x16xf32>,
        %get3A_847 = vector.shape_cast %get3A_846 : vector<1x16xf32> to vector<16xf32>
        %mul3A_848 = arith.mulf %get3A_847, %broadcast_in_dim3A_789 : vector<16xf32>
        %swap3A_849 = arith.index_cast %add3A_793 : i32 to index
        %swap3A_850 = arith.constant 80 : index
        %swap3A_851 = tpu.vector_load %arg13[%swap3A_849, %swap3A_850] {strides = array<i32>} : memref<80x128xf32, #tpu.memory_space<vmem>>, vector<1x16xf32>,
        %swap3A_852 = vector.shape_cast %swap3A_851 : vector<1x16xf32> to vector<16xf32>
        %swap3A_853 = vector.shape_cast %mul3A_848 : vector<16xf32> to vector<1x16xf32>
        tpu.vector_store %arg13[%swap3A_849, %swap3A_850], %swap3A_853 {strides = array<i32>} : memref<80x128xf32, #tpu.memory_space<vmem>>, vector<1x16xf32>,
        %get3A_854 = arith.index_cast %add3A_793 : i32 to index
        %get3A_855 = arith.constant 96 : index
        %get3A_856 = tpu.vector_load %arg13[%get3A_854, %get3A_855] {strides = array<i32>} : memref<80x128xf32, #tpu.memory_space<vmem>>, vector<1x16xf32>,
        %get3A_857 = vector.shape_cast %get3A_856 : vector<1x16xf32> to vector<16xf32>
        %mul3A_858 = arith.mulf %get3A_857, %broadcast_in_dim3A_789 : vector<16xf32>
        %swap3A_859 = arith.index_cast %add3A_793 : i32 to index
        %swap3A_860 = arith.constant 96 : index
        %swap3A_861 = tpu.vector_load %arg13[%swap3A_859, %swap3A_860] {strides = array<i32>} : memref<80x128xf32, #tpu.memory_space<vmem>>, vector<1x16xf32>,
        %swap3A_862 = vector.shape_cast %swap3A_861 : vector<1x16xf32> to vector<16xf32>
        %swap3A_863 = vector.shape_cast %mul3A_858 : vector<16xf32> to vector<1x16xf32>
        tpu.vector_store %arg13[%swap3A_859, %swap3A_860], %swap3A_863 {strides = array<i32>} : memref<80x128xf32, #tpu.memory_space<vmem>>, vector<1x16xf32>,
        %get3A_864 = arith.index_cast %add3A_793 : i32 to index
        %get3A_865 = arith.constant 112 : index
        %get3A_866 = tpu.vector_load %arg13[%get3A_864, %get3A_865] {strides = array<i32>} : memref<80x128xf32, #tpu.memory_space<vmem>>, vector<1x16xf32>,
        %get3A_867 = vector.shape_cast %get3A_866 : vector<1x16xf32> to vector<16xf32>
        %mul3A_868 = arith.mulf %get3A_867, %broadcast_in_dim3A_789 : vector<16xf32>
        %swap3A_869 = arith.index_cast %add3A_793 : i32 to index
        %swap3A_870 = arith.constant 112 : index
        %swap3A_871 = tpu.vector_load %arg13[%swap3A_869, %swap3A_870] {strides = array<i32>} : memref<80x128xf32, #tpu.memory_space<vmem>>, vector<1x16xf32>,
        %swap3A_872 = vector.shape_cast %swap3A_871 : vector<1x16xf32> to vector<16xf32>
        %swap3A_873 = vector.shape_cast %mul3A_868 : vector<16xf32> to vector<1x16xf32>
        tpu.vector_store %arg13[%swap3A_869, %swap3A_870], %swap3A_873 {strides = array<i32>} : memref<80x128xf32, #tpu.memory_space<vmem>>, vector<1x16xf32>,
        %slice3A_874 = vector.extract_strided_slice %get3A_179 {offsets = [8], sizes = [1], strides = [1]} : vector<16xf32> to vector<1xf32>
        %squeeze3A_875 = vector.extract %slice3A_874[0] : f32 from vector<1xf32>
        %broadcast_in_dim3A_876 = vector.broadcast %squeeze3A_875 : f32 to vector<16xf32>
        %mul3A_877 = arith.constant 16 : i32
        %mul3A_878 = arith.muli %scan3A_171, %mul3A_877 : i32
        %add3A_879 = arith.constant 8 : i32
        %add3A_880 = arith.addi %mul3A_878, %add3A_879 : i32
        %get3A_881 = arith.index_cast %add3A_880 : i32 to index
        %get3A_882 = arith.constant 0 : index
        %get3A_883 = tpu.vector_load %arg13[%get3A_881, %get3A_882] {strides = array<i32>} : memref<80x128xf32, #tpu.memory_space<vmem>>, vector<1x16xf32>,
        %get3A_884 = vector.shape_cast %get3A_883 : vector<1x16xf32> to vector<16xf32>
        %mul3A_885 = arith.mulf %get3A_884, %broadcast_in_dim3A_876 : vector<16xf32>
        %swap3A_886 = arith.index_cast %add3A_880 : i32 to index
        %swap3A_887 = arith.constant 0 : index
        %swap3A_888 = tpu.vector_load %arg13[%swap3A_886, %swap3A_887] {strides = array<i32>} : memref<80x128xf32, #tpu.memory_space<vmem>>, vector<1x16xf32>,
        %swap3A_889 = vector.shape_cast %swap3A_888 : vector<1x16xf32> to vector<16xf32>
        %swap3A_890 = vector.shape_cast %mul3A_885 : vector<16xf32> to vector<1x16xf32>
        tpu.vector_store %arg13[%swap3A_886, %swap3A_887], %swap3A_890 {strides = array<i32>} : memref<80x128xf32, #tpu.memory_space<vmem>>, vector<1x16xf32>,
        %get3A_891 = arith.index_cast %add3A_880 : i32 to index
        %get3A_892 = arith.constant 16 : index
        %get3A_893 = tpu.vector_load %arg13[%get3A_891, %get3A_892] {strides = array<i32>} : memref<80x128xf32, #tpu.memory_space<vmem>>, vector<1x16xf32>,
        %get3A_894 = vector.shape_cast %get3A_893 : vector<1x16xf32> to vector<16xf32>
        %mul3A_895 = arith.mulf %get3A_894, %broadcast_in_dim3A_876 : vector<16xf32>
        %swap3A_896 = arith.index_cast %add3A_880 : i32 to index
        %swap3A_897 = arith.constant 16 : index
        %swap3A_898 = tpu.vector_load %arg13[%swap3A_896, %swap3A_897] {strides = array<i32>} : memref<80x128xf32, #tpu.memory_space<vmem>>, vector<1x16xf32>,
        %swap3A_899 = vector.shape_cast %swap3A_898 : vector<1x16xf32> to vector<16xf32>
        %swap3A_900 = vector.shape_cast %mul3A_895 : vector<16xf32> to vector<1x16xf32>
        tpu.vector_store %arg13[%swap3A_896, %swap3A_897], %swap3A_900 {strides = array<i32>} : memref<80x128xf32, #tpu.memory_space<vmem>>, vector<1x16xf32>,
        %get3A_901 = arith.index_cast %add3A_880 : i32 to index
        %get3A_902 = arith.constant 32 : index
        %get3A_903 = tpu.vector_load %arg13[%get3A_901, %get3A_902] {strides = array<i32>} : memref<80x128xf32, #tpu.memory_space<vmem>>, vector<1x16xf32>,
        %get3A_904 = vector.shape_cast %get3A_903 : vector<1x16xf32> to vector<16xf32>
        %mul3A_905 = arith.mulf %get3A_904, %broadcast_in_dim3A_876 : vector<16xf32>
        %swap3A_906 = arith.index_cast %add3A_880 : i32 to index
        %swap3A_907 = arith.constant 32 : index
        %swap3A_908 = tpu.vector_load %arg13[%swap3A_906, %swap3A_907] {strides = array<i32>} : memref<80x128xf32, #tpu.memory_space<vmem>>, vector<1x16xf32>,
        %swap3A_909 = vector.shape_cast %swap3A_908 : vector<1x16xf32> to vector<16xf32>
        %swap3A_910 = vector.shape_cast %mul3A_905 : vector<16xf32> to vector<1x16xf32>
        tpu.vector_store %arg13[%swap3A_906, %swap3A_907], %swap3A_910 {strides = array<i32>} : memref<80x128xf32, #tpu.memory_space<vmem>>, vector<1x16xf32>,
        %get3A_911 = arith.index_cast %add3A_880 : i32 to index
        %get3A_912 = arith.constant 48 : index
        %get3A_913 = tpu.vector_load %arg13[%get3A_911, %get3A_912] {strides = array<i32>} : memref<80x128xf32, #tpu.memory_space<vmem>>, vector<1x16xf32>,
        %get3A_914 = vector.shape_cast %get3A_913 : vector<1x16xf32> to vector<16xf32>
        %mul3A_915 = arith.mulf %get3A_914, %broadcast_in_dim3A_876 : vector<16xf32>
        %swap3A_916 = arith.index_cast %add3A_880 : i32 to index
        %swap3A_917 = arith.constant 48 : index
        %swap3A_918 = tpu.vector_load %arg13[%swap3A_916, %swap3A_917] {strides = array<i32>} : memref<80x128xf32, #tpu.memory_space<vmem>>, vector<1x16xf32>,
        %swap3A_919 = vector.shape_cast %swap3A_918 : vector<1x16xf32> to vector<16xf32>
        %swap3A_920 = vector.shape_cast %mul3A_915 : vector<16xf32> to vector<1x16xf32>
        tpu.vector_store %arg13[%swap3A_916, %swap3A_917], %swap3A_920 {strides = array<i32>} : memref<80x128xf32, #tpu.memory_space<vmem>>, vector<1x16xf32>,
        %get3A_921 = arith.index_cast %add3A_880 : i32 to index
        %get3A_922 = arith.constant 64 : index
        %get3A_923 = tpu.vector_load %arg13[%get3A_921, %get3A_922] {strides = array<i32>} : memref<80x128xf32, #tpu.memory_space<vmem>>, vector<1x16xf32>,
        %get3A_924 = vector.shape_cast %get3A_923 : vector<1x16xf32> to vector<16xf32>
        %mul3A_925 = arith.mulf %get3A_924, %broadcast_in_dim3A_876 : vector<16xf32>
        %swap3A_926 = arith.index_cast %add3A_880 : i32 to index
        %swap3A_927 = arith.constant 64 : index
        %swap3A_928 = tpu.vector_load %arg13[%swap3A_926, %swap3A_927] {strides = array<i32>} : memref<80x128xf32, #tpu.memory_space<vmem>>, vector<1x16xf32>,
        %swap3A_929 = vector.shape_cast %swap3A_928 : vector<1x16xf32> to vector<16xf32>
        %swap3A_930 = vector.shape_cast %mul3A_925 : vector<16xf32> to vector<1x16xf32>
        tpu.vector_store %arg13[%swap3A_926, %swap3A_927], %swap3A_930 {strides = array<i32>} : memref<80x128xf32, #tpu.memory_space<vmem>>, vector<1x16xf32>,
        %get3A_931 = arith.index_cast %add3A_880 : i32 to index
        %get3A_932 = arith.constant 80 : index
        %get3A_933 = tpu.vector_load %arg13[%get3A_931, %get3A_932] {strides = array<i32>} : memref<80x128xf32, #tpu.memory_space<vmem>>, vector<1x16xf32>,
        %get3A_934 = vector.shape_cast %get3A_933 : vector<1x16xf32> to vector<16xf32>
        %mul3A_935 = arith.mulf %get3A_934, %broadcast_in_dim3A_876 : vector<16xf32>
        %swap3A_936 = arith.index_cast %add3A_880 : i32 to index
        %swap3A_937 = arith.constant 80 : index
        %swap3A_938 = tpu.vector_load %arg13[%swap3A_936, %swap3A_937] {strides = array<i32>} : memref<80x128xf32, #tpu.memory_space<vmem>>, vector<1x16xf32>,
        %swap3A_939 = vector.shape_cast %swap3A_938 : vector<1x16xf32> to vector<16xf32>
        %swap3A_940 = vector.shape_cast %mul3A_935 : vector<16xf32> to vector<1x16xf32>
        tpu.vector_store %arg13[%swap3A_936, %swap3A_937], %swap3A_940 {strides = array<i32>} : memref<80x128xf32, #tpu.memory_space<vmem>>, vector<1x16xf32>,
        %get3A_941 = arith.index_cast %add3A_880 : i32 to index
        %get3A_942 = arith.constant 96 : index
        %get3A_943 = tpu.vector_load %arg13[%get3A_941, %get3A_942] {strides = array<i32>} : memref<80x128xf32, #tpu.memory_space<vmem>>, vector<1x16xf32>,
        %get3A_944 = vector.shape_cast %get3A_943 : vector<1x16xf32> to vector<16xf32>
        %mul3A_945 = arith.mulf %get3A_944, %broadcast_in_dim3A_876 : vector<16xf32>
        %swap3A_946 = arith.index_cast %add3A_880 : i32 to index
        %swap3A_947 = arith.constant 96 : index
        %swap3A_948 = tpu.vector_load %arg13[%swap3A_946, %swap3A_947] {strides = array<i32>} : memref<80x128xf32, #tpu.memory_space<vmem>>, vector<1x16xf32>,
        %swap3A_949 = vector.shape_cast %swap3A_948 : vector<1x16xf32> to vector<16xf32>
        %swap3A_950 = vector.shape_cast %mul3A_945 : vector<16xf32> to vector<1x16xf32>
        tpu.vector_store %arg13[%swap3A_946, %swap3A_947], %swap3A_950 {strides = array<i32>} : memref<80x128xf32, #tpu.memory_space<vmem>>, vector<1x16xf32>,
        %get3A_951 = arith.index_cast %add3A_880 : i32 to index
        %get3A_952 = arith.constant 112 : index
        %get3A_953 = tpu.vector_load %arg13[%get3A_951, %get3A_952] {strides = array<i32>} : memref<80x128xf32, #tpu.memory_space<vmem>>, vector<1x16xf32>,
        %get3A_954 = vector.shape_cast %get3A_953 : vector<1x16xf32> to vector<16xf32>
        %mul3A_955 = arith.mulf %get3A_954, %broadcast_in_dim3A_876 : vector<16xf32>
        %swap3A_956 = arith.index_cast %add3A_880 : i32 to index
        %swap3A_957 = arith.constant 112 : index
        %swap3A_958 = tpu.vector_load %arg13[%swap3A_956, %swap3A_957] {strides = array<i32>} : memref<80x128xf32, #tpu.memory_space<vmem>>, vector<1x16xf32>,
        %swap3A_959 = vector.shape_cast %swap3A_958 : vector<1x16xf32> to vector<16xf32>
        %swap3A_960 = vector.shape_cast %mul3A_955 : vector<16xf32> to vector<1x16xf32>
        tpu.vector_store %arg13[%swap3A_956, %swap3A_957], %swap3A_960 {strides = array<i32>} : memref<80x128xf32, #tpu.memory_space<vmem>>, vector<1x16xf32>,
        %slice3A_961 = vector.extract_strided_slice %get3A_179 {offsets = [9], sizes = [1], strides = [1]} : vector<16xf32> to vector<1xf32>
        %squeeze3A_962 = vector.extract %slice3A_961[0] : f32 from vector<1xf32>
        %broadcast_in_dim3A_963 = vector.broadcast %squeeze3A_962 : f32 to vector<16xf32>
        %mul3A_964 = arith.constant 16 : i32
        %mul3A_965 = arith.muli %scan3A_171, %mul3A_964 : i32
        %add3A_966 = arith.constant 9 : i32
        %add3A_967 = arith.addi %mul3A_965, %add3A_966 : i32
        %get3A_968 = arith.index_cast %add3A_967 : i32 to index
        %get3A_969 = arith.constant 0 : index
        %get3A_970 = tpu.vector_load %arg13[%get3A_968, %get3A_969] {strides = array<i32>} : memref<80x128xf32, #tpu.memory_space<vmem>>, vector<1x16xf32>,
        %get3A_971 = vector.shape_cast %get3A_970 : vector<1x16xf32> to vector<16xf32>
        %mul3A_972 = arith.mulf %get3A_971, %broadcast_in_dim3A_963 : vector<16xf32>
        %swap3A_973 = arith.index_cast %add3A_967 : i32 to index
        %swap3A_974 = arith.constant 0 : index
        %swap3A_975 = tpu.vector_load %arg13[%swap3A_973, %swap3A_974] {strides = array<i32>} : memref<80x128xf32, #tpu.memory_space<vmem>>, vector<1x16xf32>,
        %swap3A_976 = vector.shape_cast %swap3A_975 : vector<1x16xf32> to vector<16xf32>
        %swap3A_977 = vector.shape_cast %mul3A_972 : vector<16xf32> to vector<1x16xf32>
        tpu.vector_store %arg13[%swap3A_973, %swap3A_974], %swap3A_977 {strides = array<i32>} : memref<80x128xf32, #tpu.memory_space<vmem>>, vector<1x16xf32>,
        %get3A_978 = arith.index_cast %add3A_967 : i32 to index
        %get3A_979 = arith.constant 16 : index
        %get3A_980 = tpu.vector_load %arg13[%get3A_978, %get3A_979] {strides = array<i32>} : memref<80x128xf32, #tpu.memory_space<vmem>>, vector<1x16xf32>,
        %get3A_981 = vector.shape_cast %get3A_980 : vector<1x16xf32> to vector<16xf32>
        %mul3A_982 = arith.mulf %get3A_981, %broadcast_in_dim3A_963 : vector<16xf32>
        %swap3A_983 = arith.index_cast %add3A_967 : i32 to index
        %swap3A_984 = arith.constant 16 : index
        %swap3A_985 = tpu.vector_load %arg13[%swap3A_983, %swap3A_984] {strides = array<i32>} : memref<80x128xf32, #tpu.memory_space<vmem>>, vector<1x16xf32>,
        %swap3A_986 = vector.shape_cast %swap3A_985 : vector<1x16xf32> to vector<16xf32>
        %swap3A_987 = vector.shape_cast %mul3A_982 : vector<16xf32> to vector<1x16xf32>
        tpu.vector_store %arg13[%swap3A_983, %swap3A_984], %swap3A_987 {strides = array<i32>} : memref<80x128xf32, #tpu.memory_space<vmem>>, vector<1x16xf32>,
        %get3A_988 = arith.index_cast %add3A_967 : i32 to index
        %get3A_989 = arith.constant 32 : index
        %get3A_990 = tpu.vector_load %arg13[%get3A_988, %get3A_989] {strides = array<i32>} : memref<80x128xf32, #tpu.memory_space<vmem>>, vector<1x16xf32>,
        %get3A_991 = vector.shape_cast %get3A_990 : vector<1x16xf32> to vector<16xf32>
        %mul3A_992 = arith.mulf %get3A_991, %broadcast_in_dim3A_963 : vector<16xf32>
        %swap3A_993 = arith.index_cast %add3A_967 : i32 to index
        %swap3A_994 = arith.constant 32 : index
        %swap3A_995 = tpu.vector_load %arg13[%swap3A_993, %swap3A_994] {strides = array<i32>} : memref<80x128xf32, #tpu.memory_space<vmem>>, vector<1x16xf32>,
        %swap3A_996 = vector.shape_cast %swap3A_995 : vector<1x16xf32> to vector<16xf32>
        %swap3A_997 = vector.shape_cast %mul3A_992 : vector<16xf32> to vector<1x16xf32>
        tpu.vector_store %arg13[%swap3A_993, %swap3A_994], %swap3A_997 {strides = array<i32>} : memref<80x128xf32, #tpu.memory_space<vmem>>, vector<1x16xf32>,
        %get3A_998 = arith.index_cast %add3A_967 : i32 to index
        %get3A_999 = arith.constant 48 : index
        %get3A_1000 = tpu.vector_load %arg13[%get3A_998, %get3A_999] {strides = array<i32>} : memref<80x128xf32, #tpu.memory_space<vmem>>, vector<1x16xf32>,
        %get3A_1001 = vector.shape_cast %get3A_1000 : vector<1x16xf32> to vector<16xf32>
        %mul3A_1002 = arith.mulf %get3A_1001, %broadcast_in_dim3A_963 : vector<16xf32>
        %swap3A_1003 = arith.index_cast %add3A_967 : i32 to index
        %swap3A_1004 = arith.constant 48 : index
        %swap3A_1005 = tpu.vector_load %arg13[%swap3A_1003, %swap3A_1004] {strides = array<i32>} : memref<80x128xf32, #tpu.memory_space<vmem>>, vector<1x16xf32>,
        %swap3A_1006 = vector.shape_cast %swap3A_1005 : vector<1x16xf32> to vector<16xf32>
        %swap3A_1007 = vector.shape_cast %mul3A_1002 : vector<16xf32> to vector<1x16xf32>
        tpu.vector_store %arg13[%swap3A_1003, %swap3A_1004], %swap3A_1007 {strides = array<i32>} : memref<80x128xf32, #tpu.memory_space<vmem>>, vector<1x16xf32>,
        %get3A_1008 = arith.index_cast %add3A_967 : i32 to index
        %get3A_1009 = arith.constant 64 : index
        %get3A_1010 = tpu.vector_load %arg13[%get3A_1008, %get3A_1009] {strides = array<i32>} : memref<80x128xf32, #tpu.memory_space<vmem>>, vector<1x16xf32>,
        %get3A_1011 = vector.shape_cast %get3A_1010 : vector<1x16xf32> to vector<16xf32>
        %mul3A_1012 = arith.mulf %get3A_1011, %broadcast_in_dim3A_963 : vector<16xf32>
        %swap3A_1013 = arith.index_cast %add3A_967 : i32 to index
        %swap3A_1014 = arith.constant 64 : index
        %swap3A_1015 = tpu.vector_load %arg13[%swap3A_1013, %swap3A_1014] {strides = array<i32>} : memref<80x128xf32, #tpu.memory_space<vmem>>, vector<1x16xf32>,
        %swap3A_1016 = vector.shape_cast %swap3A_1015 : vector<1x16xf32> to vector<16xf32>
        %swap3A_1017 = vector.shape_cast %mul3A_1012 : vector<16xf32> to vector<1x16xf32>
        tpu.vector_store %arg13[%swap3A_1013, %swap3A_1014], %swap3A_1017 {strides = array<i32>} : memref<80x128xf32, #tpu.memory_space<vmem>>, vector<1x16xf32>,
        %get3A_1018 = arith.index_cast %add3A_967 : i32 to index
        %get3A_1019 = arith.constant 80 : index
        %get3A_1020 = tpu.vector_load %arg13[%get3A_1018, %get3A_1019] {strides = array<i32>} : memref<80x128xf32, #tpu.memory_space<vmem>>, vector<1x16xf32>,
        %get3A_1021 = vector.shape_cast %get3A_1020 : vector<1x16xf32> to vector<16xf32>
        %mul3A_1022 = arith.mulf %get3A_1021, %broadcast_in_dim3A_963 : vector<16xf32>
        %swap3A_1023 = arith.index_cast %add3A_967 : i32 to index
        %swap3A_1024 = arith.constant 80 : index
        %swap3A_1025 = tpu.vector_load %arg13[%swap3A_1023, %swap3A_1024] {strides = array<i32>} : memref<80x128xf32, #tpu.memory_space<vmem>>, vector<1x16xf32>,
        %swap3A_1026 = vector.shape_cast %swap3A_1025 : vector<1x16xf32> to vector<16xf32>
        %swap3A_1027 = vector.shape_cast %mul3A_1022 : vector<16xf32> to vector<1x16xf32>
        tpu.vector_store %arg13[%swap3A_1023, %swap3A_1024], %swap3A_1027 {strides = array<i32>} : memref<80x128xf32, #tpu.memory_space<vmem>>, vector<1x16xf32>,
        %get3A_1028 = arith.index_cast %add3A_967 : i32 to index
        %get3A_1029 = arith.constant 96 : index
        %get3A_1030 = tpu.vector_load %arg13[%get3A_1028, %get3A_1029] {strides = array<i32>} : memref<80x128xf32, #tpu.memory_space<vmem>>, vector<1x16xf32>,
        %get3A_1031 = vector.shape_cast %get3A_1030 : vector<1x16xf32> to vector<16xf32>
        %mul3A_1032 = arith.mulf %get3A_1031, %broadcast_in_dim3A_963 : vector<16xf32>
        %swap3A_1033 = arith.index_cast %add3A_967 : i32 to index
        %swap3A_1034 = arith.constant 96 : index
        %swap3A_1035 = tpu.vector_load %arg13[%swap3A_1033, %swap3A_1034] {strides = array<i32>} : memref<80x128xf32, #tpu.memory_space<vmem>>, vector<1x16xf32>,
        %swap3A_1036 = vector.shape_cast %swap3A_1035 : vector<1x16xf32> to vector<16xf32>
        %swap3A_1037 = vector.shape_cast %mul3A_1032 : vector<16xf32> to vector<1x16xf32>
        tpu.vector_store %arg13[%swap3A_1033, %swap3A_1034], %swap3A_1037 {strides = array<i32>} : memref<80x128xf32, #tpu.memory_space<vmem>>, vector<1x16xf32>,
        %get3A_1038 = arith.index_cast %add3A_967 : i32 to index
        %get3A_1039 = arith.constant 112 : index
        %get3A_1040 = tpu.vector_load %arg13[%get3A_1038, %get3A_1039] {strides = array<i32>} : memref<80x128xf32, #tpu.memory_space<vmem>>, vector<1x16xf32>,
        %get3A_1041 = vector.shape_cast %get3A_1040 : vector<1x16xf32> to vector<16xf32>
        %mul3A_1042 = arith.mulf %get3A_1041, %broadcast_in_dim3A_963 : vector<16xf32>
        %swap3A_1043 = arith.index_cast %add3A_967 : i32 to index
        %swap3A_1044 = arith.constant 112 : index
        %swap3A_1045 = tpu.vector_load %arg13[%swap3A_1043, %swap3A_1044] {strides = array<i32>} : memref<80x128xf32, #tpu.memory_space<vmem>>, vector<1x16xf32>,
        %swap3A_1046 = vector.shape_cast %swap3A_1045 : vector<1x16xf32> to vector<16xf32>
        %swap3A_1047 = vector.shape_cast %mul3A_1042 : vector<16xf32> to vector<1x16xf32>
        tpu.vector_store %arg13[%swap3A_1043, %swap3A_1044], %swap3A_1047 {strides = array<i32>} : memref<80x128xf32, #tpu.memory_space<vmem>>, vector<1x16xf32>,
        %slice3A_1048 = vector.extract_strided_slice %get3A_179 {offsets = [10], sizes = [1], strides = [1]} : vector<16xf32> to vector<1xf32>
        %squeeze3A_1049 = vector.extract %slice3A_1048[0] : f32 from vector<1xf32>
        %broadcast_in_dim3A_1050 = vector.broadcast %squeeze3A_1049 : f32 to vector<16xf32>
        %mul3A_1051 = arith.constant 16 : i32
        %mul3A_1052 = arith.muli %scan3A_171, %mul3A_1051 : i32
        %add3A_1053 = arith.constant 10 : i32
        %add3A_1054 = arith.addi %mul3A_1052, %add3A_1053 : i32
        %get3A_1055 = arith.index_cast %add3A_1054 : i32 to index
        %get3A_1056 = arith.constant 0 : index
        %get3A_1057 = tpu.vector_load %arg13[%get3A_1055, %get3A_1056] {strides = array<i32>} : memref<80x128xf32, #tpu.memory_space<vmem>>, vector<1x16xf32>,
        %get3A_1058 = vector.shape_cast %get3A_1057 : vector<1x16xf32> to vector<16xf32>
        %mul3A_1059 = arith.mulf %get3A_1058, %broadcast_in_dim3A_1050 : vector<16xf32>
        %swap3A_1060 = arith.index_cast %add3A_1054 : i32 to index
        %swap3A_1061 = arith.constant 0 : index
        %swap3A_1062 = tpu.vector_load %arg13[%swap3A_1060, %swap3A_1061] {strides = array<i32>} : memref<80x128xf32, #tpu.memory_space<vmem>>, vector<1x16xf32>,
        %swap3A_1063 = vector.shape_cast %swap3A_1062 : vector<1x16xf32> to vector<16xf32>
        %swap3A_1064 = vector.shape_cast %mul3A_1059 : vector<16xf32> to vector<1x16xf32>
        tpu.vector_store %arg13[%swap3A_1060, %swap3A_1061], %swap3A_1064 {strides = array<i32>} : memref<80x128xf32, #tpu.memory_space<vmem>>, vector<1x16xf32>,
        %get3A_1065 = arith.index_cast %add3A_1054 : i32 to index
        %get3A_1066 = arith.constant 16 : index
        %get3A_1067 = tpu.vector_load %arg13[%get3A_1065, %get3A_1066] {strides = array<i32>} : memref<80x128xf32, #tpu.memory_space<vmem>>, vector<1x16xf32>,
        %get3A_1068 = vector.shape_cast %get3A_1067 : vector<1x16xf32> to vector<16xf32>
        %mul3A_1069 = arith.mulf %get3A_1068, %broadcast_in_dim3A_1050 : vector<16xf32>
        %swap3A_1070 = arith.index_cast %add3A_1054 : i32 to index
        %swap3A_1071 = arith.constant 16 : index
        %swap3A_1072 = tpu.vector_load %arg13[%swap3A_1070, %swap3A_1071] {strides = array<i32>} : memref<80x128xf32, #tpu.memory_space<vmem>>, vector<1x16xf32>,
        %swap3A_1073 = vector.shape_cast %swap3A_1072 : vector<1x16xf32> to vector<16xf32>
        %swap3A_1074 = vector.shape_cast %mul3A_1069 : vector<16xf32> to vector<1x16xf32>
        tpu.vector_store %arg13[%swap3A_1070, %swap3A_1071], %swap3A_1074 {strides = array<i32>} : memref<80x128xf32, #tpu.memory_space<vmem>>, vector<1x16xf32>,
        %get3A_1075 = arith.index_cast %add3A_1054 : i32 to index
        %get3A_1076 = arith.constant 32 : index
        %get3A_1077 = tpu.vector_load %arg13[%get3A_1075, %get3A_1076] {strides = array<i32>} : memref<80x128xf32, #tpu.memory_space<vmem>>, vector<1x16xf32>,
        %get3A_1078 = vector.shape_cast %get3A_1077 : vector<1x16xf32> to vector<16xf32>
        %mul3A_1079 = arith.mulf %get3A_1078, %broadcast_in_dim3A_1050 : vector<16xf32>
        %swap3A_1080 = arith.index_cast %add3A_1054 : i32 to index
        %swap3A_1081 = arith.constant 32 : index
        %swap3A_1082 = tpu.vector_load %arg13[%swap3A_1080, %swap3A_1081] {strides = array<i32>} : memref<80x128xf32, #tpu.memory_space<vmem>>, vector<1x16xf32>,
        %swap3A_1083 = vector.shape_cast %swap3A_1082 : vector<1x16xf32> to vector<16xf32>
        %swap3A_1084 = vector.shape_cast %mul3A_1079 : vector<16xf32> to vector<1x16xf32>
        tpu.vector_store %arg13[%swap3A_1080, %swap3A_1081], %swap3A_1084 {strides = array<i32>} : memref<80x128xf32, #tpu.memory_space<vmem>>, vector<1x16xf32>,
        %get3A_1085 = arith.index_cast %add3A_1054 : i32 to index
        %get3A_1086 = arith.constant 48 : index
        %get3A_1087 = tpu.vector_load %arg13[%get3A_1085, %get3A_1086] {strides = array<i32>} : memref<80x128xf32, #tpu.memory_space<vmem>>, vector<1x16xf32>,
        %get3A_1088 = vector.shape_cast %get3A_1087 : vector<1x16xf32> to vector<16xf32>
        %mul3A_1089 = arith.mulf %get3A_1088, %broadcast_in_dim3A_1050 : vector<16xf32>
        %swap3A_1090 = arith.index_cast %add3A_1054 : i32 to index
        %swap3A_1091 = arith.constant 48 : index
        %swap3A_1092 = tpu.vector_load %arg13[%swap3A_1090, %swap3A_1091] {strides = array<i32>} : memref<80x128xf32, #tpu.memory_space<vmem>>, vector<1x16xf32>,
        %swap3A_1093 = vector.shape_cast %swap3A_1092 : vector<1x16xf32> to vector<16xf32>
        %swap3A_1094 = vector.shape_cast %mul3A_1089 : vector<16xf32> to vector<1x16xf32>
        tpu.vector_store %arg13[%swap3A_1090, %swap3A_1091], %swap3A_1094 {strides = array<i32>} : memref<80x128xf32, #tpu.memory_space<vmem>>, vector<1x16xf32>,
        %get3A_1095 = arith.index_cast %add3A_1054 : i32 to index
        %get3A_1096 = arith.constant 64 : index
        %get3A_1097 = tpu.vector_load %arg13[%get3A_1095, %get3A_1096] {strides = array<i32>} : memref<80x128xf32, #tpu.memory_space<vmem>>, vector<1x16xf32>,
        %get3A_1098 = vector.shape_cast %get3A_1097 : vector<1x16xf32> to vector<16xf32>
        %mul3A_1099 = arith.mulf %get3A_1098, %broadcast_in_dim3A_1050 : vector<16xf32>
        %swap3A_1100 = arith.index_cast %add3A_1054 : i32 to index
        %swap3A_1101 = arith.constant 64 : index
        %swap3A_1102 = tpu.vector_load %arg13[%swap3A_1100, %swap3A_1101] {strides = array<i32>} : memref<80x128xf32, #tpu.memory_space<vmem>>, vector<1x16xf32>,
        %swap3A_1103 = vector.shape_cast %swap3A_1102 : vector<1x16xf32> to vector<16xf32>
        %swap3A_1104 = vector.shape_cast %mul3A_1099 : vector<16xf32> to vector<1x16xf32>
        tpu.vector_store %arg13[%swap3A_1100, %swap3A_1101], %swap3A_1104 {strides = array<i32>} : memref<80x128xf32, #tpu.memory_space<vmem>>, vector<1x16xf32>,
        %get3A_1105 = arith.index_cast %add3A_1054 : i32 to index
        %get3A_1106 = arith.constant 80 : index
        %get3A_1107 = tpu.vector_load %arg13[%get3A_1105, %get3A_1106] {strides = array<i32>} : memref<80x128xf32, #tpu.memory_space<vmem>>, vector<1x16xf32>,
        %get3A_1108 = vector.shape_cast %get3A_1107 : vector<1x16xf32> to vector<16xf32>
        %mul3A_1109 = arith.mulf %get3A_1108, %broadcast_in_dim3A_1050 : vector<16xf32>
        %swap3A_1110 = arith.index_cast %add3A_1054 : i32 to index
        %swap3A_1111 = arith.constant 80 : index
        %swap3A_1112 = tpu.vector_load %arg13[%swap3A_1110, %swap3A_1111] {strides = array<i32>} : memref<80x128xf32, #tpu.memory_space<vmem>>, vector<1x16xf32>,
        %swap3A_1113 = vector.shape_cast %swap3A_1112 : vector<1x16xf32> to vector<16xf32>
        %swap3A_1114 = vector.shape_cast %mul3A_1109 : vector<16xf32> to vector<1x16xf32>
        tpu.vector_store %arg13[%swap3A_1110, %swap3A_1111], %swap3A_1114 {strides = array<i32>} : memref<80x128xf32, #tpu.memory_space<vmem>>, vector<1x16xf32>,
        %get3A_1115 = arith.index_cast %add3A_1054 : i32 to index
        %get3A_1116 = arith.constant 96 : index
        %get3A_1117 = tpu.vector_load %arg13[%get3A_1115, %get3A_1116] {strides = array<i32>} : memref<80x128xf32, #tpu.memory_space<vmem>>, vector<1x16xf32>,
        %get3A_1118 = vector.shape_cast %get3A_1117 : vector<1x16xf32> to vector<16xf32>
        %mul3A_1119 = arith.mulf %get3A_1118, %broadcast_in_dim3A_1050 : vector<16xf32>
        %swap3A_1120 = arith.index_cast %add3A_1054 : i32 to index
        %swap3A_1121 = arith.constant 96 : index
        %swap3A_1122 = tpu.vector_load %arg13[%swap3A_1120, %swap3A_1121] {strides = array<i32>} : memref<80x128xf32, #tpu.memory_space<vmem>>, vector<1x16xf32>,
        %swap3A_1123 = vector.shape_cast %swap3A_1122 : vector<1x16xf32> to vector<16xf32>
        %swap3A_1124 = vector.shape_cast %mul3A_1119 : vector<16xf32> to vector<1x16xf32>
        tpu.vector_store %arg13[%swap3A_1120, %swap3A_1121], %swap3A_1124 {strides = array<i32>} : memref<80x128xf32, #tpu.memory_space<vmem>>, vector<1x16xf32>,
        %get3A_1125 = arith.index_cast %add3A_1054 : i32 to index
        %get3A_1126 = arith.constant 112 : index
        %get3A_1127 = tpu.vector_load %arg13[%get3A_1125, %get3A_1126] {strides = array<i32>} : memref<80x128xf32, #tpu.memory_space<vmem>>, vector<1x16xf32>,
        %get3A_1128 = vector.shape_cast %get3A_1127 : vector<1x16xf32> to vector<16xf32>
        %mul3A_1129 = arith.mulf %get3A_1128, %broadcast_in_dim3A_1050 : vector<16xf32>
        %swap3A_1130 = arith.index_cast %add3A_1054 : i32 to index
        %swap3A_1131 = arith.constant 112 : index
        %swap3A_1132 = tpu.vector_load %arg13[%swap3A_1130, %swap3A_1131] {strides = array<i32>} : memref<80x128xf32, #tpu.memory_space<vmem>>, vector<1x16xf32>,
        %swap3A_1133 = vector.shape_cast %swap3A_1132 : vector<1x16xf32> to vector<16xf32>
        %swap3A_1134 = vector.shape_cast %mul3A_1129 : vector<16xf32> to vector<1x16xf32>
        tpu.vector_store %arg13[%swap3A_1130, %swap3A_1131], %swap3A_1134 {strides = array<i32>} : memref<80x128xf32, #tpu.memory_space<vmem>>, vector<1x16xf32>,
        %slice3A_1135 = vector.extract_strided_slice %get3A_179 {offsets = [11], sizes = [1], strides = [1]} : vector<16xf32> to vector<1xf32>
        %squeeze3A_1136 = vector.extract %slice3A_1135[0] : f32 from vector<1xf32>
        %broadcast_in_dim3A_1137 = vector.broadcast %squeeze3A_1136 : f32 to vector<16xf32>
        %mul3A_1138 = arith.constant 16 : i32
        %mul3A_1139 = arith.muli %scan3A_171, %mul3A_1138 : i32
        %add3A_1140 = arith.constant 11 : i32
        %add3A_1141 = arith.addi %mul3A_1139, %add3A_1140 : i32
        %get3A_1142 = arith.index_cast %add3A_1141 : i32 to index
        %get3A_1143 = arith.constant 0 : index
        %get3A_1144 = tpu.vector_load %arg13[%get3A_1142, %get3A_1143] {strides = array<i32>} : memref<80x128xf32, #tpu.memory_space<vmem>>, vector<1x16xf32>,
        %get3A_1145 = vector.shape_cast %get3A_1144 : vector<1x16xf32> to vector<16xf32>
        %mul3A_1146 = arith.mulf %get3A_1145, %broadcast_in_dim3A_1137 : vector<16xf32>
        %swap3A_1147 = arith.index_cast %add3A_1141 : i32 to index
        %swap3A_1148 = arith.constant 0 : index
        %swap3A_1149 = tpu.vector_load %arg13[%swap3A_1147, %swap3A_1148] {strides = array<i32>} : memref<80x128xf32, #tpu.memory_space<vmem>>, vector<1x16xf32>,
        %swap3A_1150 = vector.shape_cast %swap3A_1149 : vector<1x16xf32> to vector<16xf32>
        %swap3A_1151 = vector.shape_cast %mul3A_1146 : vector<16xf32> to vector<1x16xf32>
        tpu.vector_store %arg13[%swap3A_1147, %swap3A_1148], %swap3A_1151 {strides = array<i32>} : memref<80x128xf32, #tpu.memory_space<vmem>>, vector<1x16xf32>,
        %get3A_1152 = arith.index_cast %add3A_1141 : i32 to index
        %get3A_1153 = arith.constant 16 : index
        %get3A_1154 = tpu.vector_load %arg13[%get3A_1152, %get3A_1153] {strides = array<i32>} : memref<80x128xf32, #tpu.memory_space<vmem>>, vector<1x16xf32>,
        %get3A_1155 = vector.shape_cast %get3A_1154 : vector<1x16xf32> to vector<16xf32>
        %mul3A_1156 = arith.mulf %get3A_1155, %broadcast_in_dim3A_1137 : vector<16xf32>
        %swap3A_1157 = arith.index_cast %add3A_1141 : i32 to index
        %swap3A_1158 = arith.constant 16 : index
        %swap3A_1159 = tpu.vector_load %arg13[%swap3A_1157, %swap3A_1158] {strides = array<i32>} : memref<80x128xf32, #tpu.memory_space<vmem>>, vector<1x16xf32>,
        %swap3A_1160 = vector.shape_cast %swap3A_1159 : vector<1x16xf32> to vector<16xf32>
        %swap3A_1161 = vector.shape_cast %mul3A_1156 : vector<16xf32> to vector<1x16xf32>
        tpu.vector_store %arg13[%swap3A_1157, %swap3A_1158], %swap3A_1161 {strides = array<i32>} : memref<80x128xf32, #tpu.memory_space<vmem>>, vector<1x16xf32>,
        %get3A_1162 = arith.index_cast %add3A_1141 : i32 to index
        %get3A_1163 = arith.constant 32 : index
        %get3A_1164 = tpu.vector_load %arg13[%get3A_1162, %get3A_1163] {strides = array<i32>} : memref<80x128xf32, #tpu.memory_space<vmem>>, vector<1x16xf32>,
        %get3A_1165 = vector.shape_cast %get3A_1164 : vector<1x16xf32> to vector<16xf32>
        %mul3A_1166 = arith.mulf %get3A_1165, %broadcast_in_dim3A_1137 : vector<16xf32>
        %swap3A_1167 = arith.index_cast %add3A_1141 : i32 to index
        %swap3A_1168 = arith.constant 32 : index
        %swap3A_1169 = tpu.vector_load %arg13[%swap3A_1167, %swap3A_1168] {strides = array<i32>} : memref<80x128xf32, #tpu.memory_space<vmem>>, vector<1x16xf32>,
        %swap3A_1170 = vector.shape_cast %swap3A_1169 : vector<1x16xf32> to vector<16xf32>
        %swap3A_1171 = vector.shape_cast %mul3A_1166 : vector<16xf32> to vector<1x16xf32>
        tpu.vector_store %arg13[%swap3A_1167, %swap3A_1168], %swap3A_1171 {strides = array<i32>} : memref<80x128xf32, #tpu.memory_space<vmem>>, vector<1x16xf32>,
        %get3A_1172 = arith.index_cast %add3A_1141 : i32 to index
        %get3A_1173 = arith.constant 48 : index
        %get3A_1174 = tpu.vector_load %arg13[%get3A_1172, %get3A_1173] {strides = array<i32>} : memref<80x128xf32, #tpu.memory_space<vmem>>, vector<1x16xf32>,
        %get3A_1175 = vector.shape_cast %get3A_1174 : vector<1x16xf32> to vector<16xf32>
        %mul3A_1176 = arith.mulf %get3A_1175, %broadcast_in_dim3A_1137 : vector<16xf32>
        %swap3A_1177 = arith.index_cast %add3A_1141 : i32 to index
        %swap3A_1178 = arith.constant 48 : index
        %swap3A_1179 = tpu.vector_load %arg13[%swap3A_1177, %swap3A_1178] {strides = array<i32>} : memref<80x128xf32, #tpu.memory_space<vmem>>, vector<1x16xf32>,
        %swap3A_1180 = vector.shape_cast %swap3A_1179 : vector<1x16xf32> to vector<16xf32>
        %swap3A_1181 = vector.shape_cast %mul3A_1176 : vector<16xf32> to vector<1x16xf32>
        tpu.vector_store %arg13[%swap3A_1177, %swap3A_1178], %swap3A_1181 {strides = array<i32>} : memref<80x128xf32, #tpu.memory_space<vmem>>, vector<1x16xf32>,
        %get3A_1182 = arith.index_cast %add3A_1141 : i32 to index
        %get3A_1183 = arith.constant 64 : index
        %get3A_1184 = tpu.vector_load %arg13[%get3A_1182, %get3A_1183] {strides = array<i32>} : memref<80x128xf32, #tpu.memory_space<vmem>>, vector<1x16xf32>,
        %get3A_1185 = vector.shape_cast %get3A_1184 : vector<1x16xf32> to vector<16xf32>
        %mul3A_1186 = arith.mulf %get3A_1185, %broadcast_in_dim3A_1137 : vector<16xf32>
        %swap3A_1187 = arith.index_cast %add3A_1141 : i32 to index
        %swap3A_1188 = arith.constant 64 : index
        %swap3A_1189 = tpu.vector_load %arg13[%swap3A_1187, %swap3A_1188] {strides = array<i32>} : memref<80x128xf32, #tpu.memory_space<vmem>>, vector<1x16xf32>,
        %swap3A_1190 = vector.shape_cast %swap3A_1189 : vector<1x16xf32> to vector<16xf32>
        %swap3A_1191 = vector.shape_cast %mul3A_1186 : vector<16xf32> to vector<1x16xf32>
        tpu.vector_store %arg13[%swap3A_1187, %swap3A_1188], %swap3A_1191 {strides = array<i32>} : memref<80x128xf32, #tpu.memory_space<vmem>>, vector<1x16xf32>,
        %get3A_1192 = arith.index_cast %add3A_1141 : i32 to index
        %get3A_1193 = arith.constant 80 : index
        %get3A_1194 = tpu.vector_load %arg13[%get3A_1192, %get3A_1193] {strides = array<i32>} : memref<80x128xf32, #tpu.memory_space<vmem>>, vector<1x16xf32>,
        %get3A_1195 = vector.shape_cast %get3A_1194 : vector<1x16xf32> to vector<16xf32>
        %mul3A_1196 = arith.mulf %get3A_1195, %broadcast_in_dim3A_1137 : vector<16xf32>
        %swap3A_1197 = arith.index_cast %add3A_1141 : i32 to index
        %swap3A_1198 = arith.constant 80 : index
        %swap3A_1199 = tpu.vector_load %arg13[%swap3A_1197, %swap3A_1198] {strides = array<i32>} : memref<80x128xf32, #tpu.memory_space<vmem>>, vector<1x16xf32>,
        %swap3A_1200 = vector.shape_cast %swap3A_1199 : vector<1x16xf32> to vector<16xf32>
        %swap3A_1201 = vector.shape_cast %mul3A_1196 : vector<16xf32> to vector<1x16xf32>
        tpu.vector_store %arg13[%swap3A_1197, %swap3A_1198], %swap3A_1201 {strides = array<i32>} : memref<80x128xf32, #tpu.memory_space<vmem>>, vector<1x16xf32>,
        %get3A_1202 = arith.index_cast %add3A_1141 : i32 to index
        %get3A_1203 = arith.constant 96 : index
        %get3A_1204 = tpu.vector_load %arg13[%get3A_1202, %get3A_1203] {strides = array<i32>} : memref<80x128xf32, #tpu.memory_space<vmem>>, vector<1x16xf32>,
        %get3A_1205 = vector.shape_cast %get3A_1204 : vector<1x16xf32> to vector<16xf32>
        %mul3A_1206 = arith.mulf %get3A_1205, %broadcast_in_dim3A_1137 : vector<16xf32>
        %swap3A_1207 = arith.index_cast %add3A_1141 : i32 to index
        %swap3A_1208 = arith.constant 96 : index
        %swap3A_1209 = tpu.vector_load %arg13[%swap3A_1207, %swap3A_1208] {strides = array<i32>} : memref<80x128xf32, #tpu.memory_space<vmem>>, vector<1x16xf32>,
        %swap3A_1210 = vector.shape_cast %swap3A_1209 : vector<1x16xf32> to vector<16xf32>
        %swap3A_1211 = vector.shape_cast %mul3A_1206 : vector<16xf32> to vector<1x16xf32>
        tpu.vector_store %arg13[%swap3A_1207, %swap3A_1208], %swap3A_1211 {strides = array<i32>} : memref<80x128xf32, #tpu.memory_space<vmem>>, vector<1x16xf32>,
        %get3A_1212 = arith.index_cast %add3A_1141 : i32 to index
        %get3A_1213 = arith.constant 112 : index
        %get3A_1214 = tpu.vector_load %arg13[%get3A_1212, %get3A_1213] {strides = array<i32>} : memref<80x128xf32, #tpu.memory_space<vmem>>, vector<1x16xf32>,
        %get3A_1215 = vector.shape_cast %get3A_1214 : vector<1x16xf32> to vector<16xf32>
        %mul3A_1216 = arith.mulf %get3A_1215, %broadcast_in_dim3A_1137 : vector<16xf32>
        %swap3A_1217 = arith.index_cast %add3A_1141 : i32 to index
        %swap3A_1218 = arith.constant 112 : index
        %swap3A_1219 = tpu.vector_load %arg13[%swap3A_1217, %swap3A_1218] {strides = array<i32>} : memref<80x128xf32, #tpu.memory_space<vmem>>, vector<1x16xf32>,
        %swap3A_1220 = vector.shape_cast %swap3A_1219 : vector<1x16xf32> to vector<16xf32>
        %swap3A_1221 = vector.shape_cast %mul3A_1216 : vector<16xf32> to vector<1x16xf32>
        tpu.vector_store %arg13[%swap3A_1217, %swap3A_1218], %swap3A_1221 {strides = array<i32>} : memref<80x128xf32, #tpu.memory_space<vmem>>, vector<1x16xf32>,
        %slice3A_1222 = vector.extract_strided_slice %get3A_179 {offsets = [12], sizes = [1], strides = [1]} : vector<16xf32> to vector<1xf32>
        %squeeze3A_1223 = vector.extract %slice3A_1222[0] : f32 from vector<1xf32>
        %broadcast_in_dim3A_1224 = vector.broadcast %squeeze3A_1223 : f32 to vector<16xf32>
        %mul3A_1225 = arith.constant 16 : i32
        %mul3A_1226 = arith.muli %scan3A_171, %mul3A_1225 : i32
        %add3A_1227 = arith.constant 12 : i32
        %add3A_1228 = arith.addi %mul3A_1226, %add3A_1227 : i32
        %get3A_1229 = arith.index_cast %add3A_1228 : i32 to index
        %get3A_1230 = arith.constant 0 : index
        %get3A_1231 = tpu.vector_load %arg13[%get3A_1229, %get3A_1230] {strides = array<i32>} : memref<80x128xf32, #tpu.memory_space<vmem>>, vector<1x16xf32>,
        %get3A_1232 = vector.shape_cast %get3A_1231 : vector<1x16xf32> to vector<16xf32>
        %mul3A_1233 = arith.mulf %get3A_1232, %broadcast_in_dim3A_1224 : vector<16xf32>
        %swap3A_1234 = arith.index_cast %add3A_1228 : i32 to index
        %swap3A_1235 = arith.constant 0 : index
        %swap3A_1236 = tpu.vector_load %arg13[%swap3A_1234, %swap3A_1235] {strides = array<i32>} : memref<80x128xf32, #tpu.memory_space<vmem>>, vector<1x16xf32>,
        %swap3A_1237 = vector.shape_cast %swap3A_1236 : vector<1x16xf32> to vector<16xf32>
        %swap3A_1238 = vector.shape_cast %mul3A_1233 : vector<16xf32> to vector<1x16xf32>
        tpu.vector_store %arg13[%swap3A_1234, %swap3A_1235], %swap3A_1238 {strides = array<i32>} : memref<80x128xf32, #tpu.memory_space<vmem>>, vector<1x16xf32>,
        %get3A_1239 = arith.index_cast %add3A_1228 : i32 to index
        %get3A_1240 = arith.constant 16 : index
        %get3A_1241 = tpu.vector_load %arg13[%get3A_1239, %get3A_1240] {strides = array<i32>} : memref<80x128xf32, #tpu.memory_space<vmem>>, vector<1x16xf32>,
        %get3A_1242 = vector.shape_cast %get3A_1241 : vector<1x16xf32> to vector<16xf32>
        %mul3A_1243 = arith.mulf %get3A_1242, %broadcast_in_dim3A_1224 : vector<16xf32>
        %swap3A_1244 = arith.index_cast %add3A_1228 : i32 to index
        %swap3A_1245 = arith.constant 16 : index
        %swap3A_1246 = tpu.vector_load %arg13[%swap3A_1244, %swap3A_1245] {strides = array<i32>} : memref<80x128xf32, #tpu.memory_space<vmem>>, vector<1x16xf32>,
        %swap3A_1247 = vector.shape_cast %swap3A_1246 : vector<1x16xf32> to vector<16xf32>
        %swap3A_1248 = vector.shape_cast %mul3A_1243 : vector<16xf32> to vector<1x16xf32>
        tpu.vector_store %arg13[%swap3A_1244, %swap3A_1245], %swap3A_1248 {strides = array<i32>} : memref<80x128xf32, #tpu.memory_space<vmem>>, vector<1x16xf32>,
        %get3A_1249 = arith.index_cast %add3A_1228 : i32 to index
        %get3A_1250 = arith.constant 32 : index
        %get3A_1251 = tpu.vector_load %arg13[%get3A_1249, %get3A_1250] {strides = array<i32>} : memref<80x128xf32, #tpu.memory_space<vmem>>, vector<1x16xf32>,
        %get3A_1252 = vector.shape_cast %get3A_1251 : vector<1x16xf32> to vector<16xf32>
        %mul3A_1253 = arith.mulf %get3A_1252, %broadcast_in_dim3A_1224 : vector<16xf32>
        %swap3A_1254 = arith.index_cast %add3A_1228 : i32 to index
        %swap3A_1255 = arith.constant 32 : index
        %swap3A_1256 = tpu.vector_load %arg13[%swap3A_1254, %swap3A_1255] {strides = array<i32>} : memref<80x128xf32, #tpu.memory_space<vmem>>, vector<1x16xf32>,
        %swap3A_1257 = vector.shape_cast %swap3A_1256 : vector<1x16xf32> to vector<16xf32>
        %swap3A_1258 = vector.shape_cast %mul3A_1253 : vector<16xf32> to vector<1x16xf32>
        tpu.vector_store %arg13[%swap3A_1254, %swap3A_1255], %swap3A_1258 {strides = array<i32>} : memref<80x128xf32, #tpu.memory_space<vmem>>, vector<1x16xf32>,
        %get3A_1259 = arith.index_cast %add3A_1228 : i32 to index
        %get3A_1260 = arith.constant 48 : index
        %get3A_1261 = tpu.vector_load %arg13[%get3A_1259, %get3A_1260] {strides = array<i32>} : memref<80x128xf32, #tpu.memory_space<vmem>>, vector<1x16xf32>,
        %get3A_1262 = vector.shape_cast %get3A_1261 : vector<1x16xf32> to vector<16xf32>
        %mul3A_1263 = arith.mulf %get3A_1262, %broadcast_in_dim3A_1224 : vector<16xf32>
        %swap3A_1264 = arith.index_cast %add3A_1228 : i32 to index
        %swap3A_1265 = arith.constant 48 : index
        %swap3A_1266 = tpu.vector_load %arg13[%swap3A_1264, %swap3A_1265] {strides = array<i32>} : memref<80x128xf32, #tpu.memory_space<vmem>>, vector<1x16xf32>,
        %swap3A_1267 = vector.shape_cast %swap3A_1266 : vector<1x16xf32> to vector<16xf32>
        %swap3A_1268 = vector.shape_cast %mul3A_1263 : vector<16xf32> to vector<1x16xf32>
        tpu.vector_store %arg13[%swap3A_1264, %swap3A_1265], %swap3A_1268 {strides = array<i32>} : memref<80x128xf32, #tpu.memory_space<vmem>>, vector<1x16xf32>,
        %get3A_1269 = arith.index_cast %add3A_1228 : i32 to index
        %get3A_1270 = arith.constant 64 : index
        %get3A_1271 = tpu.vector_load %arg13[%get3A_1269, %get3A_1270] {strides = array<i32>} : memref<80x128xf32, #tpu.memory_space<vmem>>, vector<1x16xf32>,
        %get3A_1272 = vector.shape_cast %get3A_1271 : vector<1x16xf32> to vector<16xf32>
        %mul3A_1273 = arith.mulf %get3A_1272, %broadcast_in_dim3A_1224 : vector<16xf32>
        %swap3A_1274 = arith.index_cast %add3A_1228 : i32 to index
        %swap3A_1275 = arith.constant 64 : index
        %swap3A_1276 = tpu.vector_load %arg13[%swap3A_1274, %swap3A_1275] {strides = array<i32>} : memref<80x128xf32, #tpu.memory_space<vmem>>, vector<1x16xf32>,
        %swap3A_1277 = vector.shape_cast %swap3A_1276 : vector<1x16xf32> to vector<16xf32>
        %swap3A_1278 = vector.shape_cast %mul3A_1273 : vector<16xf32> to vector<1x16xf32>
        tpu.vector_store %arg13[%swap3A_1274, %swap3A_1275], %swap3A_1278 {strides = array<i32>} : memref<80x128xf32, #tpu.memory_space<vmem>>, vector<1x16xf32>,
        %get3A_1279 = arith.index_cast %add3A_1228 : i32 to index
        %get3A_1280 = arith.constant 80 : index
        %get3A_1281 = tpu.vector_load %arg13[%get3A_1279, %get3A_1280] {strides = array<i32>} : memref<80x128xf32, #tpu.memory_space<vmem>>, vector<1x16xf32>,
        %get3A_1282 = vector.shape_cast %get3A_1281 : vector<1x16xf32> to vector<16xf32>
        %mul3A_1283 = arith.mulf %get3A_1282, %broadcast_in_dim3A_1224 : vector<16xf32>
        %swap3A_1284 = arith.index_cast %add3A_1228 : i32 to index
        %swap3A_1285 = arith.constant 80 : index
        %swap3A_1286 = tpu.vector_load %arg13[%swap3A_1284, %swap3A_1285] {strides = array<i32>} : memref<80x128xf32, #tpu.memory_space<vmem>>, vector<1x16xf32>,
        %swap3A_1287 = vector.shape_cast %swap3A_1286 : vector<1x16xf32> to vector<16xf32>
        %swap3A_1288 = vector.shape_cast %mul3A_1283 : vector<16xf32> to vector<1x16xf32>
        tpu.vector_store %arg13[%swap3A_1284, %swap3A_1285], %swap3A_1288 {strides = array<i32>} : memref<80x128xf32, #tpu.memory_space<vmem>>, vector<1x16xf32>,
        %get3A_1289 = arith.index_cast %add3A_1228 : i32 to index
        %get3A_1290 = arith.constant 96 : index
        %get3A_1291 = tpu.vector_load %arg13[%get3A_1289, %get3A_1290] {strides = array<i32>} : memref<80x128xf32, #tpu.memory_space<vmem>>, vector<1x16xf32>,
        %get3A_1292 = vector.shape_cast %get3A_1291 : vector<1x16xf32> to vector<16xf32>
        %mul3A_1293 = arith.mulf %get3A_1292, %broadcast_in_dim3A_1224 : vector<16xf32>
        %swap3A_1294 = arith.index_cast %add3A_1228 : i32 to index
        %swap3A_1295 = arith.constant 96 : index
        %swap3A_1296 = tpu.vector_load %arg13[%swap3A_1294, %swap3A_1295] {strides = array<i32>} : memref<80x128xf32, #tpu.memory_space<vmem>>, vector<1x16xf32>,
        %swap3A_1297 = vector.shape_cast %swap3A_1296 : vector<1x16xf32> to vector<16xf32>
        %swap3A_1298 = vector.shape_cast %mul3A_1293 : vector<16xf32> to vector<1x16xf32>
        tpu.vector_store %arg13[%swap3A_1294, %swap3A_1295], %swap3A_1298 {strides = array<i32>} : memref<80x128xf32, #tpu.memory_space<vmem>>, vector<1x16xf32>,
        %get3A_1299 = arith.index_cast %add3A_1228 : i32 to index
        %get3A_1300 = arith.constant 112 : index
        %get3A_1301 = tpu.vector_load %arg13[%get3A_1299, %get3A_1300] {strides = array<i32>} : memref<80x128xf32, #tpu.memory_space<vmem>>, vector<1x16xf32>,
        %get3A_1302 = vector.shape_cast %get3A_1301 : vector<1x16xf32> to vector<16xf32>
        %mul3A_1303 = arith.mulf %get3A_1302, %broadcast_in_dim3A_1224 : vector<16xf32>
        %swap3A_1304 = arith.index_cast %add3A_1228 : i32 to index
        %swap3A_1305 = arith.constant 112 : index
        %swap3A_1306 = tpu.vector_load %arg13[%swap3A_1304, %swap3A_1305] {strides = array<i32>} : memref<80x128xf32, #tpu.memory_space<vmem>>, vector<1x16xf32>,
        %swap3A_1307 = vector.shape_cast %swap3A_1306 : vector<1x16xf32> to vector<16xf32>
        %swap3A_1308 = vector.shape_cast %mul3A_1303 : vector<16xf32> to vector<1x16xf32>
        tpu.vector_store %arg13[%swap3A_1304, %swap3A_1305], %swap3A_1308 {strides = array<i32>} : memref<80x128xf32, #tpu.memory_space<vmem>>, vector<1x16xf32>,
        %slice3A_1309 = vector.extract_strided_slice %get3A_179 {offsets = [13], sizes = [1], strides = [1]} : vector<16xf32> to vector<1xf32>
        %squeeze3A_1310 = vector.extract %slice3A_1309[0] : f32 from vector<1xf32>
        %broadcast_in_dim3A_1311 = vector.broadcast %squeeze3A_1310 : f32 to vector<16xf32>
        %mul3A_1312 = arith.constant 16 : i32
        %mul3A_1313 = arith.muli %scan3A_171, %mul3A_1312 : i32
        %add3A_1314 = arith.constant 13 : i32
        %add3A_1315 = arith.addi %mul3A_1313, %add3A_1314 : i32
        %get3A_1316 = arith.index_cast %add3A_1315 : i32 to index
        %get3A_1317 = arith.constant 0 : index
        %get3A_1318 = tpu.vector_load %arg13[%get3A_1316, %get3A_1317] {strides = array<i32>} : memref<80x128xf32, #tpu.memory_space<vmem>>, vector<1x16xf32>,
        %get3A_1319 = vector.shape_cast %get3A_1318 : vector<1x16xf32> to vector<16xf32>
        %mul3A_1320 = arith.mulf %get3A_1319, %broadcast_in_dim3A_1311 : vector<16xf32>
        %swap3A_1321 = arith.index_cast %add3A_1315 : i32 to index
        %swap3A_1322 = arith.constant 0 : index
        %swap3A_1323 = tpu.vector_load %arg13[%swap3A_1321, %swap3A_1322] {strides = array<i32>} : memref<80x128xf32, #tpu.memory_space<vmem>>, vector<1x16xf32>,
        %swap3A_1324 = vector.shape_cast %swap3A_1323 : vector<1x16xf32> to vector<16xf32>
        %swap3A_1325 = vector.shape_cast %mul3A_1320 : vector<16xf32> to vector<1x16xf32>
        tpu.vector_store %arg13[%swap3A_1321, %swap3A_1322], %swap3A_1325 {strides = array<i32>} : memref<80x128xf32, #tpu.memory_space<vmem>>, vector<1x16xf32>,
        %get3A_1326 = arith.index_cast %add3A_1315 : i32 to index
        %get3A_1327 = arith.constant 16 : index
        %get3A_1328 = tpu.vector_load %arg13[%get3A_1326, %get3A_1327] {strides = array<i32>} : memref<80x128xf32, #tpu.memory_space<vmem>>, vector<1x16xf32>,
        %get3A_1329 = vector.shape_cast %get3A_1328 : vector<1x16xf32> to vector<16xf32>
        %mul3A_1330 = arith.mulf %get3A_1329, %broadcast_in_dim3A_1311 : vector<16xf32>
        %swap3A_1331 = arith.index_cast %add3A_1315 : i32 to index
        %swap3A_1332 = arith.constant 16 : index
        %swap3A_1333 = tpu.vector_load %arg13[%swap3A_1331, %swap3A_1332] {strides = array<i32>} : memref<80x128xf32, #tpu.memory_space<vmem>>, vector<1x16xf32>,
        %swap3A_1334 = vector.shape_cast %swap3A_1333 : vector<1x16xf32> to vector<16xf32>
        %swap3A_1335 = vector.shape_cast %mul3A_1330 : vector<16xf32> to vector<1x16xf32>
        tpu.vector_store %arg13[%swap3A_1331, %swap3A_1332], %swap3A_1335 {strides = array<i32>} : memref<80x128xf32, #tpu.memory_space<vmem>>, vector<1x16xf32>,
        %get3A_1336 = arith.index_cast %add3A_1315 : i32 to index
        %get3A_1337 = arith.constant 32 : index
        %get3A_1338 = tpu.vector_load %arg13[%get3A_1336, %get3A_1337] {strides = array<i32>} : memref<80x128xf32, #tpu.memory_space<vmem>>, vector<1x16xf32>,
        %get3A_1339 = vector.shape_cast %get3A_1338 : vector<1x16xf32> to vector<16xf32>
        %mul3A_1340 = arith.mulf %get3A_1339, %broadcast_in_dim3A_1311 : vector<16xf32>
        %swap3A_1341 = arith.index_cast %add3A_1315 : i32 to index
        %swap3A_1342 = arith.constant 32 : index
        %swap3A_1343 = tpu.vector_load %arg13[%swap3A_1341, %swap3A_1342] {strides = array<i32>} : memref<80x128xf32, #tpu.memory_space<vmem>>, vector<1x16xf32>,
        %swap3A_1344 = vector.shape_cast %swap3A_1343 : vector<1x16xf32> to vector<16xf32>
        %swap3A_1345 = vector.shape_cast %mul3A_1340 : vector<16xf32> to vector<1x16xf32>
        tpu.vector_store %arg13[%swap3A_1341, %swap3A_1342], %swap3A_1345 {strides = array<i32>} : memref<80x128xf32, #tpu.memory_space<vmem>>, vector<1x16xf32>,
        %get3A_1346 = arith.index_cast %add3A_1315 : i32 to index
        %get3A_1347 = arith.constant 48 : index
        %get3A_1348 = tpu.vector_load %arg13[%get3A_1346, %get3A_1347] {strides = array<i32>} : memref<80x128xf32, #tpu.memory_space<vmem>>, vector<1x16xf32>,
        %get3A_1349 = vector.shape_cast %get3A_1348 : vector<1x16xf32> to vector<16xf32>
        %mul3A_1350 = arith.mulf %get3A_1349, %broadcast_in_dim3A_1311 : vector<16xf32>
        %swap3A_1351 = arith.index_cast %add3A_1315 : i32 to index
        %swap3A_1352 = arith.constant 48 : index
        %swap3A_1353 = tpu.vector_load %arg13[%swap3A_1351, %swap3A_1352] {strides = array<i32>} : memref<80x128xf32, #tpu.memory_space<vmem>>, vector<1x16xf32>,
        %swap3A_1354 = vector.shape_cast %swap3A_1353 : vector<1x16xf32> to vector<16xf32>
        %swap3A_1355 = vector.shape_cast %mul3A_1350 : vector<16xf32> to vector<1x16xf32>
        tpu.vector_store %arg13[%swap3A_1351, %swap3A_1352], %swap3A_1355 {strides = array<i32>} : memref<80x128xf32, #tpu.memory_space<vmem>>, vector<1x16xf32>,
        %get3A_1356 = arith.index_cast %add3A_1315 : i32 to index
        %get3A_1357 = arith.constant 64 : index
        %get3A_1358 = tpu.vector_load %arg13[%get3A_1356, %get3A_1357] {strides = array<i32>} : memref<80x128xf32, #tpu.memory_space<vmem>>, vector<1x16xf32>,
        %get3A_1359 = vector.shape_cast %get3A_1358 : vector<1x16xf32> to vector<16xf32>
        %mul3A_1360 = arith.mulf %get3A_1359, %broadcast_in_dim3A_1311 : vector<16xf32>
        %swap3A_1361 = arith.index_cast %add3A_1315 : i32 to index
        %swap3A_1362 = arith.constant 64 : index
        %swap3A_1363 = tpu.vector_load %arg13[%swap3A_1361, %swap3A_1362] {strides = array<i32>} : memref<80x128xf32, #tpu.memory_space<vmem>>, vector<1x16xf32>,
        %swap3A_1364 = vector.shape_cast %swap3A_1363 : vector<1x16xf32> to vector<16xf32>
        %swap3A_1365 = vector.shape_cast %mul3A_1360 : vector<16xf32> to vector<1x16xf32>
        tpu.vector_store %arg13[%swap3A_1361, %swap3A_1362], %swap3A_1365 {strides = array<i32>} : memref<80x128xf32, #tpu.memory_space<vmem>>, vector<1x16xf32>,
        %get3A_1366 = arith.index_cast %add3A_1315 : i32 to index
        %get3A_1367 = arith.constant 80 : index
        %get3A_1368 = tpu.vector_load %arg13[%get3A_1366, %get3A_1367] {strides = array<i32>} : memref<80x128xf32, #tpu.memory_space<vmem>>, vector<1x16xf32>,
        %get3A_1369 = vector.shape_cast %get3A_1368 : vector<1x16xf32> to vector<16xf32>
        %mul3A_1370 = arith.mulf %get3A_1369, %broadcast_in_dim3A_1311 : vector<16xf32>
        %swap3A_1371 = arith.index_cast %add3A_1315 : i32 to index
        %swap3A_1372 = arith.constant 80 : index
        %swap3A_1373 = tpu.vector_load %arg13[%swap3A_1371, %swap3A_1372] {strides = array<i32>} : memref<80x128xf32, #tpu.memory_space<vmem>>, vector<1x16xf32>,
        %swap3A_1374 = vector.shape_cast %swap3A_1373 : vector<1x16xf32> to vector<16xf32>
        %swap3A_1375 = vector.shape_cast %mul3A_1370 : vector<16xf32> to vector<1x16xf32>
        tpu.vector_store %arg13[%swap3A_1371, %swap3A_1372], %swap3A_1375 {strides = array<i32>} : memref<80x128xf32, #tpu.memory_space<vmem>>, vector<1x16xf32>,
        %get3A_1376 = arith.index_cast %add3A_1315 : i32 to index
        %get3A_1377 = arith.constant 96 : index
        %get3A_1378 = tpu.vector_load %arg13[%get3A_1376, %get3A_1377] {strides = array<i32>} : memref<80x128xf32, #tpu.memory_space<vmem>>, vector<1x16xf32>,
        %get3A_1379 = vector.shape_cast %get3A_1378 : vector<1x16xf32> to vector<16xf32>
        %mul3A_1380 = arith.mulf %get3A_1379, %broadcast_in_dim3A_1311 : vector<16xf32>
        %swap3A_1381 = arith.index_cast %add3A_1315 : i32 to index
        %swap3A_1382 = arith.constant 96 : index
        %swap3A_1383 = tpu.vector_load %arg13[%swap3A_1381, %swap3A_1382] {strides = array<i32>} : memref<80x128xf32, #tpu.memory_space<vmem>>, vector<1x16xf32>,
        %swap3A_1384 = vector.shape_cast %swap3A_1383 : vector<1x16xf32> to vector<16xf32>
        %swap3A_1385 = vector.shape_cast %mul3A_1380 : vector<16xf32> to vector<1x16xf32>
        tpu.vector_store %arg13[%swap3A_1381, %swap3A_1382], %swap3A_1385 {strides = array<i32>} : memref<80x128xf32, #tpu.memory_space<vmem>>, vector<1x16xf32>,
        %get3A_1386 = arith.index_cast %add3A_1315 : i32 to index
        %get3A_1387 = arith.constant 112 : index
        %get3A_1388 = tpu.vector_load %arg13[%get3A_1386, %get3A_1387] {strides = array<i32>} : memref<80x128xf32, #tpu.memory_space<vmem>>, vector<1x16xf32>,
        %get3A_1389 = vector.shape_cast %get3A_1388 : vector<1x16xf32> to vector<16xf32>
        %mul3A_1390 = arith.mulf %get3A_1389, %broadcast_in_dim3A_1311 : vector<16xf32>
        %swap3A_1391 = arith.index_cast %add3A_1315 : i32 to index
        %swap3A_1392 = arith.constant 112 : index
        %swap3A_1393 = tpu.vector_load %arg13[%swap3A_1391, %swap3A_1392] {strides = array<i32>} : memref<80x128xf32, #tpu.memory_space<vmem>>, vector<1x16xf32>,
        %swap3A_1394 = vector.shape_cast %swap3A_1393 : vector<1x16xf32> to vector<16xf32>
        %swap3A_1395 = vector.shape_cast %mul3A_1390 : vector<16xf32> to vector<1x16xf32>
        tpu.vector_store %arg13[%swap3A_1391, %swap3A_1392], %swap3A_1395 {strides = array<i32>} : memref<80x128xf32, #tpu.memory_space<vmem>>, vector<1x16xf32>,
        %slice3A_1396 = vector.extract_strided_slice %get3A_179 {offsets = [14], sizes = [1], strides = [1]} : vector<16xf32> to vector<1xf32>
        %squeeze3A_1397 = vector.extract %slice3A_1396[0] : f32 from vector<1xf32>
        %broadcast_in_dim3A_1398 = vector.broadcast %squeeze3A_1397 : f32 to vector<16xf32>
        %mul3A_1399 = arith.constant 16 : i32
        %mul3A_1400 = arith.muli %scan3A_171, %mul3A_1399 : i32
        %add3A_1401 = arith.constant 14 : i32
        %add3A_1402 = arith.addi %mul3A_1400, %add3A_1401 : i32
        %get3A_1403 = arith.index_cast %add3A_1402 : i32 to index
        %get3A_1404 = arith.constant 0 : index
        %get3A_1405 = tpu.vector_load %arg13[%get3A_1403, %get3A_1404] {strides = array<i32>} : memref<80x128xf32, #tpu.memory_space<vmem>>, vector<1x16xf32>,
        %get3A_1406 = vector.shape_cast %get3A_1405 : vector<1x16xf32> to vector<16xf32>
        %mul3A_1407 = arith.mulf %get3A_1406, %broadcast_in_dim3A_1398 : vector<16xf32>
        %swap3A_1408 = arith.index_cast %add3A_1402 : i32 to index
        %swap3A_1409 = arith.constant 0 : index
        %swap3A_1410 = tpu.vector_load %arg13[%swap3A_1408, %swap3A_1409] {strides = array<i32>} : memref<80x128xf32, #tpu.memory_space<vmem>>, vector<1x16xf32>,
        %swap3A_1411 = vector.shape_cast %swap3A_1410 : vector<1x16xf32> to vector<16xf32>
        %swap3A_1412 = vector.shape_cast %mul3A_1407 : vector<16xf32> to vector<1x16xf32>
        tpu.vector_store %arg13[%swap3A_1408, %swap3A_1409], %swap3A_1412 {strides = array<i32>} : memref<80x128xf32, #tpu.memory_space<vmem>>, vector<1x16xf32>,
        %get3A_1413 = arith.index_cast %add3A_1402 : i32 to index
        %get3A_1414 = arith.constant 16 : index
        %get3A_1415 = tpu.vector_load %arg13[%get3A_1413, %get3A_1414] {strides = array<i32>} : memref<80x128xf32, #tpu.memory_space<vmem>>, vector<1x16xf32>,
        %get3A_1416 = vector.shape_cast %get3A_1415 : vector<1x16xf32> to vector<16xf32>
        %mul3A_1417 = arith.mulf %get3A_1416, %broadcast_in_dim3A_1398 : vector<16xf32>
        %swap3A_1418 = arith.index_cast %add3A_1402 : i32 to index
        %swap3A_1419 = arith.constant 16 : index
        %swap3A_1420 = tpu.vector_load %arg13[%swap3A_1418, %swap3A_1419] {strides = array<i32>} : memref<80x128xf32, #tpu.memory_space<vmem>>, vector<1x16xf32>,
        %swap3A_1421 = vector.shape_cast %swap3A_1420 : vector<1x16xf32> to vector<16xf32>
        %swap3A_1422 = vector.shape_cast %mul3A_1417 : vector<16xf32> to vector<1x16xf32>
        tpu.vector_store %arg13[%swap3A_1418, %swap3A_1419], %swap3A_1422 {strides = array<i32>} : memref<80x128xf32, #tpu.memory_space<vmem>>, vector<1x16xf32>,
        %get3A_1423 = arith.index_cast %add3A_1402 : i32 to index
        %get3A_1424 = arith.constant 32 : index
        %get3A_1425 = tpu.vector_load %arg13[%get3A_1423, %get3A_1424] {strides = array<i32>} : memref<80x128xf32, #tpu.memory_space<vmem>>, vector<1x16xf32>,
        %get3A_1426 = vector.shape_cast %get3A_1425 : vector<1x16xf32> to vector<16xf32>
        %mul3A_1427 = arith.mulf %get3A_1426, %broadcast_in_dim3A_1398 : vector<16xf32>
        %swap3A_1428 = arith.index_cast %add3A_1402 : i32 to index
        %swap3A_1429 = arith.constant 32 : index
        %swap3A_1430 = tpu.vector_load %arg13[%swap3A_1428, %swap3A_1429] {strides = array<i32>} : memref<80x128xf32, #tpu.memory_space<vmem>>, vector<1x16xf32>,
        %swap3A_1431 = vector.shape_cast %swap3A_1430 : vector<1x16xf32> to vector<16xf32>
        %swap3A_1432 = vector.shape_cast %mul3A_1427 : vector<16xf32> to vector<1x16xf32>
        tpu.vector_store %arg13[%swap3A_1428, %swap3A_1429], %swap3A_1432 {strides = array<i32>} : memref<80x128xf32, #tpu.memory_space<vmem>>, vector<1x16xf32>,
        %get3A_1433 = arith.index_cast %add3A_1402 : i32 to index
        %get3A_1434 = arith.constant 48 : index
        %get3A_1435 = tpu.vector_load %arg13[%get3A_1433, %get3A_1434] {strides = array<i32>} : memref<80x128xf32, #tpu.memory_space<vmem>>, vector<1x16xf32>,
        %get3A_1436 = vector.shape_cast %get3A_1435 : vector<1x16xf32> to vector<16xf32>
        %mul3A_1437 = arith.mulf %get3A_1436, %broadcast_in_dim3A_1398 : vector<16xf32>
        %swap3A_1438 = arith.index_cast %add3A_1402 : i32 to index
        %swap3A_1439 = arith.constant 48 : index
        %swap3A_1440 = tpu.vector_load %arg13[%swap3A_1438, %swap3A_1439] {strides = array<i32>} : memref<80x128xf32, #tpu.memory_space<vmem>>, vector<1x16xf32>,
        %swap3A_1441 = vector.shape_cast %swap3A_1440 : vector<1x16xf32> to vector<16xf32>
        %swap3A_1442 = vector.shape_cast %mul3A_1437 : vector<16xf32> to vector<1x16xf32>
        tpu.vector_store %arg13[%swap3A_1438, %swap3A_1439], %swap3A_1442 {strides = array<i32>} : memref<80x128xf32, #tpu.memory_space<vmem>>, vector<1x16xf32>,
        %get3A_1443 = arith.index_cast %add3A_1402 : i32 to index
        %get3A_1444 = arith.constant 64 : index
        %get3A_1445 = tpu.vector_load %arg13[%get3A_1443, %get3A_1444] {strides = array<i32>} : memref<80x128xf32, #tpu.memory_space<vmem>>, vector<1x16xf32>,
        %get3A_1446 = vector.shape_cast %get3A_1445 : vector<1x16xf32> to vector<16xf32>
        %mul3A_1447 = arith.mulf %get3A_1446, %broadcast_in_dim3A_1398 : vector<16xf32>
        %swap3A_1448 = arith.index_cast %add3A_1402 : i32 to index
        %swap3A_1449 = arith.constant 64 : index
        %swap3A_1450 = tpu.vector_load %arg13[%swap3A_1448, %swap3A_1449] {strides = array<i32>} : memref<80x128xf32, #tpu.memory_space<vmem>>, vector<1x16xf32>,
        %swap3A_1451 = vector.shape_cast %swap3A_1450 : vector<1x16xf32> to vector<16xf32>
        %swap3A_1452 = vector.shape_cast %mul3A_1447 : vector<16xf32> to vector<1x16xf32>
        tpu.vector_store %arg13[%swap3A_1448, %swap3A_1449], %swap3A_1452 {strides = array<i32>} : memref<80x128xf32, #tpu.memory_space<vmem>>, vector<1x16xf32>,
        %get3A_1453 = arith.index_cast %add3A_1402 : i32 to index
        %get3A_1454 = arith.constant 80 : index
        %get3A_1455 = tpu.vector_load %arg13[%get3A_1453, %get3A_1454] {strides = array<i32>} : memref<80x128xf32, #tpu.memory_space<vmem>>, vector<1x16xf32>,
        %get3A_1456 = vector.shape_cast %get3A_1455 : vector<1x16xf32> to vector<16xf32>
        %mul3A_1457 = arith.mulf %get3A_1456, %broadcast_in_dim3A_1398 : vector<16xf32>
        %swap3A_1458 = arith.index_cast %add3A_1402 : i32 to index
        %swap3A_1459 = arith.constant 80 : index
        %swap3A_1460 = tpu.vector_load %arg13[%swap3A_1458, %swap3A_1459] {strides = array<i32>} : memref<80x128xf32, #tpu.memory_space<vmem>>, vector<1x16xf32>,
        %swap3A_1461 = vector.shape_cast %swap3A_1460 : vector<1x16xf32> to vector<16xf32>
        %swap3A_1462 = vector.shape_cast %mul3A_1457 : vector<16xf32> to vector<1x16xf32>
        tpu.vector_store %arg13[%swap3A_1458, %swap3A_1459], %swap3A_1462 {strides = array<i32>} : memref<80x128xf32, #tpu.memory_space<vmem>>, vector<1x16xf32>,
        %get3A_1463 = arith.index_cast %add3A_1402 : i32 to index
        %get3A_1464 = arith.constant 96 : index
        %get3A_1465 = tpu.vector_load %arg13[%get3A_1463, %get3A_1464] {strides = array<i32>} : memref<80x128xf32, #tpu.memory_space<vmem>>, vector<1x16xf32>,
        %get3A_1466 = vector.shape_cast %get3A_1465 : vector<1x16xf32> to vector<16xf32>
        %mul3A_1467 = arith.mulf %get3A_1466, %broadcast_in_dim3A_1398 : vector<16xf32>
        %swap3A_1468 = arith.index_cast %add3A_1402 : i32 to index
        %swap3A_1469 = arith.constant 96 : index
        %swap3A_1470 = tpu.vector_load %arg13[%swap3A_1468, %swap3A_1469] {strides = array<i32>} : memref<80x128xf32, #tpu.memory_space<vmem>>, vector<1x16xf32>,
        %swap3A_1471 = vector.shape_cast %swap3A_1470 : vector<1x16xf32> to vector<16xf32>
        %swap3A_1472 = vector.shape_cast %mul3A_1467 : vector<16xf32> to vector<1x16xf32>
        tpu.vector_store %arg13[%swap3A_1468, %swap3A_1469], %swap3A_1472 {strides = array<i32>} : memref<80x128xf32, #tpu.memory_space<vmem>>, vector<1x16xf32>,
        %get3A_1473 = arith.index_cast %add3A_1402 : i32 to index
        %get3A_1474 = arith.constant 112 : index
        %get3A_1475 = tpu.vector_load %arg13[%get3A_1473, %get3A_1474] {strides = array<i32>} : memref<80x128xf32, #tpu.memory_space<vmem>>, vector<1x16xf32>,
        %get3A_1476 = vector.shape_cast %get3A_1475 : vector<1x16xf32> to vector<16xf32>
        %mul3A_1477 = arith.mulf %get3A_1476, %broadcast_in_dim3A_1398 : vector<16xf32>
        %swap3A_1478 = arith.index_cast %add3A_1402 : i32 to index
        %swap3A_1479 = arith.constant 112 : index
        %swap3A_1480 = tpu.vector_load %arg13[%swap3A_1478, %swap3A_1479] {strides = array<i32>} : memref<80x128xf32, #tpu.memory_space<vmem>>, vector<1x16xf32>,
        %swap3A_1481 = vector.shape_cast %swap3A_1480 : vector<1x16xf32> to vector<16xf32>
        %swap3A_1482 = vector.shape_cast %mul3A_1477 : vector<16xf32> to vector<1x16xf32>
        tpu.vector_store %arg13[%swap3A_1478, %swap3A_1479], %swap3A_1482 {strides = array<i32>} : memref<80x128xf32, #tpu.memory_space<vmem>>, vector<1x16xf32>,
        %slice3A_1483 = vector.extract_strided_slice %get3A_179 {offsets = [15], sizes = [1], strides = [1]} : vector<16xf32> to vector<1xf32>
        %squeeze3A_1484 = vector.extract %slice3A_1483[0] : f32 from vector<1xf32>
        %broadcast_in_dim3A_1485 = vector.broadcast %squeeze3A_1484 : f32 to vector<16xf32>
        %mul3A_1486 = arith.constant 16 : i32
        %mul3A_1487 = arith.muli %scan3A_171, %mul3A_1486 : i32
        %add3A_1488 = arith.constant 15 : i32
        %add3A_1489 = arith.addi %mul3A_1487, %add3A_1488 : i32
        %get3A_1490 = arith.index_cast %add3A_1489 : i32 to index
        %get3A_1491 = arith.constant 0 : index
        %get3A_1492 = tpu.vector_load %arg13[%get3A_1490, %get3A_1491] {strides = array<i32>} : memref<80x128xf32, #tpu.memory_space<vmem>>, vector<1x16xf32>,
        %get3A_1493 = vector.shape_cast %get3A_1492 : vector<1x16xf32> to vector<16xf32>
        %mul3A_1494 = arith.mulf %get3A_1493, %broadcast_in_dim3A_1485 : vector<16xf32>
        %swap3A_1495 = arith.index_cast %add3A_1489 : i32 to index
        %swap3A_1496 = arith.constant 0 : index
        %swap3A_1497 = tpu.vector_load %arg13[%swap3A_1495, %swap3A_1496] {strides = array<i32>} : memref<80x128xf32, #tpu.memory_space<vmem>>, vector<1x16xf32>,
        %swap3A_1498 = vector.shape_cast %swap3A_1497 : vector<1x16xf32> to vector<16xf32>
        %swap3A_1499 = vector.shape_cast %mul3A_1494 : vector<16xf32> to vector<1x16xf32>
        tpu.vector_store %arg13[%swap3A_1495, %swap3A_1496], %swap3A_1499 {strides = array<i32>} : memref<80x128xf32, #tpu.memory_space<vmem>>, vector<1x16xf32>,
        %get3A_1500 = arith.index_cast %add3A_1489 : i32 to index
        %get3A_1501 = arith.constant 16 : index
        %get3A_1502 = tpu.vector_load %arg13[%get3A_1500, %get3A_1501] {strides = array<i32>} : memref<80x128xf32, #tpu.memory_space<vmem>>, vector<1x16xf32>,
        %get3A_1503 = vector.shape_cast %get3A_1502 : vector<1x16xf32> to vector<16xf32>
        %mul3A_1504 = arith.mulf %get3A_1503, %broadcast_in_dim3A_1485 : vector<16xf32>
        %swap3A_1505 = arith.index_cast %add3A_1489 : i32 to index
        %swap3A_1506 = arith.constant 16 : index
        %swap3A_1507 = tpu.vector_load %arg13[%swap3A_1505, %swap3A_1506] {strides = array<i32>} : memref<80x128xf32, #tpu.memory_space<vmem>>, vector<1x16xf32>,
        %swap3A_1508 = vector.shape_cast %swap3A_1507 : vector<1x16xf32> to vector<16xf32>
        %swap3A_1509 = vector.shape_cast %mul3A_1504 : vector<16xf32> to vector<1x16xf32>
        tpu.vector_store %arg13[%swap3A_1505, %swap3A_1506], %swap3A_1509 {strides = array<i32>} : memref<80x128xf32, #tpu.memory_space<vmem>>, vector<1x16xf32>,
        %get3A_1510 = arith.index_cast %add3A_1489 : i32 to index
        %get3A_1511 = arith.constant 32 : index
        %get3A_1512 = tpu.vector_load %arg13[%get3A_1510, %get3A_1511] {strides = array<i32>} : memref<80x128xf32, #tpu.memory_space<vmem>>, vector<1x16xf32>,
        %get3A_1513 = vector.shape_cast %get3A_1512 : vector<1x16xf32> to vector<16xf32>
        %mul3A_1514 = arith.mulf %get3A_1513, %broadcast_in_dim3A_1485 : vector<16xf32>
        %swap3A_1515 = arith.index_cast %add3A_1489 : i32 to index
        %swap3A_1516 = arith.constant 32 : index
        %swap3A_1517 = tpu.vector_load %arg13[%swap3A_1515, %swap3A_1516] {strides = array<i32>} : memref<80x128xf32, #tpu.memory_space<vmem>>, vector<1x16xf32>,
        %swap3A_1518 = vector.shape_cast %swap3A_1517 : vector<1x16xf32> to vector<16xf32>
        %swap3A_1519 = vector.shape_cast %mul3A_1514 : vector<16xf32> to vector<1x16xf32>
        tpu.vector_store %arg13[%swap3A_1515, %swap3A_1516], %swap3A_1519 {strides = array<i32>} : memref<80x128xf32, #tpu.memory_space<vmem>>, vector<1x16xf32>,
        %get3A_1520 = arith.index_cast %add3A_1489 : i32 to index
        %get3A_1521 = arith.constant 48 : index
        %get3A_1522 = tpu.vector_load %arg13[%get3A_1520, %get3A_1521] {strides = array<i32>} : memref<80x128xf32, #tpu.memory_space<vmem>>, vector<1x16xf32>,
        %get3A_1523 = vector.shape_cast %get3A_1522 : vector<1x16xf32> to vector<16xf32>
        %mul3A_1524 = arith.mulf %get3A_1523, %broadcast_in_dim3A_1485 : vector<16xf32>
        %swap3A_1525 = arith.index_cast %add3A_1489 : i32 to index
        %swap3A_1526 = arith.constant 48 : index
        %swap3A_1527 = tpu.vector_load %arg13[%swap3A_1525, %swap3A_1526] {strides = array<i32>} : memref<80x128xf32, #tpu.memory_space<vmem>>, vector<1x16xf32>,
        %swap3A_1528 = vector.shape_cast %swap3A_1527 : vector<1x16xf32> to vector<16xf32>
        %swap3A_1529 = vector.shape_cast %mul3A_1524 : vector<16xf32> to vector<1x16xf32>
        tpu.vector_store %arg13[%swap3A_1525, %swap3A_1526], %swap3A_1529 {strides = array<i32>} : memref<80x128xf32, #tpu.memory_space<vmem>>, vector<1x16xf32>,
        %get3A_1530 = arith.index_cast %add3A_1489 : i32 to index
        %get3A_1531 = arith.constant 64 : index
        %get3A_1532 = tpu.vector_load %arg13[%get3A_1530, %get3A_1531] {strides = array<i32>} : memref<80x128xf32, #tpu.memory_space<vmem>>, vector<1x16xf32>,
        %get3A_1533 = vector.shape_cast %get3A_1532 : vector<1x16xf32> to vector<16xf32>
        %mul3A_1534 = arith.mulf %get3A_1533, %broadcast_in_dim3A_1485 : vector<16xf32>
        %swap3A_1535 = arith.index_cast %add3A_1489 : i32 to index
        %swap3A_1536 = arith.constant 64 : index
        %swap3A_1537 = tpu.vector_load %arg13[%swap3A_1535, %swap3A_1536] {strides = array<i32>} : memref<80x128xf32, #tpu.memory_space<vmem>>, vector<1x16xf32>,
        %swap3A_1538 = vector.shape_cast %swap3A_1537 : vector<1x16xf32> to vector<16xf32>
        %swap3A_1539 = vector.shape_cast %mul3A_1534 : vector<16xf32> to vector<1x16xf32>
        tpu.vector_store %arg13[%swap3A_1535, %swap3A_1536], %swap3A_1539 {strides = array<i32>} : memref<80x128xf32, #tpu.memory_space<vmem>>, vector<1x16xf32>,
        %get3A_1540 = arith.index_cast %add3A_1489 : i32 to index
        %get3A_1541 = arith.constant 80 : index
        %get3A_1542 = tpu.vector_load %arg13[%get3A_1540, %get3A_1541] {strides = array<i32>} : memref<80x128xf32, #tpu.memory_space<vmem>>, vector<1x16xf32>,
        %get3A_1543 = vector.shape_cast %get3A_1542 : vector<1x16xf32> to vector<16xf32>
        %mul3A_1544 = arith.mulf %get3A_1543, %broadcast_in_dim3A_1485 : vector<16xf32>
        %swap3A_1545 = arith.index_cast %add3A_1489 : i32 to index
        %swap3A_1546 = arith.constant 80 : index
        %swap3A_1547 = tpu.vector_load %arg13[%swap3A_1545, %swap3A_1546] {strides = array<i32>} : memref<80x128xf32, #tpu.memory_space<vmem>>, vector<1x16xf32>,
        %swap3A_1548 = vector.shape_cast %swap3A_1547 : vector<1x16xf32> to vector<16xf32>
        %swap3A_1549 = vector.shape_cast %mul3A_1544 : vector<16xf32> to vector<1x16xf32>
        tpu.vector_store %arg13[%swap3A_1545, %swap3A_1546], %swap3A_1549 {strides = array<i32>} : memref<80x128xf32, #tpu.memory_space<vmem>>, vector<1x16xf32>,
        %get3A_1550 = arith.index_cast %add3A_1489 : i32 to index
        %get3A_1551 = arith.constant 96 : index
        %get3A_1552 = tpu.vector_load %arg13[%get3A_1550, %get3A_1551] {strides = array<i32>} : memref<80x128xf32, #tpu.memory_space<vmem>>, vector<1x16xf32>,
        %get3A_1553 = vector.shape_cast %get3A_1552 : vector<1x16xf32> to vector<16xf32>
        %mul3A_1554 = arith.mulf %get3A_1553, %broadcast_in_dim3A_1485 : vector<16xf32>
        %swap3A_1555 = arith.index_cast %add3A_1489 : i32 to index
        %swap3A_1556 = arith.constant 96 : index
        %swap3A_1557 = tpu.vector_load %arg13[%swap3A_1555, %swap3A_1556] {strides = array<i32>} : memref<80x128xf32, #tpu.memory_space<vmem>>, vector<1x16xf32>,
        %swap3A_1558 = vector.shape_cast %swap3A_1557 : vector<1x16xf32> to vector<16xf32>
        %swap3A_1559 = vector.shape_cast %mul3A_1554 : vector<16xf32> to vector<1x16xf32>
        tpu.vector_store %arg13[%swap3A_1555, %swap3A_1556], %swap3A_1559 {strides = array<i32>} : memref<80x128xf32, #tpu.memory_space<vmem>>, vector<1x16xf32>,
        %get3A_1560 = arith.index_cast %add3A_1489 : i32 to index
        %get3A_1561 = arith.constant 112 : index
        %get3A_1562 = tpu.vector_load %arg13[%get3A_1560, %get3A_1561] {strides = array<i32>} : memref<80x128xf32, #tpu.memory_space<vmem>>, vector<1x16xf32>,
        %get3A_1563 = vector.shape_cast %get3A_1562 : vector<1x16xf32> to vector<16xf32>
        %mul3A_1564 = arith.mulf %get3A_1563, %broadcast_in_dim3A_1485 : vector<16xf32>
        %swap3A_1565 = arith.index_cast %add3A_1489 : i32 to index
        %swap3A_1566 = arith.constant 112 : index
        %swap3A_1567 = tpu.vector_load %arg13[%swap3A_1565, %swap3A_1566] {strides = array<i32>} : memref<80x128xf32, #tpu.memory_space<vmem>>, vector<1x16xf32>,
        %swap3A_1568 = vector.shape_cast %swap3A_1567 : vector<1x16xf32> to vector<16xf32>
        %swap3A_1569 = vector.shape_cast %mul3A_1564 : vector<16xf32> to vector<1x16xf32>
        tpu.vector_store %arg13[%swap3A_1565, %swap3A_1566], %swap3A_1569 {strides = array<i32>} : memref<80x128xf32, #tpu.memory_space<vmem>>, vector<1x16xf32>,
      }
      %scan3A_170 = arith.constant 5 : i32
      "tpu.region"() ({
        %run_scoped3A = tpu.sem_alloc : memref<!tpu.dma_semaphore, #tpu.memory_space<semaphore_mem>>
        %dma_start3A_171 = arith.constant 0 : i32
        %dma_start3A_172 = arith.constant 0 : i32
        %dma_start3A_173 = tpu.memref_slice %arg7[%dma_start3A_171, %dma_start3A_172] : memref<10240x128xf32, #tpu.memory_space<vmem_shared>> -> memref<10240x128xf32, #tpu.memory_space<vmem_shared>>
        tpu.enqueue_indirect_dma source(%arg13 : memref<80x128xf32, #tpu.memory_space<vmem>>) target(%dma_start3A_173 : memref<10240x128xf32, #tpu.memory_space<vmem_shared>>) offsets(%arg12 : memref<80xi32, #tpu.memory_space<vmem>>) semaphore(%run_scoped3A : memref<!tpu.dma_semaphore, #tpu.memory_space<semaphore_mem>>) {add = true}
        %dma_wait3A_174 = arith.constant 0 : i32
        %dma_wait3A_175 = arith.constant 0 : i32
        %dma_wait3A_176 = tpu.memref_slice %arg7[%dma_wait3A_174, %dma_wait3A_175] : memref<10240x128xf32, #tpu.memory_space<vmem_shared>> -> memref<10240x128xf32, #tpu.memory_space<vmem_shared>>
        tpu.wait_indirect_dma semaphore(%run_scoped3A : memref<!tpu.dma_semaphore, #tpu.memory_space<semaphore_mem>>) src(%arg13 : memref<80x128xf32, #tpu.memory_space<vmem>>) dst(%dma_wait3A_176 : memref<10240x128xf32, #tpu.memory_space<vmem_shared>>)
        tpu.yield
      }) : () -> ()
    }
    %scan3A_46 = arith.constant 125 : i32
    %barrier3A_47 = arith.constant 0 : index
    tpu.barrier barrier_id(%barrier3A_47)
    %mul3A_48 = arith.constant 640 : i32
    %mul3A_49 = arith.muli %arg1, %mul3A_48 : i32
    %mul3A_50 = arith.constant 640 : i32
    %mul3A_51 = arith.muli %arg1, %mul3A_50 : i32
    "tpu.region"() ({
      %run_scoped3A = tpu.sem_alloc : memref<!tpu.dma_semaphore, #tpu.memory_space<semaphore_mem>>
      %dma_start3A = arith.constant 0 : i32
      %dma_start3A_52 = tpu.memref_slice %arg6[%arg0, %mul3A_51, %dma_start3A] : memref<2x10240x128xf32, #tpu.memory_space<hbm>> -> memref<1x640x128xf32, #tpu.memory_space<hbm>>
      %dma_start3A_53 = tpu.memref_squeeze %dma_start3A_52 : memref<1x640x128xf32, #tpu.memory_space<hbm>> -> memref<640x128xf32, #tpu.memory_space<hbm>>
      %dma_start3A_54 = arith.constant 0 : i32
      %dma_start3A_55 = tpu.memref_slice %arg7[%mul3A_49, %dma_start3A_54] : memref<10240x128xf32, #tpu.memory_space<vmem_shared>> -> memref<640x128xf32, #tpu.memory_space<vmem_shared>>
      tpu.enqueue_dma source(%dma_start3A_55 : memref<640x128xf32, #tpu.memory_space<vmem_shared>>) target(%dma_start3A_53 : memref<640x128xf32, #tpu.memory_space<hbm>>) target_semaphore(%run_scoped3A : memref<!tpu.dma_semaphore, #tpu.memory_space<semaphore_mem>>)
      %dma_wait3A = arith.constant 0 : i32
      %dma_wait3A_56 = tpu.memref_slice %arg6[%arg0, %mul3A_51, %dma_wait3A] : memref<2x10240x128xf32, #tpu.memory_space<hbm>> -> memref<1x640x128xf32, #tpu.memory_space<hbm>>
      %dma_wait3A_57 = tpu.memref_squeeze %dma_wait3A_56 : memref<1x640x128xf32, #tpu.memory_space<hbm>> -> memref<640x128xf32, #tpu.memory_space<hbm>>
      %dma_wait3A_58 = arith.constant 0 : i32
      %dma_wait3A_59 = tpu.memref_slice %arg7[%mul3A_49, %dma_wait3A_58] : memref<10240x128xf32, #tpu.memory_space<vmem_shared>> -> memref<640x128xf32, #tpu.memory_space<vmem_shared>>
      tpu.wait_dma2 semaphore(%run_scoped3A : memref<!tpu.dma_semaphore, #tpu.memory_space<semaphore_mem>>) src(%dma_wait3A_59 : memref<640x128xf32, #tpu.memory_space<vmem_shared>>) dst(%dma_wait3A_57 : memref<640x128xf32, #tpu.memory_space<hbm>>)
      tpu.yield
    }) : () -> ()
    return
  }
}

#map = affine_map<(d0, d1) -> (0, 0)>
#map1 = affine_map<(d0, d1) -> (0)>
#map2 = affine_map<(d0, d1) -> (0, 0, 0)>
module attributes {stable_mosaic.version = 14 : i64} {
  func.func @sc_edge_pass(%arg0: i32, %arg1: i32, %arg2: memref<10000x128xf32, #tpu.memory_space<hbm>>, %arg3: memref<320000xi32, #tpu.memory_space<hbm>>, %arg4: memref<320000xi32, #tpu.memory_space<hbm>>, %arg5: memref<320000xf32, #tpu.memory_space<hbm>>, %arg6: memref<2x10240x128xf32, #tpu.memory_space<hbm>>, %arg7: memref<10240x128xf32, #tpu.memory_space<vmem_shared>>, %arg8: memref<10000xi32, #tpu.memory_space<vmem>>, %arg9: memref<10000xi32, #tpu.memory_space<vmem>>, %arg10: memref<10000xf32, #tpu.memory_space<vmem>>, %arg11: memref<80xi32, #tpu.memory_space<vmem>>, %arg12: memref<80xi32, #tpu.memory_space<vmem>>, %arg13: memref<80x128xf32, #tpu.memory_space<vmem>>, %arg14: memref<!tpu.dma_semaphore, #tpu.memory_space<semaphore_mem>>) attributes {dimension_semantics = [#tpu.dimension_semantics<core_parallel>, #tpu.dimension_semantics<subcore_parallel>], iteration_bounds = array<i64: 2, 16>, scalar_prefetch = 0 : i64, scratch_operands = 8 : i64, tpu.core_type = #tpu.core_type<sc_vector_subcore>, window_params = [{transform_indices = #map}, {transform_indices = #map1}, {transform_indices = #map1}, {transform_indices = #map1}, {transform_indices = #map2}]} {
    %mul3A = arith.constant 16 : i32
    %mul3A_0 = arith.muli %arg0, %mul3A : i32
    %add3A = arith.addi %mul3A_0, %arg1 : i32
    %mul3A_1 = arith.constant 10000 : i32
    %mul3A_2 = arith.muli %add3A, %mul3A_1 : i32
    %broadcast_in_dim3A = arith.constant 0.000000e+00 : f32
    %broadcast_in_dim3A_3 = vector.broadcast %broadcast_in_dim3A : f32 to vector<16xf32>
    %scan3A = arith.constant 0 : i32
    %scan3A_4 = arith.constant 0 : i32
    %scan3A_5 = arith.constant 80 : i32
    %scan3A_6 = arith.addi %scan3A_4, %scan3A_5 : i32
    %scan3A_7 = arith.constant 1 : i32
    scf.for %scan3A_52 = %scan3A_4 to %scan3A_6 step %scan3A_7  : i32 {
      %swap3A = arith.index_cast %scan3A_52 : i32 to index
      %swap3A_53 = arith.constant 0 : index
      %swap3A_54 = tpu.vector_load %arg13[%swap3A, %swap3A_53] {strides = array<i32>} : memref<80x128xf32, #tpu.memory_space<vmem>>, vector<1x16xf32>,
      %swap3A_55 = vector.shape_cast %swap3A_54 : vector<1x16xf32> to vector<16xf32>
      %swap3A_56 = vector.shape_cast %broadcast_in_dim3A_3 : vector<16xf32> to vector<1x16xf32>
      tpu.vector_store %arg13[%swap3A, %swap3A_53], %swap3A_56 {strides = array<i32>} : memref<80x128xf32, #tpu.memory_space<vmem>>, vector<1x16xf32>,
      %swap3A_57 = arith.index_cast %scan3A_52 : i32 to index
      %swap3A_58 = arith.constant 16 : index
      %swap3A_59 = tpu.vector_load %arg13[%swap3A_57, %swap3A_58] {strides = array<i32>} : memref<80x128xf32, #tpu.memory_space<vmem>>, vector<1x16xf32>,
      %swap3A_60 = vector.shape_cast %swap3A_59 : vector<1x16xf32> to vector<16xf32>
      %swap3A_61 = vector.shape_cast %broadcast_in_dim3A_3 : vector<16xf32> to vector<1x16xf32>
      tpu.vector_store %arg13[%swap3A_57, %swap3A_58], %swap3A_61 {strides = array<i32>} : memref<80x128xf32, #tpu.memory_space<vmem>>, vector<1x16xf32>,
      %swap3A_62 = arith.index_cast %scan3A_52 : i32 to index
      %swap3A_63 = arith.constant 32 : index
      %swap3A_64 = tpu.vector_load %arg13[%swap3A_62, %swap3A_63] {strides = array<i32>} : memref<80x128xf32, #tpu.memory_space<vmem>>, vector<1x16xf32>,
      %swap3A_65 = vector.shape_cast %swap3A_64 : vector<1x16xf32> to vector<16xf32>
      %swap3A_66 = vector.shape_cast %broadcast_in_dim3A_3 : vector<16xf32> to vector<1x16xf32>
      tpu.vector_store %arg13[%swap3A_62, %swap3A_63], %swap3A_66 {strides = array<i32>} : memref<80x128xf32, #tpu.memory_space<vmem>>, vector<1x16xf32>,
      %swap3A_67 = arith.index_cast %scan3A_52 : i32 to index
      %swap3A_68 = arith.constant 48 : index
      %swap3A_69 = tpu.vector_load %arg13[%swap3A_67, %swap3A_68] {strides = array<i32>} : memref<80x128xf32, #tpu.memory_space<vmem>>, vector<1x16xf32>,
      %swap3A_70 = vector.shape_cast %swap3A_69 : vector<1x16xf32> to vector<16xf32>
      %swap3A_71 = vector.shape_cast %broadcast_in_dim3A_3 : vector<16xf32> to vector<1x16xf32>
      tpu.vector_store %arg13[%swap3A_67, %swap3A_68], %swap3A_71 {strides = array<i32>} : memref<80x128xf32, #tpu.memory_space<vmem>>, vector<1x16xf32>,
      %swap3A_72 = arith.index_cast %scan3A_52 : i32 to index
      %swap3A_73 = arith.constant 64 : index
      %swap3A_74 = tpu.vector_load %arg13[%swap3A_72, %swap3A_73] {strides = array<i32>} : memref<80x128xf32, #tpu.memory_space<vmem>>, vector<1x16xf32>,
      %swap3A_75 = vector.shape_cast %swap3A_74 : vector<1x16xf32> to vector<16xf32>
      %swap3A_76 = vector.shape_cast %broadcast_in_dim3A_3 : vector<16xf32> to vector<1x16xf32>
      tpu.vector_store %arg13[%swap3A_72, %swap3A_73], %swap3A_76 {strides = array<i32>} : memref<80x128xf32, #tpu.memory_space<vmem>>, vector<1x16xf32>,
      %swap3A_77 = arith.index_cast %scan3A_52 : i32 to index
      %swap3A_78 = arith.constant 80 : index
      %swap3A_79 = tpu.vector_load %arg13[%swap3A_77, %swap3A_78] {strides = array<i32>} : memref<80x128xf32, #tpu.memory_space<vmem>>, vector<1x16xf32>,
      %swap3A_80 = vector.shape_cast %swap3A_79 : vector<1x16xf32> to vector<16xf32>
      %swap3A_81 = vector.shape_cast %broadcast_in_dim3A_3 : vector<16xf32> to vector<1x16xf32>
      tpu.vector_store %arg13[%swap3A_77, %swap3A_78], %swap3A_81 {strides = array<i32>} : memref<80x128xf32, #tpu.memory_space<vmem>>, vector<1x16xf32>,
      %swap3A_82 = arith.index_cast %scan3A_52 : i32 to index
      %swap3A_83 = arith.constant 96 : index
      %swap3A_84 = tpu.vector_load %arg13[%swap3A_82, %swap3A_83] {strides = array<i32>} : memref<80x128xf32, #tpu.memory_space<vmem>>, vector<1x16xf32>,
      %swap3A_85 = vector.shape_cast %swap3A_84 : vector<1x16xf32> to vector<16xf32>
      %swap3A_86 = vector.shape_cast %broadcast_in_dim3A_3 : vector<16xf32> to vector<1x16xf32>
      tpu.vector_store %arg13[%swap3A_82, %swap3A_83], %swap3A_86 {strides = array<i32>} : memref<80x128xf32, #tpu.memory_space<vmem>>, vector<1x16xf32>,
      %swap3A_87 = arith.index_cast %scan3A_52 : i32 to index
      %swap3A_88 = arith.constant 112 : index
      %swap3A_89 = tpu.vector_load %arg13[%swap3A_87, %swap3A_88] {strides = array<i32>} : memref<80x128xf32, #tpu.memory_space<vmem>>, vector<1x16xf32>,
      %swap3A_90 = vector.shape_cast %swap3A_89 : vector<1x16xf32> to vector<16xf32>
      %swap3A_91 = vector.shape_cast %broadcast_in_dim3A_3 : vector<16xf32> to vector<1x16xf32>
      tpu.vector_store %arg13[%swap3A_87, %swap3A_88], %swap3A_91 {strides = array<i32>} : memref<80x128xf32, #tpu.memory_space<vmem>>, vector<1x16xf32>,
    }
    %scan3A_8 = arith.constant 80 : i32
    %mul3A_9 = arith.constant 640 : i32
    %mul3A_10 = arith.muli %arg1, %mul3A_9 : i32
    %add3A_11 = arith.constant 0 : i32
    %add3A_12 = arith.addi %mul3A_10, %add3A_11 : i32
    "tpu.region"() ({
      %run_scoped3A = tpu.sem_alloc : memref<!tpu.dma_semaphore, #tpu.memory_space<semaphore_mem>>
      %dma_start3A = arith.constant 0 : i32
      %dma_start3A_52 = tpu.memref_slice %arg7[%add3A_12, %dma_start3A] : memref<10240x128xf32, #tpu.memory_space<vmem_shared>> -> memref<80x128xf32, #tpu.memory_space<vmem_shared>>
      %dma_start3A_53 = arith.constant 0 : i32
      %dma_start3A_54 = tpu.memref_slice %arg7[%add3A_12, %dma_start3A_53] : memref<10240x128xf32, #tpu.memory_space<vmem_shared>> -> memref<80x128xf32, #tpu.memory_space<vmem_shared>>
      tpu.enqueue_dma source(%arg13 : memref<80x128xf32, #tpu.memory_space<vmem>>) target(%dma_start3A_54 : memref<80x128xf32, #tpu.memory_space<vmem_shared>>) target_semaphore(%run_scoped3A : memref<!tpu.dma_semaphore, #tpu.memory_space<semaphore_mem>>)
      %dma_wait3A = arith.constant 0 : i32
      %dma_wait3A_55 = tpu.memref_slice %arg7[%add3A_12, %dma_wait3A] : memref<10240x128xf32, #tpu.memory_space<vmem_shared>> -> memref<80x128xf32, #tpu.memory_space<vmem_shared>>
      %dma_wait3A_56 = arith.constant 0 : i32
      %dma_wait3A_57 = tpu.memref_slice %arg7[%add3A_12, %dma_wait3A_56] : memref<10240x128xf32, #tpu.memory_space<vmem_shared>> -> memref<80x128xf32, #tpu.memory_space<vmem_shared>>
      tpu.wait_dma2 semaphore(%run_scoped3A : memref<!tpu.dma_semaphore, #tpu.memory_space<semaphore_mem>>) src(%arg13 : memref<80x128xf32, #tpu.memory_space<vmem>>) dst(%dma_wait3A_57 : memref<80x128xf32, #tpu.memory_space<vmem_shared>>)
      tpu.yield
    }) : () -> ()
    %mul3A_13 = arith.constant 640 : i32
    %mul3A_14 = arith.muli %arg1, %mul3A_13 : i32
    %add3A_15 = arith.constant 80 : i32
    %add3A_16 = arith.addi %mul3A_14, %add3A_15 : i32
    "tpu.region"() ({
      %run_scoped3A = tpu.sem_alloc : memref<!tpu.dma_semaphore, #tpu.memory_space<semaphore_mem>>
      %dma_start3A = arith.constant 0 : i32
      %dma_start3A_52 = tpu.memref_slice %arg7[%add3A_16, %dma_start3A] : memref<10240x128xf32, #tpu.memory_space<vmem_shared>> -> memref<80x128xf32, #tpu.memory_space<vmem_shared>>
      %dma_start3A_53 = arith.constant 0 : i32
      %dma_start3A_54 = tpu.memref_slice %arg7[%add3A_16, %dma_start3A_53] : memref<10240x128xf32, #tpu.memory_space<vmem_shared>> -> memref<80x128xf32, #tpu.memory_space<vmem_shared>>
      tpu.enqueue_dma source(%arg13 : memref<80x128xf32, #tpu.memory_space<vmem>>) target(%dma_start3A_54 : memref<80x128xf32, #tpu.memory_space<vmem_shared>>) target_semaphore(%run_scoped3A : memref<!tpu.dma_semaphore, #tpu.memory_space<semaphore_mem>>)
      %dma_wait3A = arith.constant 0 : i32
      %dma_wait3A_55 = tpu.memref_slice %arg7[%add3A_16, %dma_wait3A] : memref<10240x128xf32, #tpu.memory_space<vmem_shared>> -> memref<80x128xf32, #tpu.memory_space<vmem_shared>>
      %dma_wait3A_56 = arith.constant 0 : i32
      %dma_wait3A_57 = tpu.memref_slice %arg7[%add3A_16, %dma_wait3A_56] : memref<10240x128xf32, #tpu.memory_space<vmem_shared>> -> memref<80x128xf32, #tpu.memory_space<vmem_shared>>
      tpu.wait_dma2 semaphore(%run_scoped3A : memref<!tpu.dma_semaphore, #tpu.memory_space<semaphore_mem>>) src(%arg13 : memref<80x128xf32, #tpu.memory_space<vmem>>) dst(%dma_wait3A_57 : memref<80x128xf32, #tpu.memory_space<vmem_shared>>)
      tpu.yield
    }) : () -> ()
    %mul3A_17 = arith.constant 640 : i32
    %mul3A_18 = arith.muli %arg1, %mul3A_17 : i32
    %add3A_19 = arith.constant 160 : i32
    %add3A_20 = arith.addi %mul3A_18, %add3A_19 : i32
    "tpu.region"() ({
      %run_scoped3A = tpu.sem_alloc : memref<!tpu.dma_semaphore, #tpu.memory_space<semaphore_mem>>
      %dma_start3A = arith.constant 0 : i32
      %dma_start3A_52 = tpu.memref_slice %arg7[%add3A_20, %dma_start3A] : memref<10240x128xf32, #tpu.memory_space<vmem_shared>> -> memref<80x128xf32, #tpu.memory_space<vmem_shared>>
      %dma_start3A_53 = arith.constant 0 : i32
      %dma_start3A_54 = tpu.memref_slice %arg7[%add3A_20, %dma_start3A_53] : memref<10240x128xf32, #tpu.memory_space<vmem_shared>> -> memref<80x128xf32, #tpu.memory_space<vmem_shared>>
      tpu.enqueue_dma source(%arg13 : memref<80x128xf32, #tpu.memory_space<vmem>>) target(%dma_start3A_54 : memref<80x128xf32, #tpu.memory_space<vmem_shared>>) target_semaphore(%run_scoped3A : memref<!tpu.dma_semaphore, #tpu.memory_space<semaphore_mem>>)
      %dma_wait3A = arith.constant 0 : i32
      %dma_wait3A_55 = tpu.memref_slice %arg7[%add3A_20, %dma_wait3A] : memref<10240x128xf32, #tpu.memory_space<vmem_shared>> -> memref<80x128xf32, #tpu.memory_space<vmem_shared>>
      %dma_wait3A_56 = arith.constant 0 : i32
      %dma_wait3A_57 = tpu.memref_slice %arg7[%add3A_20, %dma_wait3A_56] : memref<10240x128xf32, #tpu.memory_space<vmem_shared>> -> memref<80x128xf32, #tpu.memory_space<vmem_shared>>
      tpu.wait_dma2 semaphore(%run_scoped3A : memref<!tpu.dma_semaphore, #tpu.memory_space<semaphore_mem>>) src(%arg13 : memref<80x128xf32, #tpu.memory_space<vmem>>) dst(%dma_wait3A_57 : memref<80x128xf32, #tpu.memory_space<vmem_shared>>)
      tpu.yield
    }) : () -> ()
    %mul3A_21 = arith.constant 640 : i32
    %mul3A_22 = arith.muli %arg1, %mul3A_21 : i32
    %add3A_23 = arith.constant 240 : i32
    %add3A_24 = arith.addi %mul3A_22, %add3A_23 : i32
    "tpu.region"() ({
      %run_scoped3A = tpu.sem_alloc : memref<!tpu.dma_semaphore, #tpu.memory_space<semaphore_mem>>
      %dma_start3A = arith.constant 0 : i32
      %dma_start3A_52 = tpu.memref_slice %arg7[%add3A_24, %dma_start3A] : memref<10240x128xf32, #tpu.memory_space<vmem_shared>> -> memref<80x128xf32, #tpu.memory_space<vmem_shared>>
      %dma_start3A_53 = arith.constant 0 : i32
      %dma_start3A_54 = tpu.memref_slice %arg7[%add3A_24, %dma_start3A_53] : memref<10240x128xf32, #tpu.memory_space<vmem_shared>> -> memref<80x128xf32, #tpu.memory_space<vmem_shared>>
      tpu.enqueue_dma source(%arg13 : memref<80x128xf32, #tpu.memory_space<vmem>>) target(%dma_start3A_54 : memref<80x128xf32, #tpu.memory_space<vmem_shared>>) target_semaphore(%run_scoped3A : memref<!tpu.dma_semaphore, #tpu.memory_space<semaphore_mem>>)
      %dma_wait3A = arith.constant 0 : i32
      %dma_wait3A_55 = tpu.memref_slice %arg7[%add3A_24, %dma_wait3A] : memref<10240x128xf32, #tpu.memory_space<vmem_shared>> -> memref<80x128xf32, #tpu.memory_space<vmem_shared>>
      %dma_wait3A_56 = arith.constant 0 : i32
      %dma_wait3A_57 = tpu.memref_slice %arg7[%add3A_24, %dma_wait3A_56] : memref<10240x128xf32, #tpu.memory_space<vmem_shared>> -> memref<80x128xf32, #tpu.memory_space<vmem_shared>>
      tpu.wait_dma2 semaphore(%run_scoped3A : memref<!tpu.dma_semaphore, #tpu.memory_space<semaphore_mem>>) src(%arg13 : memref<80x128xf32, #tpu.memory_space<vmem>>) dst(%dma_wait3A_57 : memref<80x128xf32, #tpu.memory_space<vmem_shared>>)
      tpu.yield
    }) : () -> ()
    %mul3A_25 = arith.constant 640 : i32
    %mul3A_26 = arith.muli %arg1, %mul3A_25 : i32
    %add3A_27 = arith.constant 320 : i32
    %add3A_28 = arith.addi %mul3A_26, %add3A_27 : i32
    "tpu.region"() ({
      %run_scoped3A = tpu.sem_alloc : memref<!tpu.dma_semaphore, #tpu.memory_space<semaphore_mem>>
      %dma_start3A = arith.constant 0 : i32
      %dma_start3A_52 = tpu.memref_slice %arg7[%add3A_28, %dma_start3A] : memref<10240x128xf32, #tpu.memory_space<vmem_shared>> -> memref<80x128xf32, #tpu.memory_space<vmem_shared>>
      %dma_start3A_53 = arith.constant 0 : i32
      %dma_start3A_54 = tpu.memref_slice %arg7[%add3A_28, %dma_start3A_53] : memref<10240x128xf32, #tpu.memory_space<vmem_shared>> -> memref<80x128xf32, #tpu.memory_space<vmem_shared>>
      tpu.enqueue_dma source(%arg13 : memref<80x128xf32, #tpu.memory_space<vmem>>) target(%dma_start3A_54 : memref<80x128xf32, #tpu.memory_space<vmem_shared>>) target_semaphore(%run_scoped3A : memref<!tpu.dma_semaphore, #tpu.memory_space<semaphore_mem>>)
      %dma_wait3A = arith.constant 0 : i32
      %dma_wait3A_55 = tpu.memref_slice %arg7[%add3A_28, %dma_wait3A] : memref<10240x128xf32, #tpu.memory_space<vmem_shared>> -> memref<80x128xf32, #tpu.memory_space<vmem_shared>>
      %dma_wait3A_56 = arith.constant 0 : i32
      %dma_wait3A_57 = tpu.memref_slice %arg7[%add3A_28, %dma_wait3A_56] : memref<10240x128xf32, #tpu.memory_space<vmem_shared>> -> memref<80x128xf32, #tpu.memory_space<vmem_shared>>
      tpu.wait_dma2 semaphore(%run_scoped3A : memref<!tpu.dma_semaphore, #tpu.memory_space<semaphore_mem>>) src(%arg13 : memref<80x128xf32, #tpu.memory_space<vmem>>) dst(%dma_wait3A_57 : memref<80x128xf32, #tpu.memory_space<vmem_shared>>)
      tpu.yield
    }) : () -> ()
    %mul3A_29 = arith.constant 640 : i32
    %mul3A_30 = arith.muli %arg1, %mul3A_29 : i32
    %add3A_31 = arith.constant 400 : i32
    %add3A_32 = arith.addi %mul3A_30, %add3A_31 : i32
    "tpu.region"() ({
      %run_scoped3A = tpu.sem_alloc : memref<!tpu.dma_semaphore, #tpu.memory_space<semaphore_mem>>
      %dma_start3A = arith.constant 0 : i32
      %dma_start3A_52 = tpu.memref_slice %arg7[%add3A_32, %dma_start3A] : memref<10240x128xf32, #tpu.memory_space<vmem_shared>> -> memref<80x128xf32, #tpu.memory_space<vmem_shared>>
      %dma_start3A_53 = arith.constant 0 : i32
      %dma_start3A_54 = tpu.memref_slice %arg7[%add3A_32, %dma_start3A_53] : memref<10240x128xf32, #tpu.memory_space<vmem_shared>> -> memref<80x128xf32, #tpu.memory_space<vmem_shared>>
      tpu.enqueue_dma source(%arg13 : memref<80x128xf32, #tpu.memory_space<vmem>>) target(%dma_start3A_54 : memref<80x128xf32, #tpu.memory_space<vmem_shared>>) target_semaphore(%run_scoped3A : memref<!tpu.dma_semaphore, #tpu.memory_space<semaphore_mem>>)
      %dma_wait3A = arith.constant 0 : i32
      %dma_wait3A_55 = tpu.memref_slice %arg7[%add3A_32, %dma_wait3A] : memref<10240x128xf32, #tpu.memory_space<vmem_shared>> -> memref<80x128xf32, #tpu.memory_space<vmem_shared>>
      %dma_wait3A_56 = arith.constant 0 : i32
      %dma_wait3A_57 = tpu.memref_slice %arg7[%add3A_32, %dma_wait3A_56] : memref<10240x128xf32, #tpu.memory_space<vmem_shared>> -> memref<80x128xf32, #tpu.memory_space<vmem_shared>>
      tpu.wait_dma2 semaphore(%run_scoped3A : memref<!tpu.dma_semaphore, #tpu.memory_space<semaphore_mem>>) src(%arg13 : memref<80x128xf32, #tpu.memory_space<vmem>>) dst(%dma_wait3A_57 : memref<80x128xf32, #tpu.memory_space<vmem_shared>>)
      tpu.yield
    }) : () -> ()
    %mul3A_33 = arith.constant 640 : i32
    %mul3A_34 = arith.muli %arg1, %mul3A_33 : i32
    %add3A_35 = arith.constant 480 : i32
    %add3A_36 = arith.addi %mul3A_34, %add3A_35 : i32
    "tpu.region"() ({
      %run_scoped3A = tpu.sem_alloc : memref<!tpu.dma_semaphore, #tpu.memory_space<semaphore_mem>>
      %dma_start3A = arith.constant 0 : i32
      %dma_start3A_52 = tpu.memref_slice %arg7[%add3A_36, %dma_start3A] : memref<10240x128xf32, #tpu.memory_space<vmem_shared>> -> memref<80x128xf32, #tpu.memory_space<vmem_shared>>
      %dma_start3A_53 = arith.constant 0 : i32
      %dma_start3A_54 = tpu.memref_slice %arg7[%add3A_36, %dma_start3A_53] : memref<10240x128xf32, #tpu.memory_space<vmem_shared>> -> memref<80x128xf32, #tpu.memory_space<vmem_shared>>
      tpu.enqueue_dma source(%arg13 : memref<80x128xf32, #tpu.memory_space<vmem>>) target(%dma_start3A_54 : memref<80x128xf32, #tpu.memory_space<vmem_shared>>) target_semaphore(%run_scoped3A : memref<!tpu.dma_semaphore, #tpu.memory_space<semaphore_mem>>)
      %dma_wait3A = arith.constant 0 : i32
      %dma_wait3A_55 = tpu.memref_slice %arg7[%add3A_36, %dma_wait3A] : memref<10240x128xf32, #tpu.memory_space<vmem_shared>> -> memref<80x128xf32, #tpu.memory_space<vmem_shared>>
      %dma_wait3A_56 = arith.constant 0 : i32
      %dma_wait3A_57 = tpu.memref_slice %arg7[%add3A_36, %dma_wait3A_56] : memref<10240x128xf32, #tpu.memory_space<vmem_shared>> -> memref<80x128xf32, #tpu.memory_space<vmem_shared>>
      tpu.wait_dma2 semaphore(%run_scoped3A : memref<!tpu.dma_semaphore, #tpu.memory_space<semaphore_mem>>) src(%arg13 : memref<80x128xf32, #tpu.memory_space<vmem>>) dst(%dma_wait3A_57 : memref<80x128xf32, #tpu.memory_space<vmem_shared>>)
      tpu.yield
    }) : () -> ()
    %mul3A_37 = arith.constant 640 : i32
    %mul3A_38 = arith.muli %arg1, %mul3A_37 : i32
    %add3A_39 = arith.constant 560 : i32
    %add3A_40 = arith.addi %mul3A_38, %add3A_39 : i32
    "tpu.region"() ({
      %run_scoped3A = tpu.sem_alloc : memref<!tpu.dma_semaphore, #tpu.memory_space<semaphore_mem>>
      %dma_start3A = arith.constant 0 : i32
      %dma_start3A_52 = tpu.memref_slice %arg7[%add3A_40, %dma_start3A] : memref<10240x128xf32, #tpu.memory_space<vmem_shared>> -> memref<80x128xf32, #tpu.memory_space<vmem_shared>>
      %dma_start3A_53 = arith.constant 0 : i32
      %dma_start3A_54 = tpu.memref_slice %arg7[%add3A_40, %dma_start3A_53] : memref<10240x128xf32, #tpu.memory_space<vmem_shared>> -> memref<80x128xf32, #tpu.memory_space<vmem_shared>>
      tpu.enqueue_dma source(%arg13 : memref<80x128xf32, #tpu.memory_space<vmem>>) target(%dma_start3A_54 : memref<80x128xf32, #tpu.memory_space<vmem_shared>>) target_semaphore(%run_scoped3A : memref<!tpu.dma_semaphore, #tpu.memory_space<semaphore_mem>>)
      %dma_wait3A = arith.constant 0 : i32
      %dma_wait3A_55 = tpu.memref_slice %arg7[%add3A_40, %dma_wait3A] : memref<10240x128xf32, #tpu.memory_space<vmem_shared>> -> memref<80x128xf32, #tpu.memory_space<vmem_shared>>
      %dma_wait3A_56 = arith.constant 0 : i32
      %dma_wait3A_57 = tpu.memref_slice %arg7[%add3A_40, %dma_wait3A_56] : memref<10240x128xf32, #tpu.memory_space<vmem_shared>> -> memref<80x128xf32, #tpu.memory_space<vmem_shared>>
      tpu.wait_dma2 semaphore(%run_scoped3A : memref<!tpu.dma_semaphore, #tpu.memory_space<semaphore_mem>>) src(%arg13 : memref<80x128xf32, #tpu.memory_space<vmem>>) dst(%dma_wait3A_57 : memref<80x128xf32, #tpu.memory_space<vmem_shared>>)
      tpu.yield
    }) : () -> ()
    "tpu.region"() ({
      %run_scoped3A = tpu.sem_alloc : memref<!tpu.dma_semaphore, #tpu.memory_space<semaphore_mem>>
      %dma_start3A = tpu.memref_slice %arg3[%mul3A_2] : memref<320000xi32, #tpu.memory_space<hbm>> -> memref<10000xi32, #tpu.memory_space<hbm>>
      %dma_start3A_52 = tpu.memref_slice %arg3[%mul3A_2] : memref<320000xi32, #tpu.memory_space<hbm>> -> memref<10000xi32, #tpu.memory_space<hbm>>
      tpu.enqueue_dma source(%dma_start3A_52 : memref<10000xi32, #tpu.memory_space<hbm>>) target(%arg8 : memref<10000xi32, #tpu.memory_space<vmem>>) target_semaphore(%run_scoped3A : memref<!tpu.dma_semaphore, #tpu.memory_space<semaphore_mem>>)
      %dma_wait3A = tpu.memref_slice %arg3[%mul3A_2] : memref<320000xi32, #tpu.memory_space<hbm>> -> memref<10000xi32, #tpu.memory_space<hbm>>
      %dma_wait3A_53 = tpu.memref_slice %arg3[%mul3A_2] : memref<320000xi32, #tpu.memory_space<hbm>> -> memref<10000xi32, #tpu.memory_space<hbm>>
      tpu.wait_dma2 semaphore(%run_scoped3A : memref<!tpu.dma_semaphore, #tpu.memory_space<semaphore_mem>>) src(%dma_wait3A_53 : memref<10000xi32, #tpu.memory_space<hbm>>) dst(%arg8 : memref<10000xi32, #tpu.memory_space<vmem>>)
      tpu.yield
    }) : () -> ()
    "tpu.region"() ({
      %run_scoped3A = tpu.sem_alloc : memref<!tpu.dma_semaphore, #tpu.memory_space<semaphore_mem>>
      %dma_start3A = tpu.memref_slice %arg4[%mul3A_2] : memref<320000xi32, #tpu.memory_space<hbm>> -> memref<10000xi32, #tpu.memory_space<hbm>>
      %dma_start3A_52 = tpu.memref_slice %arg4[%mul3A_2] : memref<320000xi32, #tpu.memory_space<hbm>> -> memref<10000xi32, #tpu.memory_space<hbm>>
      tpu.enqueue_dma source(%dma_start3A_52 : memref<10000xi32, #tpu.memory_space<hbm>>) target(%arg9 : memref<10000xi32, #tpu.memory_space<vmem>>) target_semaphore(%run_scoped3A : memref<!tpu.dma_semaphore, #tpu.memory_space<semaphore_mem>>)
      %dma_wait3A = tpu.memref_slice %arg4[%mul3A_2] : memref<320000xi32, #tpu.memory_space<hbm>> -> memref<10000xi32, #tpu.memory_space<hbm>>
      %dma_wait3A_53 = tpu.memref_slice %arg4[%mul3A_2] : memref<320000xi32, #tpu.memory_space<hbm>> -> memref<10000xi32, #tpu.memory_space<hbm>>
      tpu.wait_dma2 semaphore(%run_scoped3A : memref<!tpu.dma_semaphore, #tpu.memory_space<semaphore_mem>>) src(%dma_wait3A_53 : memref<10000xi32, #tpu.memory_space<hbm>>) dst(%arg9 : memref<10000xi32, #tpu.memory_space<vmem>>)
      tpu.yield
    }) : () -> ()
    "tpu.region"() ({
      %run_scoped3A = tpu.sem_alloc : memref<!tpu.dma_semaphore, #tpu.memory_space<semaphore_mem>>
      %dma_start3A = tpu.memref_slice %arg5[%mul3A_2] : memref<320000xf32, #tpu.memory_space<hbm>> -> memref<10000xf32, #tpu.memory_space<hbm>>
      %dma_start3A_52 = tpu.memref_slice %arg5[%mul3A_2] : memref<320000xf32, #tpu.memory_space<hbm>> -> memref<10000xf32, #tpu.memory_space<hbm>>
      tpu.enqueue_dma source(%dma_start3A_52 : memref<10000xf32, #tpu.memory_space<hbm>>) target(%arg10 : memref<10000xf32, #tpu.memory_space<vmem>>) target_semaphore(%run_scoped3A : memref<!tpu.dma_semaphore, #tpu.memory_space<semaphore_mem>>)
      %dma_wait3A = tpu.memref_slice %arg5[%mul3A_2] : memref<320000xf32, #tpu.memory_space<hbm>> -> memref<10000xf32, #tpu.memory_space<hbm>>
      %dma_wait3A_53 = tpu.memref_slice %arg5[%mul3A_2] : memref<320000xf32, #tpu.memory_space<hbm>> -> memref<10000xf32, #tpu.memory_space<hbm>>
      tpu.wait_dma2 semaphore(%run_scoped3A : memref<!tpu.dma_semaphore, #tpu.memory_space<semaphore_mem>>) src(%dma_wait3A_53 : memref<10000xf32, #tpu.memory_space<hbm>>) dst(%arg10 : memref<10000xf32, #tpu.memory_space<vmem>>)
      tpu.yield
    }) : () -> ()
    %barrier3A = arith.constant 0 : index
    tpu.barrier barrier_id(%barrier3A)
    %scan3A_41 = arith.constant 0 : i32
    %scan3A_42 = arith.constant 0 : i32
    %scan3A_43 = arith.constant 125 : i32
    %scan3A_44 = arith.addi %scan3A_42, %scan3A_43 : i32
    %scan3A_45 = arith.constant 1 : i32
    scf.for %scan3A_52 = %scan3A_42 to %scan3A_44 step %scan3A_45  : i32 {
      %mul3A_53 = arith.constant 80 : i32
      %mul3A_54 = arith.muli %scan3A_52, %mul3A_53 : i32
      %add3A_55 = arith.constant 0 : i32
      %add3A_56 = arith.addi %mul3A_54, %add3A_55 : i32
      %get3A = arith.index_cast %add3A_56 : i32 to index
      %get3A_57 = tpu.vector_load %arg8[%get3A] {strides = array<i32>} : memref<10000xi32, #tpu.memory_space<vmem>>, vector<16xi32>,
      %get3A_58 = vector.shape_cast %get3A_57 : vector<16xi32> to vector<16xi32>
      %swap3A = arith.constant 0 : index
      %swap3A_59 = tpu.vector_load %arg11[%swap3A] {strides = array<i32>} : memref<80xi32, #tpu.memory_space<vmem>>, vector<16xi32>,
      %swap3A_60 = vector.shape_cast %swap3A_59 : vector<16xi32> to vector<16xi32>
      %swap3A_61 = vector.shape_cast %get3A_58 : vector<16xi32> to vector<16xi32>
      tpu.vector_store %arg11[%swap3A], %swap3A_61 {strides = array<i32>} : memref<80xi32, #tpu.memory_space<vmem>>, vector<16xi32>,
      %mul3A_62 = arith.constant 80 : i32
      %mul3A_63 = arith.muli %scan3A_52, %mul3A_62 : i32
      %add3A_64 = arith.constant 0 : i32
      %add3A_65 = arith.addi %mul3A_63, %add3A_64 : i32
      %get3A_66 = arith.index_cast %add3A_65 : i32 to index
      %get3A_67 = tpu.vector_load %arg9[%get3A_66] {strides = array<i32>} : memref<10000xi32, #tpu.memory_space<vmem>>, vector<16xi32>,
      %get3A_68 = vector.shape_cast %get3A_67 : vector<16xi32> to vector<16xi32>
      %swap3A_69 = arith.constant 0 : index
      %swap3A_70 = tpu.vector_load %arg12[%swap3A_69] {strides = array<i32>} : memref<80xi32, #tpu.memory_space<vmem>>, vector<16xi32>,
      %swap3A_71 = vector.shape_cast %swap3A_70 : vector<16xi32> to vector<16xi32>
      %swap3A_72 = vector.shape_cast %get3A_68 : vector<16xi32> to vector<16xi32>
      tpu.vector_store %arg12[%swap3A_69], %swap3A_72 {strides = array<i32>} : memref<80xi32, #tpu.memory_space<vmem>>, vector<16xi32>,
      %mul3A_73 = arith.constant 80 : i32
      %mul3A_74 = arith.muli %scan3A_52, %mul3A_73 : i32
      %add3A_75 = arith.constant 16 : i32
      %add3A_76 = arith.addi %mul3A_74, %add3A_75 : i32
      %get3A_77 = arith.index_cast %add3A_76 : i32 to index
      %get3A_78 = tpu.vector_load %arg8[%get3A_77] {strides = array<i32>} : memref<10000xi32, #tpu.memory_space<vmem>>, vector<16xi32>,
      %get3A_79 = vector.shape_cast %get3A_78 : vector<16xi32> to vector<16xi32>
      %swap3A_80 = arith.constant 16 : index
      %swap3A_81 = tpu.vector_load %arg11[%swap3A_80] {strides = array<i32>} : memref<80xi32, #tpu.memory_space<vmem>>, vector<16xi32>,
      %swap3A_82 = vector.shape_cast %swap3A_81 : vector<16xi32> to vector<16xi32>
      %swap3A_83 = vector.shape_cast %get3A_79 : vector<16xi32> to vector<16xi32>
      tpu.vector_store %arg11[%swap3A_80], %swap3A_83 {strides = array<i32>} : memref<80xi32, #tpu.memory_space<vmem>>, vector<16xi32>,
      %mul3A_84 = arith.constant 80 : i32
      %mul3A_85 = arith.muli %scan3A_52, %mul3A_84 : i32
      %add3A_86 = arith.constant 16 : i32
      %add3A_87 = arith.addi %mul3A_85, %add3A_86 : i32
      %get3A_88 = arith.index_cast %add3A_87 : i32 to index
      %get3A_89 = tpu.vector_load %arg9[%get3A_88] {strides = array<i32>} : memref<10000xi32, #tpu.memory_space<vmem>>, vector<16xi32>,
      %get3A_90 = vector.shape_cast %get3A_89 : vector<16xi32> to vector<16xi32>
      %swap3A_91 = arith.constant 16 : index
      %swap3A_92 = tpu.vector_load %arg12[%swap3A_91] {strides = array<i32>} : memref<80xi32, #tpu.memory_space<vmem>>, vector<16xi32>,
      %swap3A_93 = vector.shape_cast %swap3A_92 : vector<16xi32> to vector<16xi32>
      %swap3A_94 = vector.shape_cast %get3A_90 : vector<16xi32> to vector<16xi32>
      tpu.vector_store %arg12[%swap3A_91], %swap3A_94 {strides = array<i32>} : memref<80xi32, #tpu.memory_space<vmem>>, vector<16xi32>,
      %mul3A_95 = arith.constant 80 : i32
      %mul3A_96 = arith.muli %scan3A_52, %mul3A_95 : i32
      %add3A_97 = arith.constant 32 : i32
      %add3A_98 = arith.addi %mul3A_96, %add3A_97 : i32
      %get3A_99 = arith.index_cast %add3A_98 : i32 to index
      %get3A_100 = tpu.vector_load %arg8[%get3A_99] {strides = array<i32>} : memref<10000xi32, #tpu.memory_space<vmem>>, vector<16xi32>,
      %get3A_101 = vector.shape_cast %get3A_100 : vector<16xi32> to vector<16xi32>
      %swap3A_102 = arith.constant 32 : index
      %swap3A_103 = tpu.vector_load %arg11[%swap3A_102] {strides = array<i32>} : memref<80xi32, #tpu.memory_space<vmem>>, vector<16xi32>,
      %swap3A_104 = vector.shape_cast %swap3A_103 : vector<16xi32> to vector<16xi32>
      %swap3A_105 = vector.shape_cast %get3A_101 : vector<16xi32> to vector<16xi32>
      tpu.vector_store %arg11[%swap3A_102], %swap3A_105 {strides = array<i32>} : memref<80xi32, #tpu.memory_space<vmem>>, vector<16xi32>,
      %mul3A_106 = arith.constant 80 : i32
      %mul3A_107 = arith.muli %scan3A_52, %mul3A_106 : i32
      %add3A_108 = arith.constant 32 : i32
      %add3A_109 = arith.addi %mul3A_107, %add3A_108 : i32
      %get3A_110 = arith.index_cast %add3A_109 : i32 to index
      %get3A_111 = tpu.vector_load %arg9[%get3A_110] {strides = array<i32>} : memref<10000xi32, #tpu.memory_space<vmem>>, vector<16xi32>,
      %get3A_112 = vector.shape_cast %get3A_111 : vector<16xi32> to vector<16xi32>
      %swap3A_113 = arith.constant 32 : index
      %swap3A_114 = tpu.vector_load %arg12[%swap3A_113] {strides = array<i32>} : memref<80xi32, #tpu.memory_space<vmem>>, vector<16xi32>,
      %swap3A_115 = vector.shape_cast %swap3A_114 : vector<16xi32> to vector<16xi32>
      %swap3A_116 = vector.shape_cast %get3A_112 : vector<16xi32> to vector<16xi32>
      tpu.vector_store %arg12[%swap3A_113], %swap3A_116 {strides = array<i32>} : memref<80xi32, #tpu.memory_space<vmem>>, vector<16xi32>,
      %mul3A_117 = arith.constant 80 : i32
      %mul3A_118 = arith.muli %scan3A_52, %mul3A_117 : i32
      %add3A_119 = arith.constant 48 : i32
      %add3A_120 = arith.addi %mul3A_118, %add3A_119 : i32
      %get3A_121 = arith.index_cast %add3A_120 : i32 to index
      %get3A_122 = tpu.vector_load %arg8[%get3A_121] {strides = array<i32>} : memref<10000xi32, #tpu.memory_space<vmem>>, vector<16xi32>,
      %get3A_123 = vector.shape_cast %get3A_122 : vector<16xi32> to vector<16xi32>
      %swap3A_124 = arith.constant 48 : index
      %swap3A_125 = tpu.vector_load %arg11[%swap3A_124] {strides = array<i32>} : memref<80xi32, #tpu.memory_space<vmem>>, vector<16xi32>,
      %swap3A_126 = vector.shape_cast %swap3A_125 : vector<16xi32> to vector<16xi32>
      %swap3A_127 = vector.shape_cast %get3A_123 : vector<16xi32> to vector<16xi32>
      tpu.vector_store %arg11[%swap3A_124], %swap3A_127 {strides = array<i32>} : memref<80xi32, #tpu.memory_space<vmem>>, vector<16xi32>,
      %mul3A_128 = arith.constant 80 : i32
      %mul3A_129 = arith.muli %scan3A_52, %mul3A_128 : i32
      %add3A_130 = arith.constant 48 : i32
      %add3A_131 = arith.addi %mul3A_129, %add3A_130 : i32
      %get3A_132 = arith.index_cast %add3A_131 : i32 to index
      %get3A_133 = tpu.vector_load %arg9[%get3A_132] {strides = array<i32>} : memref<10000xi32, #tpu.memory_space<vmem>>, vector<16xi32>,
      %get3A_134 = vector.shape_cast %get3A_133 : vector<16xi32> to vector<16xi32>
      %swap3A_135 = arith.constant 48 : index
      %swap3A_136 = tpu.vector_load %arg12[%swap3A_135] {strides = array<i32>} : memref<80xi32, #tpu.memory_space<vmem>>, vector<16xi32>,
      %swap3A_137 = vector.shape_cast %swap3A_136 : vector<16xi32> to vector<16xi32>
      %swap3A_138 = vector.shape_cast %get3A_134 : vector<16xi32> to vector<16xi32>
      tpu.vector_store %arg12[%swap3A_135], %swap3A_138 {strides = array<i32>} : memref<80xi32, #tpu.memory_space<vmem>>, vector<16xi32>,
      %mul3A_139 = arith.constant 80 : i32
      %mul3A_140 = arith.muli %scan3A_52, %mul3A_139 : i32
      %add3A_141 = arith.constant 64 : i32
      %add3A_142 = arith.addi %mul3A_140, %add3A_141 : i32
      %get3A_143 = arith.index_cast %add3A_142 : i32 to index
      %get3A_144 = tpu.vector_load %arg8[%get3A_143] {strides = array<i32>} : memref<10000xi32, #tpu.memory_space<vmem>>, vector<16xi32>,
      %get3A_145 = vector.shape_cast %get3A_144 : vector<16xi32> to vector<16xi32>
      %swap3A_146 = arith.constant 64 : index
      %swap3A_147 = tpu.vector_load %arg11[%swap3A_146] {strides = array<i32>} : memref<80xi32, #tpu.memory_space<vmem>>, vector<16xi32>,
      %swap3A_148 = vector.shape_cast %swap3A_147 : vector<16xi32> to vector<16xi32>
      %swap3A_149 = vector.shape_cast %get3A_145 : vector<16xi32> to vector<16xi32>
      tpu.vector_store %arg11[%swap3A_146], %swap3A_149 {strides = array<i32>} : memref<80xi32, #tpu.memory_space<vmem>>, vector<16xi32>,
      %mul3A_150 = arith.constant 80 : i32
      %mul3A_151 = arith.muli %scan3A_52, %mul3A_150 : i32
      %add3A_152 = arith.constant 64 : i32
      %add3A_153 = arith.addi %mul3A_151, %add3A_152 : i32
      %get3A_154 = arith.index_cast %add3A_153 : i32 to index
      %get3A_155 = tpu.vector_load %arg9[%get3A_154] {strides = array<i32>} : memref<10000xi32, #tpu.memory_space<vmem>>, vector<16xi32>,
      %get3A_156 = vector.shape_cast %get3A_155 : vector<16xi32> to vector<16xi32>
      %swap3A_157 = arith.constant 64 : index
      %swap3A_158 = tpu.vector_load %arg12[%swap3A_157] {strides = array<i32>} : memref<80xi32, #tpu.memory_space<vmem>>, vector<16xi32>,
      %swap3A_159 = vector.shape_cast %swap3A_158 : vector<16xi32> to vector<16xi32>
      %swap3A_160 = vector.shape_cast %get3A_156 : vector<16xi32> to vector<16xi32>
      tpu.vector_store %arg12[%swap3A_157], %swap3A_160 {strides = array<i32>} : memref<80xi32, #tpu.memory_space<vmem>>, vector<16xi32>,
      %dma_start3A = arith.constant 0 : i32
      %dma_start3A_161 = arith.constant 0 : i32
      %dma_start3A_162 = tpu.memref_slice %arg2[%dma_start3A, %dma_start3A_161] : memref<10000x128xf32, #tpu.memory_space<hbm>> -> memref<10000x128xf32, #tpu.memory_space<hbm>>
      tpu.enqueue_indirect_dma source(%dma_start3A_162 : memref<10000x128xf32, #tpu.memory_space<hbm>>) target(%arg13 : memref<80x128xf32, #tpu.memory_space<vmem>>) offsets(%arg11 : memref<80xi32, #tpu.memory_space<vmem>>) semaphore(%arg14 : memref<!tpu.dma_semaphore, #tpu.memory_space<semaphore_mem>>)
      %dma_wait3A = arith.constant 0 : i32
      %dma_wait3A_163 = arith.constant 0 : i32
      %dma_wait3A_164 = tpu.memref_slice %arg2[%dma_wait3A, %dma_wait3A_163] : memref<10000x128xf32, #tpu.memory_space<hbm>> -> memref<10000x128xf32, #tpu.memory_space<hbm>>
      tpu.wait_indirect_dma semaphore(%arg14 : memref<!tpu.dma_semaphore, #tpu.memory_space<semaphore_mem>>) src(%dma_wait3A_164 : memref<10000x128xf32, #tpu.memory_space<hbm>>) dst(%arg13 : memref<80x128xf32, #tpu.memory_space<vmem>>)
      %scan3A_165 = arith.constant 0 : i32
      %scan3A_166 = arith.constant 0 : i32
      %scan3A_167 = arith.constant 5 : i32
      %scan3A_168 = arith.addi %scan3A_166, %scan3A_167 : i32
      %scan3A_169 = arith.constant 1 : i32
      scf.for %scan3A_171 = %scan3A_166 to %scan3A_168 step %scan3A_169  : i32 {
        %mul3A_172 = arith.constant 80 : i32
        %mul3A_173 = arith.muli %scan3A_52, %mul3A_172 : i32
        %mul3A_174 = arith.constant 16 : i32
        %mul3A_175 = arith.muli %scan3A_171, %mul3A_174 : i32
        %add3A_176 = arith.addi %mul3A_173, %mul3A_175 : i32
        %get3A_177 = arith.index_cast %add3A_176 : i32 to index
        %get3A_178 = tpu.vector_load %arg10[%get3A_177] {strides = array<i32>} : memref<10000xf32, #tpu.memory_space<vmem>>, vector<16xf32>,
        %get3A_179 = vector.shape_cast %get3A_178 : vector<16xf32> to vector<16xf32>
        %slice3A = vector.extract_strided_slice %get3A_179 {offsets = [0], sizes = [1], strides = [1]} : vector<16xf32> to vector<1xf32>
        %squeeze3A = vector.extract %slice3A[0] : f32 from vector<1xf32>
        %broadcast_in_dim3A_180 = vector.broadcast %squeeze3A : f32 to vector<16xf32>
        %mul3A_181 = arith.constant 16 : i32
        %mul3A_182 = arith.muli %scan3A_171, %mul3A_181 : i32
        %add3A_183 = arith.constant 0 : i32
        %add3A_184 = arith.addi %mul3A_182, %add3A_183 : i32
        %get3A_185 = arith.index_cast %add3A_184 : i32 to index
        %get3A_186 = arith.constant 0 : index
        %get3A_187 = tpu.vector_load %arg13[%get3A_185, %get3A_186] {strides = array<i32>} : memref<80x128xf32, #tpu.memory_space<vmem>>, vector<1x16xf32>,
        %get3A_188 = vector.shape_cast %get3A_187 : vector<1x16xf32> to vector<16xf32>
        %mul3A_189 = arith.mulf %get3A_188, %broadcast_in_dim3A_180 : vector<16xf32>
        %swap3A_190 = arith.index_cast %add3A_184 : i32 to index
        %swap3A_191 = arith.constant 0 : index
        %swap3A_192 = tpu.vector_load %arg13[%swap3A_190, %swap3A_191] {strides = array<i32>} : memref<80x128xf32, #tpu.memory_space<vmem>>, vector<1x16xf32>,
        %swap3A_193 = vector.shape_cast %swap3A_192 : vector<1x16xf32> to vector<16xf32>
        %swap3A_194 = vector.shape_cast %mul3A_189 : vector<16xf32> to vector<1x16xf32>
        tpu.vector_store %arg13[%swap3A_190, %swap3A_191], %swap3A_194 {strides = array<i32>} : memref<80x128xf32, #tpu.memory_space<vmem>>, vector<1x16xf32>,
        %get3A_195 = arith.index_cast %add3A_184 : i32 to index
        %get3A_196 = arith.constant 16 : index
        %get3A_197 = tpu.vector_load %arg13[%get3A_195, %get3A_196] {strides = array<i32>} : memref<80x128xf32, #tpu.memory_space<vmem>>, vector<1x16xf32>,
        %get3A_198 = vector.shape_cast %get3A_197 : vector<1x16xf32> to vector<16xf32>
        %mul3A_199 = arith.mulf %get3A_198, %broadcast_in_dim3A_180 : vector<16xf32>
        %swap3A_200 = arith.index_cast %add3A_184 : i32 to index
        %swap3A_201 = arith.constant 16 : index
        %swap3A_202 = tpu.vector_load %arg13[%swap3A_200, %swap3A_201] {strides = array<i32>} : memref<80x128xf32, #tpu.memory_space<vmem>>, vector<1x16xf32>,
        %swap3A_203 = vector.shape_cast %swap3A_202 : vector<1x16xf32> to vector<16xf32>
        %swap3A_204 = vector.shape_cast %mul3A_199 : vector<16xf32> to vector<1x16xf32>
        tpu.vector_store %arg13[%swap3A_200, %swap3A_201], %swap3A_204 {strides = array<i32>} : memref<80x128xf32, #tpu.memory_space<vmem>>, vector<1x16xf32>,
        %get3A_205 = arith.index_cast %add3A_184 : i32 to index
        %get3A_206 = arith.constant 32 : index
        %get3A_207 = tpu.vector_load %arg13[%get3A_205, %get3A_206] {strides = array<i32>} : memref<80x128xf32, #tpu.memory_space<vmem>>, vector<1x16xf32>,
        %get3A_208 = vector.shape_cast %get3A_207 : vector<1x16xf32> to vector<16xf32>
        %mul3A_209 = arith.mulf %get3A_208, %broadcast_in_dim3A_180 : vector<16xf32>
        %swap3A_210 = arith.index_cast %add3A_184 : i32 to index
        %swap3A_211 = arith.constant 32 : index
        %swap3A_212 = tpu.vector_load %arg13[%swap3A_210, %swap3A_211] {strides = array<i32>} : memref<80x128xf32, #tpu.memory_space<vmem>>, vector<1x16xf32>,
        %swap3A_213 = vector.shape_cast %swap3A_212 : vector<1x16xf32> to vector<16xf32>
        %swap3A_214 = vector.shape_cast %mul3A_209 : vector<16xf32> to vector<1x16xf32>
        tpu.vector_store %arg13[%swap3A_210, %swap3A_211], %swap3A_214 {strides = array<i32>} : memref<80x128xf32, #tpu.memory_space<vmem>>, vector<1x16xf32>,
        %get3A_215 = arith.index_cast %add3A_184 : i32 to index
        %get3A_216 = arith.constant 48 : index
        %get3A_217 = tpu.vector_load %arg13[%get3A_215, %get3A_216] {strides = array<i32>} : memref<80x128xf32, #tpu.memory_space<vmem>>, vector<1x16xf32>,
        %get3A_218 = vector.shape_cast %get3A_217 : vector<1x16xf32> to vector<16xf32>
        %mul3A_219 = arith.mulf %get3A_218, %broadcast_in_dim3A_180 : vector<16xf32>
        %swap3A_220 = arith.index_cast %add3A_184 : i32 to index
        %swap3A_221 = arith.constant 48 : index
        %swap3A_222 = tpu.vector_load %arg13[%swap3A_220, %swap3A_221] {strides = array<i32>} : memref<80x128xf32, #tpu.memory_space<vmem>>, vector<1x16xf32>,
        %swap3A_223 = vector.shape_cast %swap3A_222 : vector<1x16xf32> to vector<16xf32>
        %swap3A_224 = vector.shape_cast %mul3A_219 : vector<16xf32> to vector<1x16xf32>
        tpu.vector_store %arg13[%swap3A_220, %swap3A_221], %swap3A_224 {strides = array<i32>} : memref<80x128xf32, #tpu.memory_space<vmem>>, vector<1x16xf32>,
        %get3A_225 = arith.index_cast %add3A_184 : i32 to index
        %get3A_226 = arith.constant 64 : index
        %get3A_227 = tpu.vector_load %arg13[%get3A_225, %get3A_226] {strides = array<i32>} : memref<80x128xf32, #tpu.memory_space<vmem>>, vector<1x16xf32>,
        %get3A_228 = vector.shape_cast %get3A_227 : vector<1x16xf32> to vector<16xf32>
        %mul3A_229 = arith.mulf %get3A_228, %broadcast_in_dim3A_180 : vector<16xf32>
        %swap3A_230 = arith.index_cast %add3A_184 : i32 to index
        %swap3A_231 = arith.constant 64 : index
        %swap3A_232 = tpu.vector_load %arg13[%swap3A_230, %swap3A_231] {strides = array<i32>} : memref<80x128xf32, #tpu.memory_space<vmem>>, vector<1x16xf32>,
        %swap3A_233 = vector.shape_cast %swap3A_232 : vector<1x16xf32> to vector<16xf32>
        %swap3A_234 = vector.shape_cast %mul3A_229 : vector<16xf32> to vector<1x16xf32>
        tpu.vector_store %arg13[%swap3A_230, %swap3A_231], %swap3A_234 {strides = array<i32>} : memref<80x128xf32, #tpu.memory_space<vmem>>, vector<1x16xf32>,
        %get3A_235 = arith.index_cast %add3A_184 : i32 to index
        %get3A_236 = arith.constant 80 : index
        %get3A_237 = tpu.vector_load %arg13[%get3A_235, %get3A_236] {strides = array<i32>} : memref<80x128xf32, #tpu.memory_space<vmem>>, vector<1x16xf32>,
        %get3A_238 = vector.shape_cast %get3A_237 : vector<1x16xf32> to vector<16xf32>
        %mul3A_239 = arith.mulf %get3A_238, %broadcast_in_dim3A_180 : vector<16xf32>
        %swap3A_240 = arith.index_cast %add3A_184 : i32 to index
        %swap3A_241 = arith.constant 80 : index
        %swap3A_242 = tpu.vector_load %arg13[%swap3A_240, %swap3A_241] {strides = array<i32>} : memref<80x128xf32, #tpu.memory_space<vmem>>, vector<1x16xf32>,
        %swap3A_243 = vector.shape_cast %swap3A_242 : vector<1x16xf32> to vector<16xf32>
        %swap3A_244 = vector.shape_cast %mul3A_239 : vector<16xf32> to vector<1x16xf32>
        tpu.vector_store %arg13[%swap3A_240, %swap3A_241], %swap3A_244 {strides = array<i32>} : memref<80x128xf32, #tpu.memory_space<vmem>>, vector<1x16xf32>,
        %get3A_245 = arith.index_cast %add3A_184 : i32 to index
        %get3A_246 = arith.constant 96 : index
        %get3A_247 = tpu.vector_load %arg13[%get3A_245, %get3A_246] {strides = array<i32>} : memref<80x128xf32, #tpu.memory_space<vmem>>, vector<1x16xf32>,
        %get3A_248 = vector.shape_cast %get3A_247 : vector<1x16xf32> to vector<16xf32>
        %mul3A_249 = arith.mulf %get3A_248, %broadcast_in_dim3A_180 : vector<16xf32>
        %swap3A_250 = arith.index_cast %add3A_184 : i32 to index
        %swap3A_251 = arith.constant 96 : index
        %swap3A_252 = tpu.vector_load %arg13[%swap3A_250, %swap3A_251] {strides = array<i32>} : memref<80x128xf32, #tpu.memory_space<vmem>>, vector<1x16xf32>,
        %swap3A_253 = vector.shape_cast %swap3A_252 : vector<1x16xf32> to vector<16xf32>
        %swap3A_254 = vector.shape_cast %mul3A_249 : vector<16xf32> to vector<1x16xf32>
        tpu.vector_store %arg13[%swap3A_250, %swap3A_251], %swap3A_254 {strides = array<i32>} : memref<80x128xf32, #tpu.memory_space<vmem>>, vector<1x16xf32>,
        %get3A_255 = arith.index_cast %add3A_184 : i32 to index
        %get3A_256 = arith.constant 112 : index
        %get3A_257 = tpu.vector_load %arg13[%get3A_255, %get3A_256] {strides = array<i32>} : memref<80x128xf32, #tpu.memory_space<vmem>>, vector<1x16xf32>,
        %get3A_258 = vector.shape_cast %get3A_257 : vector<1x16xf32> to vector<16xf32>
        %mul3A_259 = arith.mulf %get3A_258, %broadcast_in_dim3A_180 : vector<16xf32>
        %swap3A_260 = arith.index_cast %add3A_184 : i32 to index
        %swap3A_261 = arith.constant 112 : index
        %swap3A_262 = tpu.vector_load %arg13[%swap3A_260, %swap3A_261] {strides = array<i32>} : memref<80x128xf32, #tpu.memory_space<vmem>>, vector<1x16xf32>,
        %swap3A_263 = vector.shape_cast %swap3A_262 : vector<1x16xf32> to vector<16xf32>
        %swap3A_264 = vector.shape_cast %mul3A_259 : vector<16xf32> to vector<1x16xf32>
        tpu.vector_store %arg13[%swap3A_260, %swap3A_261], %swap3A_264 {strides = array<i32>} : memref<80x128xf32, #tpu.memory_space<vmem>>, vector<1x16xf32>,
        %slice3A_265 = vector.extract_strided_slice %get3A_179 {offsets = [1], sizes = [1], strides = [1]} : vector<16xf32> to vector<1xf32>
        %squeeze3A_266 = vector.extract %slice3A_265[0] : f32 from vector<1xf32>
        %broadcast_in_dim3A_267 = vector.broadcast %squeeze3A_266 : f32 to vector<16xf32>
        %mul3A_268 = arith.constant 16 : i32
        %mul3A_269 = arith.muli %scan3A_171, %mul3A_268 : i32
        %add3A_270 = arith.constant 1 : i32
        %add3A_271 = arith.addi %mul3A_269, %add3A_270 : i32
        %get3A_272 = arith.index_cast %add3A_271 : i32 to index
        %get3A_273 = arith.constant 0 : index
        %get3A_274 = tpu.vector_load %arg13[%get3A_272, %get3A_273] {strides = array<i32>} : memref<80x128xf32, #tpu.memory_space<vmem>>, vector<1x16xf32>,
        %get3A_275 = vector.shape_cast %get3A_274 : vector<1x16xf32> to vector<16xf32>
        %mul3A_276 = arith.mulf %get3A_275, %broadcast_in_dim3A_267 : vector<16xf32>
        %swap3A_277 = arith.index_cast %add3A_271 : i32 to index
        %swap3A_278 = arith.constant 0 : index
        %swap3A_279 = tpu.vector_load %arg13[%swap3A_277, %swap3A_278] {strides = array<i32>} : memref<80x128xf32, #tpu.memory_space<vmem>>, vector<1x16xf32>,
        %swap3A_280 = vector.shape_cast %swap3A_279 : vector<1x16xf32> to vector<16xf32>
        %swap3A_281 = vector.shape_cast %mul3A_276 : vector<16xf32> to vector<1x16xf32>
        tpu.vector_store %arg13[%swap3A_277, %swap3A_278], %swap3A_281 {strides = array<i32>} : memref<80x128xf32, #tpu.memory_space<vmem>>, vector<1x16xf32>,
        %get3A_282 = arith.index_cast %add3A_271 : i32 to index
        %get3A_283 = arith.constant 16 : index
        %get3A_284 = tpu.vector_load %arg13[%get3A_282, %get3A_283] {strides = array<i32>} : memref<80x128xf32, #tpu.memory_space<vmem>>, vector<1x16xf32>,
        %get3A_285 = vector.shape_cast %get3A_284 : vector<1x16xf32> to vector<16xf32>
        %mul3A_286 = arith.mulf %get3A_285, %broadcast_in_dim3A_267 : vector<16xf32>
        %swap3A_287 = arith.index_cast %add3A_271 : i32 to index
        %swap3A_288 = arith.constant 16 : index
        %swap3A_289 = tpu.vector_load %arg13[%swap3A_287, %swap3A_288] {strides = array<i32>} : memref<80x128xf32, #tpu.memory_space<vmem>>, vector<1x16xf32>,
        %swap3A_290 = vector.shape_cast %swap3A_289 : vector<1x16xf32> to vector<16xf32>
        %swap3A_291 = vector.shape_cast %mul3A_286 : vector<16xf32> to vector<1x16xf32>
        tpu.vector_store %arg13[%swap3A_287, %swap3A_288], %swap3A_291 {strides = array<i32>} : memref<80x128xf32, #tpu.memory_space<vmem>>, vector<1x16xf32>,
        %get3A_292 = arith.index_cast %add3A_271 : i32 to index
        %get3A_293 = arith.constant 32 : index
        %get3A_294 = tpu.vector_load %arg13[%get3A_292, %get3A_293] {strides = array<i32>} : memref<80x128xf32, #tpu.memory_space<vmem>>, vector<1x16xf32>,
        %get3A_295 = vector.shape_cast %get3A_294 : vector<1x16xf32> to vector<16xf32>
        %mul3A_296 = arith.mulf %get3A_295, %broadcast_in_dim3A_267 : vector<16xf32>
        %swap3A_297 = arith.index_cast %add3A_271 : i32 to index
        %swap3A_298 = arith.constant 32 : index
        %swap3A_299 = tpu.vector_load %arg13[%swap3A_297, %swap3A_298] {strides = array<i32>} : memref<80x128xf32, #tpu.memory_space<vmem>>, vector<1x16xf32>,
        %swap3A_300 = vector.shape_cast %swap3A_299 : vector<1x16xf32> to vector<16xf32>
        %swap3A_301 = vector.shape_cast %mul3A_296 : vector<16xf32> to vector<1x16xf32>
        tpu.vector_store %arg13[%swap3A_297, %swap3A_298], %swap3A_301 {strides = array<i32>} : memref<80x128xf32, #tpu.memory_space<vmem>>, vector<1x16xf32>,
        %get3A_302 = arith.index_cast %add3A_271 : i32 to index
        %get3A_303 = arith.constant 48 : index
        %get3A_304 = tpu.vector_load %arg13[%get3A_302, %get3A_303] {strides = array<i32>} : memref<80x128xf32, #tpu.memory_space<vmem>>, vector<1x16xf32>,
        %get3A_305 = vector.shape_cast %get3A_304 : vector<1x16xf32> to vector<16xf32>
        %mul3A_306 = arith.mulf %get3A_305, %broadcast_in_dim3A_267 : vector<16xf32>
        %swap3A_307 = arith.index_cast %add3A_271 : i32 to index
        %swap3A_308 = arith.constant 48 : index
        %swap3A_309 = tpu.vector_load %arg13[%swap3A_307, %swap3A_308] {strides = array<i32>} : memref<80x128xf32, #tpu.memory_space<vmem>>, vector<1x16xf32>,
        %swap3A_310 = vector.shape_cast %swap3A_309 : vector<1x16xf32> to vector<16xf32>
        %swap3A_311 = vector.shape_cast %mul3A_306 : vector<16xf32> to vector<1x16xf32>
        tpu.vector_store %arg13[%swap3A_307, %swap3A_308], %swap3A_311 {strides = array<i32>} : memref<80x128xf32, #tpu.memory_space<vmem>>, vector<1x16xf32>,
        %get3A_312 = arith.index_cast %add3A_271 : i32 to index
        %get3A_313 = arith.constant 64 : index
        %get3A_314 = tpu.vector_load %arg13[%get3A_312, %get3A_313] {strides = array<i32>} : memref<80x128xf32, #tpu.memory_space<vmem>>, vector<1x16xf32>,
        %get3A_315 = vector.shape_cast %get3A_314 : vector<1x16xf32> to vector<16xf32>
        %mul3A_316 = arith.mulf %get3A_315, %broadcast_in_dim3A_267 : vector<16xf32>
        %swap3A_317 = arith.index_cast %add3A_271 : i32 to index
        %swap3A_318 = arith.constant 64 : index
        %swap3A_319 = tpu.vector_load %arg13[%swap3A_317, %swap3A_318] {strides = array<i32>} : memref<80x128xf32, #tpu.memory_space<vmem>>, vector<1x16xf32>,
        %swap3A_320 = vector.shape_cast %swap3A_319 : vector<1x16xf32> to vector<16xf32>
        %swap3A_321 = vector.shape_cast %mul3A_316 : vector<16xf32> to vector<1x16xf32>
        tpu.vector_store %arg13[%swap3A_317, %swap3A_318], %swap3A_321 {strides = array<i32>} : memref<80x128xf32, #tpu.memory_space<vmem>>, vector<1x16xf32>,
        %get3A_322 = arith.index_cast %add3A_271 : i32 to index
        %get3A_323 = arith.constant 80 : index
        %get3A_324 = tpu.vector_load %arg13[%get3A_322, %get3A_323] {strides = array<i32>} : memref<80x128xf32, #tpu.memory_space<vmem>>, vector<1x16xf32>,
        %get3A_325 = vector.shape_cast %get3A_324 : vector<1x16xf32> to vector<16xf32>
        %mul3A_326 = arith.mulf %get3A_325, %broadcast_in_dim3A_267 : vector<16xf32>
        %swap3A_327 = arith.index_cast %add3A_271 : i32 to index
        %swap3A_328 = arith.constant 80 : index
        %swap3A_329 = tpu.vector_load %arg13[%swap3A_327, %swap3A_328] {strides = array<i32>} : memref<80x128xf32, #tpu.memory_space<vmem>>, vector<1x16xf32>,
        %swap3A_330 = vector.shape_cast %swap3A_329 : vector<1x16xf32> to vector<16xf32>
        %swap3A_331 = vector.shape_cast %mul3A_326 : vector<16xf32> to vector<1x16xf32>
        tpu.vector_store %arg13[%swap3A_327, %swap3A_328], %swap3A_331 {strides = array<i32>} : memref<80x128xf32, #tpu.memory_space<vmem>>, vector<1x16xf32>,
        %get3A_332 = arith.index_cast %add3A_271 : i32 to index
        %get3A_333 = arith.constant 96 : index
        %get3A_334 = tpu.vector_load %arg13[%get3A_332, %get3A_333] {strides = array<i32>} : memref<80x128xf32, #tpu.memory_space<vmem>>, vector<1x16xf32>,
        %get3A_335 = vector.shape_cast %get3A_334 : vector<1x16xf32> to vector<16xf32>
        %mul3A_336 = arith.mulf %get3A_335, %broadcast_in_dim3A_267 : vector<16xf32>
        %swap3A_337 = arith.index_cast %add3A_271 : i32 to index
        %swap3A_338 = arith.constant 96 : index
        %swap3A_339 = tpu.vector_load %arg13[%swap3A_337, %swap3A_338] {strides = array<i32>} : memref<80x128xf32, #tpu.memory_space<vmem>>, vector<1x16xf32>,
        %swap3A_340 = vector.shape_cast %swap3A_339 : vector<1x16xf32> to vector<16xf32>
        %swap3A_341 = vector.shape_cast %mul3A_336 : vector<16xf32> to vector<1x16xf32>
        tpu.vector_store %arg13[%swap3A_337, %swap3A_338], %swap3A_341 {strides = array<i32>} : memref<80x128xf32, #tpu.memory_space<vmem>>, vector<1x16xf32>,
        %get3A_342 = arith.index_cast %add3A_271 : i32 to index
        %get3A_343 = arith.constant 112 : index
        %get3A_344 = tpu.vector_load %arg13[%get3A_342, %get3A_343] {strides = array<i32>} : memref<80x128xf32, #tpu.memory_space<vmem>>, vector<1x16xf32>,
        %get3A_345 = vector.shape_cast %get3A_344 : vector<1x16xf32> to vector<16xf32>
        %mul3A_346 = arith.mulf %get3A_345, %broadcast_in_dim3A_267 : vector<16xf32>
        %swap3A_347 = arith.index_cast %add3A_271 : i32 to index
        %swap3A_348 = arith.constant 112 : index
        %swap3A_349 = tpu.vector_load %arg13[%swap3A_347, %swap3A_348] {strides = array<i32>} : memref<80x128xf32, #tpu.memory_space<vmem>>, vector<1x16xf32>,
        %swap3A_350 = vector.shape_cast %swap3A_349 : vector<1x16xf32> to vector<16xf32>
        %swap3A_351 = vector.shape_cast %mul3A_346 : vector<16xf32> to vector<1x16xf32>
        tpu.vector_store %arg13[%swap3A_347, %swap3A_348], %swap3A_351 {strides = array<i32>} : memref<80x128xf32, #tpu.memory_space<vmem>>, vector<1x16xf32>,
        %slice3A_352 = vector.extract_strided_slice %get3A_179 {offsets = [2], sizes = [1], strides = [1]} : vector<16xf32> to vector<1xf32>
        %squeeze3A_353 = vector.extract %slice3A_352[0] : f32 from vector<1xf32>
        %broadcast_in_dim3A_354 = vector.broadcast %squeeze3A_353 : f32 to vector<16xf32>
        %mul3A_355 = arith.constant 16 : i32
        %mul3A_356 = arith.muli %scan3A_171, %mul3A_355 : i32
        %add3A_357 = arith.constant 2 : i32
        %add3A_358 = arith.addi %mul3A_356, %add3A_357 : i32
        %get3A_359 = arith.index_cast %add3A_358 : i32 to index
        %get3A_360 = arith.constant 0 : index
        %get3A_361 = tpu.vector_load %arg13[%get3A_359, %get3A_360] {strides = array<i32>} : memref<80x128xf32, #tpu.memory_space<vmem>>, vector<1x16xf32>,
        %get3A_362 = vector.shape_cast %get3A_361 : vector<1x16xf32> to vector<16xf32>
        %mul3A_363 = arith.mulf %get3A_362, %broadcast_in_dim3A_354 : vector<16xf32>
        %swap3A_364 = arith.index_cast %add3A_358 : i32 to index
        %swap3A_365 = arith.constant 0 : index
        %swap3A_366 = tpu.vector_load %arg13[%swap3A_364, %swap3A_365] {strides = array<i32>} : memref<80x128xf32, #tpu.memory_space<vmem>>, vector<1x16xf32>,
        %swap3A_367 = vector.shape_cast %swap3A_366 : vector<1x16xf32> to vector<16xf32>
        %swap3A_368 = vector.shape_cast %mul3A_363 : vector<16xf32> to vector<1x16xf32>
        tpu.vector_store %arg13[%swap3A_364, %swap3A_365], %swap3A_368 {strides = array<i32>} : memref<80x128xf32, #tpu.memory_space<vmem>>, vector<1x16xf32>,
        %get3A_369 = arith.index_cast %add3A_358 : i32 to index
        %get3A_370 = arith.constant 16 : index
        %get3A_371 = tpu.vector_load %arg13[%get3A_369, %get3A_370] {strides = array<i32>} : memref<80x128xf32, #tpu.memory_space<vmem>>, vector<1x16xf32>,
        %get3A_372 = vector.shape_cast %get3A_371 : vector<1x16xf32> to vector<16xf32>
        %mul3A_373 = arith.mulf %get3A_372, %broadcast_in_dim3A_354 : vector<16xf32>
        %swap3A_374 = arith.index_cast %add3A_358 : i32 to index
        %swap3A_375 = arith.constant 16 : index
        %swap3A_376 = tpu.vector_load %arg13[%swap3A_374, %swap3A_375] {strides = array<i32>} : memref<80x128xf32, #tpu.memory_space<vmem>>, vector<1x16xf32>,
        %swap3A_377 = vector.shape_cast %swap3A_376 : vector<1x16xf32> to vector<16xf32>
        %swap3A_378 = vector.shape_cast %mul3A_373 : vector<16xf32> to vector<1x16xf32>
        tpu.vector_store %arg13[%swap3A_374, %swap3A_375], %swap3A_378 {strides = array<i32>} : memref<80x128xf32, #tpu.memory_space<vmem>>, vector<1x16xf32>,
        %get3A_379 = arith.index_cast %add3A_358 : i32 to index
        %get3A_380 = arith.constant 32 : index
        %get3A_381 = tpu.vector_load %arg13[%get3A_379, %get3A_380] {strides = array<i32>} : memref<80x128xf32, #tpu.memory_space<vmem>>, vector<1x16xf32>,
        %get3A_382 = vector.shape_cast %get3A_381 : vector<1x16xf32> to vector<16xf32>
        %mul3A_383 = arith.mulf %get3A_382, %broadcast_in_dim3A_354 : vector<16xf32>
        %swap3A_384 = arith.index_cast %add3A_358 : i32 to index
        %swap3A_385 = arith.constant 32 : index
        %swap3A_386 = tpu.vector_load %arg13[%swap3A_384, %swap3A_385] {strides = array<i32>} : memref<80x128xf32, #tpu.memory_space<vmem>>, vector<1x16xf32>,
        %swap3A_387 = vector.shape_cast %swap3A_386 : vector<1x16xf32> to vector<16xf32>
        %swap3A_388 = vector.shape_cast %mul3A_383 : vector<16xf32> to vector<1x16xf32>
        tpu.vector_store %arg13[%swap3A_384, %swap3A_385], %swap3A_388 {strides = array<i32>} : memref<80x128xf32, #tpu.memory_space<vmem>>, vector<1x16xf32>,
        %get3A_389 = arith.index_cast %add3A_358 : i32 to index
        %get3A_390 = arith.constant 48 : index
        %get3A_391 = tpu.vector_load %arg13[%get3A_389, %get3A_390] {strides = array<i32>} : memref<80x128xf32, #tpu.memory_space<vmem>>, vector<1x16xf32>,
        %get3A_392 = vector.shape_cast %get3A_391 : vector<1x16xf32> to vector<16xf32>
        %mul3A_393 = arith.mulf %get3A_392, %broadcast_in_dim3A_354 : vector<16xf32>
        %swap3A_394 = arith.index_cast %add3A_358 : i32 to index
        %swap3A_395 = arith.constant 48 : index
        %swap3A_396 = tpu.vector_load %arg13[%swap3A_394, %swap3A_395] {strides = array<i32>} : memref<80x128xf32, #tpu.memory_space<vmem>>, vector<1x16xf32>,
        %swap3A_397 = vector.shape_cast %swap3A_396 : vector<1x16xf32> to vector<16xf32>
        %swap3A_398 = vector.shape_cast %mul3A_393 : vector<16xf32> to vector<1x16xf32>
        tpu.vector_store %arg13[%swap3A_394, %swap3A_395], %swap3A_398 {strides = array<i32>} : memref<80x128xf32, #tpu.memory_space<vmem>>, vector<1x16xf32>,
        %get3A_399 = arith.index_cast %add3A_358 : i32 to index
        %get3A_400 = arith.constant 64 : index
        %get3A_401 = tpu.vector_load %arg13[%get3A_399, %get3A_400] {strides = array<i32>} : memref<80x128xf32, #tpu.memory_space<vmem>>, vector<1x16xf32>,
        %get3A_402 = vector.shape_cast %get3A_401 : vector<1x16xf32> to vector<16xf32>
        %mul3A_403 = arith.mulf %get3A_402, %broadcast_in_dim3A_354 : vector<16xf32>
        %swap3A_404 = arith.index_cast %add3A_358 : i32 to index
        %swap3A_405 = arith.constant 64 : index
        %swap3A_406 = tpu.vector_load %arg13[%swap3A_404, %swap3A_405] {strides = array<i32>} : memref<80x128xf32, #tpu.memory_space<vmem>>, vector<1x16xf32>,
        %swap3A_407 = vector.shape_cast %swap3A_406 : vector<1x16xf32> to vector<16xf32>
        %swap3A_408 = vector.shape_cast %mul3A_403 : vector<16xf32> to vector<1x16xf32>
        tpu.vector_store %arg13[%swap3A_404, %swap3A_405], %swap3A_408 {strides = array<i32>} : memref<80x128xf32, #tpu.memory_space<vmem>>, vector<1x16xf32>,
        %get3A_409 = arith.index_cast %add3A_358 : i32 to index
        %get3A_410 = arith.constant 80 : index
        %get3A_411 = tpu.vector_load %arg13[%get3A_409, %get3A_410] {strides = array<i32>} : memref<80x128xf32, #tpu.memory_space<vmem>>, vector<1x16xf32>,
        %get3A_412 = vector.shape_cast %get3A_411 : vector<1x16xf32> to vector<16xf32>
        %mul3A_413 = arith.mulf %get3A_412, %broadcast_in_dim3A_354 : vector<16xf32>
        %swap3A_414 = arith.index_cast %add3A_358 : i32 to index
        %swap3A_415 = arith.constant 80 : index
        %swap3A_416 = tpu.vector_load %arg13[%swap3A_414, %swap3A_415] {strides = array<i32>} : memref<80x128xf32, #tpu.memory_space<vmem>>, vector<1x16xf32>,
        %swap3A_417 = vector.shape_cast %swap3A_416 : vector<1x16xf32> to vector<16xf32>
        %swap3A_418 = vector.shape_cast %mul3A_413 : vector<16xf32> to vector<1x16xf32>
        tpu.vector_store %arg13[%swap3A_414, %swap3A_415], %swap3A_418 {strides = array<i32>} : memref<80x128xf32, #tpu.memory_space<vmem>>, vector<1x16xf32>,
        %get3A_419 = arith.index_cast %add3A_358 : i32 to index
        %get3A_420 = arith.constant 96 : index
        %get3A_421 = tpu.vector_load %arg13[%get3A_419, %get3A_420] {strides = array<i32>} : memref<80x128xf32, #tpu.memory_space<vmem>>, vector<1x16xf32>,
        %get3A_422 = vector.shape_cast %get3A_421 : vector<1x16xf32> to vector<16xf32>
        %mul3A_423 = arith.mulf %get3A_422, %broadcast_in_dim3A_354 : vector<16xf32>
        %swap3A_424 = arith.index_cast %add3A_358 : i32 to index
        %swap3A_425 = arith.constant 96 : index
        %swap3A_426 = tpu.vector_load %arg13[%swap3A_424, %swap3A_425] {strides = array<i32>} : memref<80x128xf32, #tpu.memory_space<vmem>>, vector<1x16xf32>,
        %swap3A_427 = vector.shape_cast %swap3A_426 : vector<1x16xf32> to vector<16xf32>
        %swap3A_428 = vector.shape_cast %mul3A_423 : vector<16xf32> to vector<1x16xf32>
        tpu.vector_store %arg13[%swap3A_424, %swap3A_425], %swap3A_428 {strides = array<i32>} : memref<80x128xf32, #tpu.memory_space<vmem>>, vector<1x16xf32>,
        %get3A_429 = arith.index_cast %add3A_358 : i32 to index
        %get3A_430 = arith.constant 112 : index
        %get3A_431 = tpu.vector_load %arg13[%get3A_429, %get3A_430] {strides = array<i32>} : memref<80x128xf32, #tpu.memory_space<vmem>>, vector<1x16xf32>,
        %get3A_432 = vector.shape_cast %get3A_431 : vector<1x16xf32> to vector<16xf32>
        %mul3A_433 = arith.mulf %get3A_432, %broadcast_in_dim3A_354 : vector<16xf32>
        %swap3A_434 = arith.index_cast %add3A_358 : i32 to index
        %swap3A_435 = arith.constant 112 : index
        %swap3A_436 = tpu.vector_load %arg13[%swap3A_434, %swap3A_435] {strides = array<i32>} : memref<80x128xf32, #tpu.memory_space<vmem>>, vector<1x16xf32>,
        %swap3A_437 = vector.shape_cast %swap3A_436 : vector<1x16xf32> to vector<16xf32>
        %swap3A_438 = vector.shape_cast %mul3A_433 : vector<16xf32> to vector<1x16xf32>
        tpu.vector_store %arg13[%swap3A_434, %swap3A_435], %swap3A_438 {strides = array<i32>} : memref<80x128xf32, #tpu.memory_space<vmem>>, vector<1x16xf32>,
        %slice3A_439 = vector.extract_strided_slice %get3A_179 {offsets = [3], sizes = [1], strides = [1]} : vector<16xf32> to vector<1xf32>
        %squeeze3A_440 = vector.extract %slice3A_439[0] : f32 from vector<1xf32>
        %broadcast_in_dim3A_441 = vector.broadcast %squeeze3A_440 : f32 to vector<16xf32>
        %mul3A_442 = arith.constant 16 : i32
        %mul3A_443 = arith.muli %scan3A_171, %mul3A_442 : i32
        %add3A_444 = arith.constant 3 : i32
        %add3A_445 = arith.addi %mul3A_443, %add3A_444 : i32
        %get3A_446 = arith.index_cast %add3A_445 : i32 to index
        %get3A_447 = arith.constant 0 : index
        %get3A_448 = tpu.vector_load %arg13[%get3A_446, %get3A_447] {strides = array<i32>} : memref<80x128xf32, #tpu.memory_space<vmem>>, vector<1x16xf32>,
        %get3A_449 = vector.shape_cast %get3A_448 : vector<1x16xf32> to vector<16xf32>
        %mul3A_450 = arith.mulf %get3A_449, %broadcast_in_dim3A_441 : vector<16xf32>
        %swap3A_451 = arith.index_cast %add3A_445 : i32 to index
        %swap3A_452 = arith.constant 0 : index
        %swap3A_453 = tpu.vector_load %arg13[%swap3A_451, %swap3A_452] {strides = array<i32>} : memref<80x128xf32, #tpu.memory_space<vmem>>, vector<1x16xf32>,
        %swap3A_454 = vector.shape_cast %swap3A_453 : vector<1x16xf32> to vector<16xf32>
        %swap3A_455 = vector.shape_cast %mul3A_450 : vector<16xf32> to vector<1x16xf32>
        tpu.vector_store %arg13[%swap3A_451, %swap3A_452], %swap3A_455 {strides = array<i32>} : memref<80x128xf32, #tpu.memory_space<vmem>>, vector<1x16xf32>,
        %get3A_456 = arith.index_cast %add3A_445 : i32 to index
        %get3A_457 = arith.constant 16 : index
        %get3A_458 = tpu.vector_load %arg13[%get3A_456, %get3A_457] {strides = array<i32>} : memref<80x128xf32, #tpu.memory_space<vmem>>, vector<1x16xf32>,
        %get3A_459 = vector.shape_cast %get3A_458 : vector<1x16xf32> to vector<16xf32>
        %mul3A_460 = arith.mulf %get3A_459, %broadcast_in_dim3A_441 : vector<16xf32>
        %swap3A_461 = arith.index_cast %add3A_445 : i32 to index
        %swap3A_462 = arith.constant 16 : index
        %swap3A_463 = tpu.vector_load %arg13[%swap3A_461, %swap3A_462] {strides = array<i32>} : memref<80x128xf32, #tpu.memory_space<vmem>>, vector<1x16xf32>,
        %swap3A_464 = vector.shape_cast %swap3A_463 : vector<1x16xf32> to vector<16xf32>
        %swap3A_465 = vector.shape_cast %mul3A_460 : vector<16xf32> to vector<1x16xf32>
        tpu.vector_store %arg13[%swap3A_461, %swap3A_462], %swap3A_465 {strides = array<i32>} : memref<80x128xf32, #tpu.memory_space<vmem>>, vector<1x16xf32>,
        %get3A_466 = arith.index_cast %add3A_445 : i32 to index
        %get3A_467 = arith.constant 32 : index
        %get3A_468 = tpu.vector_load %arg13[%get3A_466, %get3A_467] {strides = array<i32>} : memref<80x128xf32, #tpu.memory_space<vmem>>, vector<1x16xf32>,
        %get3A_469 = vector.shape_cast %get3A_468 : vector<1x16xf32> to vector<16xf32>
        %mul3A_470 = arith.mulf %get3A_469, %broadcast_in_dim3A_441 : vector<16xf32>
        %swap3A_471 = arith.index_cast %add3A_445 : i32 to index
        %swap3A_472 = arith.constant 32 : index
        %swap3A_473 = tpu.vector_load %arg13[%swap3A_471, %swap3A_472] {strides = array<i32>} : memref<80x128xf32, #tpu.memory_space<vmem>>, vector<1x16xf32>,
        %swap3A_474 = vector.shape_cast %swap3A_473 : vector<1x16xf32> to vector<16xf32>
        %swap3A_475 = vector.shape_cast %mul3A_470 : vector<16xf32> to vector<1x16xf32>
        tpu.vector_store %arg13[%swap3A_471, %swap3A_472], %swap3A_475 {strides = array<i32>} : memref<80x128xf32, #tpu.memory_space<vmem>>, vector<1x16xf32>,
        %get3A_476 = arith.index_cast %add3A_445 : i32 to index
        %get3A_477 = arith.constant 48 : index
        %get3A_478 = tpu.vector_load %arg13[%get3A_476, %get3A_477] {strides = array<i32>} : memref<80x128xf32, #tpu.memory_space<vmem>>, vector<1x16xf32>,
        %get3A_479 = vector.shape_cast %get3A_478 : vector<1x16xf32> to vector<16xf32>
        %mul3A_480 = arith.mulf %get3A_479, %broadcast_in_dim3A_441 : vector<16xf32>
        %swap3A_481 = arith.index_cast %add3A_445 : i32 to index
        %swap3A_482 = arith.constant 48 : index
        %swap3A_483 = tpu.vector_load %arg13[%swap3A_481, %swap3A_482] {strides = array<i32>} : memref<80x128xf32, #tpu.memory_space<vmem>>, vector<1x16xf32>,
        %swap3A_484 = vector.shape_cast %swap3A_483 : vector<1x16xf32> to vector<16xf32>
        %swap3A_485 = vector.shape_cast %mul3A_480 : vector<16xf32> to vector<1x16xf32>
        tpu.vector_store %arg13[%swap3A_481, %swap3A_482], %swap3A_485 {strides = array<i32>} : memref<80x128xf32, #tpu.memory_space<vmem>>, vector<1x16xf32>,
        %get3A_486 = arith.index_cast %add3A_445 : i32 to index
        %get3A_487 = arith.constant 64 : index
        %get3A_488 = tpu.vector_load %arg13[%get3A_486, %get3A_487] {strides = array<i32>} : memref<80x128xf32, #tpu.memory_space<vmem>>, vector<1x16xf32>,
        %get3A_489 = vector.shape_cast %get3A_488 : vector<1x16xf32> to vector<16xf32>
        %mul3A_490 = arith.mulf %get3A_489, %broadcast_in_dim3A_441 : vector<16xf32>
        %swap3A_491 = arith.index_cast %add3A_445 : i32 to index
        %swap3A_492 = arith.constant 64 : index
        %swap3A_493 = tpu.vector_load %arg13[%swap3A_491, %swap3A_492] {strides = array<i32>} : memref<80x128xf32, #tpu.memory_space<vmem>>, vector<1x16xf32>,
        %swap3A_494 = vector.shape_cast %swap3A_493 : vector<1x16xf32> to vector<16xf32>
        %swap3A_495 = vector.shape_cast %mul3A_490 : vector<16xf32> to vector<1x16xf32>
        tpu.vector_store %arg13[%swap3A_491, %swap3A_492], %swap3A_495 {strides = array<i32>} : memref<80x128xf32, #tpu.memory_space<vmem>>, vector<1x16xf32>,
        %get3A_496 = arith.index_cast %add3A_445 : i32 to index
        %get3A_497 = arith.constant 80 : index
        %get3A_498 = tpu.vector_load %arg13[%get3A_496, %get3A_497] {strides = array<i32>} : memref<80x128xf32, #tpu.memory_space<vmem>>, vector<1x16xf32>,
        %get3A_499 = vector.shape_cast %get3A_498 : vector<1x16xf32> to vector<16xf32>
        %mul3A_500 = arith.mulf %get3A_499, %broadcast_in_dim3A_441 : vector<16xf32>
        %swap3A_501 = arith.index_cast %add3A_445 : i32 to index
        %swap3A_502 = arith.constant 80 : index
        %swap3A_503 = tpu.vector_load %arg13[%swap3A_501, %swap3A_502] {strides = array<i32>} : memref<80x128xf32, #tpu.memory_space<vmem>>, vector<1x16xf32>,
        %swap3A_504 = vector.shape_cast %swap3A_503 : vector<1x16xf32> to vector<16xf32>
        %swap3A_505 = vector.shape_cast %mul3A_500 : vector<16xf32> to vector<1x16xf32>
        tpu.vector_store %arg13[%swap3A_501, %swap3A_502], %swap3A_505 {strides = array<i32>} : memref<80x128xf32, #tpu.memory_space<vmem>>, vector<1x16xf32>,
        %get3A_506 = arith.index_cast %add3A_445 : i32 to index
        %get3A_507 = arith.constant 96 : index
        %get3A_508 = tpu.vector_load %arg13[%get3A_506, %get3A_507] {strides = array<i32>} : memref<80x128xf32, #tpu.memory_space<vmem>>, vector<1x16xf32>,
        %get3A_509 = vector.shape_cast %get3A_508 : vector<1x16xf32> to vector<16xf32>
        %mul3A_510 = arith.mulf %get3A_509, %broadcast_in_dim3A_441 : vector<16xf32>
        %swap3A_511 = arith.index_cast %add3A_445 : i32 to index
        %swap3A_512 = arith.constant 96 : index
        %swap3A_513 = tpu.vector_load %arg13[%swap3A_511, %swap3A_512] {strides = array<i32>} : memref<80x128xf32, #tpu.memory_space<vmem>>, vector<1x16xf32>,
        %swap3A_514 = vector.shape_cast %swap3A_513 : vector<1x16xf32> to vector<16xf32>
        %swap3A_515 = vector.shape_cast %mul3A_510 : vector<16xf32> to vector<1x16xf32>
        tpu.vector_store %arg13[%swap3A_511, %swap3A_512], %swap3A_515 {strides = array<i32>} : memref<80x128xf32, #tpu.memory_space<vmem>>, vector<1x16xf32>,
        %get3A_516 = arith.index_cast %add3A_445 : i32 to index
        %get3A_517 = arith.constant 112 : index
        %get3A_518 = tpu.vector_load %arg13[%get3A_516, %get3A_517] {strides = array<i32>} : memref<80x128xf32, #tpu.memory_space<vmem>>, vector<1x16xf32>,
        %get3A_519 = vector.shape_cast %get3A_518 : vector<1x16xf32> to vector<16xf32>
        %mul3A_520 = arith.mulf %get3A_519, %broadcast_in_dim3A_441 : vector<16xf32>
        %swap3A_521 = arith.index_cast %add3A_445 : i32 to index
        %swap3A_522 = arith.constant 112 : index
        %swap3A_523 = tpu.vector_load %arg13[%swap3A_521, %swap3A_522] {strides = array<i32>} : memref<80x128xf32, #tpu.memory_space<vmem>>, vector<1x16xf32>,
        %swap3A_524 = vector.shape_cast %swap3A_523 : vector<1x16xf32> to vector<16xf32>
        %swap3A_525 = vector.shape_cast %mul3A_520 : vector<16xf32> to vector<1x16xf32>
        tpu.vector_store %arg13[%swap3A_521, %swap3A_522], %swap3A_525 {strides = array<i32>} : memref<80x128xf32, #tpu.memory_space<vmem>>, vector<1x16xf32>,
        %slice3A_526 = vector.extract_strided_slice %get3A_179 {offsets = [4], sizes = [1], strides = [1]} : vector<16xf32> to vector<1xf32>
        %squeeze3A_527 = vector.extract %slice3A_526[0] : f32 from vector<1xf32>
        %broadcast_in_dim3A_528 = vector.broadcast %squeeze3A_527 : f32 to vector<16xf32>
        %mul3A_529 = arith.constant 16 : i32
        %mul3A_530 = arith.muli %scan3A_171, %mul3A_529 : i32
        %add3A_531 = arith.constant 4 : i32
        %add3A_532 = arith.addi %mul3A_530, %add3A_531 : i32
        %get3A_533 = arith.index_cast %add3A_532 : i32 to index
        %get3A_534 = arith.constant 0 : index
        %get3A_535 = tpu.vector_load %arg13[%get3A_533, %get3A_534] {strides = array<i32>} : memref<80x128xf32, #tpu.memory_space<vmem>>, vector<1x16xf32>,
        %get3A_536 = vector.shape_cast %get3A_535 : vector<1x16xf32> to vector<16xf32>
        %mul3A_537 = arith.mulf %get3A_536, %broadcast_in_dim3A_528 : vector<16xf32>
        %swap3A_538 = arith.index_cast %add3A_532 : i32 to index
        %swap3A_539 = arith.constant 0 : index
        %swap3A_540 = tpu.vector_load %arg13[%swap3A_538, %swap3A_539] {strides = array<i32>} : memref<80x128xf32, #tpu.memory_space<vmem>>, vector<1x16xf32>,
        %swap3A_541 = vector.shape_cast %swap3A_540 : vector<1x16xf32> to vector<16xf32>
        %swap3A_542 = vector.shape_cast %mul3A_537 : vector<16xf32> to vector<1x16xf32>
        tpu.vector_store %arg13[%swap3A_538, %swap3A_539], %swap3A_542 {strides = array<i32>} : memref<80x128xf32, #tpu.memory_space<vmem>>, vector<1x16xf32>,
        %get3A_543 = arith.index_cast %add3A_532 : i32 to index
        %get3A_544 = arith.constant 16 : index
        %get3A_545 = tpu.vector_load %arg13[%get3A_543, %get3A_544] {strides = array<i32>} : memref<80x128xf32, #tpu.memory_space<vmem>>, vector<1x16xf32>,
        %get3A_546 = vector.shape_cast %get3A_545 : vector<1x16xf32> to vector<16xf32>
        %mul3A_547 = arith.mulf %get3A_546, %broadcast_in_dim3A_528 : vector<16xf32>
        %swap3A_548 = arith.index_cast %add3A_532 : i32 to index
        %swap3A_549 = arith.constant 16 : index
        %swap3A_550 = tpu.vector_load %arg13[%swap3A_548, %swap3A_549] {strides = array<i32>} : memref<80x128xf32, #tpu.memory_space<vmem>>, vector<1x16xf32>,
        %swap3A_551 = vector.shape_cast %swap3A_550 : vector<1x16xf32> to vector<16xf32>
        %swap3A_552 = vector.shape_cast %mul3A_547 : vector<16xf32> to vector<1x16xf32>
        tpu.vector_store %arg13[%swap3A_548, %swap3A_549], %swap3A_552 {strides = array<i32>} : memref<80x128xf32, #tpu.memory_space<vmem>>, vector<1x16xf32>,
        %get3A_553 = arith.index_cast %add3A_532 : i32 to index
        %get3A_554 = arith.constant 32 : index
        %get3A_555 = tpu.vector_load %arg13[%get3A_553, %get3A_554] {strides = array<i32>} : memref<80x128xf32, #tpu.memory_space<vmem>>, vector<1x16xf32>,
        %get3A_556 = vector.shape_cast %get3A_555 : vector<1x16xf32> to vector<16xf32>
        %mul3A_557 = arith.mulf %get3A_556, %broadcast_in_dim3A_528 : vector<16xf32>
        %swap3A_558 = arith.index_cast %add3A_532 : i32 to index
        %swap3A_559 = arith.constant 32 : index
        %swap3A_560 = tpu.vector_load %arg13[%swap3A_558, %swap3A_559] {strides = array<i32>} : memref<80x128xf32, #tpu.memory_space<vmem>>, vector<1x16xf32>,
        %swap3A_561 = vector.shape_cast %swap3A_560 : vector<1x16xf32> to vector<16xf32>
        %swap3A_562 = vector.shape_cast %mul3A_557 : vector<16xf32> to vector<1x16xf32>
        tpu.vector_store %arg13[%swap3A_558, %swap3A_559], %swap3A_562 {strides = array<i32>} : memref<80x128xf32, #tpu.memory_space<vmem>>, vector<1x16xf32>,
        %get3A_563 = arith.index_cast %add3A_532 : i32 to index
        %get3A_564 = arith.constant 48 : index
        %get3A_565 = tpu.vector_load %arg13[%get3A_563, %get3A_564] {strides = array<i32>} : memref<80x128xf32, #tpu.memory_space<vmem>>, vector<1x16xf32>,
        %get3A_566 = vector.shape_cast %get3A_565 : vector<1x16xf32> to vector<16xf32>
        %mul3A_567 = arith.mulf %get3A_566, %broadcast_in_dim3A_528 : vector<16xf32>
        %swap3A_568 = arith.index_cast %add3A_532 : i32 to index
        %swap3A_569 = arith.constant 48 : index
        %swap3A_570 = tpu.vector_load %arg13[%swap3A_568, %swap3A_569] {strides = array<i32>} : memref<80x128xf32, #tpu.memory_space<vmem>>, vector<1x16xf32>,
        %swap3A_571 = vector.shape_cast %swap3A_570 : vector<1x16xf32> to vector<16xf32>
        %swap3A_572 = vector.shape_cast %mul3A_567 : vector<16xf32> to vector<1x16xf32>
        tpu.vector_store %arg13[%swap3A_568, %swap3A_569], %swap3A_572 {strides = array<i32>} : memref<80x128xf32, #tpu.memory_space<vmem>>, vector<1x16xf32>,
        %get3A_573 = arith.index_cast %add3A_532 : i32 to index
        %get3A_574 = arith.constant 64 : index
        %get3A_575 = tpu.vector_load %arg13[%get3A_573, %get3A_574] {strides = array<i32>} : memref<80x128xf32, #tpu.memory_space<vmem>>, vector<1x16xf32>,
        %get3A_576 = vector.shape_cast %get3A_575 : vector<1x16xf32> to vector<16xf32>
        %mul3A_577 = arith.mulf %get3A_576, %broadcast_in_dim3A_528 : vector<16xf32>
        %swap3A_578 = arith.index_cast %add3A_532 : i32 to index
        %swap3A_579 = arith.constant 64 : index
        %swap3A_580 = tpu.vector_load %arg13[%swap3A_578, %swap3A_579] {strides = array<i32>} : memref<80x128xf32, #tpu.memory_space<vmem>>, vector<1x16xf32>,
        %swap3A_581 = vector.shape_cast %swap3A_580 : vector<1x16xf32> to vector<16xf32>
        %swap3A_582 = vector.shape_cast %mul3A_577 : vector<16xf32> to vector<1x16xf32>
        tpu.vector_store %arg13[%swap3A_578, %swap3A_579], %swap3A_582 {strides = array<i32>} : memref<80x128xf32, #tpu.memory_space<vmem>>, vector<1x16xf32>,
        %get3A_583 = arith.index_cast %add3A_532 : i32 to index
        %get3A_584 = arith.constant 80 : index
        %get3A_585 = tpu.vector_load %arg13[%get3A_583, %get3A_584] {strides = array<i32>} : memref<80x128xf32, #tpu.memory_space<vmem>>, vector<1x16xf32>,
        %get3A_586 = vector.shape_cast %get3A_585 : vector<1x16xf32> to vector<16xf32>
        %mul3A_587 = arith.mulf %get3A_586, %broadcast_in_dim3A_528 : vector<16xf32>
        %swap3A_588 = arith.index_cast %add3A_532 : i32 to index
        %swap3A_589 = arith.constant 80 : index
        %swap3A_590 = tpu.vector_load %arg13[%swap3A_588, %swap3A_589] {strides = array<i32>} : memref<80x128xf32, #tpu.memory_space<vmem>>, vector<1x16xf32>,
        %swap3A_591 = vector.shape_cast %swap3A_590 : vector<1x16xf32> to vector<16xf32>
        %swap3A_592 = vector.shape_cast %mul3A_587 : vector<16xf32> to vector<1x16xf32>
        tpu.vector_store %arg13[%swap3A_588, %swap3A_589], %swap3A_592 {strides = array<i32>} : memref<80x128xf32, #tpu.memory_space<vmem>>, vector<1x16xf32>,
        %get3A_593 = arith.index_cast %add3A_532 : i32 to index
        %get3A_594 = arith.constant 96 : index
        %get3A_595 = tpu.vector_load %arg13[%get3A_593, %get3A_594] {strides = array<i32>} : memref<80x128xf32, #tpu.memory_space<vmem>>, vector<1x16xf32>,
        %get3A_596 = vector.shape_cast %get3A_595 : vector<1x16xf32> to vector<16xf32>
        %mul3A_597 = arith.mulf %get3A_596, %broadcast_in_dim3A_528 : vector<16xf32>
        %swap3A_598 = arith.index_cast %add3A_532 : i32 to index
        %swap3A_599 = arith.constant 96 : index
        %swap3A_600 = tpu.vector_load %arg13[%swap3A_598, %swap3A_599] {strides = array<i32>} : memref<80x128xf32, #tpu.memory_space<vmem>>, vector<1x16xf32>,
        %swap3A_601 = vector.shape_cast %swap3A_600 : vector<1x16xf32> to vector<16xf32>
        %swap3A_602 = vector.shape_cast %mul3A_597 : vector<16xf32> to vector<1x16xf32>
        tpu.vector_store %arg13[%swap3A_598, %swap3A_599], %swap3A_602 {strides = array<i32>} : memref<80x128xf32, #tpu.memory_space<vmem>>, vector<1x16xf32>,
        %get3A_603 = arith.index_cast %add3A_532 : i32 to index
        %get3A_604 = arith.constant 112 : index
        %get3A_605 = tpu.vector_load %arg13[%get3A_603, %get3A_604] {strides = array<i32>} : memref<80x128xf32, #tpu.memory_space<vmem>>, vector<1x16xf32>,
        %get3A_606 = vector.shape_cast %get3A_605 : vector<1x16xf32> to vector<16xf32>
        %mul3A_607 = arith.mulf %get3A_606, %broadcast_in_dim3A_528 : vector<16xf32>
        %swap3A_608 = arith.index_cast %add3A_532 : i32 to index
        %swap3A_609 = arith.constant 112 : index
        %swap3A_610 = tpu.vector_load %arg13[%swap3A_608, %swap3A_609] {strides = array<i32>} : memref<80x128xf32, #tpu.memory_space<vmem>>, vector<1x16xf32>,
        %swap3A_611 = vector.shape_cast %swap3A_610 : vector<1x16xf32> to vector<16xf32>
        %swap3A_612 = vector.shape_cast %mul3A_607 : vector<16xf32> to vector<1x16xf32>
        tpu.vector_store %arg13[%swap3A_608, %swap3A_609], %swap3A_612 {strides = array<i32>} : memref<80x128xf32, #tpu.memory_space<vmem>>, vector<1x16xf32>,
        %slice3A_613 = vector.extract_strided_slice %get3A_179 {offsets = [5], sizes = [1], strides = [1]} : vector<16xf32> to vector<1xf32>
        %squeeze3A_614 = vector.extract %slice3A_613[0] : f32 from vector<1xf32>
        %broadcast_in_dim3A_615 = vector.broadcast %squeeze3A_614 : f32 to vector<16xf32>
        %mul3A_616 = arith.constant 16 : i32
        %mul3A_617 = arith.muli %scan3A_171, %mul3A_616 : i32
        %add3A_618 = arith.constant 5 : i32
        %add3A_619 = arith.addi %mul3A_617, %add3A_618 : i32
        %get3A_620 = arith.index_cast %add3A_619 : i32 to index
        %get3A_621 = arith.constant 0 : index
        %get3A_622 = tpu.vector_load %arg13[%get3A_620, %get3A_621] {strides = array<i32>} : memref<80x128xf32, #tpu.memory_space<vmem>>, vector<1x16xf32>,
        %get3A_623 = vector.shape_cast %get3A_622 : vector<1x16xf32> to vector<16xf32>
        %mul3A_624 = arith.mulf %get3A_623, %broadcast_in_dim3A_615 : vector<16xf32>
        %swap3A_625 = arith.index_cast %add3A_619 : i32 to index
        %swap3A_626 = arith.constant 0 : index
        %swap3A_627 = tpu.vector_load %arg13[%swap3A_625, %swap3A_626] {strides = array<i32>} : memref<80x128xf32, #tpu.memory_space<vmem>>, vector<1x16xf32>,
        %swap3A_628 = vector.shape_cast %swap3A_627 : vector<1x16xf32> to vector<16xf32>
        %swap3A_629 = vector.shape_cast %mul3A_624 : vector<16xf32> to vector<1x16xf32>
        tpu.vector_store %arg13[%swap3A_625, %swap3A_626], %swap3A_629 {strides = array<i32>} : memref<80x128xf32, #tpu.memory_space<vmem>>, vector<1x16xf32>,
        %get3A_630 = arith.index_cast %add3A_619 : i32 to index
        %get3A_631 = arith.constant 16 : index
        %get3A_632 = tpu.vector_load %arg13[%get3A_630, %get3A_631] {strides = array<i32>} : memref<80x128xf32, #tpu.memory_space<vmem>>, vector<1x16xf32>,
        %get3A_633 = vector.shape_cast %get3A_632 : vector<1x16xf32> to vector<16xf32>
        %mul3A_634 = arith.mulf %get3A_633, %broadcast_in_dim3A_615 : vector<16xf32>
        %swap3A_635 = arith.index_cast %add3A_619 : i32 to index
        %swap3A_636 = arith.constant 16 : index
        %swap3A_637 = tpu.vector_load %arg13[%swap3A_635, %swap3A_636] {strides = array<i32>} : memref<80x128xf32, #tpu.memory_space<vmem>>, vector<1x16xf32>,
        %swap3A_638 = vector.shape_cast %swap3A_637 : vector<1x16xf32> to vector<16xf32>
        %swap3A_639 = vector.shape_cast %mul3A_634 : vector<16xf32> to vector<1x16xf32>
        tpu.vector_store %arg13[%swap3A_635, %swap3A_636], %swap3A_639 {strides = array<i32>} : memref<80x128xf32, #tpu.memory_space<vmem>>, vector<1x16xf32>,
        %get3A_640 = arith.index_cast %add3A_619 : i32 to index
        %get3A_641 = arith.constant 32 : index
        %get3A_642 = tpu.vector_load %arg13[%get3A_640, %get3A_641] {strides = array<i32>} : memref<80x128xf32, #tpu.memory_space<vmem>>, vector<1x16xf32>,
        %get3A_643 = vector.shape_cast %get3A_642 : vector<1x16xf32> to vector<16xf32>
        %mul3A_644 = arith.mulf %get3A_643, %broadcast_in_dim3A_615 : vector<16xf32>
        %swap3A_645 = arith.index_cast %add3A_619 : i32 to index
        %swap3A_646 = arith.constant 32 : index
        %swap3A_647 = tpu.vector_load %arg13[%swap3A_645, %swap3A_646] {strides = array<i32>} : memref<80x128xf32, #tpu.memory_space<vmem>>, vector<1x16xf32>,
        %swap3A_648 = vector.shape_cast %swap3A_647 : vector<1x16xf32> to vector<16xf32>
        %swap3A_649 = vector.shape_cast %mul3A_644 : vector<16xf32> to vector<1x16xf32>
        tpu.vector_store %arg13[%swap3A_645, %swap3A_646], %swap3A_649 {strides = array<i32>} : memref<80x128xf32, #tpu.memory_space<vmem>>, vector<1x16xf32>,
        %get3A_650 = arith.index_cast %add3A_619 : i32 to index
        %get3A_651 = arith.constant 48 : index
        %get3A_652 = tpu.vector_load %arg13[%get3A_650, %get3A_651] {strides = array<i32>} : memref<80x128xf32, #tpu.memory_space<vmem>>, vector<1x16xf32>,
        %get3A_653 = vector.shape_cast %get3A_652 : vector<1x16xf32> to vector<16xf32>
        %mul3A_654 = arith.mulf %get3A_653, %broadcast_in_dim3A_615 : vector<16xf32>
        %swap3A_655 = arith.index_cast %add3A_619 : i32 to index
        %swap3A_656 = arith.constant 48 : index
        %swap3A_657 = tpu.vector_load %arg13[%swap3A_655, %swap3A_656] {strides = array<i32>} : memref<80x128xf32, #tpu.memory_space<vmem>>, vector<1x16xf32>,
        %swap3A_658 = vector.shape_cast %swap3A_657 : vector<1x16xf32> to vector<16xf32>
        %swap3A_659 = vector.shape_cast %mul3A_654 : vector<16xf32> to vector<1x16xf32>
        tpu.vector_store %arg13[%swap3A_655, %swap3A_656], %swap3A_659 {strides = array<i32>} : memref<80x128xf32, #tpu.memory_space<vmem>>, vector<1x16xf32>,
        %get3A_660 = arith.index_cast %add3A_619 : i32 to index
        %get3A_661 = arith.constant 64 : index
        %get3A_662 = tpu.vector_load %arg13[%get3A_660, %get3A_661] {strides = array<i32>} : memref<80x128xf32, #tpu.memory_space<vmem>>, vector<1x16xf32>,
        %get3A_663 = vector.shape_cast %get3A_662 : vector<1x16xf32> to vector<16xf32>
        %mul3A_664 = arith.mulf %get3A_663, %broadcast_in_dim3A_615 : vector<16xf32>
        %swap3A_665 = arith.index_cast %add3A_619 : i32 to index
        %swap3A_666 = arith.constant 64 : index
        %swap3A_667 = tpu.vector_load %arg13[%swap3A_665, %swap3A_666] {strides = array<i32>} : memref<80x128xf32, #tpu.memory_space<vmem>>, vector<1x16xf32>,
        %swap3A_668 = vector.shape_cast %swap3A_667 : vector<1x16xf32> to vector<16xf32>
        %swap3A_669 = vector.shape_cast %mul3A_664 : vector<16xf32> to vector<1x16xf32>
        tpu.vector_store %arg13[%swap3A_665, %swap3A_666], %swap3A_669 {strides = array<i32>} : memref<80x128xf32, #tpu.memory_space<vmem>>, vector<1x16xf32>,
        %get3A_670 = arith.index_cast %add3A_619 : i32 to index
        %get3A_671 = arith.constant 80 : index
        %get3A_672 = tpu.vector_load %arg13[%get3A_670, %get3A_671] {strides = array<i32>} : memref<80x128xf32, #tpu.memory_space<vmem>>, vector<1x16xf32>,
        %get3A_673 = vector.shape_cast %get3A_672 : vector<1x16xf32> to vector<16xf32>
        %mul3A_674 = arith.mulf %get3A_673, %broadcast_in_dim3A_615 : vector<16xf32>
        %swap3A_675 = arith.index_cast %add3A_619 : i32 to index
        %swap3A_676 = arith.constant 80 : index
        %swap3A_677 = tpu.vector_load %arg13[%swap3A_675, %swap3A_676] {strides = array<i32>} : memref<80x128xf32, #tpu.memory_space<vmem>>, vector<1x16xf32>,
        %swap3A_678 = vector.shape_cast %swap3A_677 : vector<1x16xf32> to vector<16xf32>
        %swap3A_679 = vector.shape_cast %mul3A_674 : vector<16xf32> to vector<1x16xf32>
        tpu.vector_store %arg13[%swap3A_675, %swap3A_676], %swap3A_679 {strides = array<i32>} : memref<80x128xf32, #tpu.memory_space<vmem>>, vector<1x16xf32>,
        %get3A_680 = arith.index_cast %add3A_619 : i32 to index
        %get3A_681 = arith.constant 96 : index
        %get3A_682 = tpu.vector_load %arg13[%get3A_680, %get3A_681] {strides = array<i32>} : memref<80x128xf32, #tpu.memory_space<vmem>>, vector<1x16xf32>,
        %get3A_683 = vector.shape_cast %get3A_682 : vector<1x16xf32> to vector<16xf32>
        %mul3A_684 = arith.mulf %get3A_683, %broadcast_in_dim3A_615 : vector<16xf32>
        %swap3A_685 = arith.index_cast %add3A_619 : i32 to index
        %swap3A_686 = arith.constant 96 : index
        %swap3A_687 = tpu.vector_load %arg13[%swap3A_685, %swap3A_686] {strides = array<i32>} : memref<80x128xf32, #tpu.memory_space<vmem>>, vector<1x16xf32>,
        %swap3A_688 = vector.shape_cast %swap3A_687 : vector<1x16xf32> to vector<16xf32>
        %swap3A_689 = vector.shape_cast %mul3A_684 : vector<16xf32> to vector<1x16xf32>
        tpu.vector_store %arg13[%swap3A_685, %swap3A_686], %swap3A_689 {strides = array<i32>} : memref<80x128xf32, #tpu.memory_space<vmem>>, vector<1x16xf32>,
        %get3A_690 = arith.index_cast %add3A_619 : i32 to index
        %get3A_691 = arith.constant 112 : index
        %get3A_692 = tpu.vector_load %arg13[%get3A_690, %get3A_691] {strides = array<i32>} : memref<80x128xf32, #tpu.memory_space<vmem>>, vector<1x16xf32>,
        %get3A_693 = vector.shape_cast %get3A_692 : vector<1x16xf32> to vector<16xf32>
        %mul3A_694 = arith.mulf %get3A_693, %broadcast_in_dim3A_615 : vector<16xf32>
        %swap3A_695 = arith.index_cast %add3A_619 : i32 to index
        %swap3A_696 = arith.constant 112 : index
        %swap3A_697 = tpu.vector_load %arg13[%swap3A_695, %swap3A_696] {strides = array<i32>} : memref<80x128xf32, #tpu.memory_space<vmem>>, vector<1x16xf32>,
        %swap3A_698 = vector.shape_cast %swap3A_697 : vector<1x16xf32> to vector<16xf32>
        %swap3A_699 = vector.shape_cast %mul3A_694 : vector<16xf32> to vector<1x16xf32>
        tpu.vector_store %arg13[%swap3A_695, %swap3A_696], %swap3A_699 {strides = array<i32>} : memref<80x128xf32, #tpu.memory_space<vmem>>, vector<1x16xf32>,
        %slice3A_700 = vector.extract_strided_slice %get3A_179 {offsets = [6], sizes = [1], strides = [1]} : vector<16xf32> to vector<1xf32>
        %squeeze3A_701 = vector.extract %slice3A_700[0] : f32 from vector<1xf32>
        %broadcast_in_dim3A_702 = vector.broadcast %squeeze3A_701 : f32 to vector<16xf32>
        %mul3A_703 = arith.constant 16 : i32
        %mul3A_704 = arith.muli %scan3A_171, %mul3A_703 : i32
        %add3A_705 = arith.constant 6 : i32
        %add3A_706 = arith.addi %mul3A_704, %add3A_705 : i32
        %get3A_707 = arith.index_cast %add3A_706 : i32 to index
        %get3A_708 = arith.constant 0 : index
        %get3A_709 = tpu.vector_load %arg13[%get3A_707, %get3A_708] {strides = array<i32>} : memref<80x128xf32, #tpu.memory_space<vmem>>, vector<1x16xf32>,
        %get3A_710 = vector.shape_cast %get3A_709 : vector<1x16xf32> to vector<16xf32>
        %mul3A_711 = arith.mulf %get3A_710, %broadcast_in_dim3A_702 : vector<16xf32>
        %swap3A_712 = arith.index_cast %add3A_706 : i32 to index
        %swap3A_713 = arith.constant 0 : index
        %swap3A_714 = tpu.vector_load %arg13[%swap3A_712, %swap3A_713] {strides = array<i32>} : memref<80x128xf32, #tpu.memory_space<vmem>>, vector<1x16xf32>,
        %swap3A_715 = vector.shape_cast %swap3A_714 : vector<1x16xf32> to vector<16xf32>
        %swap3A_716 = vector.shape_cast %mul3A_711 : vector<16xf32> to vector<1x16xf32>
        tpu.vector_store %arg13[%swap3A_712, %swap3A_713], %swap3A_716 {strides = array<i32>} : memref<80x128xf32, #tpu.memory_space<vmem>>, vector<1x16xf32>,
        %get3A_717 = arith.index_cast %add3A_706 : i32 to index
        %get3A_718 = arith.constant 16 : index
        %get3A_719 = tpu.vector_load %arg13[%get3A_717, %get3A_718] {strides = array<i32>} : memref<80x128xf32, #tpu.memory_space<vmem>>, vector<1x16xf32>,
        %get3A_720 = vector.shape_cast %get3A_719 : vector<1x16xf32> to vector<16xf32>
        %mul3A_721 = arith.mulf %get3A_720, %broadcast_in_dim3A_702 : vector<16xf32>
        %swap3A_722 = arith.index_cast %add3A_706 : i32 to index
        %swap3A_723 = arith.constant 16 : index
        %swap3A_724 = tpu.vector_load %arg13[%swap3A_722, %swap3A_723] {strides = array<i32>} : memref<80x128xf32, #tpu.memory_space<vmem>>, vector<1x16xf32>,
        %swap3A_725 = vector.shape_cast %swap3A_724 : vector<1x16xf32> to vector<16xf32>
        %swap3A_726 = vector.shape_cast %mul3A_721 : vector<16xf32> to vector<1x16xf32>
        tpu.vector_store %arg13[%swap3A_722, %swap3A_723], %swap3A_726 {strides = array<i32>} : memref<80x128xf32, #tpu.memory_space<vmem>>, vector<1x16xf32>,
        %get3A_727 = arith.index_cast %add3A_706 : i32 to index
        %get3A_728 = arith.constant 32 : index
        %get3A_729 = tpu.vector_load %arg13[%get3A_727, %get3A_728] {strides = array<i32>} : memref<80x128xf32, #tpu.memory_space<vmem>>, vector<1x16xf32>,
        %get3A_730 = vector.shape_cast %get3A_729 : vector<1x16xf32> to vector<16xf32>
        %mul3A_731 = arith.mulf %get3A_730, %broadcast_in_dim3A_702 : vector<16xf32>
        %swap3A_732 = arith.index_cast %add3A_706 : i32 to index
        %swap3A_733 = arith.constant 32 : index
        %swap3A_734 = tpu.vector_load %arg13[%swap3A_732, %swap3A_733] {strides = array<i32>} : memref<80x128xf32, #tpu.memory_space<vmem>>, vector<1x16xf32>,
        %swap3A_735 = vector.shape_cast %swap3A_734 : vector<1x16xf32> to vector<16xf32>
        %swap3A_736 = vector.shape_cast %mul3A_731 : vector<16xf32> to vector<1x16xf32>
        tpu.vector_store %arg13[%swap3A_732, %swap3A_733], %swap3A_736 {strides = array<i32>} : memref<80x128xf32, #tpu.memory_space<vmem>>, vector<1x16xf32>,
        %get3A_737 = arith.index_cast %add3A_706 : i32 to index
        %get3A_738 = arith.constant 48 : index
        %get3A_739 = tpu.vector_load %arg13[%get3A_737, %get3A_738] {strides = array<i32>} : memref<80x128xf32, #tpu.memory_space<vmem>>, vector<1x16xf32>,
        %get3A_740 = vector.shape_cast %get3A_739 : vector<1x16xf32> to vector<16xf32>
        %mul3A_741 = arith.mulf %get3A_740, %broadcast_in_dim3A_702 : vector<16xf32>
        %swap3A_742 = arith.index_cast %add3A_706 : i32 to index
        %swap3A_743 = arith.constant 48 : index
        %swap3A_744 = tpu.vector_load %arg13[%swap3A_742, %swap3A_743] {strides = array<i32>} : memref<80x128xf32, #tpu.memory_space<vmem>>, vector<1x16xf32>,
        %swap3A_745 = vector.shape_cast %swap3A_744 : vector<1x16xf32> to vector<16xf32>
        %swap3A_746 = vector.shape_cast %mul3A_741 : vector<16xf32> to vector<1x16xf32>
        tpu.vector_store %arg13[%swap3A_742, %swap3A_743], %swap3A_746 {strides = array<i32>} : memref<80x128xf32, #tpu.memory_space<vmem>>, vector<1x16xf32>,
        %get3A_747 = arith.index_cast %add3A_706 : i32 to index
        %get3A_748 = arith.constant 64 : index
        %get3A_749 = tpu.vector_load %arg13[%get3A_747, %get3A_748] {strides = array<i32>} : memref<80x128xf32, #tpu.memory_space<vmem>>, vector<1x16xf32>,
        %get3A_750 = vector.shape_cast %get3A_749 : vector<1x16xf32> to vector<16xf32>
        %mul3A_751 = arith.mulf %get3A_750, %broadcast_in_dim3A_702 : vector<16xf32>
        %swap3A_752 = arith.index_cast %add3A_706 : i32 to index
        %swap3A_753 = arith.constant 64 : index
        %swap3A_754 = tpu.vector_load %arg13[%swap3A_752, %swap3A_753] {strides = array<i32>} : memref<80x128xf32, #tpu.memory_space<vmem>>, vector<1x16xf32>,
        %swap3A_755 = vector.shape_cast %swap3A_754 : vector<1x16xf32> to vector<16xf32>
        %swap3A_756 = vector.shape_cast %mul3A_751 : vector<16xf32> to vector<1x16xf32>
        tpu.vector_store %arg13[%swap3A_752, %swap3A_753], %swap3A_756 {strides = array<i32>} : memref<80x128xf32, #tpu.memory_space<vmem>>, vector<1x16xf32>,
        %get3A_757 = arith.index_cast %add3A_706 : i32 to index
        %get3A_758 = arith.constant 80 : index
        %get3A_759 = tpu.vector_load %arg13[%get3A_757, %get3A_758] {strides = array<i32>} : memref<80x128xf32, #tpu.memory_space<vmem>>, vector<1x16xf32>,
        %get3A_760 = vector.shape_cast %get3A_759 : vector<1x16xf32> to vector<16xf32>
        %mul3A_761 = arith.mulf %get3A_760, %broadcast_in_dim3A_702 : vector<16xf32>
        %swap3A_762 = arith.index_cast %add3A_706 : i32 to index
        %swap3A_763 = arith.constant 80 : index
        %swap3A_764 = tpu.vector_load %arg13[%swap3A_762, %swap3A_763] {strides = array<i32>} : memref<80x128xf32, #tpu.memory_space<vmem>>, vector<1x16xf32>,
        %swap3A_765 = vector.shape_cast %swap3A_764 : vector<1x16xf32> to vector<16xf32>
        %swap3A_766 = vector.shape_cast %mul3A_761 : vector<16xf32> to vector<1x16xf32>
        tpu.vector_store %arg13[%swap3A_762, %swap3A_763], %swap3A_766 {strides = array<i32>} : memref<80x128xf32, #tpu.memory_space<vmem>>, vector<1x16xf32>,
        %get3A_767 = arith.index_cast %add3A_706 : i32 to index
        %get3A_768 = arith.constant 96 : index
        %get3A_769 = tpu.vector_load %arg13[%get3A_767, %get3A_768] {strides = array<i32>} : memref<80x128xf32, #tpu.memory_space<vmem>>, vector<1x16xf32>,
        %get3A_770 = vector.shape_cast %get3A_769 : vector<1x16xf32> to vector<16xf32>
        %mul3A_771 = arith.mulf %get3A_770, %broadcast_in_dim3A_702 : vector<16xf32>
        %swap3A_772 = arith.index_cast %add3A_706 : i32 to index
        %swap3A_773 = arith.constant 96 : index
        %swap3A_774 = tpu.vector_load %arg13[%swap3A_772, %swap3A_773] {strides = array<i32>} : memref<80x128xf32, #tpu.memory_space<vmem>>, vector<1x16xf32>,
        %swap3A_775 = vector.shape_cast %swap3A_774 : vector<1x16xf32> to vector<16xf32>
        %swap3A_776 = vector.shape_cast %mul3A_771 : vector<16xf32> to vector<1x16xf32>
        tpu.vector_store %arg13[%swap3A_772, %swap3A_773], %swap3A_776 {strides = array<i32>} : memref<80x128xf32, #tpu.memory_space<vmem>>, vector<1x16xf32>,
        %get3A_777 = arith.index_cast %add3A_706 : i32 to index
        %get3A_778 = arith.constant 112 : index
        %get3A_779 = tpu.vector_load %arg13[%get3A_777, %get3A_778] {strides = array<i32>} : memref<80x128xf32, #tpu.memory_space<vmem>>, vector<1x16xf32>,
        %get3A_780 = vector.shape_cast %get3A_779 : vector<1x16xf32> to vector<16xf32>
        %mul3A_781 = arith.mulf %get3A_780, %broadcast_in_dim3A_702 : vector<16xf32>
        %swap3A_782 = arith.index_cast %add3A_706 : i32 to index
        %swap3A_783 = arith.constant 112 : index
        %swap3A_784 = tpu.vector_load %arg13[%swap3A_782, %swap3A_783] {strides = array<i32>} : memref<80x128xf32, #tpu.memory_space<vmem>>, vector<1x16xf32>,
        %swap3A_785 = vector.shape_cast %swap3A_784 : vector<1x16xf32> to vector<16xf32>
        %swap3A_786 = vector.shape_cast %mul3A_781 : vector<16xf32> to vector<1x16xf32>
        tpu.vector_store %arg13[%swap3A_782, %swap3A_783], %swap3A_786 {strides = array<i32>} : memref<80x128xf32, #tpu.memory_space<vmem>>, vector<1x16xf32>,
        %slice3A_787 = vector.extract_strided_slice %get3A_179 {offsets = [7], sizes = [1], strides = [1]} : vector<16xf32> to vector<1xf32>
        %squeeze3A_788 = vector.extract %slice3A_787[0] : f32 from vector<1xf32>
        %broadcast_in_dim3A_789 = vector.broadcast %squeeze3A_788 : f32 to vector<16xf32>
        %mul3A_790 = arith.constant 16 : i32
        %mul3A_791 = arith.muli %scan3A_171, %mul3A_790 : i32
        %add3A_792 = arith.constant 7 : i32
        %add3A_793 = arith.addi %mul3A_791, %add3A_792 : i32
        %get3A_794 = arith.index_cast %add3A_793 : i32 to index
        %get3A_795 = arith.constant 0 : index
        %get3A_796 = tpu.vector_load %arg13[%get3A_794, %get3A_795] {strides = array<i32>} : memref<80x128xf32, #tpu.memory_space<vmem>>, vector<1x16xf32>,
        %get3A_797 = vector.shape_cast %get3A_796 : vector<1x16xf32> to vector<16xf32>
        %mul3A_798 = arith.mulf %get3A_797, %broadcast_in_dim3A_789 : vector<16xf32>
        %swap3A_799 = arith.index_cast %add3A_793 : i32 to index
        %swap3A_800 = arith.constant 0 : index
        %swap3A_801 = tpu.vector_load %arg13[%swap3A_799, %swap3A_800] {strides = array<i32>} : memref<80x128xf32, #tpu.memory_space<vmem>>, vector<1x16xf32>,
        %swap3A_802 = vector.shape_cast %swap3A_801 : vector<1x16xf32> to vector<16xf32>
        %swap3A_803 = vector.shape_cast %mul3A_798 : vector<16xf32> to vector<1x16xf32>
        tpu.vector_store %arg13[%swap3A_799, %swap3A_800], %swap3A_803 {strides = array<i32>} : memref<80x128xf32, #tpu.memory_space<vmem>>, vector<1x16xf32>,
        %get3A_804 = arith.index_cast %add3A_793 : i32 to index
        %get3A_805 = arith.constant 16 : index
        %get3A_806 = tpu.vector_load %arg13[%get3A_804, %get3A_805] {strides = array<i32>} : memref<80x128xf32, #tpu.memory_space<vmem>>, vector<1x16xf32>,
        %get3A_807 = vector.shape_cast %get3A_806 : vector<1x16xf32> to vector<16xf32>
        %mul3A_808 = arith.mulf %get3A_807, %broadcast_in_dim3A_789 : vector<16xf32>
        %swap3A_809 = arith.index_cast %add3A_793 : i32 to index
        %swap3A_810 = arith.constant 16 : index
        %swap3A_811 = tpu.vector_load %arg13[%swap3A_809, %swap3A_810] {strides = array<i32>} : memref<80x128xf32, #tpu.memory_space<vmem>>, vector<1x16xf32>,
        %swap3A_812 = vector.shape_cast %swap3A_811 : vector<1x16xf32> to vector<16xf32>
        %swap3A_813 = vector.shape_cast %mul3A_808 : vector<16xf32> to vector<1x16xf32>
        tpu.vector_store %arg13[%swap3A_809, %swap3A_810], %swap3A_813 {strides = array<i32>} : memref<80x128xf32, #tpu.memory_space<vmem>>, vector<1x16xf32>,
        %get3A_814 = arith.index_cast %add3A_793 : i32 to index
        %get3A_815 = arith.constant 32 : index
        %get3A_816 = tpu.vector_load %arg13[%get3A_814, %get3A_815] {strides = array<i32>} : memref<80x128xf32, #tpu.memory_space<vmem>>, vector<1x16xf32>,
        %get3A_817 = vector.shape_cast %get3A_816 : vector<1x16xf32> to vector<16xf32>
        %mul3A_818 = arith.mulf %get3A_817, %broadcast_in_dim3A_789 : vector<16xf32>
        %swap3A_819 = arith.index_cast %add3A_793 : i32 to index
        %swap3A_820 = arith.constant 32 : index
        %swap3A_821 = tpu.vector_load %arg13[%swap3A_819, %swap3A_820] {strides = array<i32>} : memref<80x128xf32, #tpu.memory_space<vmem>>, vector<1x16xf32>,
        %swap3A_822 = vector.shape_cast %swap3A_821 : vector<1x16xf32> to vector<16xf32>
        %swap3A_823 = vector.shape_cast %mul3A_818 : vector<16xf32> to vector<1x16xf32>
        tpu.vector_store %arg13[%swap3A_819, %swap3A_820], %swap3A_823 {strides = array<i32>} : memref<80x128xf32, #tpu.memory_space<vmem>>, vector<1x16xf32>,
        %get3A_824 = arith.index_cast %add3A_793 : i32 to index
        %get3A_825 = arith.constant 48 : index
        %get3A_826 = tpu.vector_load %arg13[%get3A_824, %get3A_825] {strides = array<i32>} : memref<80x128xf32, #tpu.memory_space<vmem>>, vector<1x16xf32>,
        %get3A_827 = vector.shape_cast %get3A_826 : vector<1x16xf32> to vector<16xf32>
        %mul3A_828 = arith.mulf %get3A_827, %broadcast_in_dim3A_789 : vector<16xf32>
        %swap3A_829 = arith.index_cast %add3A_793 : i32 to index
        %swap3A_830 = arith.constant 48 : index
        %swap3A_831 = tpu.vector_load %arg13[%swap3A_829, %swap3A_830] {strides = array<i32>} : memref<80x128xf32, #tpu.memory_space<vmem>>, vector<1x16xf32>,
        %swap3A_832 = vector.shape_cast %swap3A_831 : vector<1x16xf32> to vector<16xf32>
        %swap3A_833 = vector.shape_cast %mul3A_828 : vector<16xf32> to vector<1x16xf32>
        tpu.vector_store %arg13[%swap3A_829, %swap3A_830], %swap3A_833 {strides = array<i32>} : memref<80x128xf32, #tpu.memory_space<vmem>>, vector<1x16xf32>,
        %get3A_834 = arith.index_cast %add3A_793 : i32 to index
        %get3A_835 = arith.constant 64 : index
        %get3A_836 = tpu.vector_load %arg13[%get3A_834, %get3A_835] {strides = array<i32>} : memref<80x128xf32, #tpu.memory_space<vmem>>, vector<1x16xf32>,
        %get3A_837 = vector.shape_cast %get3A_836 : vector<1x16xf32> to vector<16xf32>
        %mul3A_838 = arith.mulf %get3A_837, %broadcast_in_dim3A_789 : vector<16xf32>
        %swap3A_839 = arith.index_cast %add3A_793 : i32 to index
        %swap3A_840 = arith.constant 64 : index
        %swap3A_841 = tpu.vector_load %arg13[%swap3A_839, %swap3A_840] {strides = array<i32>} : memref<80x128xf32, #tpu.memory_space<vmem>>, vector<1x16xf32>,
        %swap3A_842 = vector.shape_cast %swap3A_841 : vector<1x16xf32> to vector<16xf32>
        %swap3A_843 = vector.shape_cast %mul3A_838 : vector<16xf32> to vector<1x16xf32>
        tpu.vector_store %arg13[%swap3A_839, %swap3A_840], %swap3A_843 {strides = array<i32>} : memref<80x128xf32, #tpu.memory_space<vmem>>, vector<1x16xf32>,
        %get3A_844 = arith.index_cast %add3A_793 : i32 to index
        %get3A_845 = arith.constant 80 : index
        %get3A_846 = tpu.vector_load %arg13[%get3A_844, %get3A_845] {strides = array<i32>} : memref<80x128xf32, #tpu.memory_space<vmem>>, vector<1x16xf32>,
        %get3A_847 = vector.shape_cast %get3A_846 : vector<1x16xf32> to vector<16xf32>
        %mul3A_848 = arith.mulf %get3A_847, %broadcast_in_dim3A_789 : vector<16xf32>
        %swap3A_849 = arith.index_cast %add3A_793 : i32 to index
        %swap3A_850 = arith.constant 80 : index
        %swap3A_851 = tpu.vector_load %arg13[%swap3A_849, %swap3A_850] {strides = array<i32>} : memref<80x128xf32, #tpu.memory_space<vmem>>, vector<1x16xf32>,
        %swap3A_852 = vector.shape_cast %swap3A_851 : vector<1x16xf32> to vector<16xf32>
        %swap3A_853 = vector.shape_cast %mul3A_848 : vector<16xf32> to vector<1x16xf32>
        tpu.vector_store %arg13[%swap3A_849, %swap3A_850], %swap3A_853 {strides = array<i32>} : memref<80x128xf32, #tpu.memory_space<vmem>>, vector<1x16xf32>,
        %get3A_854 = arith.index_cast %add3A_793 : i32 to index
        %get3A_855 = arith.constant 96 : index
        %get3A_856 = tpu.vector_load %arg13[%get3A_854, %get3A_855] {strides = array<i32>} : memref<80x128xf32, #tpu.memory_space<vmem>>, vector<1x16xf32>,
        %get3A_857 = vector.shape_cast %get3A_856 : vector<1x16xf32> to vector<16xf32>
        %mul3A_858 = arith.mulf %get3A_857, %broadcast_in_dim3A_789 : vector<16xf32>
        %swap3A_859 = arith.index_cast %add3A_793 : i32 to index
        %swap3A_860 = arith.constant 96 : index
        %swap3A_861 = tpu.vector_load %arg13[%swap3A_859, %swap3A_860] {strides = array<i32>} : memref<80x128xf32, #tpu.memory_space<vmem>>, vector<1x16xf32>,
        %swap3A_862 = vector.shape_cast %swap3A_861 : vector<1x16xf32> to vector<16xf32>
        %swap3A_863 = vector.shape_cast %mul3A_858 : vector<16xf32> to vector<1x16xf32>
        tpu.vector_store %arg13[%swap3A_859, %swap3A_860], %swap3A_863 {strides = array<i32>} : memref<80x128xf32, #tpu.memory_space<vmem>>, vector<1x16xf32>,
        %get3A_864 = arith.index_cast %add3A_793 : i32 to index
        %get3A_865 = arith.constant 112 : index
        %get3A_866 = tpu.vector_load %arg13[%get3A_864, %get3A_865] {strides = array<i32>} : memref<80x128xf32, #tpu.memory_space<vmem>>, vector<1x16xf32>,
        %get3A_867 = vector.shape_cast %get3A_866 : vector<1x16xf32> to vector<16xf32>
        %mul3A_868 = arith.mulf %get3A_867, %broadcast_in_dim3A_789 : vector<16xf32>
        %swap3A_869 = arith.index_cast %add3A_793 : i32 to index
        %swap3A_870 = arith.constant 112 : index
        %swap3A_871 = tpu.vector_load %arg13[%swap3A_869, %swap3A_870] {strides = array<i32>} : memref<80x128xf32, #tpu.memory_space<vmem>>, vector<1x16xf32>,
        %swap3A_872 = vector.shape_cast %swap3A_871 : vector<1x16xf32> to vector<16xf32>
        %swap3A_873 = vector.shape_cast %mul3A_868 : vector<16xf32> to vector<1x16xf32>
        tpu.vector_store %arg13[%swap3A_869, %swap3A_870], %swap3A_873 {strides = array<i32>} : memref<80x128xf32, #tpu.memory_space<vmem>>, vector<1x16xf32>,
        %slice3A_874 = vector.extract_strided_slice %get3A_179 {offsets = [8], sizes = [1], strides = [1]} : vector<16xf32> to vector<1xf32>
        %squeeze3A_875 = vector.extract %slice3A_874[0] : f32 from vector<1xf32>
        %broadcast_in_dim3A_876 = vector.broadcast %squeeze3A_875 : f32 to vector<16xf32>
        %mul3A_877 = arith.constant 16 : i32
        %mul3A_878 = arith.muli %scan3A_171, %mul3A_877 : i32
        %add3A_879 = arith.constant 8 : i32
        %add3A_880 = arith.addi %mul3A_878, %add3A_879 : i32
        %get3A_881 = arith.index_cast %add3A_880 : i32 to index
        %get3A_882 = arith.constant 0 : index
        %get3A_883 = tpu.vector_load %arg13[%get3A_881, %get3A_882] {strides = array<i32>} : memref<80x128xf32, #tpu.memory_space<vmem>>, vector<1x16xf32>,
        %get3A_884 = vector.shape_cast %get3A_883 : vector<1x16xf32> to vector<16xf32>
        %mul3A_885 = arith.mulf %get3A_884, %broadcast_in_dim3A_876 : vector<16xf32>
        %swap3A_886 = arith.index_cast %add3A_880 : i32 to index
        %swap3A_887 = arith.constant 0 : index
        %swap3A_888 = tpu.vector_load %arg13[%swap3A_886, %swap3A_887] {strides = array<i32>} : memref<80x128xf32, #tpu.memory_space<vmem>>, vector<1x16xf32>,
        %swap3A_889 = vector.shape_cast %swap3A_888 : vector<1x16xf32> to vector<16xf32>
        %swap3A_890 = vector.shape_cast %mul3A_885 : vector<16xf32> to vector<1x16xf32>
        tpu.vector_store %arg13[%swap3A_886, %swap3A_887], %swap3A_890 {strides = array<i32>} : memref<80x128xf32, #tpu.memory_space<vmem>>, vector<1x16xf32>,
        %get3A_891 = arith.index_cast %add3A_880 : i32 to index
        %get3A_892 = arith.constant 16 : index
        %get3A_893 = tpu.vector_load %arg13[%get3A_891, %get3A_892] {strides = array<i32>} : memref<80x128xf32, #tpu.memory_space<vmem>>, vector<1x16xf32>,
        %get3A_894 = vector.shape_cast %get3A_893 : vector<1x16xf32> to vector<16xf32>
        %mul3A_895 = arith.mulf %get3A_894, %broadcast_in_dim3A_876 : vector<16xf32>
        %swap3A_896 = arith.index_cast %add3A_880 : i32 to index
        %swap3A_897 = arith.constant 16 : index
        %swap3A_898 = tpu.vector_load %arg13[%swap3A_896, %swap3A_897] {strides = array<i32>} : memref<80x128xf32, #tpu.memory_space<vmem>>, vector<1x16xf32>,
        %swap3A_899 = vector.shape_cast %swap3A_898 : vector<1x16xf32> to vector<16xf32>
        %swap3A_900 = vector.shape_cast %mul3A_895 : vector<16xf32> to vector<1x16xf32>
        tpu.vector_store %arg13[%swap3A_896, %swap3A_897], %swap3A_900 {strides = array<i32>} : memref<80x128xf32, #tpu.memory_space<vmem>>, vector<1x16xf32>,
        %get3A_901 = arith.index_cast %add3A_880 : i32 to index
        %get3A_902 = arith.constant 32 : index
        %get3A_903 = tpu.vector_load %arg13[%get3A_901, %get3A_902] {strides = array<i32>} : memref<80x128xf32, #tpu.memory_space<vmem>>, vector<1x16xf32>,
        %get3A_904 = vector.shape_cast %get3A_903 : vector<1x16xf32> to vector<16xf32>
        %mul3A_905 = arith.mulf %get3A_904, %broadcast_in_dim3A_876 : vector<16xf32>
        %swap3A_906 = arith.index_cast %add3A_880 : i32 to index
        %swap3A_907 = arith.constant 32 : index
        %swap3A_908 = tpu.vector_load %arg13[%swap3A_906, %swap3A_907] {strides = array<i32>} : memref<80x128xf32, #tpu.memory_space<vmem>>, vector<1x16xf32>,
        %swap3A_909 = vector.shape_cast %swap3A_908 : vector<1x16xf32> to vector<16xf32>
        %swap3A_910 = vector.shape_cast %mul3A_905 : vector<16xf32> to vector<1x16xf32>
        tpu.vector_store %arg13[%swap3A_906, %swap3A_907], %swap3A_910 {strides = array<i32>} : memref<80x128xf32, #tpu.memory_space<vmem>>, vector<1x16xf32>,
        %get3A_911 = arith.index_cast %add3A_880 : i32 to index
        %get3A_912 = arith.constant 48 : index
        %get3A_913 = tpu.vector_load %arg13[%get3A_911, %get3A_912] {strides = array<i32>} : memref<80x128xf32, #tpu.memory_space<vmem>>, vector<1x16xf32>,
        %get3A_914 = vector.shape_cast %get3A_913 : vector<1x16xf32> to vector<16xf32>
        %mul3A_915 = arith.mulf %get3A_914, %broadcast_in_dim3A_876 : vector<16xf32>
        %swap3A_916 = arith.index_cast %add3A_880 : i32 to index
        %swap3A_917 = arith.constant 48 : index
        %swap3A_918 = tpu.vector_load %arg13[%swap3A_916, %swap3A_917] {strides = array<i32>} : memref<80x128xf32, #tpu.memory_space<vmem>>, vector<1x16xf32>,
        %swap3A_919 = vector.shape_cast %swap3A_918 : vector<1x16xf32> to vector<16xf32>
        %swap3A_920 = vector.shape_cast %mul3A_915 : vector<16xf32> to vector<1x16xf32>
        tpu.vector_store %arg13[%swap3A_916, %swap3A_917], %swap3A_920 {strides = array<i32>} : memref<80x128xf32, #tpu.memory_space<vmem>>, vector<1x16xf32>,
        %get3A_921 = arith.index_cast %add3A_880 : i32 to index
        %get3A_922 = arith.constant 64 : index
        %get3A_923 = tpu.vector_load %arg13[%get3A_921, %get3A_922] {strides = array<i32>} : memref<80x128xf32, #tpu.memory_space<vmem>>, vector<1x16xf32>,
        %get3A_924 = vector.shape_cast %get3A_923 : vector<1x16xf32> to vector<16xf32>
        %mul3A_925 = arith.mulf %get3A_924, %broadcast_in_dim3A_876 : vector<16xf32>
        %swap3A_926 = arith.index_cast %add3A_880 : i32 to index
        %swap3A_927 = arith.constant 64 : index
        %swap3A_928 = tpu.vector_load %arg13[%swap3A_926, %swap3A_927] {strides = array<i32>} : memref<80x128xf32, #tpu.memory_space<vmem>>, vector<1x16xf32>,
        %swap3A_929 = vector.shape_cast %swap3A_928 : vector<1x16xf32> to vector<16xf32>
        %swap3A_930 = vector.shape_cast %mul3A_925 : vector<16xf32> to vector<1x16xf32>
        tpu.vector_store %arg13[%swap3A_926, %swap3A_927], %swap3A_930 {strides = array<i32>} : memref<80x128xf32, #tpu.memory_space<vmem>>, vector<1x16xf32>,
        %get3A_931 = arith.index_cast %add3A_880 : i32 to index
        %get3A_932 = arith.constant 80 : index
        %get3A_933 = tpu.vector_load %arg13[%get3A_931, %get3A_932] {strides = array<i32>} : memref<80x128xf32, #tpu.memory_space<vmem>>, vector<1x16xf32>,
        %get3A_934 = vector.shape_cast %get3A_933 : vector<1x16xf32> to vector<16xf32>
        %mul3A_935 = arith.mulf %get3A_934, %broadcast_in_dim3A_876 : vector<16xf32>
        %swap3A_936 = arith.index_cast %add3A_880 : i32 to index
        %swap3A_937 = arith.constant 80 : index
        %swap3A_938 = tpu.vector_load %arg13[%swap3A_936, %swap3A_937] {strides = array<i32>} : memref<80x128xf32, #tpu.memory_space<vmem>>, vector<1x16xf32>,
        %swap3A_939 = vector.shape_cast %swap3A_938 : vector<1x16xf32> to vector<16xf32>
        %swap3A_940 = vector.shape_cast %mul3A_935 : vector<16xf32> to vector<1x16xf32>
        tpu.vector_store %arg13[%swap3A_936, %swap3A_937], %swap3A_940 {strides = array<i32>} : memref<80x128xf32, #tpu.memory_space<vmem>>, vector<1x16xf32>,
        %get3A_941 = arith.index_cast %add3A_880 : i32 to index
        %get3A_942 = arith.constant 96 : index
        %get3A_943 = tpu.vector_load %arg13[%get3A_941, %get3A_942] {strides = array<i32>} : memref<80x128xf32, #tpu.memory_space<vmem>>, vector<1x16xf32>,
        %get3A_944 = vector.shape_cast %get3A_943 : vector<1x16xf32> to vector<16xf32>
        %mul3A_945 = arith.mulf %get3A_944, %broadcast_in_dim3A_876 : vector<16xf32>
        %swap3A_946 = arith.index_cast %add3A_880 : i32 to index
        %swap3A_947 = arith.constant 96 : index
        %swap3A_948 = tpu.vector_load %arg13[%swap3A_946, %swap3A_947] {strides = array<i32>} : memref<80x128xf32, #tpu.memory_space<vmem>>, vector<1x16xf32>,
        %swap3A_949 = vector.shape_cast %swap3A_948 : vector<1x16xf32> to vector<16xf32>
        %swap3A_950 = vector.shape_cast %mul3A_945 : vector<16xf32> to vector<1x16xf32>
        tpu.vector_store %arg13[%swap3A_946, %swap3A_947], %swap3A_950 {strides = array<i32>} : memref<80x128xf32, #tpu.memory_space<vmem>>, vector<1x16xf32>,
        %get3A_951 = arith.index_cast %add3A_880 : i32 to index
        %get3A_952 = arith.constant 112 : index
        %get3A_953 = tpu.vector_load %arg13[%get3A_951, %get3A_952] {strides = array<i32>} : memref<80x128xf32, #tpu.memory_space<vmem>>, vector<1x16xf32>,
        %get3A_954 = vector.shape_cast %get3A_953 : vector<1x16xf32> to vector<16xf32>
        %mul3A_955 = arith.mulf %get3A_954, %broadcast_in_dim3A_876 : vector<16xf32>
        %swap3A_956 = arith.index_cast %add3A_880 : i32 to index
        %swap3A_957 = arith.constant 112 : index
        %swap3A_958 = tpu.vector_load %arg13[%swap3A_956, %swap3A_957] {strides = array<i32>} : memref<80x128xf32, #tpu.memory_space<vmem>>, vector<1x16xf32>,
        %swap3A_959 = vector.shape_cast %swap3A_958 : vector<1x16xf32> to vector<16xf32>
        %swap3A_960 = vector.shape_cast %mul3A_955 : vector<16xf32> to vector<1x16xf32>
        tpu.vector_store %arg13[%swap3A_956, %swap3A_957], %swap3A_960 {strides = array<i32>} : memref<80x128xf32, #tpu.memory_space<vmem>>, vector<1x16xf32>,
        %slice3A_961 = vector.extract_strided_slice %get3A_179 {offsets = [9], sizes = [1], strides = [1]} : vector<16xf32> to vector<1xf32>
        %squeeze3A_962 = vector.extract %slice3A_961[0] : f32 from vector<1xf32>
        %broadcast_in_dim3A_963 = vector.broadcast %squeeze3A_962 : f32 to vector<16xf32>
        %mul3A_964 = arith.constant 16 : i32
        %mul3A_965 = arith.muli %scan3A_171, %mul3A_964 : i32
        %add3A_966 = arith.constant 9 : i32
        %add3A_967 = arith.addi %mul3A_965, %add3A_966 : i32
        %get3A_968 = arith.index_cast %add3A_967 : i32 to index
        %get3A_969 = arith.constant 0 : index
        %get3A_970 = tpu.vector_load %arg13[%get3A_968, %get3A_969] {strides = array<i32>} : memref<80x128xf32, #tpu.memory_space<vmem>>, vector<1x16xf32>,
        %get3A_971 = vector.shape_cast %get3A_970 : vector<1x16xf32> to vector<16xf32>
        %mul3A_972 = arith.mulf %get3A_971, %broadcast_in_dim3A_963 : vector<16xf32>
        %swap3A_973 = arith.index_cast %add3A_967 : i32 to index
        %swap3A_974 = arith.constant 0 : index
        %swap3A_975 = tpu.vector_load %arg13[%swap3A_973, %swap3A_974] {strides = array<i32>} : memref<80x128xf32, #tpu.memory_space<vmem>>, vector<1x16xf32>,
        %swap3A_976 = vector.shape_cast %swap3A_975 : vector<1x16xf32> to vector<16xf32>
        %swap3A_977 = vector.shape_cast %mul3A_972 : vector<16xf32> to vector<1x16xf32>
        tpu.vector_store %arg13[%swap3A_973, %swap3A_974], %swap3A_977 {strides = array<i32>} : memref<80x128xf32, #tpu.memory_space<vmem>>, vector<1x16xf32>,
        %get3A_978 = arith.index_cast %add3A_967 : i32 to index
        %get3A_979 = arith.constant 16 : index
        %get3A_980 = tpu.vector_load %arg13[%get3A_978, %get3A_979] {strides = array<i32>} : memref<80x128xf32, #tpu.memory_space<vmem>>, vector<1x16xf32>,
        %get3A_981 = vector.shape_cast %get3A_980 : vector<1x16xf32> to vector<16xf32>
        %mul3A_982 = arith.mulf %get3A_981, %broadcast_in_dim3A_963 : vector<16xf32>
        %swap3A_983 = arith.index_cast %add3A_967 : i32 to index
        %swap3A_984 = arith.constant 16 : index
        %swap3A_985 = tpu.vector_load %arg13[%swap3A_983, %swap3A_984] {strides = array<i32>} : memref<80x128xf32, #tpu.memory_space<vmem>>, vector<1x16xf32>,
        %swap3A_986 = vector.shape_cast %swap3A_985 : vector<1x16xf32> to vector<16xf32>
        %swap3A_987 = vector.shape_cast %mul3A_982 : vector<16xf32> to vector<1x16xf32>
        tpu.vector_store %arg13[%swap3A_983, %swap3A_984], %swap3A_987 {strides = array<i32>} : memref<80x128xf32, #tpu.memory_space<vmem>>, vector<1x16xf32>,
        %get3A_988 = arith.index_cast %add3A_967 : i32 to index
        %get3A_989 = arith.constant 32 : index
        %get3A_990 = tpu.vector_load %arg13[%get3A_988, %get3A_989] {strides = array<i32>} : memref<80x128xf32, #tpu.memory_space<vmem>>, vector<1x16xf32>,
        %get3A_991 = vector.shape_cast %get3A_990 : vector<1x16xf32> to vector<16xf32>
        %mul3A_992 = arith.mulf %get3A_991, %broadcast_in_dim3A_963 : vector<16xf32>
        %swap3A_993 = arith.index_cast %add3A_967 : i32 to index
        %swap3A_994 = arith.constant 32 : index
        %swap3A_995 = tpu.vector_load %arg13[%swap3A_993, %swap3A_994] {strides = array<i32>} : memref<80x128xf32, #tpu.memory_space<vmem>>, vector<1x16xf32>,
        %swap3A_996 = vector.shape_cast %swap3A_995 : vector<1x16xf32> to vector<16xf32>
        %swap3A_997 = vector.shape_cast %mul3A_992 : vector<16xf32> to vector<1x16xf32>
        tpu.vector_store %arg13[%swap3A_993, %swap3A_994], %swap3A_997 {strides = array<i32>} : memref<80x128xf32, #tpu.memory_space<vmem>>, vector<1x16xf32>,
        %get3A_998 = arith.index_cast %add3A_967 : i32 to index
        %get3A_999 = arith.constant 48 : index
        %get3A_1000 = tpu.vector_load %arg13[%get3A_998, %get3A_999] {strides = array<i32>} : memref<80x128xf32, #tpu.memory_space<vmem>>, vector<1x16xf32>,
        %get3A_1001 = vector.shape_cast %get3A_1000 : vector<1x16xf32> to vector<16xf32>
        %mul3A_1002 = arith.mulf %get3A_1001, %broadcast_in_dim3A_963 : vector<16xf32>
        %swap3A_1003 = arith.index_cast %add3A_967 : i32 to index
        %swap3A_1004 = arith.constant 48 : index
        %swap3A_1005 = tpu.vector_load %arg13[%swap3A_1003, %swap3A_1004] {strides = array<i32>} : memref<80x128xf32, #tpu.memory_space<vmem>>, vector<1x16xf32>,
        %swap3A_1006 = vector.shape_cast %swap3A_1005 : vector<1x16xf32> to vector<16xf32>
        %swap3A_1007 = vector.shape_cast %mul3A_1002 : vector<16xf32> to vector<1x16xf32>
        tpu.vector_store %arg13[%swap3A_1003, %swap3A_1004], %swap3A_1007 {strides = array<i32>} : memref<80x128xf32, #tpu.memory_space<vmem>>, vector<1x16xf32>,
        %get3A_1008 = arith.index_cast %add3A_967 : i32 to index
        %get3A_1009 = arith.constant 64 : index
        %get3A_1010 = tpu.vector_load %arg13[%get3A_1008, %get3A_1009] {strides = array<i32>} : memref<80x128xf32, #tpu.memory_space<vmem>>, vector<1x16xf32>,
        %get3A_1011 = vector.shape_cast %get3A_1010 : vector<1x16xf32> to vector<16xf32>
        %mul3A_1012 = arith.mulf %get3A_1011, %broadcast_in_dim3A_963 : vector<16xf32>
        %swap3A_1013 = arith.index_cast %add3A_967 : i32 to index
        %swap3A_1014 = arith.constant 64 : index
        %swap3A_1015 = tpu.vector_load %arg13[%swap3A_1013, %swap3A_1014] {strides = array<i32>} : memref<80x128xf32, #tpu.memory_space<vmem>>, vector<1x16xf32>,
        %swap3A_1016 = vector.shape_cast %swap3A_1015 : vector<1x16xf32> to vector<16xf32>
        %swap3A_1017 = vector.shape_cast %mul3A_1012 : vector<16xf32> to vector<1x16xf32>
        tpu.vector_store %arg13[%swap3A_1013, %swap3A_1014], %swap3A_1017 {strides = array<i32>} : memref<80x128xf32, #tpu.memory_space<vmem>>, vector<1x16xf32>,
        %get3A_1018 = arith.index_cast %add3A_967 : i32 to index
        %get3A_1019 = arith.constant 80 : index
        %get3A_1020 = tpu.vector_load %arg13[%get3A_1018, %get3A_1019] {strides = array<i32>} : memref<80x128xf32, #tpu.memory_space<vmem>>, vector<1x16xf32>,
        %get3A_1021 = vector.shape_cast %get3A_1020 : vector<1x16xf32> to vector<16xf32>
        %mul3A_1022 = arith.mulf %get3A_1021, %broadcast_in_dim3A_963 : vector<16xf32>
        %swap3A_1023 = arith.index_cast %add3A_967 : i32 to index
        %swap3A_1024 = arith.constant 80 : index
        %swap3A_1025 = tpu.vector_load %arg13[%swap3A_1023, %swap3A_1024] {strides = array<i32>} : memref<80x128xf32, #tpu.memory_space<vmem>>, vector<1x16xf32>,
        %swap3A_1026 = vector.shape_cast %swap3A_1025 : vector<1x16xf32> to vector<16xf32>
        %swap3A_1027 = vector.shape_cast %mul3A_1022 : vector<16xf32> to vector<1x16xf32>
        tpu.vector_store %arg13[%swap3A_1023, %swap3A_1024], %swap3A_1027 {strides = array<i32>} : memref<80x128xf32, #tpu.memory_space<vmem>>, vector<1x16xf32>,
        %get3A_1028 = arith.index_cast %add3A_967 : i32 to index
        %get3A_1029 = arith.constant 96 : index
        %get3A_1030 = tpu.vector_load %arg13[%get3A_1028, %get3A_1029] {strides = array<i32>} : memref<80x128xf32, #tpu.memory_space<vmem>>, vector<1x16xf32>,
        %get3A_1031 = vector.shape_cast %get3A_1030 : vector<1x16xf32> to vector<16xf32>
        %mul3A_1032 = arith.mulf %get3A_1031, %broadcast_in_dim3A_963 : vector<16xf32>
        %swap3A_1033 = arith.index_cast %add3A_967 : i32 to index
        %swap3A_1034 = arith.constant 96 : index
        %swap3A_1035 = tpu.vector_load %arg13[%swap3A_1033, %swap3A_1034] {strides = array<i32>} : memref<80x128xf32, #tpu.memory_space<vmem>>, vector<1x16xf32>,
        %swap3A_1036 = vector.shape_cast %swap3A_1035 : vector<1x16xf32> to vector<16xf32>
        %swap3A_1037 = vector.shape_cast %mul3A_1032 : vector<16xf32> to vector<1x16xf32>
        tpu.vector_store %arg13[%swap3A_1033, %swap3A_1034], %swap3A_1037 {strides = array<i32>} : memref<80x128xf32, #tpu.memory_space<vmem>>, vector<1x16xf32>,
        %get3A_1038 = arith.index_cast %add3A_967 : i32 to index
        %get3A_1039 = arith.constant 112 : index
        %get3A_1040 = tpu.vector_load %arg13[%get3A_1038, %get3A_1039] {strides = array<i32>} : memref<80x128xf32, #tpu.memory_space<vmem>>, vector<1x16xf32>,
        %get3A_1041 = vector.shape_cast %get3A_1040 : vector<1x16xf32> to vector<16xf32>
        %mul3A_1042 = arith.mulf %get3A_1041, %broadcast_in_dim3A_963 : vector<16xf32>
        %swap3A_1043 = arith.index_cast %add3A_967 : i32 to index
        %swap3A_1044 = arith.constant 112 : index
        %swap3A_1045 = tpu.vector_load %arg13[%swap3A_1043, %swap3A_1044] {strides = array<i32>} : memref<80x128xf32, #tpu.memory_space<vmem>>, vector<1x16xf32>,
        %swap3A_1046 = vector.shape_cast %swap3A_1045 : vector<1x16xf32> to vector<16xf32>
        %swap3A_1047 = vector.shape_cast %mul3A_1042 : vector<16xf32> to vector<1x16xf32>
        tpu.vector_store %arg13[%swap3A_1043, %swap3A_1044], %swap3A_1047 {strides = array<i32>} : memref<80x128xf32, #tpu.memory_space<vmem>>, vector<1x16xf32>,
        %slice3A_1048 = vector.extract_strided_slice %get3A_179 {offsets = [10], sizes = [1], strides = [1]} : vector<16xf32> to vector<1xf32>
        %squeeze3A_1049 = vector.extract %slice3A_1048[0] : f32 from vector<1xf32>
        %broadcast_in_dim3A_1050 = vector.broadcast %squeeze3A_1049 : f32 to vector<16xf32>
        %mul3A_1051 = arith.constant 16 : i32
        %mul3A_1052 = arith.muli %scan3A_171, %mul3A_1051 : i32
        %add3A_1053 = arith.constant 10 : i32
        %add3A_1054 = arith.addi %mul3A_1052, %add3A_1053 : i32
        %get3A_1055 = arith.index_cast %add3A_1054 : i32 to index
        %get3A_1056 = arith.constant 0 : index
        %get3A_1057 = tpu.vector_load %arg13[%get3A_1055, %get3A_1056] {strides = array<i32>} : memref<80x128xf32, #tpu.memory_space<vmem>>, vector<1x16xf32>,
        %get3A_1058 = vector.shape_cast %get3A_1057 : vector<1x16xf32> to vector<16xf32>
        %mul3A_1059 = arith.mulf %get3A_1058, %broadcast_in_dim3A_1050 : vector<16xf32>
        %swap3A_1060 = arith.index_cast %add3A_1054 : i32 to index
        %swap3A_1061 = arith.constant 0 : index
        %swap3A_1062 = tpu.vector_load %arg13[%swap3A_1060, %swap3A_1061] {strides = array<i32>} : memref<80x128xf32, #tpu.memory_space<vmem>>, vector<1x16xf32>,
        %swap3A_1063 = vector.shape_cast %swap3A_1062 : vector<1x16xf32> to vector<16xf32>
        %swap3A_1064 = vector.shape_cast %mul3A_1059 : vector<16xf32> to vector<1x16xf32>
        tpu.vector_store %arg13[%swap3A_1060, %swap3A_1061], %swap3A_1064 {strides = array<i32>} : memref<80x128xf32, #tpu.memory_space<vmem>>, vector<1x16xf32>,
        %get3A_1065 = arith.index_cast %add3A_1054 : i32 to index
        %get3A_1066 = arith.constant 16 : index
        %get3A_1067 = tpu.vector_load %arg13[%get3A_1065, %get3A_1066] {strides = array<i32>} : memref<80x128xf32, #tpu.memory_space<vmem>>, vector<1x16xf32>,
        %get3A_1068 = vector.shape_cast %get3A_1067 : vector<1x16xf32> to vector<16xf32>
        %mul3A_1069 = arith.mulf %get3A_1068, %broadcast_in_dim3A_1050 : vector<16xf32>
        %swap3A_1070 = arith.index_cast %add3A_1054 : i32 to index
        %swap3A_1071 = arith.constant 16 : index
        %swap3A_1072 = tpu.vector_load %arg13[%swap3A_1070, %swap3A_1071] {strides = array<i32>} : memref<80x128xf32, #tpu.memory_space<vmem>>, vector<1x16xf32>,
        %swap3A_1073 = vector.shape_cast %swap3A_1072 : vector<1x16xf32> to vector<16xf32>
        %swap3A_1074 = vector.shape_cast %mul3A_1069 : vector<16xf32> to vector<1x16xf32>
        tpu.vector_store %arg13[%swap3A_1070, %swap3A_1071], %swap3A_1074 {strides = array<i32>} : memref<80x128xf32, #tpu.memory_space<vmem>>, vector<1x16xf32>,
        %get3A_1075 = arith.index_cast %add3A_1054 : i32 to index
        %get3A_1076 = arith.constant 32 : index
        %get3A_1077 = tpu.vector_load %arg13[%get3A_1075, %get3A_1076] {strides = array<i32>} : memref<80x128xf32, #tpu.memory_space<vmem>>, vector<1x16xf32>,
        %get3A_1078 = vector.shape_cast %get3A_1077 : vector<1x16xf32> to vector<16xf32>
        %mul3A_1079 = arith.mulf %get3A_1078, %broadcast_in_dim3A_1050 : vector<16xf32>
        %swap3A_1080 = arith.index_cast %add3A_1054 : i32 to index
        %swap3A_1081 = arith.constant 32 : index
        %swap3A_1082 = tpu.vector_load %arg13[%swap3A_1080, %swap3A_1081] {strides = array<i32>} : memref<80x128xf32, #tpu.memory_space<vmem>>, vector<1x16xf32>,
        %swap3A_1083 = vector.shape_cast %swap3A_1082 : vector<1x16xf32> to vector<16xf32>
        %swap3A_1084 = vector.shape_cast %mul3A_1079 : vector<16xf32> to vector<1x16xf32>
        tpu.vector_store %arg13[%swap3A_1080, %swap3A_1081], %swap3A_1084 {strides = array<i32>} : memref<80x128xf32, #tpu.memory_space<vmem>>, vector<1x16xf32>,
        %get3A_1085 = arith.index_cast %add3A_1054 : i32 to index
        %get3A_1086 = arith.constant 48 : index
        %get3A_1087 = tpu.vector_load %arg13[%get3A_1085, %get3A_1086] {strides = array<i32>} : memref<80x128xf32, #tpu.memory_space<vmem>>, vector<1x16xf32>,
        %get3A_1088 = vector.shape_cast %get3A_1087 : vector<1x16xf32> to vector<16xf32>
        %mul3A_1089 = arith.mulf %get3A_1088, %broadcast_in_dim3A_1050 : vector<16xf32>
        %swap3A_1090 = arith.index_cast %add3A_1054 : i32 to index
        %swap3A_1091 = arith.constant 48 : index
        %swap3A_1092 = tpu.vector_load %arg13[%swap3A_1090, %swap3A_1091] {strides = array<i32>} : memref<80x128xf32, #tpu.memory_space<vmem>>, vector<1x16xf32>,
        %swap3A_1093 = vector.shape_cast %swap3A_1092 : vector<1x16xf32> to vector<16xf32>
        %swap3A_1094 = vector.shape_cast %mul3A_1089 : vector<16xf32> to vector<1x16xf32>
        tpu.vector_store %arg13[%swap3A_1090, %swap3A_1091], %swap3A_1094 {strides = array<i32>} : memref<80x128xf32, #tpu.memory_space<vmem>>, vector<1x16xf32>,
        %get3A_1095 = arith.index_cast %add3A_1054 : i32 to index
        %get3A_1096 = arith.constant 64 : index
        %get3A_1097 = tpu.vector_load %arg13[%get3A_1095, %get3A_1096] {strides = array<i32>} : memref<80x128xf32, #tpu.memory_space<vmem>>, vector<1x16xf32>,
        %get3A_1098 = vector.shape_cast %get3A_1097 : vector<1x16xf32> to vector<16xf32>
        %mul3A_1099 = arith.mulf %get3A_1098, %broadcast_in_dim3A_1050 : vector<16xf32>
        %swap3A_1100 = arith.index_cast %add3A_1054 : i32 to index
        %swap3A_1101 = arith.constant 64 : index
        %swap3A_1102 = tpu.vector_load %arg13[%swap3A_1100, %swap3A_1101] {strides = array<i32>} : memref<80x128xf32, #tpu.memory_space<vmem>>, vector<1x16xf32>,
        %swap3A_1103 = vector.shape_cast %swap3A_1102 : vector<1x16xf32> to vector<16xf32>
        %swap3A_1104 = vector.shape_cast %mul3A_1099 : vector<16xf32> to vector<1x16xf32>
        tpu.vector_store %arg13[%swap3A_1100, %swap3A_1101], %swap3A_1104 {strides = array<i32>} : memref<80x128xf32, #tpu.memory_space<vmem>>, vector<1x16xf32>,
        %get3A_1105 = arith.index_cast %add3A_1054 : i32 to index
        %get3A_1106 = arith.constant 80 : index
        %get3A_1107 = tpu.vector_load %arg13[%get3A_1105, %get3A_1106] {strides = array<i32>} : memref<80x128xf32, #tpu.memory_space<vmem>>, vector<1x16xf32>,
        %get3A_1108 = vector.shape_cast %get3A_1107 : vector<1x16xf32> to vector<16xf32>
        %mul3A_1109 = arith.mulf %get3A_1108, %broadcast_in_dim3A_1050 : vector<16xf32>
        %swap3A_1110 = arith.index_cast %add3A_1054 : i32 to index
        %swap3A_1111 = arith.constant 80 : index
        %swap3A_1112 = tpu.vector_load %arg13[%swap3A_1110, %swap3A_1111] {strides = array<i32>} : memref<80x128xf32, #tpu.memory_space<vmem>>, vector<1x16xf32>,
        %swap3A_1113 = vector.shape_cast %swap3A_1112 : vector<1x16xf32> to vector<16xf32>
        %swap3A_1114 = vector.shape_cast %mul3A_1109 : vector<16xf32> to vector<1x16xf32>
        tpu.vector_store %arg13[%swap3A_1110, %swap3A_1111], %swap3A_1114 {strides = array<i32>} : memref<80x128xf32, #tpu.memory_space<vmem>>, vector<1x16xf32>,
        %get3A_1115 = arith.index_cast %add3A_1054 : i32 to index
        %get3A_1116 = arith.constant 96 : index
        %get3A_1117 = tpu.vector_load %arg13[%get3A_1115, %get3A_1116] {strides = array<i32>} : memref<80x128xf32, #tpu.memory_space<vmem>>, vector<1x16xf32>,
        %get3A_1118 = vector.shape_cast %get3A_1117 : vector<1x16xf32> to vector<16xf32>
        %mul3A_1119 = arith.mulf %get3A_1118, %broadcast_in_dim3A_1050 : vector<16xf32>
        %swap3A_1120 = arith.index_cast %add3A_1054 : i32 to index
        %swap3A_1121 = arith.constant 96 : index
        %swap3A_1122 = tpu.vector_load %arg13[%swap3A_1120, %swap3A_1121] {strides = array<i32>} : memref<80x128xf32, #tpu.memory_space<vmem>>, vector<1x16xf32>,
        %swap3A_1123 = vector.shape_cast %swap3A_1122 : vector<1x16xf32> to vector<16xf32>
        %swap3A_1124 = vector.shape_cast %mul3A_1119 : vector<16xf32> to vector<1x16xf32>
        tpu.vector_store %arg13[%swap3A_1120, %swap3A_1121], %swap3A_1124 {strides = array<i32>} : memref<80x128xf32, #tpu.memory_space<vmem>>, vector<1x16xf32>,
        %get3A_1125 = arith.index_cast %add3A_1054 : i32 to index
        %get3A_1126 = arith.constant 112 : index
        %get3A_1127 = tpu.vector_load %arg13[%get3A_1125, %get3A_1126] {strides = array<i32>} : memref<80x128xf32, #tpu.memory_space<vmem>>, vector<1x16xf32>,
        %get3A_1128 = vector.shape_cast %get3A_1127 : vector<1x16xf32> to vector<16xf32>
        %mul3A_1129 = arith.mulf %get3A_1128, %broadcast_in_dim3A_1050 : vector<16xf32>
        %swap3A_1130 = arith.index_cast %add3A_1054 : i32 to index
        %swap3A_1131 = arith.constant 112 : index
        %swap3A_1132 = tpu.vector_load %arg13[%swap3A_1130, %swap3A_1131] {strides = array<i32>} : memref<80x128xf32, #tpu.memory_space<vmem>>, vector<1x16xf32>,
        %swap3A_1133 = vector.shape_cast %swap3A_1132 : vector<1x16xf32> to vector<16xf32>
        %swap3A_1134 = vector.shape_cast %mul3A_1129 : vector<16xf32> to vector<1x16xf32>
        tpu.vector_store %arg13[%swap3A_1130, %swap3A_1131], %swap3A_1134 {strides = array<i32>} : memref<80x128xf32, #tpu.memory_space<vmem>>, vector<1x16xf32>,
        %slice3A_1135 = vector.extract_strided_slice %get3A_179 {offsets = [11], sizes = [1], strides = [1]} : vector<16xf32> to vector<1xf32>
        %squeeze3A_1136 = vector.extract %slice3A_1135[0] : f32 from vector<1xf32>
        %broadcast_in_dim3A_1137 = vector.broadcast %squeeze3A_1136 : f32 to vector<16xf32>
        %mul3A_1138 = arith.constant 16 : i32
        %mul3A_1139 = arith.muli %scan3A_171, %mul3A_1138 : i32
        %add3A_1140 = arith.constant 11 : i32
        %add3A_1141 = arith.addi %mul3A_1139, %add3A_1140 : i32
        %get3A_1142 = arith.index_cast %add3A_1141 : i32 to index
        %get3A_1143 = arith.constant 0 : index
        %get3A_1144 = tpu.vector_load %arg13[%get3A_1142, %get3A_1143] {strides = array<i32>} : memref<80x128xf32, #tpu.memory_space<vmem>>, vector<1x16xf32>,
        %get3A_1145 = vector.shape_cast %get3A_1144 : vector<1x16xf32> to vector<16xf32>
        %mul3A_1146 = arith.mulf %get3A_1145, %broadcast_in_dim3A_1137 : vector<16xf32>
        %swap3A_1147 = arith.index_cast %add3A_1141 : i32 to index
        %swap3A_1148 = arith.constant 0 : index
        %swap3A_1149 = tpu.vector_load %arg13[%swap3A_1147, %swap3A_1148] {strides = array<i32>} : memref<80x128xf32, #tpu.memory_space<vmem>>, vector<1x16xf32>,
        %swap3A_1150 = vector.shape_cast %swap3A_1149 : vector<1x16xf32> to vector<16xf32>
        %swap3A_1151 = vector.shape_cast %mul3A_1146 : vector<16xf32> to vector<1x16xf32>
        tpu.vector_store %arg13[%swap3A_1147, %swap3A_1148], %swap3A_1151 {strides = array<i32>} : memref<80x128xf32, #tpu.memory_space<vmem>>, vector<1x16xf32>,
        %get3A_1152 = arith.index_cast %add3A_1141 : i32 to index
        %get3A_1153 = arith.constant 16 : index
        %get3A_1154 = tpu.vector_load %arg13[%get3A_1152, %get3A_1153] {strides = array<i32>} : memref<80x128xf32, #tpu.memory_space<vmem>>, vector<1x16xf32>,
        %get3A_1155 = vector.shape_cast %get3A_1154 : vector<1x16xf32> to vector<16xf32>
        %mul3A_1156 = arith.mulf %get3A_1155, %broadcast_in_dim3A_1137 : vector<16xf32>
        %swap3A_1157 = arith.index_cast %add3A_1141 : i32 to index
        %swap3A_1158 = arith.constant 16 : index
        %swap3A_1159 = tpu.vector_load %arg13[%swap3A_1157, %swap3A_1158] {strides = array<i32>} : memref<80x128xf32, #tpu.memory_space<vmem>>, vector<1x16xf32>,
        %swap3A_1160 = vector.shape_cast %swap3A_1159 : vector<1x16xf32> to vector<16xf32>
        %swap3A_1161 = vector.shape_cast %mul3A_1156 : vector<16xf32> to vector<1x16xf32>
        tpu.vector_store %arg13[%swap3A_1157, %swap3A_1158], %swap3A_1161 {strides = array<i32>} : memref<80x128xf32, #tpu.memory_space<vmem>>, vector<1x16xf32>,
        %get3A_1162 = arith.index_cast %add3A_1141 : i32 to index
        %get3A_1163 = arith.constant 32 : index
        %get3A_1164 = tpu.vector_load %arg13[%get3A_1162, %get3A_1163] {strides = array<i32>} : memref<80x128xf32, #tpu.memory_space<vmem>>, vector<1x16xf32>,
        %get3A_1165 = vector.shape_cast %get3A_1164 : vector<1x16xf32> to vector<16xf32>
        %mul3A_1166 = arith.mulf %get3A_1165, %broadcast_in_dim3A_1137 : vector<16xf32>
        %swap3A_1167 = arith.index_cast %add3A_1141 : i32 to index
        %swap3A_1168 = arith.constant 32 : index
        %swap3A_1169 = tpu.vector_load %arg13[%swap3A_1167, %swap3A_1168] {strides = array<i32>} : memref<80x128xf32, #tpu.memory_space<vmem>>, vector<1x16xf32>,
        %swap3A_1170 = vector.shape_cast %swap3A_1169 : vector<1x16xf32> to vector<16xf32>
        %swap3A_1171 = vector.shape_cast %mul3A_1166 : vector<16xf32> to vector<1x16xf32>
        tpu.vector_store %arg13[%swap3A_1167, %swap3A_1168], %swap3A_1171 {strides = array<i32>} : memref<80x128xf32, #tpu.memory_space<vmem>>, vector<1x16xf32>,
        %get3A_1172 = arith.index_cast %add3A_1141 : i32 to index
        %get3A_1173 = arith.constant 48 : index
        %get3A_1174 = tpu.vector_load %arg13[%get3A_1172, %get3A_1173] {strides = array<i32>} : memref<80x128xf32, #tpu.memory_space<vmem>>, vector<1x16xf32>,
        %get3A_1175 = vector.shape_cast %get3A_1174 : vector<1x16xf32> to vector<16xf32>
        %mul3A_1176 = arith.mulf %get3A_1175, %broadcast_in_dim3A_1137 : vector<16xf32>
        %swap3A_1177 = arith.index_cast %add3A_1141 : i32 to index
        %swap3A_1178 = arith.constant 48 : index
        %swap3A_1179 = tpu.vector_load %arg13[%swap3A_1177, %swap3A_1178] {strides = array<i32>} : memref<80x128xf32, #tpu.memory_space<vmem>>, vector<1x16xf32>,
        %swap3A_1180 = vector.shape_cast %swap3A_1179 : vector<1x16xf32> to vector<16xf32>
        %swap3A_1181 = vector.shape_cast %mul3A_1176 : vector<16xf32> to vector<1x16xf32>
        tpu.vector_store %arg13[%swap3A_1177, %swap3A_1178], %swap3A_1181 {strides = array<i32>} : memref<80x128xf32, #tpu.memory_space<vmem>>, vector<1x16xf32>,
        %get3A_1182 = arith.index_cast %add3A_1141 : i32 to index
        %get3A_1183 = arith.constant 64 : index
        %get3A_1184 = tpu.vector_load %arg13[%get3A_1182, %get3A_1183] {strides = array<i32>} : memref<80x128xf32, #tpu.memory_space<vmem>>, vector<1x16xf32>,
        %get3A_1185 = vector.shape_cast %get3A_1184 : vector<1x16xf32> to vector<16xf32>
        %mul3A_1186 = arith.mulf %get3A_1185, %broadcast_in_dim3A_1137 : vector<16xf32>
        %swap3A_1187 = arith.index_cast %add3A_1141 : i32 to index
        %swap3A_1188 = arith.constant 64 : index
        %swap3A_1189 = tpu.vector_load %arg13[%swap3A_1187, %swap3A_1188] {strides = array<i32>} : memref<80x128xf32, #tpu.memory_space<vmem>>, vector<1x16xf32>,
        %swap3A_1190 = vector.shape_cast %swap3A_1189 : vector<1x16xf32> to vector<16xf32>
        %swap3A_1191 = vector.shape_cast %mul3A_1186 : vector<16xf32> to vector<1x16xf32>
        tpu.vector_store %arg13[%swap3A_1187, %swap3A_1188], %swap3A_1191 {strides = array<i32>} : memref<80x128xf32, #tpu.memory_space<vmem>>, vector<1x16xf32>,
        %get3A_1192 = arith.index_cast %add3A_1141 : i32 to index
        %get3A_1193 = arith.constant 80 : index
        %get3A_1194 = tpu.vector_load %arg13[%get3A_1192, %get3A_1193] {strides = array<i32>} : memref<80x128xf32, #tpu.memory_space<vmem>>, vector<1x16xf32>,
        %get3A_1195 = vector.shape_cast %get3A_1194 : vector<1x16xf32> to vector<16xf32>
        %mul3A_1196 = arith.mulf %get3A_1195, %broadcast_in_dim3A_1137 : vector<16xf32>
        %swap3A_1197 = arith.index_cast %add3A_1141 : i32 to index
        %swap3A_1198 = arith.constant 80 : index
        %swap3A_1199 = tpu.vector_load %arg13[%swap3A_1197, %swap3A_1198] {strides = array<i32>} : memref<80x128xf32, #tpu.memory_space<vmem>>, vector<1x16xf32>,
        %swap3A_1200 = vector.shape_cast %swap3A_1199 : vector<1x16xf32> to vector<16xf32>
        %swap3A_1201 = vector.shape_cast %mul3A_1196 : vector<16xf32> to vector<1x16xf32>
        tpu.vector_store %arg13[%swap3A_1197, %swap3A_1198], %swap3A_1201 {strides = array<i32>} : memref<80x128xf32, #tpu.memory_space<vmem>>, vector<1x16xf32>,
        %get3A_1202 = arith.index_cast %add3A_1141 : i32 to index
        %get3A_1203 = arith.constant 96 : index
        %get3A_1204 = tpu.vector_load %arg13[%get3A_1202, %get3A_1203] {strides = array<i32>} : memref<80x128xf32, #tpu.memory_space<vmem>>, vector<1x16xf32>,
        %get3A_1205 = vector.shape_cast %get3A_1204 : vector<1x16xf32> to vector<16xf32>
        %mul3A_1206 = arith.mulf %get3A_1205, %broadcast_in_dim3A_1137 : vector<16xf32>
        %swap3A_1207 = arith.index_cast %add3A_1141 : i32 to index
        %swap3A_1208 = arith.constant 96 : index
        %swap3A_1209 = tpu.vector_load %arg13[%swap3A_1207, %swap3A_1208] {strides = array<i32>} : memref<80x128xf32, #tpu.memory_space<vmem>>, vector<1x16xf32>,
        %swap3A_1210 = vector.shape_cast %swap3A_1209 : vector<1x16xf32> to vector<16xf32>
        %swap3A_1211 = vector.shape_cast %mul3A_1206 : vector<16xf32> to vector<1x16xf32>
        tpu.vector_store %arg13[%swap3A_1207, %swap3A_1208], %swap3A_1211 {strides = array<i32>} : memref<80x128xf32, #tpu.memory_space<vmem>>, vector<1x16xf32>,
        %get3A_1212 = arith.index_cast %add3A_1141 : i32 to index
        %get3A_1213 = arith.constant 112 : index
        %get3A_1214 = tpu.vector_load %arg13[%get3A_1212, %get3A_1213] {strides = array<i32>} : memref<80x128xf32, #tpu.memory_space<vmem>>, vector<1x16xf32>,
        %get3A_1215 = vector.shape_cast %get3A_1214 : vector<1x16xf32> to vector<16xf32>
        %mul3A_1216 = arith.mulf %get3A_1215, %broadcast_in_dim3A_1137 : vector<16xf32>
        %swap3A_1217 = arith.index_cast %add3A_1141 : i32 to index
        %swap3A_1218 = arith.constant 112 : index
        %swap3A_1219 = tpu.vector_load %arg13[%swap3A_1217, %swap3A_1218] {strides = array<i32>} : memref<80x128xf32, #tpu.memory_space<vmem>>, vector<1x16xf32>,
        %swap3A_1220 = vector.shape_cast %swap3A_1219 : vector<1x16xf32> to vector<16xf32>
        %swap3A_1221 = vector.shape_cast %mul3A_1216 : vector<16xf32> to vector<1x16xf32>
        tpu.vector_store %arg13[%swap3A_1217, %swap3A_1218], %swap3A_1221 {strides = array<i32>} : memref<80x128xf32, #tpu.memory_space<vmem>>, vector<1x16xf32>,
        %slice3A_1222 = vector.extract_strided_slice %get3A_179 {offsets = [12], sizes = [1], strides = [1]} : vector<16xf32> to vector<1xf32>
        %squeeze3A_1223 = vector.extract %slice3A_1222[0] : f32 from vector<1xf32>
        %broadcast_in_dim3A_1224 = vector.broadcast %squeeze3A_1223 : f32 to vector<16xf32>
        %mul3A_1225 = arith.constant 16 : i32
        %mul3A_1226 = arith.muli %scan3A_171, %mul3A_1225 : i32
        %add3A_1227 = arith.constant 12 : i32
        %add3A_1228 = arith.addi %mul3A_1226, %add3A_1227 : i32
        %get3A_1229 = arith.index_cast %add3A_1228 : i32 to index
        %get3A_1230 = arith.constant 0 : index
        %get3A_1231 = tpu.vector_load %arg13[%get3A_1229, %get3A_1230] {strides = array<i32>} : memref<80x128xf32, #tpu.memory_space<vmem>>, vector<1x16xf32>,
        %get3A_1232 = vector.shape_cast %get3A_1231 : vector<1x16xf32> to vector<16xf32>
        %mul3A_1233 = arith.mulf %get3A_1232, %broadcast_in_dim3A_1224 : vector<16xf32>
        %swap3A_1234 = arith.index_cast %add3A_1228 : i32 to index
        %swap3A_1235 = arith.constant 0 : index
        %swap3A_1236 = tpu.vector_load %arg13[%swap3A_1234, %swap3A_1235] {strides = array<i32>} : memref<80x128xf32, #tpu.memory_space<vmem>>, vector<1x16xf32>,
        %swap3A_1237 = vector.shape_cast %swap3A_1236 : vector<1x16xf32> to vector<16xf32>
        %swap3A_1238 = vector.shape_cast %mul3A_1233 : vector<16xf32> to vector<1x16xf32>
        tpu.vector_store %arg13[%swap3A_1234, %swap3A_1235], %swap3A_1238 {strides = array<i32>} : memref<80x128xf32, #tpu.memory_space<vmem>>, vector<1x16xf32>,
        %get3A_1239 = arith.index_cast %add3A_1228 : i32 to index
        %get3A_1240 = arith.constant 16 : index
        %get3A_1241 = tpu.vector_load %arg13[%get3A_1239, %get3A_1240] {strides = array<i32>} : memref<80x128xf32, #tpu.memory_space<vmem>>, vector<1x16xf32>,
        %get3A_1242 = vector.shape_cast %get3A_1241 : vector<1x16xf32> to vector<16xf32>
        %mul3A_1243 = arith.mulf %get3A_1242, %broadcast_in_dim3A_1224 : vector<16xf32>
        %swap3A_1244 = arith.index_cast %add3A_1228 : i32 to index
        %swap3A_1245 = arith.constant 16 : index
        %swap3A_1246 = tpu.vector_load %arg13[%swap3A_1244, %swap3A_1245] {strides = array<i32>} : memref<80x128xf32, #tpu.memory_space<vmem>>, vector<1x16xf32>,
        %swap3A_1247 = vector.shape_cast %swap3A_1246 : vector<1x16xf32> to vector<16xf32>
        %swap3A_1248 = vector.shape_cast %mul3A_1243 : vector<16xf32> to vector<1x16xf32>
        tpu.vector_store %arg13[%swap3A_1244, %swap3A_1245], %swap3A_1248 {strides = array<i32>} : memref<80x128xf32, #tpu.memory_space<vmem>>, vector<1x16xf32>,
        %get3A_1249 = arith.index_cast %add3A_1228 : i32 to index
        %get3A_1250 = arith.constant 32 : index
        %get3A_1251 = tpu.vector_load %arg13[%get3A_1249, %get3A_1250] {strides = array<i32>} : memref<80x128xf32, #tpu.memory_space<vmem>>, vector<1x16xf32>,
        %get3A_1252 = vector.shape_cast %get3A_1251 : vector<1x16xf32> to vector<16xf32>
        %mul3A_1253 = arith.mulf %get3A_1252, %broadcast_in_dim3A_1224 : vector<16xf32>
        %swap3A_1254 = arith.index_cast %add3A_1228 : i32 to index
        %swap3A_1255 = arith.constant 32 : index
        %swap3A_1256 = tpu.vector_load %arg13[%swap3A_1254, %swap3A_1255] {strides = array<i32>} : memref<80x128xf32, #tpu.memory_space<vmem>>, vector<1x16xf32>,
        %swap3A_1257 = vector.shape_cast %swap3A_1256 : vector<1x16xf32> to vector<16xf32>
        %swap3A_1258 = vector.shape_cast %mul3A_1253 : vector<16xf32> to vector<1x16xf32>
        tpu.vector_store %arg13[%swap3A_1254, %swap3A_1255], %swap3A_1258 {strides = array<i32>} : memref<80x128xf32, #tpu.memory_space<vmem>>, vector<1x16xf32>,
        %get3A_1259 = arith.index_cast %add3A_1228 : i32 to index
        %get3A_1260 = arith.constant 48 : index
        %get3A_1261 = tpu.vector_load %arg13[%get3A_1259, %get3A_1260] {strides = array<i32>} : memref<80x128xf32, #tpu.memory_space<vmem>>, vector<1x16xf32>,
        %get3A_1262 = vector.shape_cast %get3A_1261 : vector<1x16xf32> to vector<16xf32>
        %mul3A_1263 = arith.mulf %get3A_1262, %broadcast_in_dim3A_1224 : vector<16xf32>
        %swap3A_1264 = arith.index_cast %add3A_1228 : i32 to index
        %swap3A_1265 = arith.constant 48 : index
        %swap3A_1266 = tpu.vector_load %arg13[%swap3A_1264, %swap3A_1265] {strides = array<i32>} : memref<80x128xf32, #tpu.memory_space<vmem>>, vector<1x16xf32>,
        %swap3A_1267 = vector.shape_cast %swap3A_1266 : vector<1x16xf32> to vector<16xf32>
        %swap3A_1268 = vector.shape_cast %mul3A_1263 : vector<16xf32> to vector<1x16xf32>
        tpu.vector_store %arg13[%swap3A_1264, %swap3A_1265], %swap3A_1268 {strides = array<i32>} : memref<80x128xf32, #tpu.memory_space<vmem>>, vector<1x16xf32>,
        %get3A_1269 = arith.index_cast %add3A_1228 : i32 to index
        %get3A_1270 = arith.constant 64 : index
        %get3A_1271 = tpu.vector_load %arg13[%get3A_1269, %get3A_1270] {strides = array<i32>} : memref<80x128xf32, #tpu.memory_space<vmem>>, vector<1x16xf32>,
        %get3A_1272 = vector.shape_cast %get3A_1271 : vector<1x16xf32> to vector<16xf32>
        %mul3A_1273 = arith.mulf %get3A_1272, %broadcast_in_dim3A_1224 : vector<16xf32>
        %swap3A_1274 = arith.index_cast %add3A_1228 : i32 to index
        %swap3A_1275 = arith.constant 64 : index
        %swap3A_1276 = tpu.vector_load %arg13[%swap3A_1274, %swap3A_1275] {strides = array<i32>} : memref<80x128xf32, #tpu.memory_space<vmem>>, vector<1x16xf32>,
        %swap3A_1277 = vector.shape_cast %swap3A_1276 : vector<1x16xf32> to vector<16xf32>
        %swap3A_1278 = vector.shape_cast %mul3A_1273 : vector<16xf32> to vector<1x16xf32>
        tpu.vector_store %arg13[%swap3A_1274, %swap3A_1275], %swap3A_1278 {strides = array<i32>} : memref<80x128xf32, #tpu.memory_space<vmem>>, vector<1x16xf32>,
        %get3A_1279 = arith.index_cast %add3A_1228 : i32 to index
        %get3A_1280 = arith.constant 80 : index
        %get3A_1281 = tpu.vector_load %arg13[%get3A_1279, %get3A_1280] {strides = array<i32>} : memref<80x128xf32, #tpu.memory_space<vmem>>, vector<1x16xf32>,
        %get3A_1282 = vector.shape_cast %get3A_1281 : vector<1x16xf32> to vector<16xf32>
        %mul3A_1283 = arith.mulf %get3A_1282, %broadcast_in_dim3A_1224 : vector<16xf32>
        %swap3A_1284 = arith.index_cast %add3A_1228 : i32 to index
        %swap3A_1285 = arith.constant 80 : index
        %swap3A_1286 = tpu.vector_load %arg13[%swap3A_1284, %swap3A_1285] {strides = array<i32>} : memref<80x128xf32, #tpu.memory_space<vmem>>, vector<1x16xf32>,
        %swap3A_1287 = vector.shape_cast %swap3A_1286 : vector<1x16xf32> to vector<16xf32>
        %swap3A_1288 = vector.shape_cast %mul3A_1283 : vector<16xf32> to vector<1x16xf32>
        tpu.vector_store %arg13[%swap3A_1284, %swap3A_1285], %swap3A_1288 {strides = array<i32>} : memref<80x128xf32, #tpu.memory_space<vmem>>, vector<1x16xf32>,
        %get3A_1289 = arith.index_cast %add3A_1228 : i32 to index
        %get3A_1290 = arith.constant 96 : index
        %get3A_1291 = tpu.vector_load %arg13[%get3A_1289, %get3A_1290] {strides = array<i32>} : memref<80x128xf32, #tpu.memory_space<vmem>>, vector<1x16xf32>,
        %get3A_1292 = vector.shape_cast %get3A_1291 : vector<1x16xf32> to vector<16xf32>
        %mul3A_1293 = arith.mulf %get3A_1292, %broadcast_in_dim3A_1224 : vector<16xf32>
        %swap3A_1294 = arith.index_cast %add3A_1228 : i32 to index
        %swap3A_1295 = arith.constant 96 : index
        %swap3A_1296 = tpu.vector_load %arg13[%swap3A_1294, %swap3A_1295] {strides = array<i32>} : memref<80x128xf32, #tpu.memory_space<vmem>>, vector<1x16xf32>,
        %swap3A_1297 = vector.shape_cast %swap3A_1296 : vector<1x16xf32> to vector<16xf32>
        %swap3A_1298 = vector.shape_cast %mul3A_1293 : vector<16xf32> to vector<1x16xf32>
        tpu.vector_store %arg13[%swap3A_1294, %swap3A_1295], %swap3A_1298 {strides = array<i32>} : memref<80x128xf32, #tpu.memory_space<vmem>>, vector<1x16xf32>,
        %get3A_1299 = arith.index_cast %add3A_1228 : i32 to index
        %get3A_1300 = arith.constant 112 : index
        %get3A_1301 = tpu.vector_load %arg13[%get3A_1299, %get3A_1300] {strides = array<i32>} : memref<80x128xf32, #tpu.memory_space<vmem>>, vector<1x16xf32>,
        %get3A_1302 = vector.shape_cast %get3A_1301 : vector<1x16xf32> to vector<16xf32>
        %mul3A_1303 = arith.mulf %get3A_1302, %broadcast_in_dim3A_1224 : vector<16xf32>
        %swap3A_1304 = arith.index_cast %add3A_1228 : i32 to index
        %swap3A_1305 = arith.constant 112 : index
        %swap3A_1306 = tpu.vector_load %arg13[%swap3A_1304, %swap3A_1305] {strides = array<i32>} : memref<80x128xf32, #tpu.memory_space<vmem>>, vector<1x16xf32>,
        %swap3A_1307 = vector.shape_cast %swap3A_1306 : vector<1x16xf32> to vector<16xf32>
        %swap3A_1308 = vector.shape_cast %mul3A_1303 : vector<16xf32> to vector<1x16xf32>
        tpu.vector_store %arg13[%swap3A_1304, %swap3A_1305], %swap3A_1308 {strides = array<i32>} : memref<80x128xf32, #tpu.memory_space<vmem>>, vector<1x16xf32>,
        %slice3A_1309 = vector.extract_strided_slice %get3A_179 {offsets = [13], sizes = [1], strides = [1]} : vector<16xf32> to vector<1xf32>
        %squeeze3A_1310 = vector.extract %slice3A_1309[0] : f32 from vector<1xf32>
        %broadcast_in_dim3A_1311 = vector.broadcast %squeeze3A_1310 : f32 to vector<16xf32>
        %mul3A_1312 = arith.constant 16 : i32
        %mul3A_1313 = arith.muli %scan3A_171, %mul3A_1312 : i32
        %add3A_1314 = arith.constant 13 : i32
        %add3A_1315 = arith.addi %mul3A_1313, %add3A_1314 : i32
        %get3A_1316 = arith.index_cast %add3A_1315 : i32 to index
        %get3A_1317 = arith.constant 0 : index
        %get3A_1318 = tpu.vector_load %arg13[%get3A_1316, %get3A_1317] {strides = array<i32>} : memref<80x128xf32, #tpu.memory_space<vmem>>, vector<1x16xf32>,
        %get3A_1319 = vector.shape_cast %get3A_1318 : vector<1x16xf32> to vector<16xf32>
        %mul3A_1320 = arith.mulf %get3A_1319, %broadcast_in_dim3A_1311 : vector<16xf32>
        %swap3A_1321 = arith.index_cast %add3A_1315 : i32 to index
        %swap3A_1322 = arith.constant 0 : index
        %swap3A_1323 = tpu.vector_load %arg13[%swap3A_1321, %swap3A_1322] {strides = array<i32>} : memref<80x128xf32, #tpu.memory_space<vmem>>, vector<1x16xf32>,
        %swap3A_1324 = vector.shape_cast %swap3A_1323 : vector<1x16xf32> to vector<16xf32>
        %swap3A_1325 = vector.shape_cast %mul3A_1320 : vector<16xf32> to vector<1x16xf32>
        tpu.vector_store %arg13[%swap3A_1321, %swap3A_1322], %swap3A_1325 {strides = array<i32>} : memref<80x128xf32, #tpu.memory_space<vmem>>, vector<1x16xf32>,
        %get3A_1326 = arith.index_cast %add3A_1315 : i32 to index
        %get3A_1327 = arith.constant 16 : index
        %get3A_1328 = tpu.vector_load %arg13[%get3A_1326, %get3A_1327] {strides = array<i32>} : memref<80x128xf32, #tpu.memory_space<vmem>>, vector<1x16xf32>,
        %get3A_1329 = vector.shape_cast %get3A_1328 : vector<1x16xf32> to vector<16xf32>
        %mul3A_1330 = arith.mulf %get3A_1329, %broadcast_in_dim3A_1311 : vector<16xf32>
        %swap3A_1331 = arith.index_cast %add3A_1315 : i32 to index
        %swap3A_1332 = arith.constant 16 : index
        %swap3A_1333 = tpu.vector_load %arg13[%swap3A_1331, %swap3A_1332] {strides = array<i32>} : memref<80x128xf32, #tpu.memory_space<vmem>>, vector<1x16xf32>,
        %swap3A_1334 = vector.shape_cast %swap3A_1333 : vector<1x16xf32> to vector<16xf32>
        %swap3A_1335 = vector.shape_cast %mul3A_1330 : vector<16xf32> to vector<1x16xf32>
        tpu.vector_store %arg13[%swap3A_1331, %swap3A_1332], %swap3A_1335 {strides = array<i32>} : memref<80x128xf32, #tpu.memory_space<vmem>>, vector<1x16xf32>,
        %get3A_1336 = arith.index_cast %add3A_1315 : i32 to index
        %get3A_1337 = arith.constant 32 : index
        %get3A_1338 = tpu.vector_load %arg13[%get3A_1336, %get3A_1337] {strides = array<i32>} : memref<80x128xf32, #tpu.memory_space<vmem>>, vector<1x16xf32>,
        %get3A_1339 = vector.shape_cast %get3A_1338 : vector<1x16xf32> to vector<16xf32>
        %mul3A_1340 = arith.mulf %get3A_1339, %broadcast_in_dim3A_1311 : vector<16xf32>
        %swap3A_1341 = arith.index_cast %add3A_1315 : i32 to index
        %swap3A_1342 = arith.constant 32 : index
        %swap3A_1343 = tpu.vector_load %arg13[%swap3A_1341, %swap3A_1342] {strides = array<i32>} : memref<80x128xf32, #tpu.memory_space<vmem>>, vector<1x16xf32>,
        %swap3A_1344 = vector.shape_cast %swap3A_1343 : vector<1x16xf32> to vector<16xf32>
        %swap3A_1345 = vector.shape_cast %mul3A_1340 : vector<16xf32> to vector<1x16xf32>
        tpu.vector_store %arg13[%swap3A_1341, %swap3A_1342], %swap3A_1345 {strides = array<i32>} : memref<80x128xf32, #tpu.memory_space<vmem>>, vector<1x16xf32>,
        %get3A_1346 = arith.index_cast %add3A_1315 : i32 to index
        %get3A_1347 = arith.constant 48 : index
        %get3A_1348 = tpu.vector_load %arg13[%get3A_1346, %get3A_1347] {strides = array<i32>} : memref<80x128xf32, #tpu.memory_space<vmem>>, vector<1x16xf32>,
        %get3A_1349 = vector.shape_cast %get3A_1348 : vector<1x16xf32> to vector<16xf32>
        %mul3A_1350 = arith.mulf %get3A_1349, %broadcast_in_dim3A_1311 : vector<16xf32>
        %swap3A_1351 = arith.index_cast %add3A_1315 : i32 to index
        %swap3A_1352 = arith.constant 48 : index
        %swap3A_1353 = tpu.vector_load %arg13[%swap3A_1351, %swap3A_1352] {strides = array<i32>} : memref<80x128xf32, #tpu.memory_space<vmem>>, vector<1x16xf32>,
        %swap3A_1354 = vector.shape_cast %swap3A_1353 : vector<1x16xf32> to vector<16xf32>
        %swap3A_1355 = vector.shape_cast %mul3A_1350 : vector<16xf32> to vector<1x16xf32>
        tpu.vector_store %arg13[%swap3A_1351, %swap3A_1352], %swap3A_1355 {strides = array<i32>} : memref<80x128xf32, #tpu.memory_space<vmem>>, vector<1x16xf32>,
        %get3A_1356 = arith.index_cast %add3A_1315 : i32 to index
        %get3A_1357 = arith.constant 64 : index
        %get3A_1358 = tpu.vector_load %arg13[%get3A_1356, %get3A_1357] {strides = array<i32>} : memref<80x128xf32, #tpu.memory_space<vmem>>, vector<1x16xf32>,
        %get3A_1359 = vector.shape_cast %get3A_1358 : vector<1x16xf32> to vector<16xf32>
        %mul3A_1360 = arith.mulf %get3A_1359, %broadcast_in_dim3A_1311 : vector<16xf32>
        %swap3A_1361 = arith.index_cast %add3A_1315 : i32 to index
        %swap3A_1362 = arith.constant 64 : index
        %swap3A_1363 = tpu.vector_load %arg13[%swap3A_1361, %swap3A_1362] {strides = array<i32>} : memref<80x128xf32, #tpu.memory_space<vmem>>, vector<1x16xf32>,
        %swap3A_1364 = vector.shape_cast %swap3A_1363 : vector<1x16xf32> to vector<16xf32>
        %swap3A_1365 = vector.shape_cast %mul3A_1360 : vector<16xf32> to vector<1x16xf32>
        tpu.vector_store %arg13[%swap3A_1361, %swap3A_1362], %swap3A_1365 {strides = array<i32>} : memref<80x128xf32, #tpu.memory_space<vmem>>, vector<1x16xf32>,
        %get3A_1366 = arith.index_cast %add3A_1315 : i32 to index
        %get3A_1367 = arith.constant 80 : index
        %get3A_1368 = tpu.vector_load %arg13[%get3A_1366, %get3A_1367] {strides = array<i32>} : memref<80x128xf32, #tpu.memory_space<vmem>>, vector<1x16xf32>,
        %get3A_1369 = vector.shape_cast %get3A_1368 : vector<1x16xf32> to vector<16xf32>
        %mul3A_1370 = arith.mulf %get3A_1369, %broadcast_in_dim3A_1311 : vector<16xf32>
        %swap3A_1371 = arith.index_cast %add3A_1315 : i32 to index
        %swap3A_1372 = arith.constant 80 : index
        %swap3A_1373 = tpu.vector_load %arg13[%swap3A_1371, %swap3A_1372] {strides = array<i32>} : memref<80x128xf32, #tpu.memory_space<vmem>>, vector<1x16xf32>,
        %swap3A_1374 = vector.shape_cast %swap3A_1373 : vector<1x16xf32> to vector<16xf32>
        %swap3A_1375 = vector.shape_cast %mul3A_1370 : vector<16xf32> to vector<1x16xf32>
        tpu.vector_store %arg13[%swap3A_1371, %swap3A_1372], %swap3A_1375 {strides = array<i32>} : memref<80x128xf32, #tpu.memory_space<vmem>>, vector<1x16xf32>,
        %get3A_1376 = arith.index_cast %add3A_1315 : i32 to index
        %get3A_1377 = arith.constant 96 : index
        %get3A_1378 = tpu.vector_load %arg13[%get3A_1376, %get3A_1377] {strides = array<i32>} : memref<80x128xf32, #tpu.memory_space<vmem>>, vector<1x16xf32>,
        %get3A_1379 = vector.shape_cast %get3A_1378 : vector<1x16xf32> to vector<16xf32>
        %mul3A_1380 = arith.mulf %get3A_1379, %broadcast_in_dim3A_1311 : vector<16xf32>
        %swap3A_1381 = arith.index_cast %add3A_1315 : i32 to index
        %swap3A_1382 = arith.constant 96 : index
        %swap3A_1383 = tpu.vector_load %arg13[%swap3A_1381, %swap3A_1382] {strides = array<i32>} : memref<80x128xf32, #tpu.memory_space<vmem>>, vector<1x16xf32>,
        %swap3A_1384 = vector.shape_cast %swap3A_1383 : vector<1x16xf32> to vector<16xf32>
        %swap3A_1385 = vector.shape_cast %mul3A_1380 : vector<16xf32> to vector<1x16xf32>
        tpu.vector_store %arg13[%swap3A_1381, %swap3A_1382], %swap3A_1385 {strides = array<i32>} : memref<80x128xf32, #tpu.memory_space<vmem>>, vector<1x16xf32>,
        %get3A_1386 = arith.index_cast %add3A_1315 : i32 to index
        %get3A_1387 = arith.constant 112 : index
        %get3A_1388 = tpu.vector_load %arg13[%get3A_1386, %get3A_1387] {strides = array<i32>} : memref<80x128xf32, #tpu.memory_space<vmem>>, vector<1x16xf32>,
        %get3A_1389 = vector.shape_cast %get3A_1388 : vector<1x16xf32> to vector<16xf32>
        %mul3A_1390 = arith.mulf %get3A_1389, %broadcast_in_dim3A_1311 : vector<16xf32>
        %swap3A_1391 = arith.index_cast %add3A_1315 : i32 to index
        %swap3A_1392 = arith.constant 112 : index
        %swap3A_1393 = tpu.vector_load %arg13[%swap3A_1391, %swap3A_1392] {strides = array<i32>} : memref<80x128xf32, #tpu.memory_space<vmem>>, vector<1x16xf32>,
        %swap3A_1394 = vector.shape_cast %swap3A_1393 : vector<1x16xf32> to vector<16xf32>
        %swap3A_1395 = vector.shape_cast %mul3A_1390 : vector<16xf32> to vector<1x16xf32>
        tpu.vector_store %arg13[%swap3A_1391, %swap3A_1392], %swap3A_1395 {strides = array<i32>} : memref<80x128xf32, #tpu.memory_space<vmem>>, vector<1x16xf32>,
        %slice3A_1396 = vector.extract_strided_slice %get3A_179 {offsets = [14], sizes = [1], strides = [1]} : vector<16xf32> to vector<1xf32>
        %squeeze3A_1397 = vector.extract %slice3A_1396[0] : f32 from vector<1xf32>
        %broadcast_in_dim3A_1398 = vector.broadcast %squeeze3A_1397 : f32 to vector<16xf32>
        %mul3A_1399 = arith.constant 16 : i32
        %mul3A_1400 = arith.muli %scan3A_171, %mul3A_1399 : i32
        %add3A_1401 = arith.constant 14 : i32
        %add3A_1402 = arith.addi %mul3A_1400, %add3A_1401 : i32
        %get3A_1403 = arith.index_cast %add3A_1402 : i32 to index
        %get3A_1404 = arith.constant 0 : index
        %get3A_1405 = tpu.vector_load %arg13[%get3A_1403, %get3A_1404] {strides = array<i32>} : memref<80x128xf32, #tpu.memory_space<vmem>>, vector<1x16xf32>,
        %get3A_1406 = vector.shape_cast %get3A_1405 : vector<1x16xf32> to vector<16xf32>
        %mul3A_1407 = arith.mulf %get3A_1406, %broadcast_in_dim3A_1398 : vector<16xf32>
        %swap3A_1408 = arith.index_cast %add3A_1402 : i32 to index
        %swap3A_1409 = arith.constant 0 : index
        %swap3A_1410 = tpu.vector_load %arg13[%swap3A_1408, %swap3A_1409] {strides = array<i32>} : memref<80x128xf32, #tpu.memory_space<vmem>>, vector<1x16xf32>,
        %swap3A_1411 = vector.shape_cast %swap3A_1410 : vector<1x16xf32> to vector<16xf32>
        %swap3A_1412 = vector.shape_cast %mul3A_1407 : vector<16xf32> to vector<1x16xf32>
        tpu.vector_store %arg13[%swap3A_1408, %swap3A_1409], %swap3A_1412 {strides = array<i32>} : memref<80x128xf32, #tpu.memory_space<vmem>>, vector<1x16xf32>,
        %get3A_1413 = arith.index_cast %add3A_1402 : i32 to index
        %get3A_1414 = arith.constant 16 : index
        %get3A_1415 = tpu.vector_load %arg13[%get3A_1413, %get3A_1414] {strides = array<i32>} : memref<80x128xf32, #tpu.memory_space<vmem>>, vector<1x16xf32>,
        %get3A_1416 = vector.shape_cast %get3A_1415 : vector<1x16xf32> to vector<16xf32>
        %mul3A_1417 = arith.mulf %get3A_1416, %broadcast_in_dim3A_1398 : vector<16xf32>
        %swap3A_1418 = arith.index_cast %add3A_1402 : i32 to index
        %swap3A_1419 = arith.constant 16 : index
        %swap3A_1420 = tpu.vector_load %arg13[%swap3A_1418, %swap3A_1419] {strides = array<i32>} : memref<80x128xf32, #tpu.memory_space<vmem>>, vector<1x16xf32>,
        %swap3A_1421 = vector.shape_cast %swap3A_1420 : vector<1x16xf32> to vector<16xf32>
        %swap3A_1422 = vector.shape_cast %mul3A_1417 : vector<16xf32> to vector<1x16xf32>
        tpu.vector_store %arg13[%swap3A_1418, %swap3A_1419], %swap3A_1422 {strides = array<i32>} : memref<80x128xf32, #tpu.memory_space<vmem>>, vector<1x16xf32>,
        %get3A_1423 = arith.index_cast %add3A_1402 : i32 to index
        %get3A_1424 = arith.constant 32 : index
        %get3A_1425 = tpu.vector_load %arg13[%get3A_1423, %get3A_1424] {strides = array<i32>} : memref<80x128xf32, #tpu.memory_space<vmem>>, vector<1x16xf32>,
        %get3A_1426 = vector.shape_cast %get3A_1425 : vector<1x16xf32> to vector<16xf32>
        %mul3A_1427 = arith.mulf %get3A_1426, %broadcast_in_dim3A_1398 : vector<16xf32>
        %swap3A_1428 = arith.index_cast %add3A_1402 : i32 to index
        %swap3A_1429 = arith.constant 32 : index
        %swap3A_1430 = tpu.vector_load %arg13[%swap3A_1428, %swap3A_1429] {strides = array<i32>} : memref<80x128xf32, #tpu.memory_space<vmem>>, vector<1x16xf32>,
        %swap3A_1431 = vector.shape_cast %swap3A_1430 : vector<1x16xf32> to vector<16xf32>
        %swap3A_1432 = vector.shape_cast %mul3A_1427 : vector<16xf32> to vector<1x16xf32>
        tpu.vector_store %arg13[%swap3A_1428, %swap3A_1429], %swap3A_1432 {strides = array<i32>} : memref<80x128xf32, #tpu.memory_space<vmem>>, vector<1x16xf32>,
        %get3A_1433 = arith.index_cast %add3A_1402 : i32 to index
        %get3A_1434 = arith.constant 48 : index
        %get3A_1435 = tpu.vector_load %arg13[%get3A_1433, %get3A_1434] {strides = array<i32>} : memref<80x128xf32, #tpu.memory_space<vmem>>, vector<1x16xf32>,
        %get3A_1436 = vector.shape_cast %get3A_1435 : vector<1x16xf32> to vector<16xf32>
        %mul3A_1437 = arith.mulf %get3A_1436, %broadcast_in_dim3A_1398 : vector<16xf32>
        %swap3A_1438 = arith.index_cast %add3A_1402 : i32 to index
        %swap3A_1439 = arith.constant 48 : index
        %swap3A_1440 = tpu.vector_load %arg13[%swap3A_1438, %swap3A_1439] {strides = array<i32>} : memref<80x128xf32, #tpu.memory_space<vmem>>, vector<1x16xf32>,
        %swap3A_1441 = vector.shape_cast %swap3A_1440 : vector<1x16xf32> to vector<16xf32>
        %swap3A_1442 = vector.shape_cast %mul3A_1437 : vector<16xf32> to vector<1x16xf32>
        tpu.vector_store %arg13[%swap3A_1438, %swap3A_1439], %swap3A_1442 {strides = array<i32>} : memref<80x128xf32, #tpu.memory_space<vmem>>, vector<1x16xf32>,
        %get3A_1443 = arith.index_cast %add3A_1402 : i32 to index
        %get3A_1444 = arith.constant 64 : index
        %get3A_1445 = tpu.vector_load %arg13[%get3A_1443, %get3A_1444] {strides = array<i32>} : memref<80x128xf32, #tpu.memory_space<vmem>>, vector<1x16xf32>,
        %get3A_1446 = vector.shape_cast %get3A_1445 : vector<1x16xf32> to vector<16xf32>
        %mul3A_1447 = arith.mulf %get3A_1446, %broadcast_in_dim3A_1398 : vector<16xf32>
        %swap3A_1448 = arith.index_cast %add3A_1402 : i32 to index
        %swap3A_1449 = arith.constant 64 : index
        %swap3A_1450 = tpu.vector_load %arg13[%swap3A_1448, %swap3A_1449] {strides = array<i32>} : memref<80x128xf32, #tpu.memory_space<vmem>>, vector<1x16xf32>,
        %swap3A_1451 = vector.shape_cast %swap3A_1450 : vector<1x16xf32> to vector<16xf32>
        %swap3A_1452 = vector.shape_cast %mul3A_1447 : vector<16xf32> to vector<1x16xf32>
        tpu.vector_store %arg13[%swap3A_1448, %swap3A_1449], %swap3A_1452 {strides = array<i32>} : memref<80x128xf32, #tpu.memory_space<vmem>>, vector<1x16xf32>,
        %get3A_1453 = arith.index_cast %add3A_1402 : i32 to index
        %get3A_1454 = arith.constant 80 : index
        %get3A_1455 = tpu.vector_load %arg13[%get3A_1453, %get3A_1454] {strides = array<i32>} : memref<80x128xf32, #tpu.memory_space<vmem>>, vector<1x16xf32>,
        %get3A_1456 = vector.shape_cast %get3A_1455 : vector<1x16xf32> to vector<16xf32>
        %mul3A_1457 = arith.mulf %get3A_1456, %broadcast_in_dim3A_1398 : vector<16xf32>
        %swap3A_1458 = arith.index_cast %add3A_1402 : i32 to index
        %swap3A_1459 = arith.constant 80 : index
        %swap3A_1460 = tpu.vector_load %arg13[%swap3A_1458, %swap3A_1459] {strides = array<i32>} : memref<80x128xf32, #tpu.memory_space<vmem>>, vector<1x16xf32>,
        %swap3A_1461 = vector.shape_cast %swap3A_1460 : vector<1x16xf32> to vector<16xf32>
        %swap3A_1462 = vector.shape_cast %mul3A_1457 : vector<16xf32> to vector<1x16xf32>
        tpu.vector_store %arg13[%swap3A_1458, %swap3A_1459], %swap3A_1462 {strides = array<i32>} : memref<80x128xf32, #tpu.memory_space<vmem>>, vector<1x16xf32>,
        %get3A_1463 = arith.index_cast %add3A_1402 : i32 to index
        %get3A_1464 = arith.constant 96 : index
        %get3A_1465 = tpu.vector_load %arg13[%get3A_1463, %get3A_1464] {strides = array<i32>} : memref<80x128xf32, #tpu.memory_space<vmem>>, vector<1x16xf32>,
        %get3A_1466 = vector.shape_cast %get3A_1465 : vector<1x16xf32> to vector<16xf32>
        %mul3A_1467 = arith.mulf %get3A_1466, %broadcast_in_dim3A_1398 : vector<16xf32>
        %swap3A_1468 = arith.index_cast %add3A_1402 : i32 to index
        %swap3A_1469 = arith.constant 96 : index
        %swap3A_1470 = tpu.vector_load %arg13[%swap3A_1468, %swap3A_1469] {strides = array<i32>} : memref<80x128xf32, #tpu.memory_space<vmem>>, vector<1x16xf32>,
        %swap3A_1471 = vector.shape_cast %swap3A_1470 : vector<1x16xf32> to vector<16xf32>
        %swap3A_1472 = vector.shape_cast %mul3A_1467 : vector<16xf32> to vector<1x16xf32>
        tpu.vector_store %arg13[%swap3A_1468, %swap3A_1469], %swap3A_1472 {strides = array<i32>} : memref<80x128xf32, #tpu.memory_space<vmem>>, vector<1x16xf32>,
        %get3A_1473 = arith.index_cast %add3A_1402 : i32 to index
        %get3A_1474 = arith.constant 112 : index
        %get3A_1475 = tpu.vector_load %arg13[%get3A_1473, %get3A_1474] {strides = array<i32>} : memref<80x128xf32, #tpu.memory_space<vmem>>, vector<1x16xf32>,
        %get3A_1476 = vector.shape_cast %get3A_1475 : vector<1x16xf32> to vector<16xf32>
        %mul3A_1477 = arith.mulf %get3A_1476, %broadcast_in_dim3A_1398 : vector<16xf32>
        %swap3A_1478 = arith.index_cast %add3A_1402 : i32 to index
        %swap3A_1479 = arith.constant 112 : index
        %swap3A_1480 = tpu.vector_load %arg13[%swap3A_1478, %swap3A_1479] {strides = array<i32>} : memref<80x128xf32, #tpu.memory_space<vmem>>, vector<1x16xf32>,
        %swap3A_1481 = vector.shape_cast %swap3A_1480 : vector<1x16xf32> to vector<16xf32>
        %swap3A_1482 = vector.shape_cast %mul3A_1477 : vector<16xf32> to vector<1x16xf32>
        tpu.vector_store %arg13[%swap3A_1478, %swap3A_1479], %swap3A_1482 {strides = array<i32>} : memref<80x128xf32, #tpu.memory_space<vmem>>, vector<1x16xf32>,
        %slice3A_1483 = vector.extract_strided_slice %get3A_179 {offsets = [15], sizes = [1], strides = [1]} : vector<16xf32> to vector<1xf32>
        %squeeze3A_1484 = vector.extract %slice3A_1483[0] : f32 from vector<1xf32>
        %broadcast_in_dim3A_1485 = vector.broadcast %squeeze3A_1484 : f32 to vector<16xf32>
        %mul3A_1486 = arith.constant 16 : i32
        %mul3A_1487 = arith.muli %scan3A_171, %mul3A_1486 : i32
        %add3A_1488 = arith.constant 15 : i32
        %add3A_1489 = arith.addi %mul3A_1487, %add3A_1488 : i32
        %get3A_1490 = arith.index_cast %add3A_1489 : i32 to index
        %get3A_1491 = arith.constant 0 : index
        %get3A_1492 = tpu.vector_load %arg13[%get3A_1490, %get3A_1491] {strides = array<i32>} : memref<80x128xf32, #tpu.memory_space<vmem>>, vector<1x16xf32>,
        %get3A_1493 = vector.shape_cast %get3A_1492 : vector<1x16xf32> to vector<16xf32>
        %mul3A_1494 = arith.mulf %get3A_1493, %broadcast_in_dim3A_1485 : vector<16xf32>
        %swap3A_1495 = arith.index_cast %add3A_1489 : i32 to index
        %swap3A_1496 = arith.constant 0 : index
        %swap3A_1497 = tpu.vector_load %arg13[%swap3A_1495, %swap3A_1496] {strides = array<i32>} : memref<80x128xf32, #tpu.memory_space<vmem>>, vector<1x16xf32>,
        %swap3A_1498 = vector.shape_cast %swap3A_1497 : vector<1x16xf32> to vector<16xf32>
        %swap3A_1499 = vector.shape_cast %mul3A_1494 : vector<16xf32> to vector<1x16xf32>
        tpu.vector_store %arg13[%swap3A_1495, %swap3A_1496], %swap3A_1499 {strides = array<i32>} : memref<80x128xf32, #tpu.memory_space<vmem>>, vector<1x16xf32>,
        %get3A_1500 = arith.index_cast %add3A_1489 : i32 to index
        %get3A_1501 = arith.constant 16 : index
        %get3A_1502 = tpu.vector_load %arg13[%get3A_1500, %get3A_1501] {strides = array<i32>} : memref<80x128xf32, #tpu.memory_space<vmem>>, vector<1x16xf32>,
        %get3A_1503 = vector.shape_cast %get3A_1502 : vector<1x16xf32> to vector<16xf32>
        %mul3A_1504 = arith.mulf %get3A_1503, %broadcast_in_dim3A_1485 : vector<16xf32>
        %swap3A_1505 = arith.index_cast %add3A_1489 : i32 to index
        %swap3A_1506 = arith.constant 16 : index
        %swap3A_1507 = tpu.vector_load %arg13[%swap3A_1505, %swap3A_1506] {strides = array<i32>} : memref<80x128xf32, #tpu.memory_space<vmem>>, vector<1x16xf32>,
        %swap3A_1508 = vector.shape_cast %swap3A_1507 : vector<1x16xf32> to vector<16xf32>
        %swap3A_1509 = vector.shape_cast %mul3A_1504 : vector<16xf32> to vector<1x16xf32>
        tpu.vector_store %arg13[%swap3A_1505, %swap3A_1506], %swap3A_1509 {strides = array<i32>} : memref<80x128xf32, #tpu.memory_space<vmem>>, vector<1x16xf32>,
        %get3A_1510 = arith.index_cast %add3A_1489 : i32 to index
        %get3A_1511 = arith.constant 32 : index
        %get3A_1512 = tpu.vector_load %arg13[%get3A_1510, %get3A_1511] {strides = array<i32>} : memref<80x128xf32, #tpu.memory_space<vmem>>, vector<1x16xf32>,
        %get3A_1513 = vector.shape_cast %get3A_1512 : vector<1x16xf32> to vector<16xf32>
        %mul3A_1514 = arith.mulf %get3A_1513, %broadcast_in_dim3A_1485 : vector<16xf32>
        %swap3A_1515 = arith.index_cast %add3A_1489 : i32 to index
        %swap3A_1516 = arith.constant 32 : index
        %swap3A_1517 = tpu.vector_load %arg13[%swap3A_1515, %swap3A_1516] {strides = array<i32>} : memref<80x128xf32, #tpu.memory_space<vmem>>, vector<1x16xf32>,
        %swap3A_1518 = vector.shape_cast %swap3A_1517 : vector<1x16xf32> to vector<16xf32>
        %swap3A_1519 = vector.shape_cast %mul3A_1514 : vector<16xf32> to vector<1x16xf32>
        tpu.vector_store %arg13[%swap3A_1515, %swap3A_1516], %swap3A_1519 {strides = array<i32>} : memref<80x128xf32, #tpu.memory_space<vmem>>, vector<1x16xf32>,
        %get3A_1520 = arith.index_cast %add3A_1489 : i32 to index
        %get3A_1521 = arith.constant 48 : index
        %get3A_1522 = tpu.vector_load %arg13[%get3A_1520, %get3A_1521] {strides = array<i32>} : memref<80x128xf32, #tpu.memory_space<vmem>>, vector<1x16xf32>,
        %get3A_1523 = vector.shape_cast %get3A_1522 : vector<1x16xf32> to vector<16xf32>
        %mul3A_1524 = arith.mulf %get3A_1523, %broadcast_in_dim3A_1485 : vector<16xf32>
        %swap3A_1525 = arith.index_cast %add3A_1489 : i32 to index
        %swap3A_1526 = arith.constant 48 : index
        %swap3A_1527 = tpu.vector_load %arg13[%swap3A_1525, %swap3A_1526] {strides = array<i32>} : memref<80x128xf32, #tpu.memory_space<vmem>>, vector<1x16xf32>,
        %swap3A_1528 = vector.shape_cast %swap3A_1527 : vector<1x16xf32> to vector<16xf32>
        %swap3A_1529 = vector.shape_cast %mul3A_1524 : vector<16xf32> to vector<1x16xf32>
        tpu.vector_store %arg13[%swap3A_1525, %swap3A_1526], %swap3A_1529 {strides = array<i32>} : memref<80x128xf32, #tpu.memory_space<vmem>>, vector<1x16xf32>,
        %get3A_1530 = arith.index_cast %add3A_1489 : i32 to index
        %get3A_1531 = arith.constant 64 : index
        %get3A_1532 = tpu.vector_load %arg13[%get3A_1530, %get3A_1531] {strides = array<i32>} : memref<80x128xf32, #tpu.memory_space<vmem>>, vector<1x16xf32>,
        %get3A_1533 = vector.shape_cast %get3A_1532 : vector<1x16xf32> to vector<16xf32>
        %mul3A_1534 = arith.mulf %get3A_1533, %broadcast_in_dim3A_1485 : vector<16xf32>
        %swap3A_1535 = arith.index_cast %add3A_1489 : i32 to index
        %swap3A_1536 = arith.constant 64 : index
        %swap3A_1537 = tpu.vector_load %arg13[%swap3A_1535, %swap3A_1536] {strides = array<i32>} : memref<80x128xf32, #tpu.memory_space<vmem>>, vector<1x16xf32>,
        %swap3A_1538 = vector.shape_cast %swap3A_1537 : vector<1x16xf32> to vector<16xf32>
        %swap3A_1539 = vector.shape_cast %mul3A_1534 : vector<16xf32> to vector<1x16xf32>
        tpu.vector_store %arg13[%swap3A_1535, %swap3A_1536], %swap3A_1539 {strides = array<i32>} : memref<80x128xf32, #tpu.memory_space<vmem>>, vector<1x16xf32>,
        %get3A_1540 = arith.index_cast %add3A_1489 : i32 to index
        %get3A_1541 = arith.constant 80 : index
        %get3A_1542 = tpu.vector_load %arg13[%get3A_1540, %get3A_1541] {strides = array<i32>} : memref<80x128xf32, #tpu.memory_space<vmem>>, vector<1x16xf32>,
        %get3A_1543 = vector.shape_cast %get3A_1542 : vector<1x16xf32> to vector<16xf32>
        %mul3A_1544 = arith.mulf %get3A_1543, %broadcast_in_dim3A_1485 : vector<16xf32>
        %swap3A_1545 = arith.index_cast %add3A_1489 : i32 to index
        %swap3A_1546 = arith.constant 80 : index
        %swap3A_1547 = tpu.vector_load %arg13[%swap3A_1545, %swap3A_1546] {strides = array<i32>} : memref<80x128xf32, #tpu.memory_space<vmem>>, vector<1x16xf32>,
        %swap3A_1548 = vector.shape_cast %swap3A_1547 : vector<1x16xf32> to vector<16xf32>
        %swap3A_1549 = vector.shape_cast %mul3A_1544 : vector<16xf32> to vector<1x16xf32>
        tpu.vector_store %arg13[%swap3A_1545, %swap3A_1546], %swap3A_1549 {strides = array<i32>} : memref<80x128xf32, #tpu.memory_space<vmem>>, vector<1x16xf32>,
        %get3A_1550 = arith.index_cast %add3A_1489 : i32 to index
        %get3A_1551 = arith.constant 96 : index
        %get3A_1552 = tpu.vector_load %arg13[%get3A_1550, %get3A_1551] {strides = array<i32>} : memref<80x128xf32, #tpu.memory_space<vmem>>, vector<1x16xf32>,
        %get3A_1553 = vector.shape_cast %get3A_1552 : vector<1x16xf32> to vector<16xf32>
        %mul3A_1554 = arith.mulf %get3A_1553, %broadcast_in_dim3A_1485 : vector<16xf32>
        %swap3A_1555 = arith.index_cast %add3A_1489 : i32 to index
        %swap3A_1556 = arith.constant 96 : index
        %swap3A_1557 = tpu.vector_load %arg13[%swap3A_1555, %swap3A_1556] {strides = array<i32>} : memref<80x128xf32, #tpu.memory_space<vmem>>, vector<1x16xf32>,
        %swap3A_1558 = vector.shape_cast %swap3A_1557 : vector<1x16xf32> to vector<16xf32>
        %swap3A_1559 = vector.shape_cast %mul3A_1554 : vector<16xf32> to vector<1x16xf32>
        tpu.vector_store %arg13[%swap3A_1555, %swap3A_1556], %swap3A_1559 {strides = array<i32>} : memref<80x128xf32, #tpu.memory_space<vmem>>, vector<1x16xf32>,
        %get3A_1560 = arith.index_cast %add3A_1489 : i32 to index
        %get3A_1561 = arith.constant 112 : index
        %get3A_1562 = tpu.vector_load %arg13[%get3A_1560, %get3A_1561] {strides = array<i32>} : memref<80x128xf32, #tpu.memory_space<vmem>>, vector<1x16xf32>,
        %get3A_1563 = vector.shape_cast %get3A_1562 : vector<1x16xf32> to vector<16xf32>
        %mul3A_1564 = arith.mulf %get3A_1563, %broadcast_in_dim3A_1485 : vector<16xf32>
        %swap3A_1565 = arith.index_cast %add3A_1489 : i32 to index
        %swap3A_1566 = arith.constant 112 : index
        %swap3A_1567 = tpu.vector_load %arg13[%swap3A_1565, %swap3A_1566] {strides = array<i32>} : memref<80x128xf32, #tpu.memory_space<vmem>>, vector<1x16xf32>,
        %swap3A_1568 = vector.shape_cast %swap3A_1567 : vector<1x16xf32> to vector<16xf32>
        %swap3A_1569 = vector.shape_cast %mul3A_1564 : vector<16xf32> to vector<1x16xf32>
        tpu.vector_store %arg13[%swap3A_1565, %swap3A_1566], %swap3A_1569 {strides = array<i32>} : memref<80x128xf32, #tpu.memory_space<vmem>>, vector<1x16xf32>,
      }
      %scan3A_170 = arith.constant 5 : i32
      "tpu.region"() ({
        %run_scoped3A = tpu.sem_alloc : memref<!tpu.dma_semaphore, #tpu.memory_space<semaphore_mem>>
        %dma_start3A_171 = arith.constant 0 : i32
        %dma_start3A_172 = arith.constant 0 : i32
        %dma_start3A_173 = tpu.memref_slice %arg7[%dma_start3A_171, %dma_start3A_172] : memref<10240x128xf32, #tpu.memory_space<vmem_shared>> -> memref<10240x128xf32, #tpu.memory_space<vmem_shared>>
        tpu.enqueue_indirect_dma source(%arg13 : memref<80x128xf32, #tpu.memory_space<vmem>>) target(%dma_start3A_173 : memref<10240x128xf32, #tpu.memory_space<vmem_shared>>) offsets(%arg12 : memref<80xi32, #tpu.memory_space<vmem>>) semaphore(%run_scoped3A : memref<!tpu.dma_semaphore, #tpu.memory_space<semaphore_mem>>) {add = true}
        %dma_wait3A_174 = arith.constant 0 : i32
        %dma_wait3A_175 = arith.constant 0 : i32
        %dma_wait3A_176 = tpu.memref_slice %arg7[%dma_wait3A_174, %dma_wait3A_175] : memref<10240x128xf32, #tpu.memory_space<vmem_shared>> -> memref<10240x128xf32, #tpu.memory_space<vmem_shared>>
        tpu.wait_indirect_dma semaphore(%run_scoped3A : memref<!tpu.dma_semaphore, #tpu.memory_space<semaphore_mem>>) src(%arg13 : memref<80x128xf32, #tpu.memory_space<vmem>>) dst(%dma_wait3A_176 : memref<10240x128xf32, #tpu.memory_space<vmem_shared>>)
        tpu.yield
      }) : () -> ()
    }
    %scan3A_46 = arith.constant 125 : i32
    %barrier3A_47 = arith.constant 0 : index
    tpu.barrier barrier_id(%barrier3A_47)
    %mul3A_48 = arith.constant 640 : i32
    %mul3A_49 = arith.muli %arg1, %mul3A_48 : i32
    %mul3A_50 = arith.constant 640 : i32
    %mul3A_51 = arith.muli %arg1, %mul3A_50 : i32
    "tpu.region"() ({
      %run_scoped3A = tpu.sem_alloc : memref<!tpu.dma_semaphore, #tpu.memory_space<semaphore_mem>>
      %dma_start3A = arith.constant 0 : i32
      %dma_start3A_52 = tpu.memref_slice %arg6[%arg0, %mul3A_51, %dma_start3A] : memref<2x10240x128xf32, #tpu.memory_space<hbm>> -> memref<1x640x128xf32, #tpu.memory_space<hbm>>
      %dma_start3A_53 = tpu.memref_squeeze %dma_start3A_52 : memref<1x640x128xf32, #tpu.memory_space<hbm>> -> memref<640x128xf32, #tpu.memory_space<hbm>>
      %dma_start3A_54 = arith.constant 0 : i32
      %dma_start3A_55 = tpu.memref_slice %arg7[%mul3A_49, %dma_start3A_54] : memref<10240x128xf32, #tpu.memory_space<vmem_shared>> -> memref<640x128xf32, #tpu.memory_space<vmem_shared>>
      tpu.enqueue_dma source(%dma_start3A_55 : memref<640x128xf32, #tpu.memory_space<vmem_shared>>) target(%dma_start3A_53 : memref<640x128xf32, #tpu.memory_space<hbm>>) target_semaphore(%run_scoped3A : memref<!tpu.dma_semaphore, #tpu.memory_space<semaphore_mem>>)
      %dma_wait3A = arith.constant 0 : i32
      %dma_wait3A_56 = tpu.memref_slice %arg6[%arg0, %mul3A_51, %dma_wait3A] : memref<2x10240x128xf32, #tpu.memory_space<hbm>> -> memref<1x640x128xf32, #tpu.memory_space<hbm>>
      %dma_wait3A_57 = tpu.memref_squeeze %dma_wait3A_56 : memref<1x640x128xf32, #tpu.memory_space<hbm>> -> memref<640x128xf32, #tpu.memory_space<hbm>>
      %dma_wait3A_58 = arith.constant 0 : i32
      %dma_wait3A_59 = tpu.memref_slice %arg7[%mul3A_49, %dma_wait3A_58] : memref<10240x128xf32, #tpu.memory_space<vmem_shared>> -> memref<640x128xf32, #tpu.memory_space<vmem_shared>>
      tpu.wait_dma2 semaphore(%run_scoped3A : memref<!tpu.dma_semaphore, #tpu.memory_space<semaphore_mem>>) src(%dma_wait3A_59 : memref<640x128xf32, #tpu.memory_space<vmem_shared>>) dst(%dma_wait3A_57 : memref<640x128xf32, #tpu.memory_space<hbm>>)
      tpu.yield
    }) : () -> ()
    return
  }
}

module attributes {stable_mosaic.version = 14 : i64} {
  func.func @_tc_post_body(%arg0: memref<10000x128xf32, #tpu.memory_space<vmem>>, %arg1: memref<2x10240x128xf32, #tpu.memory_space<vmem>>, %arg2: memref<1x128xf32, #tpu.memory_space<vmem>>, %arg3: memref<1x128xf32, #tpu.memory_space<vmem>>, %arg4: memref<10000x128xf32, #tpu.memory_space<vmem>>) attributes {dimension_semantics = [], scalar_prefetch = 0 : i64, scratch_operands = 0 : i64, tpu.core_type = #tpu.core_type<tc>} {
    %get3A = arith.constant 0 : index
    %get3A_0 = arith.constant 0 : index
    %get3A_1 = vector.load %arg0[%get3A, %get3A_0] : memref<10000x128xf32, #tpu.memory_space<vmem>>, vector<10000x128xf32>
    %get3A_2 = arith.constant 0 : index
    %get3A_3 = arith.constant 0 : index
    %get3A_4 = arith.constant 0 : index
    %get3A_5 = vector.load %arg1[%get3A_2, %get3A_3, %get3A_4] : memref<2x10240x128xf32, #tpu.memory_space<vmem>>, vector<1x10000x128xf32>
    %get3A_6 = vector.shape_cast %get3A_5 : vector<1x10000x128xf32> to vector<10000x128xf32>
    %add3A = arith.addf %get3A_1, %get3A_6 : vector<10000x128xf32>
    %get3A_7 = arith.constant 1 : index
    %get3A_8 = arith.constant 0 : index
    %get3A_9 = arith.constant 0 : index
    %get3A_10 = vector.load %arg1[%get3A_7, %get3A_8, %get3A_9] : memref<2x10240x128xf32, #tpu.memory_space<vmem>>, vector<1x10000x128xf32>
    %get3A_11 = vector.shape_cast %get3A_10 : vector<1x10000x128xf32> to vector<10000x128xf32>
    %add3A_12 = arith.addf %add3A, %get3A_11 : vector<10000x128xf32>
    %get3A_13 = arith.constant 0 : index
    %get3A_14 = arith.constant 0 : index
    %get3A_15 = vector.load %arg2[%get3A_13, %get3A_14] : memref<1x128xf32, #tpu.memory_space<vmem>>, vector<1x128xf32>
    %get3A_16 = arith.constant 0 : index
    %get3A_17 = arith.constant 0 : index
    %get3A_18 = vector.load %arg3[%get3A_16, %get3A_17] : memref<1x128xf32, #tpu.memory_space<vmem>>, vector<1x128xf32>
    %reduce_sum3A = arith.constant dense<0.000000e+00> : vector<10000xf32>
    %reduce_sum3A_19 = vector.multi_reduction <add>, %add3A_12, %reduce_sum3A [1] : vector<10000x128xf32> to vector<10000xf32>
    %broadcast_in_dim3A = vector.shape_cast %reduce_sum3A_19 : vector<10000xf32> to vector<10000x1xf32>
    %div3A = arith.constant 1.280000e+02 : f32
    %div3A_20 = vector.broadcast %div3A : f32 to vector<10000x1xf32>
    %div3A_21 = arith.divf %broadcast_in_dim3A, %div3A_20 : vector<10000x1xf32>
    %sub3A = vector.broadcast %div3A_21 : vector<10000x1xf32> to vector<10000x128xf32>
    %sub3A_22 = arith.subf %add3A_12, %sub3A : vector<10000x128xf32>
    %mul3A = arith.mulf %sub3A_22, %sub3A_22 : vector<10000x128xf32>
    %reduce_sum3A_23 = arith.constant dense<0.000000e+00> : vector<10000xf32>
    %reduce_sum3A_24 = vector.multi_reduction <add>, %mul3A, %reduce_sum3A_23 [1] : vector<10000x128xf32> to vector<10000xf32>
    %broadcast_in_dim3A_25 = vector.shape_cast %reduce_sum3A_24 : vector<10000xf32> to vector<10000x1xf32>
    %div3A_26 = arith.constant 1.280000e+02 : f32
    %div3A_27 = vector.broadcast %div3A_26 : f32 to vector<10000x1xf32>
    %div3A_28 = arith.divf %broadcast_in_dim3A_25, %div3A_27 : vector<10000x1xf32>
    %add3A_29 = arith.constant 9.99999974E-6 : f32
    %add3A_30 = vector.broadcast %add3A_29 : f32 to vector<10000x1xf32>
    %add3A_31 = arith.addf %div3A_28, %add3A_30 : vector<10000x1xf32>
    %sqrt3A = math.sqrt %add3A_31 : vector<10000x1xf32>
    %div3A_32 = vector.broadcast %sqrt3A : vector<10000x1xf32> to vector<10000x128xf32>
    %div3A_33 = arith.divf %sub3A_22, %div3A_32 : vector<10000x128xf32>
    %mul3A_34 = vector.broadcast %get3A_15 : vector<1x128xf32> to vector<10000x128xf32>
    %mul3A_35 = arith.mulf %div3A_33, %mul3A_34 : vector<10000x128xf32>
    %add3A_36 = vector.broadcast %get3A_18 : vector<1x128xf32> to vector<10000x128xf32>
    %add3A_37 = arith.addf %mul3A_35, %add3A_36 : vector<10000x128xf32>
    %swap3A = arith.constant 0 : index
    %swap3A_38 = arith.constant 0 : index
    %swap3A_39 = vector.load %arg4[%swap3A, %swap3A_38] : memref<10000x128xf32, #tpu.memory_space<vmem>>, vector<10000x128xf32>
    tpu.vector_store %arg4[%swap3A, %swap3A_38], %add3A_37 {strides = array<i32>} : memref<10000x128xf32, #tpu.memory_space<vmem>>, vector<10000x128xf32>,
    return
  }
}

module attributes {stable_mosaic.version = 14 : i64} {
  func.func @_tc_pre_body(%arg0: memref<10000x128xf32, #tpu.memory_space<vmem>>, %arg1: memref<128x128xf32, #tpu.memory_space<vmem>>, %arg2: memref<128x128xf32, #tpu.memory_space<vmem>>, %arg3: memref<1x128xf32, #tpu.memory_space<vmem>>, %arg4: memref<10000x128xf32, #tpu.memory_space<vmem>>, %arg5: memref<10000x128xf32, #tpu.memory_space<vmem>>) attributes {dimension_semantics = [], scalar_prefetch = 0 : i64, scratch_operands = 0 : i64, tpu.core_type = #tpu.core_type<tc>} {
    %get3A = arith.constant 0 : index
    %get3A_0 = arith.constant 0 : index
    %get3A_1 = vector.load %arg0[%get3A, %get3A_0] : memref<10000x128xf32, #tpu.memory_space<vmem>>, vector<10000x128xf32>
    %get3A_2 = arith.constant 0 : index
    %get3A_3 = arith.constant 0 : index
    %get3A_4 = vector.load %arg1[%get3A_2, %get3A_3] : memref<128x128xf32, #tpu.memory_space<vmem>>, vector<128x128xf32>
    %dot_general3A = arith.constant dense<0.000000e+00> : vector<10000x128xf32>
    %dot_general3A_5 = tpu.matmul %get3A_1, %get3A_4, %dot_general3A {dimension_numbers = #tpu.dot_dimension_numbers<[1], [0], [0], [1], [0, 0, 1, 1], [], []>, transpose_lhs_hint = false} : vector<10000x128xf32>, vector<128x128xf32>, vector<10000x128xf32> -> vector<10000x128xf32>
    %swap3A = arith.constant 0 : index
    %swap3A_6 = arith.constant 0 : index
    %swap3A_7 = vector.load %arg4[%swap3A, %swap3A_6] : memref<10000x128xf32, #tpu.memory_space<vmem>>, vector<10000x128xf32>
    tpu.vector_store %arg4[%swap3A, %swap3A_6], %dot_general3A_5 {strides = array<i32>} : memref<10000x128xf32, #tpu.memory_space<vmem>>, vector<10000x128xf32>,
    %get3A_8 = arith.constant 0 : index
    %get3A_9 = arith.constant 0 : index
    %get3A_10 = vector.load %arg2[%get3A_8, %get3A_9] : memref<128x128xf32, #tpu.memory_space<vmem>>, vector<128x128xf32>
    %dot_general3A_11 = arith.constant dense<0.000000e+00> : vector<10000x128xf32>
    %dot_general3A_12 = tpu.matmul %get3A_1, %get3A_10, %dot_general3A_11 {dimension_numbers = #tpu.dot_dimension_numbers<[1], [0], [0], [1], [0, 0, 1, 1], [], []>, transpose_lhs_hint = false} : vector<10000x128xf32>, vector<128x128xf32>, vector<10000x128xf32> -> vector<10000x128xf32>
    %get3A_13 = arith.constant 0 : index
    %get3A_14 = arith.constant 0 : index
    %get3A_15 = vector.load %arg3[%get3A_13, %get3A_14] : memref<1x128xf32, #tpu.memory_space<vmem>>, vector<1x128xf32>
    %add3A = vector.broadcast %get3A_15 : vector<1x128xf32> to vector<10000x128xf32>
    %add3A_16 = arith.addf %dot_general3A_12, %add3A : vector<10000x128xf32>
    %swap3A_17 = arith.constant 0 : index
    %swap3A_18 = arith.constant 0 : index
    %swap3A_19 = vector.load %arg5[%swap3A_17, %swap3A_18] : memref<10000x128xf32, #tpu.memory_space<vmem>>, vector<10000x128xf32>
    tpu.vector_store %arg5[%swap3A_17, %swap3A_18], %add3A_16 {strides = array<i32>} : memref<10000x128xf32, #tpu.memory_space<vmem>>, vector<10000x128xf32>,
    return
  }
}

module attributes {stable_mosaic.version = 14 : i64} {
  func.func @_tc_mid_body(%arg0: memref<10000x128xf32, #tpu.memory_space<vmem>>, %arg1: memref<2x10240x128xf32, #tpu.memory_space<vmem>>, %arg2: memref<1x128xf32, #tpu.memory_space<vmem>>, %arg3: memref<1x128xf32, #tpu.memory_space<vmem>>, %arg4: memref<128x128xf32, #tpu.memory_space<vmem>>, %arg5: memref<128x128xf32, #tpu.memory_space<vmem>>, %arg6: memref<1x128xf32, #tpu.memory_space<vmem>>, %arg7: memref<10000x128xf32, #tpu.memory_space<vmem>>, %arg8: memref<10000x128xf32, #tpu.memory_space<vmem>>) attributes {dimension_semantics = [], scalar_prefetch = 0 : i64, scratch_operands = 0 : i64, tpu.core_type = #tpu.core_type<tc>} {
    %get3A = arith.constant 0 : index
    %get3A_0 = arith.constant 0 : index
    %get3A_1 = vector.load %arg0[%get3A, %get3A_0] : memref<10000x128xf32, #tpu.memory_space<vmem>>, vector<10000x128xf32>
    %get3A_2 = arith.constant 0 : index
    %get3A_3 = arith.constant 0 : index
    %get3A_4 = arith.constant 0 : index
    %get3A_5 = vector.load %arg1[%get3A_2, %get3A_3, %get3A_4] : memref<2x10240x128xf32, #tpu.memory_space<vmem>>, vector<1x10000x128xf32>
    %get3A_6 = vector.shape_cast %get3A_5 : vector<1x10000x128xf32> to vector<10000x128xf32>
    %add3A = arith.addf %get3A_1, %get3A_6 : vector<10000x128xf32>
    %get3A_7 = arith.constant 1 : index
    %get3A_8 = arith.constant 0 : index
    %get3A_9 = arith.constant 0 : index
    %get3A_10 = vector.load %arg1[%get3A_7, %get3A_8, %get3A_9] : memref<2x10240x128xf32, #tpu.memory_space<vmem>>, vector<1x10000x128xf32>
    %get3A_11 = vector.shape_cast %get3A_10 : vector<1x10000x128xf32> to vector<10000x128xf32>
    %add3A_12 = arith.addf %add3A, %get3A_11 : vector<10000x128xf32>
    %get3A_13 = arith.constant 0 : index
    %get3A_14 = arith.constant 0 : index
    %get3A_15 = vector.load %arg2[%get3A_13, %get3A_14] : memref<1x128xf32, #tpu.memory_space<vmem>>, vector<1x128xf32>
    %get3A_16 = arith.constant 0 : index
    %get3A_17 = arith.constant 0 : index
    %get3A_18 = vector.load %arg3[%get3A_16, %get3A_17] : memref<1x128xf32, #tpu.memory_space<vmem>>, vector<1x128xf32>
    %reduce_sum3A = arith.constant dense<0.000000e+00> : vector<10000xf32>
    %reduce_sum3A_19 = vector.multi_reduction <add>, %add3A_12, %reduce_sum3A [1] : vector<10000x128xf32> to vector<10000xf32>
    %broadcast_in_dim3A = vector.shape_cast %reduce_sum3A_19 : vector<10000xf32> to vector<10000x1xf32>
    %div3A = arith.constant 1.280000e+02 : f32
    %div3A_20 = vector.broadcast %div3A : f32 to vector<10000x1xf32>
    %div3A_21 = arith.divf %broadcast_in_dim3A, %div3A_20 : vector<10000x1xf32>
    %sub3A = vector.broadcast %div3A_21 : vector<10000x1xf32> to vector<10000x128xf32>
    %sub3A_22 = arith.subf %add3A_12, %sub3A : vector<10000x128xf32>
    %mul3A = arith.mulf %sub3A_22, %sub3A_22 : vector<10000x128xf32>
    %reduce_sum3A_23 = arith.constant dense<0.000000e+00> : vector<10000xf32>
    %reduce_sum3A_24 = vector.multi_reduction <add>, %mul3A, %reduce_sum3A_23 [1] : vector<10000x128xf32> to vector<10000xf32>
    %broadcast_in_dim3A_25 = vector.shape_cast %reduce_sum3A_24 : vector<10000xf32> to vector<10000x1xf32>
    %div3A_26 = arith.constant 1.280000e+02 : f32
    %div3A_27 = vector.broadcast %div3A_26 : f32 to vector<10000x1xf32>
    %div3A_28 = arith.divf %broadcast_in_dim3A_25, %div3A_27 : vector<10000x1xf32>
    %add3A_29 = arith.constant 9.99999974E-6 : f32
    %add3A_30 = vector.broadcast %add3A_29 : f32 to vector<10000x1xf32>
    %add3A_31 = arith.addf %div3A_28, %add3A_30 : vector<10000x1xf32>
    %sqrt3A = math.sqrt %add3A_31 : vector<10000x1xf32>
    %div3A_32 = vector.broadcast %sqrt3A : vector<10000x1xf32> to vector<10000x128xf32>
    %div3A_33 = arith.divf %sub3A_22, %div3A_32 : vector<10000x128xf32>
    %mul3A_34 = vector.broadcast %get3A_15 : vector<1x128xf32> to vector<10000x128xf32>
    %mul3A_35 = arith.mulf %div3A_33, %mul3A_34 : vector<10000x128xf32>
    %add3A_36 = vector.broadcast %get3A_18 : vector<1x128xf32> to vector<10000x128xf32>
    %add3A_37 = arith.addf %mul3A_35, %add3A_36 : vector<10000x128xf32>
    %get3A_38 = arith.constant 0 : index
    %get3A_39 = arith.constant 0 : index
    %get3A_40 = vector.load %arg4[%get3A_38, %get3A_39] : memref<128x128xf32, #tpu.memory_space<vmem>>, vector<128x128xf32>
    %dot_general3A = arith.constant dense<0.000000e+00> : vector<10000x128xf32>
    %dot_general3A_41 = tpu.matmul %add3A_37, %get3A_40, %dot_general3A {dimension_numbers = #tpu.dot_dimension_numbers<[1], [0], [0], [1], [0, 0, 1, 1], [], []>, transpose_lhs_hint = false} : vector<10000x128xf32>, vector<128x128xf32>, vector<10000x128xf32> -> vector<10000x128xf32>
    %swap3A = arith.constant 0 : index
    %swap3A_42 = arith.constant 0 : index
    %swap3A_43 = vector.load %arg7[%swap3A, %swap3A_42] : memref<10000x128xf32, #tpu.memory_space<vmem>>, vector<10000x128xf32>
    tpu.vector_store %arg7[%swap3A, %swap3A_42], %dot_general3A_41 {strides = array<i32>} : memref<10000x128xf32, #tpu.memory_space<vmem>>, vector<10000x128xf32>,
    %get3A_44 = arith.constant 0 : index
    %get3A_45 = arith.constant 0 : index
    %get3A_46 = vector.load %arg5[%get3A_44, %get3A_45] : memref<128x128xf32, #tpu.memory_space<vmem>>, vector<128x128xf32>
    %dot_general3A_47 = arith.constant dense<0.000000e+00> : vector<10000x128xf32>
    %dot_general3A_48 = tpu.matmul %add3A_37, %get3A_46, %dot_general3A_47 {dimension_numbers = #tpu.dot_dimension_numbers<[1], [0], [0], [1], [0, 0, 1, 1], [], []>, transpose_lhs_hint = false} : vector<10000x128xf32>, vector<128x128xf32>, vector<10000x128xf32> -> vector<10000x128xf32>
    %get3A_49 = arith.constant 0 : index
    %get3A_50 = arith.constant 0 : index
    %get3A_51 = vector.load %arg6[%get3A_49, %get3A_50] : memref<1x128xf32, #tpu.memory_space<vmem>>, vector<1x128xf32>
    %add3A_52 = vector.broadcast %get3A_51 : vector<1x128xf32> to vector<10000x128xf32>
    %add3A_53 = arith.addf %dot_general3A_48, %add3A_52 : vector<10000x128xf32>
    %swap3A_54 = arith.constant 0 : index
    %swap3A_55 = arith.constant 0 : index
    %swap3A_56 = vector.load %arg8[%swap3A_54, %swap3A_55] : memref<10000x128xf32, #tpu.memory_space<vmem>>, vector<10000x128xf32>
    tpu.vector_store %arg8[%swap3A_54, %swap3A_55], %add3A_53 {strides = array<i32>} : memref<10000x128xf32, #tpu.memory_space<vmem>>, vector<10000x128xf32>,
    return
  }
}

</mosaic_0001>

<sc_bundles>
// kernel: sc_edge_pass.4.cloned.1.call-start
scs
__scs_entry_jumppad:
0x0: {  	(pc) =	sbr.rel $0x88, $3  }
0x1: {  	(tag) =	ssettag $0x0;
	lr =	simm.s32 $0x1  }
0x2: {  	[smem:$0x3F94] =	sst lr;
	_ =	strace $0xD0000000  }
0x3: {  	_ = 	snop  }
0x4: {  	_ = 	snop  }
0x5: {  	_ = 	snop  }
0x6: {  	_ = 	snop  }
0x7: {  	_ = 	snop  }
__scs_overlays_trampoline_lowered:
0x8: {  	[smem:$0x3FA3] =	sst s0  }
0x9: {  	[smem:$0x3FA4] =	sst s1  }
0xa: {  	[smem:$0x3FA5] =	sst s2  }
0xb: {  	[smem:$0x3FA6] =	sst s3  }
0xc: {  	[smem:$0x3FA7] =	sst s4  }
0xd: {  	[smem:$0x3FA8] =	sst s5  }
0xe: {  	[smem:$0x3FA9] =	sst s6  }
0xf: {  	[smem:$0x3FAA] =	sst s7  }
0x10: {  	[smem:$0x3FAB] =	sst s8  }
0x11: {  	[smem:$0x3FAC] =	sst s9;
	s0 =	simm.s32 @!p0 $0x0  }
0x12: {  	s1 =	sld [smem:$0x3F92];
	s0 =	simm.s32 @p0 $0x1  }
0x13: {  	[smem:$0x3FAD] =	sst s0;
	s0 =	simm.s32 @!p1 $0x0  }
0x14: {  	s2 =	sld [smem:$0x3F91];
	s0 =	simm.s32 @p1 $0x1  }
0x15: {  	[smem:$0x3FAE] =	sst s0;
	s0 =	simm.s32 @!p2 $0x0  }
0x16: {  	s3 =	sld [smem:$0x3FDB];
	s0 =	simm.s32 @p2 $0x1  }
0x17: {  	s4 =	simm.s32 $0x1BF5;
	[smem:$0x3FB0] =	sst s0  }
0x18: {  	s0 =	sld [smem:$0x3F93];
	_ =	swait.ge [sflag:s4], $0x0  }
0x19: {  	s7 =	sld [smem:$0x3F94]  }
0x1a: {  	s8 =	sadd.s32 $0xFFFFE003, lr  }
0x1b: {  	s9 =	sadd.s32 $0xFFFFFEF7, lr;
	s5 =	simm.s32 $0xFFFFFFFF;
	p2 =	slt.u32 s8, $0xFFFFF086  }
0x1c: {  	p1 =	slt.u32 s9, $0xF7A;
	s5 =	simm.s32 @!p2 $0x0  }
0x1d: {  	s5 =	simm.s32 @p1 $0x1;
	p0 =	seq.s32 s7, s2  }
0x1e: {  	s7 =	smul.u32 @!p0 $0xF7A, s2;
	p2 =	seq.s32 @!p0 s5, $0x0  }
0x1f: {  	s9 =	smul.u32 $0xF7A, s1;
	s8 =	simm.s32 @!p0 $0x1BF5;
	p2 =	por !p2, p0  }
0x20: {  	[sflag:s8] =	ssyncset.s32 @!p0 $0xFFFFF086;
	s6 =	sadd.s32 @!p0 s3, s7;
	s7 =	simm.s32 @!p0 $0x108  }
0x21: {  	s3 =	sadd.s32 s3, s9;
	s6 =	sadd.s32 @!p0 $0x88, s6;
	s7 =	simm.s32 @p2 $0x1082  }
0x22: {  	[simem:s7], [sflag:s8] =	dma.local @!p0 [hbm:s6], $0xF7A  }
0x23: {  	s9 =	sor.u32 $0xD0000000, s2;
	s6 =	simm.s32 $0x108;
	_ =	swait.ge @!p0 [sflag:s8], $0x0  }
0x24: {  	s3 =	sadd.s32 $0x88, s3;
	s6 =	simm.s32 @!p1 $0x1082;
	[sflag:s4] =	ssyncset.s32 $0xFFFFF086  }
0x25: {  	[simem:s6], [sflag:s4] =	dma.local [hbm:s3], $0xF7A  }
0x26: {  	[smem:$0x3F94] =	sst s1;
	(tag) =	ssettag s2;
	_ =	strace s9  }
0x27: {  	s1 =	sld [smem:$0x3FA4]  }
0x28: {  	s2 =	sld [smem:$0x3FA5]  }
0x29: {  	s4 =	sld [smem:$0x3FA7]  }
0x2a: {  	p0 =	seq.s32 s5, $0x0;
	s5 =	sld [smem:$0x3FA8]  }
0x2b: {  	s6 =	sld [smem:$0x3FA9]  }
0x2c: {  	s7 =	sld [smem:$0x3FAA]  }
0x2d: {  	s3 =	simm.s32 $0x108;
	s8 =	sld [smem:$0x3FAB]  }
0x2e: {  	s3 =	simm.s32 @!p0 $0x1082;
	s9 =	sld [smem:$0x3FAC]  }
0x2f: {  	lr =	sadd.s32 s0, s3;
	s0 =	sld [smem:$0x3FA3]  }
0x30: {  	s3 =	sld [smem:$0x3FA6]  }
0x31: {  	[smem:$0x3FAF] =	sst s10  }
0x32: {  	s10 =	sld [smem:$0x3FAD];
	_ =	sdelay $0x3  }
0x33: {  	p0 =	seq.s32 s10, $0x1;
	s10 =	sld [smem:$0x3FAF];
	_ =	sdelay $0x3  }
0x34: {  	[smem:$0x3FAF] =	sst s10  }
0x35: {  	s10 =	sld [smem:$0x3FAE];
	_ =	sdelay $0x3  }
0x36: {  	p1 =	seq.s32 s10, $0x1;
	s10 =	sld [smem:$0x3FAF];
	_ =	sdelay $0x3  }
0x37: {  	[smem:$0x3FAF] =	sst s10  }
0x38: {  	s10 =	sld [smem:$0x3FB0]  }
0x39: {  	_ = 	snop;
	(pc) =	sbr.ind lr, $3  }
0x3a: {  	_ = 	snop  }
0x3b: {  	_ = 	snop  }
0x3c: {  	p2 =	seq.s32 s10, $0x1;
	s10 =	sld [smem:$0x3FAF]  }
0x3d: {  	_ =	shalt  }
0x3e: {  	_ =	shalt  }
0x3f: {  	_ =	shalt  }
0x40: {  	_ =	shalt  }
0x41: {  	_ =	shalt  }
0x42: {  	_ =	shalt  }
0x43: {  	_ =	shalt  }
0x44: {  	_ =	shalt  }
0x45: {  	_ =	shalt  }
0x46: {  	_ =	shalt  }
0x47: {  	_ =	shalt  }
0x48: {  	_ =	shalt  }
0x49: {  	_ =	shalt  }
0x4a: {  	_ =	shalt  }
0x4b: {  	_ =	shalt  }
0x4c: {  	_ =	shalt  }
0x4d: {  	_ =	shalt  }
0x4e: {  	_ =	shalt  }
0x4f: {  	_ =	shalt  }
0x50: {  	_ =	shalt  }
0x51: {  	_ =	shalt  }
0x52: {  	_ =	shalt  }
0x53: {  	_ =	shalt  }
0x54: {  	_ =	shalt  }
0x55: {  	_ =	shalt  }
0x56: {  	_ =	shalt  }
0x57: {  	_ =	shalt  }
0x58: {  	_ =	shalt  }
0x59: {  	_ =	shalt  }
0x5a: {  	_ =	shalt  }
0x5b: {  	_ =	shalt  }
0x5c: {  	_ =	shalt  }
0x5d: {  	_ =	shalt  }
0x5e: {  	_ =	shalt  }
0x5f: {  	_ =	shalt  }
0x60: {  	_ =	shalt  }
0x61: {  	_ =	shalt  }
0x62: {  	_ =	shalt  }
0x63: {  	_ =	shalt  }
0x64: {  	_ =	shalt  }
0x65: {  	_ =	shalt  }
0x66: {  	_ =	shalt  }
0x67: {  	_ =	shalt  }
0x68: {  	_ =	shalt  }
0x69: {  	_ =	shalt  }
0x6a: {  	_ =	shalt  }
0x6b: {  	_ =	shalt  }
0x6c: {  	_ =	shalt  }
0x6d: {  	_ =	shalt  }
0x6e: {  	_ =	shalt  }
0x6f: {  	_ =	shalt  }
0x70: {  	_ =	shalt  }
0x71: {  	_ =	shalt  }
0x72: {  	_ =	shalt  }
0x73: {  	_ =	shalt  }
0x74: {  	_ =	shalt  }
0x75: {  	_ =	shalt  }
0x76: {  	_ =	shalt  }
0x77: {  	_ =	shalt  }
0x78: {  	_ =	shalt  }
0x79: {  	_ =	shalt  }
0x7a: {  	_ =	shalt  }
0x7b: {  	_ =	shalt  }
0x7c: {  	_ =	shalt  }
0x7d: {  	_ =	shalt  }
0x7e: {  	_ =	shalt  }
0x7f: {  	_ =	shalt  }
0x80: {  	_ =	shalt  }
0x81: {  	_ =	shalt  }
0x82: {  	_ =	shalt  }
0x83: {  	_ =	shalt  }
0x84: {  	_ =	shalt  }
0x85: {  	_ =	shalt  }
0x86: {  	_ =	shalt  }
0x87: {  	_ =	shalt  }
.Lfunc_end0:
.L_simem_size_0:
called_computation_lowered:
.L_overlay_start_0:
0x88: {  	s2 =	sld [smem:$0x3FD9]  }
0x89: {  	s3 =	sld [smem:$0x3FFE];
	_ =	sdelay $0x1  }
0x8a: {  	s1 =	srdreg.scid  }
0x8b: {  	s0 =	sand.u32 $0x1, s1  }
0x8c: {  	s17 =	sshll.u32 s0, $0xA;
	s2 =	sadd.s32 s3, s2  }
0x8d: {  	s2 =	sadd.s32 s2, s17  }
0x8e: {  	[smem:$0x3FBB] =	sst s2  }
0x8f: {  	_ = 	snop  }
0x90: {  	s2 =	sld [smem:$0x3FC7]  }
0x91: {  	s18 =	sld [smem:$0x3FD0];
	(tm) =	ssettm $0x1  }
0x92: {  	s4 =	sld [smem:$0x3FFB];
	_ =	sdelay $0x3  }
0x93: {  	_ =	strace s4  }
0x94: {  	s4 =	sld [smem:$0x3FFC];
	_ =	sdelay $0x3  }
0x95: {  	_ =	strace s4  }
0x96: {  	s4 =	sld [smem:$0x3FFD];
	_ =	sdelay $0x3  }
0x97: {  	_ =	strace s4  }
0x98: {  	_ =	strace $0x8FFFFFFF  }
0x99: {  	s19 =	sld [smem:$0x3FDB];
	_ =	sdelay $0x1  }
0x9a: {  	s5 =	simm.s32 $_scs_section_size  }
0x9b: {  	s6 =	simm.s32 $_size__tile_overlayer_lowered;
	s7 =	simm.s32 $_tile_overlayer_lowered  }
0x9c: {  	s22 =	simm.s32 $0x1BFF;
	s21 =	sshll.u32 s7, $0x1;
	s4 =	sadd.s32 s5, s19  }
0x9d: {  	s8 =	simm.s32 $0x0;
	s20 =	sshll.u32 s6, $0x1;
	s6 =	sadd.s32 s21, s4  }
0x9e: {  	[timem:s8], [sflag:s22] =	dma.local [hbm:s6], s20  }
0x9f: {  	_ =	swait.ge [sflag:s22], s20  }
0xa0: {  	s5 =	ssub.s32 $0x0, s20;
	[sflag:s22] =	ssyncset.done $0x0  }
0xa1: {  	[sflag:s22] =	ssyncadd.s32 s5;
	_ =	sdelay $0x1  }
0xa2: {  	s23 =	simm.s32 $0x1B8B  }
0xa3: {  	_ =	swait.ge [sflag:s23], $0x1  }
0xa4: {  	[sflag:s23] =	ssyncset.done $0x0  }
0xa5: {  	s25 =	simm.s32 $0x1B8E;
	s24 =	sld [smem:$0x3FFE];
	[sflag:s23] =	ssyncadd.s32 $0xFFFFFFFF  }
0xa6: {  	s26 =	simm.s32 $execute0_lowered;
	[smem:$0x3FD2] =	sst s25  }
0xa7: {  	s6 =	sshll.u32 s26, $0x1;
	_ =	strace $0x80000046;
	[dreg:$0x1] =	wrdreg $0xFFFFFFFF  }
0xa8: {  	s28 =	simm.s32 $_size_execute0_lowered;
	s4 =	sadd.s32 s4, s6;
	[dreg:$0x0] =	wrdreg $0x0  }
0xa9: {  	s6 =	sshll.u32 s28, $0x1;
	[dreg:$0x2] =	wrdreg s4  }
0xaa: {  	[dreg:$0x3] =	wrdreg s6  }
0xab: {  	[dreg:$0x4] =	wrdreg $0xC0  }
0xac: {  	_ =	task [dreg:s8], $0x5FFFF  }
0xad: {  	[dreg:$0x1] =	wrdreg $0xFFFFFFFF  }
0xae: {  	[dreg:$0x0] =	wrdreg $0x60  }
0xaf: {  	[dreg:$0x2] =	wrdreg s18  }
0xb0: {  	[dreg:$0x3] =	wrdreg s24  }
0xb1: {  	[dreg:$0x4] =	wrdreg s2  }
0xb2: {  	[dreg:$0x5] =	wrdreg $0x0  }
0xb3: {  	[dreg:$0x6] =	wrdreg $0x9  }
0xb4: {  	_ =	task.clear_ibuf [dreg:s8], $0x7FFFF;
	_ =	strace $0x90000046  }
0xb5: {  	s29 =	simm.s32 $0x9;
	_ =	strace $0x80000048  }
0xb6: {  	_ =	swait.ge [sflag:s29], $0x1  }
0xb7: {  	[sflag:s29] =	ssyncadd.s32 $0xFFFFFFFF  }
0xb8: {  	_ =	strace $0x90000048  }
0xb9: {  	_ =	sfence  }
0xba: {  	s30 =	sld [smem:$0x0];
	_ =	sdelay $0x2  }
0xbb: {  	s31 =	sshll.u32 s1, $0xD;
	s1 =	sshrl.u32 s1, $0x2  }
0xbc: {  	s3 =	sand.u32 $0x4000, s31;
	s1 =	sadd.s32 s1, s30  }
0xbd: {  	s0 =	sor.u32 s3, s0;
	s1 =	sshll.u32 s1, $0x11  }
0xbe: {  	s0 =	sor.u32 s1, s0  }
0xbf: {  	s0 =	sadd.s32 $0x8F2B, s0  }
0xc0: {  	[sflag:s0] =	ssyncadd.remote.s32 $0x1  }
0xc1: {  	_ =	sfence.sel $0xFFFF  }
0xc2: {  	[dreg:$0x0] =	wrdreg $0xFFFFFFFF;
	(pc) =	sbr.abs _section_cstart, $3  }
0xc3: {  	[dreg:$0x1] =	wrdreg $0xFFFFFFFF  }
0xc4: {  	_ =	task.clear_ibuf [dreg:s8], $0x2FFFF;
	_ =	strace $0x9FFFFFFF  }
0xc5: {  	(tm) =	ssettm $0x7FFFFFFF  }
tec
execute0_lowered:
.L_overlay_start_1:
0x0: {  	(tag) =	ssettag $0x1  }
0x1: {  	s1 =	rddreg [dreg:$0x0]  }
0x2: {  	s6 =	rddreg [dreg:$0x1]  }
0x3: {  	s15 =	rddreg [dreg:$0x2]  }
0x4: {  	s0 =	srdreg.scid;
	s3 =	rddreg [dreg:$0x3]  }
0x5: {  	s4 =	simm.s32 $0x0;
	s19 =	simm.s32 $0x2;
	s20 =	simm.s32 $0x14000  }
0x6: {  	s21 =	simm.s32 $0x16780;
	s22 =	simm.s32 $0x18F00;
	s23 =	simm.s32 $0x50  }
0x7: {  	s24 =	simm.s32 $0x1B680;
	s25 =	simm.s32 $0x1;
	s5 =	sand.u32 $0x1, s0  }
0x8: {  	s26 =	simm.s32 $0x1B700;
	s0 =	stileid.u32;
	s7 =	smul.u32 $0x140000, s5  }
0x9: {  	[smem:$0x7FF] =	sst s4;
	s2 =	sshll.u32 s5, $0x4;
	s8 =	smul.u32 $0x14000, s0  }
0xa: {  	s9 =	smul.u32 $0x50000, s0;
	s5 =	ssub.s32 $0x2, s5;
	s2 =	sor.u32 s0, s2  }
0xb: {  	s31 =	sshrl.u32 s5, $0x1;
	s16 =	smul.u32 $0x4E2, s2;
	s2 =	rddreg [dreg:$0x4]  }
0xc: {  	_ =	strace $0x80000047;
	s7 =	sadd.s32 s8, s7;
	s9 =	sshrl.u32 s9, $0x2  }
0xd: {  	s18 =	ssub.s32 s5, s31;
	s7 =	sshrl.u32 s7, $0x3;
	s5 =	sadd.s32 s9, s3  }
0xe: {  	s14 =	sadd.s32 s16, s6;
	s17 =	sadd.s32 s7, s6;
	s6 =	sadd.s32 $0x2800, s5  }
0xf: {  	s7 =	sadd.s32 $0x5000, s5;
	s8 =	sadd.s32 $0x7800, s5;
	s9 =	sadd.s32 $0xA000, s5  }
0x10: {  	s10 =	sadd.s32 $0xC800, s5;
	s11 =	sadd.s32 $0xF000, s5;
	s12 =	sadd.s32 $0x11800, s5  }
0x11: {  	s15 =	sadd.s32 s15, s16;
	s13 =	sadd.s32 $0xBE00, s14;
	s14 =	sadd.s32 $0x2000, s14  }
0x12: {  	v0 =	vimm.f32 $0.0e+00;
	s16 =	sadd.s32 $0x15C00, s17;
	s17 =	smax.u32 s18, $0x1;
	s18 =	simm.s32 $0x1B780  }
.LBB2_1:
0x13: {  	s28 =	simm.s32 $0x0;
	s29 =	simm.s32 $0x200  }
.LBB2_2:
0x14: {  	p0 =	sne.s32 s29, $0x9E00;
	[tilespmem:s28+$0x1B7F0] =	vst v0  }
0x15: {  	[tilespmem:s28+$0x1B780] =	vst v0  }
0x16: {  	[tilespmem:s28+$0x1B790] =	vst v0  }
.Ltmp0:
0x17: {  	[tilespmem:s28+$0x1B7A0] =	vst v0;
	(pc) =	sbr.rel @p0 .LBB2_2-.Ltmp0, $4  }
0x18: {  	[tilespmem:s28+$0x1B7B0] =	vst v0  }
0x19: {  	[tilespmem:s28+$0x1B7C0] =	vst v0  }
0x1a: {  	[tilespmem:s28+$0x1B7D0] =	vst v0  }
0x1b: {  	[tilespmem:s28+$0x1B7E0] =	vst v0;
	s28 =	sshra.s32 s29, $0x2;
	s29 =	sadd.s32 $0x200, s29  }
0x1c: {  	[tilespmem:s28+$0x1B7F0] =	vst v0  }
0x1d: {  	[tilespmem:s28+$0x1B780] =	vst v0  }
0x1e: {  	[tilespmem:s28+$0x1B790] =	vst v0  }
0x1f: {  	[tilespmem:s28+$0x1B7A0] =	vst v0  }
0x20: {  	[tilespmem:s28+$0x1B7B0] =	vst v0  }
0x21: {  	[tilespmem:s28+$0x1B7C0] =	vst v0  }
0x22: {  	[tilespmem:s28+$0x1B7D0] =	vst v0  }
0x23: {  	[tilespmem:s28+$0x1B7E0] =	vst v0  }
0x24: {  	[spmem:s5] =	stream.linear.scatter [tilespmem:s18], [sflag:$0x2], $0x2800, $0x38;
	[tilespmem:$0x1DF80] =	vst v63  }
0x25: {  	_ =	swait.ge [sflag:s19], $0x2800  }
0x26: {  	[sflag:s19] =	ssyncset.done $0x0  }
0x27: {  	[sflag:s19] =	ssyncadd.s32 $0xFFFFD800  }
0x28: {  	[spmem:s6] =	stream.linear.scatter [tilespmem:s18], [sflag:$0x2], $0x2800, $0x38;
	[tilespmem:$0x1DF80] =	vst v63  }
0x29: {  	_ =	swait.ge [sflag:s19], $0x2800  }
0x2a: {  	[sflag:s19] =	ssyncset.done $0x0  }
0x2b: {  	[sflag:s19] =	ssyncadd.s32 $0xFFFFD800  }
0x2c: {  	[spmem:s7] =	stream.linear.scatter [tilespmem:s18], [sflag:$0x2], $0x2800, $0x38;
	[tilespmem:$0x1DF80] =	vst v63  }
0x2d: {  	_ =	swait.ge [sflag:s19], $0x2800  }
0x2e: {  	[sflag:s19] =	ssyncset.done $0x0  }
0x2f: {  	[sflag:s19] =	ssyncadd.s32 $0xFFFFD800  }
0x30: {  	[spmem:s8] =	stream.linear.scatter [tilespmem:s18], [sflag:$0x2], $0x2800, $0x38;
	[tilespmem:$0x1DF80] =	vst v63  }
0x31: {  	_ =	swait.ge [sflag:s19], $0x2800  }
0x32: {  	[sflag:s19] =	ssyncset.done $0x0  }
0x33: {  	[sflag:s19] =	ssyncadd.s32 $0xFFFFD800  }
0x34: {  	[spmem:s9] =	stream.linear.scatter [tilespmem:s18], [sflag:$0x2], $0x2800, $0x38;
	[tilespmem:$0x1DF80] =	vst v63  }
0x35: {  	_ =	swait.ge [sflag:s19], $0x2800  }
0x36: {  	[sflag:s19] =	ssyncset.done $0x0  }
0x37: {  	[sflag:s19] =	ssyncadd.s32 $0xFFFFD800  }
0x38: {  	[spmem:s10] =	stream.linear.scatter [tilespmem:s18], [sflag:$0x2], $0x2800, $0x38;
	[tilespmem:$0x1DF80] =	vst v63  }
0x39: {  	_ =	swait.ge [sflag:s19], $0x2800  }
0x3a: {  	[sflag:s19] =	ssyncset.done $0x0  }
0x3b: {  	[sflag:s19] =	ssyncadd.s32 $0xFFFFD800  }
0x3c: {  	[spmem:s11] =	stream.linear.scatter [tilespmem:s18], [sflag:$0x2], $0x2800, $0x38;
	[tilespmem:$0x1DF80] =	vst v63  }
0x3d: {  	_ =	swait.ge [sflag:s19], $0x2800  }
0x3e: {  	[sflag:s19] =	ssyncset.done $0x0  }
0x3f: {  	[sflag:s19] =	ssyncadd.s32 $0xFFFFD800  }
0x40: {  	[spmem:s12] =	stream.linear.scatter [tilespmem:s18], [sflag:$0x2], $0x2800, $0x38;
	[tilespmem:$0x1DF80] =	vst v63  }
0x41: {  	_ =	swait.ge [sflag:s19], $0x2800  }
0x42: {  	[sflag:s19] =	ssyncset.done $0x0  }
0x43: {  	s28 =	simm.s32 $0x0;
	[sflag:s19] =	ssyncadd.s32 $0xFFFFD800  }
0x44: {  	[tilespmem:s20], [sflag:$0x2] =	stream.linear.gather [hbm4b:s13+s28], $0x2710, $0x38;
	[tilespmem:$0x1DF80] =	vst v63  }
0x45: {  	_ =	swait.ge [sflag:s19], $0x2710  }
0x46: {  	[sflag:s19] =	ssyncset.done $0x0  }
0x47: {  	[sflag:s19] =	ssyncadd.s32 $0xFFFFD8F0  }
0x48: {  	[tilespmem:s21], [sflag:$0x2] =	stream.linear.gather [hbm4b:s14+s28], $0x2710, $0x38;
	[tilespmem:$0x1DF80] =	vst v63  }
0x49: {  	_ =	swait.ge [sflag:s19], $0x2710  }
0x4a: {  	[sflag:s19] =	ssyncset.done $0x0  }
0x4b: {  	[sflag:s19] =	ssyncadd.s32 $0xFFFFD8F0  }
0x4c: {  	[tilespmem:s22], [sflag:$0x2] =	stream.linear.gather [hbm4b:s15+s28], $0x2710, $0x38;
	[tilespmem:$0x1DF80] =	vst v63  }
0x4d: {  	_ =	swait.ge [sflag:s19], $0x2710  }
0x4e: {  	[sflag:s19] =	ssyncset.done $0x0  }
0x4f: {  	[sflag:s19] =	ssyncadd.s32 $0xFFFFD8F0  }
0x50: {  	[bflag:$0x0] =	sbarrier.arrive $0xFFFF  }
.LBB2_4:
0x51: {  	s29 =	smul.u32 $0x50, s28;
	_ =	sdelay $0x1  }
0x52: {  	v1 =	vld [tilespmem:s29+$0x14000];
	_ =	sdelay $0x4  }
0x53: {  	[tilespmem:$0x1B680] =	vst v1  }
0x54: {  	v1 =	vld [tilespmem:s29+$0x16780];
	_ =	sdelay $0x4  }
0x55: {  	[tilespmem:$0x1B700] =	vst v1  }
0x56: {  	v1 =	vld [tilespmem:s29+$0x14010];
	_ =	sdelay $0x4  }
0x57: {  	[tilespmem:$0x1B690] =	vst v1  }
0x58: {  	v1 =	vld [tilespmem:s29+$0x16790];
	_ =	sdelay $0x4  }
0x59: {  	[tilespmem:$0x1B710] =	vst v1  }
0x5a: {  	v1 =	vld [tilespmem:s29+$0x14020];
	_ =	sdelay $0x4  }
0x5b: {  	[tilespmem:$0x1B6A0] =	vst v1  }
0x5c: {  	v1 =	vld [tilespmem:s29+$0x167A0];
	_ =	sdelay $0x4  }
0x5d: {  	[tilespmem:$0x1B720] =	vst v1  }
0x5e: {  	v1 =	vld [tilespmem:s29+$0x14030];
	_ =	sdelay $0x4  }
0x5f: {  	[tilespmem:$0x1B6B0] =	vst v1  }
0x60: {  	v1 =	vld [tilespmem:s29+$0x167B0];
	_ =	sdelay $0x4  }
0x61: {  	[tilespmem:$0x1B730] =	vst v1  }
0x62: {  	v1 =	vld [tilespmem:s29+$0x14040];
	_ =	sdelay $0x4  }
0x63: {  	[tilespmem:$0x1B6C0] =	vst v1  }
0x64: {  	v1 =	vld [tilespmem:s29+$0x167C0];
	_ =	sdelay $0x4  }
0x65: {  	s29 =	sadd.s32 $0x18F00, s29;
	[tilespmem:$0x1B740] =	vst v1  }
0x66: {  	[tilespmem:s18], [sflag:$0x1] =	stream.indirect.gather [hbm4b:s1+s23], $0x80, s24, s23, $0xb8;
	[tilespmem:$0x1DF80] =	vst v63  }
0x67: {  	v1 =	vmov s29;
	_ =	swait.ge [sflag:s25], $0x2800  }
0x68: {  	[sflag:s25] =	ssyncset.done $0x0  }
0x69: {  	s29 =	simm.s32 $0x0;
	[sflag:s25] =	ssyncadd.s32 $0xFFFFD800  }
.LBB2_5:
0x6a: {  	s30 =	sshll.u32 s29, $0x4  }
0x6b: {  	s30 =	sand.u32 $0x3FFFFFF0, s30  }
0x6c: {  	s31 =	sshll.u32 s29, $0xB;
	v2 =	vld.idx.msk [tilespmem:v1+s30+$0x0 ss:$0x1], $0xffff  }
0x6d: {  	s30 =	sand.u32 $0x3FFFF800, s31  }
0x6e: {  	v3 =	vld [tilespmem:s30+$0x1B780]  }
0x6f: {  	v4 =	vld [tilespmem:s30+$0x1B790]  }
0x70: {  	v5 =	vld [tilespmem:s30+$0x1B7A0]  }
0x71: {  	v7 =	vld [tilespmem:s30+$0x1B7B0];
	v6 =	vbroadcast v2, $0x0  }
0x72: {  	v8 =	vld [tilespmem:s30+$0x1B7C0]  }
0x73: {  	v9 =	vld [tilespmem:s30+$0x1B7D0];
	v3 =	vmul.f32 v6, v3  }
0x74: {  	v10 =	vld [tilespmem:s30+$0x1B7E0];
	v4 =	vmul.f32 v4, v6  }
0x75: {  	v24 =	vld [tilespmem:s30+$0x1B7F0];
	[tilespmem:s30+$0x1B780] =	vst v3;
	v3 =	vmul.f32 v5, v6  }
0x76: {  	v26 =	vld [tilespmem:s30+$0x1B800];
	v25 =	vmul.f32 v7, v6;
	[tilespmem:s30+$0x1B790] =	vst v4  }
0x77: {  	v27 =	vld [tilespmem:s30+$0x1B810];
	[tilespmem:s30+$0x1B7A0] =	vst v3;
	v3 =	vmul.f32 v8, v6  }
0x78: {  	v29 =	vld [tilespmem:s30+$0x1B820];
	v28 =	vmul.f32 v9, v6;
	[tilespmem:s30+$0x1B7B0] =	vst v25  }
0x79: {  	v11 =	vld [tilespmem:s30+$0x1B830];
	v30 =	vbroadcast v2, $0x1;
	[tilespmem:s30+$0x1B7C0] =	vst v3;
	v3 =	vmul.f32 v10, v6  }
0x7a: {  	v32 =	vld [tilespmem:s30+$0x1B840];
	v31 =	vmul.f32 v24, v6;
	[tilespmem:s30+$0x1B7D0] =	vst v28  }
0x7b: {  	v33 =	vld [tilespmem:s30+$0x1B850];
	[tilespmem:s30+$0x1B7E0] =	vst v3;
	v3 =	vmul.f32 v26, v30  }
0x7c: {  	v35 =	vld [tilespmem:s30+$0x1B860];
	v34 =	vmul.f32 v27, v30;
	[tilespmem:s30+$0x1B7F0] =	vst v31  }
0x7d: {  	v36 =	vld [tilespmem:s30+$0x1B870];
	[tilespmem:s30+$0x1B800] =	vst v3;
	v3 =	vmul.f32 v29, v30  }
0x7e: {  	v38 =	vld [tilespmem:s30+$0x1B880];
	v37 =	vmul.f32 v11, v30;
	[tilespmem:s30+$0x1B810] =	vst v34  }
0x7f: {  	v39 =	vld [tilespmem:s30+$0x1B890];
	[tilespmem:s30+$0x1B820] =	vst v3;
	v3 =	vmul.f32 v32, v30  }
0x80: {  	v41 =	vld [tilespmem:s30+$0x1B8A0];
	v40 =	vmul.f32 v33, v30;
	[tilespmem:s30+$0x1B830] =	vst v37  }
0x81: {  	v43 =	vld [tilespmem:s30+$0x1B8B0];
	v42 =	vbroadcast v2, $0x2;
	[tilespmem:s30+$0x1B840] =	vst v3;
	v3 =	vmul.f32 v35, v30  }
0x82: {  	v45 =	vld [tilespmem:s30+$0x1B8C0];
	v44 =	vmul.f32 v36, v30;
	[tilespmem:s30+$0x1B850] =	vst v40  }
0x83: {  	v46 =	vld [tilespmem:s30+$0x1B8D0];
	[tilespmem:s30+$0x1B860] =	vst v3;
	v3 =	vmul.f32 v38, v42  }
0x84: {  	v48 =	vld [tilespmem:s30+$0x1B8E0];
	v47 =	vmul.f32 v39, v42;
	[tilespmem:s30+$0x1B870] =	vst v44  }
0x85: {  	v49 =	vld [tilespmem:s30+$0x1B8F0];
	[tilespmem:s30+$0x1B880] =	vst v3;
	v3 =	vmul.f32 v41, v42  }
0x86: {  	v51 =	vld [tilespmem:s30+$0x1B900];
	v50 =	vmul.f32 v43, v42;
	[tilespmem:s30+$0x1B890] =	vst v47  }
0x87: {  	v52 =	vld [tilespmem:s30+$0x1B910];
	[tilespmem:s30+$0x1B8A0] =	vst v3;
	v3 =	vmul.f32 v45, v42  }
0x88: {  	v54 =	vld [tilespmem:s30+$0x1B920];
	v53 =	vmul.f32 v46, v42;
	[tilespmem:s30+$0x1B8B0] =	vst v50  }
0x89: {  	v56 =	vld [tilespmem:s30+$0x1B930];
	v55 =	vbroadcast v2, $0x3;
	[tilespmem:s30+$0x1B8C0] =	vst v3;
	v3 =	vmul.f32 v48, v42  }
0x8a: {  	v58 =	vld [tilespmem:s30+$0x1B940];
	v57 =	vmul.f32 v49, v42;
	[tilespmem:s30+$0x1B8D0] =	vst v53  }
0x8b: {  	v59 =	vld [tilespmem:s30+$0x1B950];
	[tilespmem:s30+$0x1B8E0] =	vst v3;
	v3 =	vmul.f32 v51, v55  }
0x8c: {  	v61 =	vld [tilespmem:s30+$0x1B960];
	v60 =	vmul.f32 v52, v55;
	[tilespmem:s30+$0x1B8F0] =	vst v57  }
0x8d: {  	v62 =	vld [tilespmem:s30+$0x1B970];
	[tilespmem:s30+$0x1B900] =	vst v3;
	v3 =	vmul.f32 v54, v55  }
0x8e: {  	v12 =	vld [tilespmem:s30+$0x1B980];
	v63 =	vmul.f32 v56, v55;
	[tilespmem:s30+$0x1B910] =	vst v60  }
0x8f: {  	v13 =	vld [tilespmem:s30+$0x1B990];
	[tilespmem:s30+$0x1B920] =	vst v3;
	v3 =	vmul.f32 v58, v55  }
0x90: {  	v15 =	vld [tilespmem:s30+$0x1B9A0];
	v14 =	vmul.f32 v59, v55;
	[tilespmem:s30+$0x1B930] =	vst v63  }
0x91: {  	v17 =	vld [tilespmem:s30+$0x1B9B0];
	v16 =	vbroadcast v2, $0x4;
	[tilespmem:s30+$0x1B940] =	vst v3;
	v3 =	vmul.f32 v61, v55  }
0x92: {  	v19 =	vld [tilespmem:s30+$0x1B9C0];
	v18 =	vmul.f32 v62, v55;
	[tilespmem:s30+$0x1B950] =	vst v14  }
0x93: {  	v20 =	vld [tilespmem:s30+$0x1B9D0];
	[tilespmem:s30+$0x1B960] =	vst v3;
	v3 =	vmul.f32 v12, v16  }
0x94: {  	v22 =	vld [tilespmem:s30+$0x1B9E0];
	v21 =	vmul.f32 v13, v16;
	[tilespmem:s30+$0x1B970] =	vst v18  }
0x95: {  	v23 =	vld [tilespmem:s30+$0x1B9F0];
	[tilespmem:s30+$0x1B980] =	vst v3;
	v3 =	vmul.f32 v15, v16  }
0x96: {  	v24 =	vmul.f32 v17, v16;
	[tilespmem:s30+$0x1B990] =	vst v21;
	v25 =	vld [tilespmem:s30+$0x1BA00]  }
0x97: {  	v33 =	vld [tilespmem:s30+$0x1BA50];
	[tilespmem:s30+$0x1B9A0] =	vst v3;
	v3 =	vmul.f32 v19, v16  }
0x98: {  	v27 =	vmul.f32 v20, v16;
	[tilespmem:s30+$0x1B9B0] =	vst v24;
	v28 =	vld [tilespmem:s30+$0x1BA20]  }
0x99: {  	v36 =	vld [tilespmem:s30+$0x1BA70];
	v29 =	vbroadcast v2, $0x5;
	[tilespmem:s30+$0x1B9C0] =	vst v3;
	v3 =	vmul.f32 v22, v16  }
0x9a: {  	[tilespmem:s30+$0x1B9D0] =	vst v27;
	v31 =	vmul.f32 v23, v16;
	v32 =	vld [tilespmem:s30+$0x1BA40]  }
0x9b: {  	v26 =	vld [tilespmem:s30+$0x1BA10];
	[tilespmem:s30+$0x1B9E0] =	vst v3;
	v3 =	vmul.f32 v25, v29  }
0x9c: {  	[tilespmem:s30+$0x1B9F0] =	vst v31;
	v40 =	vmul.f32 v33, v29;
	v35 =	vld [tilespmem:s30+$0x1BA60]  }
0x9d: {  	v30 =	vld [tilespmem:s30+$0x1BA30];
	[tilespmem:s30+$0x1BA00] =	vst v3;
	v3 =	vmul.f32 v28, v29  }
0x9e: {  	v44 =	vmul.f32 v36, v29;
	[tilespmem:s30+$0x1BA50] =	vst v40;
	v38 =	vld [tilespmem:s30+$0x1BA80]  }
0x9f: {  	v39 =	vld [tilespmem:s30+$0x1BA90];
	[tilespmem:s30+$0x1BA20] =	vst v3;
	v3 =	vmul.f32 v32, v29  }
0xa0: {  	v34 =	vmul.f32 v26, v29;
	[tilespmem:s30+$0x1BA70] =	vst v44;
	v41 =	vld [tilespmem:s30+$0x1BAA0]  }
0xa1: {  	v43 =	vld [tilespmem:s30+$0x1BAB0];
	v42 =	vbroadcast v2, $0x6;
	[tilespmem:s30+$0x1BA40] =	vst v3;
	v3 =	vmul.f32 v35, v29  }
0xa2: {  	[tilespmem:s30+$0x1BA10] =	vst v34;
	v37 =	vmul.f32 v30, v29;
	v45 =	vld [tilespmem:s30+$0x1BAC0]  }
0xa3: {  	v46 =	vld [tilespmem:s30+$0x1BAD0];
	[tilespmem:s30+$0x1BA60] =	vst v3;
	v3 =	vmul.f32 v38, v42  }
0xa4: {  	[tilespmem:s30+$0x1BA30] =	vst v37;
	v48 =	vld [tilespmem:s30+$0x1BAE0];
	v47 =	vmul.f32 v39, v42  }
0xa5: {  	v49 =	vld [tilespmem:s30+$0x1BAF0];
	[tilespmem:s30+$0x1BA80] =	vst v3;
	v3 =	vmul.f32 v41, v42  }
0xa6: {  	v50 =	vmul.f32 v43, v42;
	v51 =	vld [tilespmem:s30+$0x1BB00];
	[tilespmem:s30+$0x1BA90] =	vst v47  }
0xa7: {  	v52 =	vld [tilespmem:s30+$0x1BB10];
	[tilespmem:s30+$0x1BAA0] =	vst v3;
	v3 =	vmul.f32 v45, v42  }
0xa8: {  	v53 =	vmul.f32 v46, v42;
	[tilespmem:s30+$0x1BAB0] =	vst v50;
	v54 =	vld [tilespmem:s30+$0x1BB20]  }
0xa9: {  	v56 =	vld [tilespmem:s30+$0x1BB30];
	v55 =	vbroadcast v2, $0x7;
	[tilespmem:s30+$0x1BAC0] =	vst v3;
	v3 =	vmul.f32 v48, v42  }
0xaa: {  	v57 =	vmul.f32 v49, v42;
	[tilespmem:s30+$0x1BAD0] =	vst v53;
	v58 =	vld [tilespmem:s30+$0x1BB40]  }
0xab: {  	v59 =	vld [tilespmem:s30+$0x1BB50];
	[tilespmem:s30+$0x1BAE0] =	vst v3;
	v3 =	vmul.f32 v51, v55  }
0xac: {  	[tilespmem:s30+$0x1BAF0] =	vst v57;
	v61 =	vld [tilespmem:s30+$0x1BB60];
	v60 =	vmul.f32 v52, v55  }
0xad: {  	v62 =	vld [tilespmem:s30+$0x1BB70];
	[tilespmem:s30+$0x1BB00] =	vst v3;
	v3 =	vmul.f32 v54, v55  }
0xae: {  	v63 =	vmul.f32 v56, v55;
	v12 =	vld [tilespmem:s30+$0x1BB80];
	[tilespmem:s30+$0x1BB10] =	vst v60  }
0xaf: {  	v13 =	vld [tilespmem:s30+$0x1BB90];
	[tilespmem:s30+$0x1BB20] =	vst v3;
	v3 =	vmul.f32 v58, v55  }
0xb0: {  	v14 =	vmul.f32 v59, v55;
	[tilespmem:s30+$0x1BB30] =	vst v63;
	v15 =	vld [tilespmem:s30+$0x1BBA0]  }
0xb1: {  	v17 =	vld [tilespmem:s30+$0x1BBB0];
	v16 =	vbroadcast v2, $0x8;
	[tilespmem:s30+$0x1BB40] =	vst v3;
	v3 =	vmul.f32 v61, v55  }
0xb2: {  	v18 =	vmul.f32 v62, v55;
	[tilespmem:s30+$0x1BB50] =	vst v14;
	v19 =	vld [tilespmem:s30+$0x1BBC0]  }
0xb3: {  	v20 =	vld [tilespmem:s30+$0x1BBD0];
	[tilespmem:s30+$0x1BB60] =	vst v3;
	v3 =	vmul.f32 v12, v16  }
0xb4: {  	[tilespmem:s30+$0x1BB70] =	vst v18;
	v22 =	vld [tilespmem:s30+$0x1BBE0];
	v21 =	vmul.f32 v13, v16  }
0xb5: {  	v23 =	vld [tilespmem:s30+$0x1BBF0];
	[tilespmem:s30+$0x1BB80] =	vst v3;
	v3 =	vmul.f32 v15, v16  }
0xb6: {  	v24 =	vmul.f32 v17, v16;
	v25 =	vld [tilespmem:s30+$0x1BC00];
	[tilespmem:s30+$0x1BB90] =	vst v21  }
0xb7: {  	v26 =	vld [tilespmem:s30+$0x1BC10];
	[tilespmem:s30+$0x1BBA0] =	vst v3;
	v3 =	vmul.f32 v19, v16  }
0xb8: {  	v27 =	vmul.f32 v20, v16;
	[tilespmem:s30+$0x1BBB0] =	vst v24;
	v28 =	vld [tilespmem:s30+$0x1BC20]  }
0xb9: {  	v30 =	vld [tilespmem:s30+$0x1BC30];
	v29 =	vbroadcast v2, $0x9;
	[tilespmem:s30+$0x1BBC0] =	vst v3;
	v3 =	vmul.f32 v22, v16  }
0xba: {  	v31 =	vmul.f32 v23, v16;
	[tilespmem:s30+$0x1BBD0] =	vst v27;
	v32 =	vld [tilespmem:s30+$0x1BC40]  }
0xbb: {  	v33 =	vld [tilespmem:s30+$0x1BC50];
	[tilespmem:s30+$0x1BBE0] =	vst v3;
	v3 =	vmul.f32 v25, v29  }
0xbc: {  	[tilespmem:s30+$0x1BBF0] =	vst v31;
	v35 =	vld [tilespmem:s30+$0x1BC60];
	v34 =	vmul.f32 v26, v29  }
0xbd: {  	v36 =	vld [tilespmem:s30+$0x1BC70];
	[tilespmem:s30+$0x1BC00] =	vst v3;
	v3 =	vmul.f32 v28, v29  }
0xbe: {  	v37 =	vmul.f32 v30, v29;
	v38 =	vld [tilespmem:s30+$0x1BC80];
	[tilespmem:s30+$0x1BC10] =	vst v34  }
0xbf: {  	v39 =	vld [tilespmem:s30+$0x1BC90];
	[tilespmem:s30+$0x1BC20] =	vst v3;
	v3 =	vmul.f32 v32, v29  }
0xc0: {  	v40 =	vmul.f32 v33, v29;
	[tilespmem:s30+$0x1BC30] =	vst v37;
	v41 =	vld [tilespmem:s30+$0x1BCA0]  }
0xc1: {  	v43 =	vld [tilespmem:s30+$0x1BCB0];
	v42 =	vbroadcast v2, $0xA;
	[tilespmem:s30+$0x1BC40] =	vst v3;
	v3 =	vmul.f32 v35, v29  }
0xc2: {  	v44 =	vmul.f32 v36, v29;
	[tilespmem:s30+$0x1BC50] =	vst v40;
	v45 =	vld [tilespmem:s30+$0x1BCC0]  }
0xc3: {  	v46 =	vld [tilespmem:s30+$0x1BCD0];
	[tilespmem:s30+$0x1BC60] =	vst v3;
	v3 =	vmul.f32 v38, v42  }
0xc4: {  	[tilespmem:s30+$0x1BC70] =	vst v44;
	v48 =	vld [tilespmem:s30+$0x1BCE0];
	v47 =	vmul.f32 v39, v42  }
0xc5: {  	v49 =	vld [tilespmem:s30+$0x1BCF0];
	[tilespmem:s30+$0x1BC80] =	vst v3;
	v3 =	vmul.f32 v41, v42  }
0xc6: {  	v50 =	vmul.f32 v43, v42;
	v51 =	vld [tilespmem:s30+$0x1BD00];
	[tilespmem:s30+$0x1BC90] =	vst v47  }
0xc7: {  	v52 =	vld [tilespmem:s30+$0x1BD10];
	[tilespmem:s30+$0x1BCA0] =	vst v3;
	v3 =	vmul.f32 v45, v42  }
0xc8: {  	v53 =	vmul.f32 v46, v42;
	[tilespmem:s30+$0x1BCB0] =	vst v50;
	v54 =	vld [tilespmem:s30+$0x1BD20]  }
0xc9: {  	v56 =	vld [tilespmem:s30+$0x1BD30];
	v55 =	vbroadcast v2, $0xB;
	[tilespmem:s30+$0x1BCC0] =	vst v3;
	v3 =	vmul.f32 v48, v42  }
0xca: {  	v57 =	vmul.f32 v49, v42;
	[tilespmem:s30+$0x1BCD0] =	vst v53;
	v58 =	vld [tilespmem:s30+$0x1BD40]  }
0xcb: {  	v59 =	vld [tilespmem:s30+$0x1BD50];
	[tilespmem:s30+$0x1BCE0] =	vst v3;
	v3 =	vmul.f32 v51, v55  }
0xcc: {  	[tilespmem:s30+$0x1BCF0] =	vst v57;
	v61 =	vld [tilespmem:s30+$0x1BD60];
	v60 =	vmul.f32 v52, v55  }
0xcd: {  	v62 =	vld [tilespmem:s30+$0x1BD70];
	[tilespmem:s30+$0x1BD00] =	vst v3;
	v3 =	vmul.f32 v54, v55  }
0xce: {  	v63 =	vmul.f32 v56, v55;
	v12 =	vld [tilespmem:s30+$0x1BD80];
	[tilespmem:s30+$0x1BD10] =	vst v60  }
0xcf: {  	v13 =	vld [tilespmem:s30+$0x1BD90];
	[tilespmem:s30+$0x1BD20] =	vst v3;
	v3 =	vmul.f32 v58, v55  }
0xd0: {  	v14 =	vmul.f32 v59, v55;
	[tilespmem:s30+$0x1BD30] =	vst v63;
	v15 =	vld [tilespmem:s30+$0x1BDA0]  }
0xd1: {  	v17 =	vld [tilespmem:s30+$0x1BDB0];
	v16 =	vbroadcast v2, $0xC;
	[tilespmem:s30+$0x1BD40] =	vst v3;
	v3 =	vmul.f32 v61, v55  }
0xd2: {  	v18 =	vmul.f32 v62, v55;
	[tilespmem:s30+$0x1BD50] =	vst v14;
	v19 =	vld [tilespmem:s30+$0x1BDC0]  }
0xd3: {  	v20 =	vld [tilespmem:s30+$0x1BDD0];
	[tilespmem:s30+$0x1BD60] =	vst v3;
	v3 =	vmul.f32 v12, v16  }
0xd4: {  	[tilespmem:s30+$0x1BD70] =	vst v18;
	v22 =	vld [tilespmem:s30+$0x1BDE0];
	v21 =	vmul.f32 v13, v16  }
0xd5: {  	v23 =	vld [tilespmem:s30+$0x1BDF0];
	[tilespmem:s30+$0x1BD80] =	vst v3;
	v3 =	vmul.f32 v15, v16  }
0xd6: {  	v24 =	vmul.f32 v17, v16;
	v25 =	vld [tilespmem:s30+$0x1BE00];
	[tilespmem:s30+$0x1BD90] =	vst v21  }
0xd7: {  	v26 =	vld [tilespmem:s30+$0x1BE10];
	[tilespmem:s30+$0x1BDA0] =	vst v3;
	v3 =	vmul.f32 v19, v16  }
0xd8: {  	v27 =	vmul.f32 v20, v16;
	[tilespmem:s30+$0x1BDB0] =	vst v24;
	v28 =	vld [tilespmem:s30+$0x1BE20]  }
0xd9: {  	v30 =	vld [tilespmem:s30+$0x1BE30];
	v29 =	vbroadcast v2, $0xD;
	[tilespmem:s30+$0x1BDC0] =	vst v3;
	v3 =	vmul.f32 v22, v16  }
0xda: {  	v31 =	vmul.f32 v23, v16;
	[tilespmem:s30+$0x1BDD0] =	vst v27;
	v32 =	vld [tilespmem:s30+$0x1BE40]  }
0xdb: {  	v33 =	vld [tilespmem:s30+$0x1BE50];
	[tilespmem:s30+$0x1BDE0] =	vst v3;
	v3 =	vmul.f32 v25, v29  }
0xdc: {  	[tilespmem:s30+$0x1BDF0] =	vst v31;
	v35 =	vld [tilespmem:s30+$0x1BE60];
	v34 =	vmul.f32 v26, v29  }
0xdd: {  	v36 =	vld [tilespmem:s30+$0x1BE70];
	[tilespmem:s30+$0x1BE00] =	vst v3;
	v3 =	vmul.f32 v28, v29  }
0xde: {  	v37 =	vmul.f32 v30, v29;
	v38 =	vld [tilespmem:s30+$0x1BE80];
	[tilespmem:s30+$0x1BE10] =	vst v34  }
0xdf: {  	v39 =	vld [tilespmem:s30+$0x1BE90];
	[tilespmem:s30+$0x1BE20] =	vst v3;
	v3 =	vmul.f32 v32, v29  }
0xe0: {  	v40 =	vmul.f32 v33, v29;
	[tilespmem:s30+$0x1BE30] =	vst v37;
	v41 =	vld [tilespmem:s30+$0x1BEA0]  }
0xe1: {  	v43 =	vld [tilespmem:s30+$0x1BEB0];
	v42 =	vbroadcast v2, $0xE;
	[tilespmem:s30+$0x1BE40] =	vst v3;
	v3 =	vmul.f32 v35, v29  }
0xe2: {  	v44 =	vmul.f32 v36, v29;
	[tilespmem:s30+$0x1BE50] =	vst v40;
	v45 =	vld [tilespmem:s30+$0x1BEC0]  }
0xe3: {  	v46 =	vld [tilespmem:s30+$0x1BED0];
	[tilespmem:s30+$0x1BE60] =	vst v3;
	v3 =	vmul.f32 v38, v42  }
0xe4: {  	[tilespmem:s30+$0x1BE70] =	vst v44;
	v48 =	vld [tilespmem:s30+$0x1BEE0];
	v47 =	vmul.f32 v39, v42  }
0xe5: {  	v49 =	vld [tilespmem:s30+$0x1BEF0];
	[tilespmem:s30+$0x1BE80] =	vst v3;
	v3 =	vmul.f32 v41, v42  }
0xe6: {  	v50 =	vmul.f32 v43, v42;
	v51 =	vld [tilespmem:s30+$0x1BF00];
	[tilespmem:s30+$0x1BE90] =	vst v47  }
0xe7: {  	v52 =	vld [tilespmem:s30+$0x1BF10];
	[tilespmem:s30+$0x1BEA0] =	vst v3;
	v3 =	vmul.f32 v45, v42  }
0xe8: {  	v53 =	vmul.f32 v46, v42;
	[tilespmem:s30+$0x1BEB0] =	vst v50;
	v54 =	vld [tilespmem:s30+$0x1BF20]  }
0xe9: {  	v2 =	vbroadcast v2, $0xF;
	v58 =	vld [tilespmem:s30+$0x1BF50];
	[tilespmem:s30+$0x1BEC0] =	vst v3;
	v3 =	vmul.f32 v48, v42  }
0xea: {  	v57 =	vld [tilespmem:s30+$0x1BF40];
	v56 =	vmul.f32 v49, v42;
	[tilespmem:s30+$0x1BED0] =	vst v53  }
0xeb: {  	v55 =	vld [tilespmem:s30+$0x1BF30];
	[tilespmem:s30+$0x1BEE0] =	vst v3;
	v3 =	vmul.f32 v51, v2  }
0xec: {  	v60 =	vld [tilespmem:s30+$0x1BF60];
	v59 =	vmul.f32 v52, v2;
	[tilespmem:s30+$0x1BEF0] =	vst v56  }
0xed: {  	v61 =	vld [tilespmem:s30+$0x1BF70];
	[tilespmem:s30+$0x1BF00] =	vst v3;
	v3 =	vmul.f32 v54, v2  }
0xee: {  	[tilespmem:s30+$0x1BF10] =	vst v59;
	v63 =	vmul.f32 v58, v2  }
0xef: {  	p0 =	sne.s32 s29, $0x4;
	[tilespmem:s30+$0x1BF20] =	vst v3;
	v3 =	vmul.f32 v57, v2  }
.Ltmp1:
0xf0: {  	v62 =	vmul.f32 v55, v2;
	[tilespmem:s30+$0x1BF50] =	vst v63;
	(pc) =	sbr.rel @p0 .LBB2_5-.Ltmp1, $4  }
0xf1: {  	[tilespmem:s30+$0x1BF40] =	vst v3;
	v3 =	vmul.f32 v60, v2  }
0xf2: {  	[tilespmem:s30+$0x1BF30] =	vst v62;
	v2 =	vmul.f32 v61, v2  }
0xf3: {  	[tilespmem:s30+$0x1BF60] =	vst v3  }
0xf4: {  	s29 =	sadd.s32 $0x1, s29;
	[tilespmem:s30+$0x1BF70] =	vst v2  }
0xf5: {  	s28 =	sadd.s32 $0x1, s28  }
0xf6: {  	p0 =	sne.s32 s28, $0x7D  }
.Ltmp2:
0xf7: {  	_ = 	snop;
	(pc) =	sbr.rel @p0 .LBB2_4-.Ltmp2, $4  }
0xf8: {  	[spmem:s3] =	stream.indirect.scatter.add.f32 [tilespmem:s18], [sflag:$0x2], $0x80, s26, s23, $0xb8;
	[tilespmem:$0x1DF80] =	vst v63  }
0xf9: {  	_ =	swait.ge [sflag:s19], $0x2800  }
0xfa: {  	[sflag:s19] =	ssyncset.done $0x0  }
0xfb: {  	[sflag:s19] =	ssyncadd.s32 $0xFFFFD800  }
0xfc: {  	s4 =	sadd.s32 $0x1, s4  }
0xfd: {  	s28 =	sshll.u32 s0, $0x6;
	[bflag:$0x0] =	sbarrier.arrive $0xFFFF;
	p0 =	sne.s32 s4, s17  }
.Ltmp3:
0xfe: {  	s29 =	sshrl.u32 s5, $0x3;
	s28 =	sor.u32 $0x1C02, s28;
	(pc) =	sbr.rel @p0 .LBB2_1-.Ltmp3, $4  }
0xff: {  	[hbm:s16], [sflag:s28] =	dma.local [spmem:s29], $0x2800  }
0x100: {  	_ =	swait.ge [sflag:s19], $0x2800  }
0x101: {  	[sflag:s19] =	ssyncset.done $0x0  }
0x102: {  	[sflag:s19] =	ssyncadd.s32 $0xFFFFD800  }
0x103: {  	_ =	sfence.sel $0x180000  }
0x104: {  	[bflag:$0x0] =	sbarrier.arrive $0xFFFF  }
0x105: {  	p0 =	sne.s32 s0, $0x0;
	_ =	strace $0x90000047  }
0x106: {  	s0 =	sadd.s32 @!p0 $0x100000, s2;
	[bflag:$0x2] =	sbarrier.arrive $0xFFFF  }
0x107: {  	[sflag:s0] =	ssyncadd.tile.s32 @!p0 $0x1;
	_ =	shalt  }
.Lfunc_end2:
_tile_overlayer_lowered:
.L_overlay_start_2:
0x108: {  	(tag) =	ssettag $0x2  }
0x109: {  	s0 =	rddreg [dreg:$0x0];
	s2 =	stileid.u32  }
0x10a: {  	s1 =	rddreg [dreg:$0x1];
	p0 =	sne.s32 s2, $0x0  }
0x10b: {  	s3 =	rddreg [dreg:$0x2];
	[bflag:$0x3] =	sbarrier.arrive $0xFFFF;
	s2 =	simm.s32 @!p0 $0x1C02  }
0x10c: {  	[timem:s3], [sflag:s2] =	dma.local @!p0 [hbm:s0], s1  }
0x10d: {  	s0 =	simm.s32 @!p0 $0x2  }
0x10e: {  	_ =	swait.ge @!p0 [sflag:s0], s1  }
0x10f: {  	s1 =	ssub.s32 @!p0 $0x0, s1;
	[sflag:s0] =	ssyncset.done @!p0 $0x0  }
0x110: {  	[sflag:s0] =	ssyncadd.s32 @!p0 s1  }
0x111: {  	[bflag:$0x3] =	sbarrier.arrive $0xFFFF  }
0x112: {  	_ =	shalt  }

// kernel: sc_edge_pass.7.cloned.1.call-start
scs
__scs_entry_jumppad:
0x0: {  	(pc) =	sbr.rel $0x88, $3  }
0x1: {  	(tag) =	ssettag $0x0;
	lr =	simm.s32 $0x1  }
0x2: {  	[smem:$0x3F94] =	sst lr;
	_ =	strace $0xD0000000  }
0x3: {  	_ = 	snop  }
0x4: {  	_ = 	snop  }
0x5: {  	_ = 	snop  }
0x6: {  	_ = 	snop  }
0x7: {  	_ = 	snop  }
__scs_overlays_trampoline_lowered:
0x8: {  	[smem:$0x3FA3] =	sst s0  }
0x9: {  	[smem:$0x3FA4] =	sst s1  }
0xa: {  	[smem:$0x3FA5] =	sst s2  }
0xb: {  	[smem:$0x3FA6] =	sst s3  }
0xc: {  	[smem:$0x3FA7] =	sst s4  }
0xd: {  	[smem:$0x3FA8] =	sst s5  }
0xe: {  	[smem:$0x3FA9] =	sst s6  }
0xf: {  	[smem:$0x3FAA] =	sst s7  }
0x10: {  	[smem:$0x3FAB] =	sst s8  }
0x11: {  	[smem:$0x3FAC] =	sst s9;
	s0 =	simm.s32 @!p0 $0x0  }
0x12: {  	s1 =	sld [smem:$0x3F92];
	s0 =	simm.s32 @p0 $0x1  }
0x13: {  	[smem:$0x3FAD] =	sst s0;
	s0 =	simm.s32 @!p1 $0x0  }
0x14: {  	s2 =	sld [smem:$0x3F91];
	s0 =	simm.s32 @p1 $0x1  }
0x15: {  	[smem:$0x3FAE] =	sst s0;
	s0 =	simm.s32 @!p2 $0x0  }
0x16: {  	s3 =	sld [smem:$0x3FDB];
	s0 =	simm.s32 @p2 $0x1  }
0x17: {  	s4 =	simm.s32 $0x1BF5;
	[smem:$0x3FB0] =	sst s0  }
0x18: {  	s0 =	sld [smem:$0x3F93];
	_ =	swait.ge [sflag:s4], $0x0  }
0x19: {  	s7 =	sld [smem:$0x3F94]  }
0x1a: {  	s8 =	sadd.s32 $0xFFFFE003, lr  }
0x1b: {  	s9 =	sadd.s32 $0xFFFFFEF7, lr;
	s5 =	simm.s32 $0xFFFFFFFF;
	p2 =	slt.u32 s8, $0xFFFFF086  }
0x1c: {  	p1 =	slt.u32 s9, $0xF7A;
	s5 =	simm.s32 @!p2 $0x0  }
0x1d: {  	s5 =	simm.s32 @p1 $0x1;
	p0 =	seq.s32 s7, s2  }
0x1e: {  	s7 =	smul.u32 @!p0 $0xF7A, s2;
	p2 =	seq.s32 @!p0 s5, $0x0  }
0x1f: {  	s9 =	smul.u32 $0xF7A, s1;
	s8 =	simm.s32 @!p0 $0x1BF5;
	p2 =	por !p2, p0  }
0x20: {  	[sflag:s8] =	ssyncset.s32 @!p0 $0xFFFFF086;
	s6 =	sadd.s32 @!p0 s3, s7;
	s7 =	simm.s32 @!p0 $0x108  }
0x21: {  	s3 =	sadd.s32 s3, s9;
	s6 =	sadd.s32 @!p0 $0x88, s6;
	s7 =	simm.s32 @p2 $0x1082  }
0x22: {  	[simem:s7], [sflag:s8] =	dma.local @!p0 [hbm:s6], $0xF7A  }
0x23: {  	s9 =	sor.u32 $0xD0000000, s2;
	s6 =	simm.s32 $0x108;
	_ =	swait.ge @!p0 [sflag:s8], $0x0  }
0x24: {  	s3 =	sadd.s32 $0x88, s3;
	s6 =	simm.s32 @!p1 $0x1082;
	[sflag:s4] =	ssyncset.s32 $0xFFFFF086  }
0x25: {  	[simem:s6], [sflag:s4] =	dma.local [hbm:s3], $0xF7A  }
0x26: {  	[smem:$0x3F94] =	sst s1;
	(tag) =	ssettag s2;
	_ =	strace s9  }
0x27: {  	s1 =	sld [smem:$0x3FA4]  }
0x28: {  	s2 =	sld [smem:$0x3FA5]  }
0x29: {  	s4 =	sld [smem:$0x3FA7]  }
0x2a: {  	p0 =	seq.s32 s5, $0x0;
	s5 =	sld [smem:$0x3FA8]  }
0x2b: {  	s6 =	sld [smem:$0x3FA9]  }
0x2c: {  	s7 =	sld [smem:$0x3FAA]  }
0x2d: {  	s3 =	simm.s32 $0x108;
	s8 =	sld [smem:$0x3FAB]  }
0x2e: {  	s3 =	simm.s32 @!p0 $0x1082;
	s9 =	sld [smem:$0x3FAC]  }
0x2f: {  	lr =	sadd.s32 s0, s3;
	s0 =	sld [smem:$0x3FA3]  }
0x30: {  	s3 =	sld [smem:$0x3FA6]  }
0x31: {  	[smem:$0x3FAF] =	sst s10  }
0x32: {  	s10 =	sld [smem:$0x3FAD];
	_ =	sdelay $0x3  }
0x33: {  	p0 =	seq.s32 s10, $0x1;
	s10 =	sld [smem:$0x3FAF];
	_ =	sdelay $0x3  }
0x34: {  	[smem:$0x3FAF] =	sst s10  }
0x35: {  	s10 =	sld [smem:$0x3FAE];
	_ =	sdelay $0x3  }
0x36: {  	p1 =	seq.s32 s10, $0x1;
	s10 =	sld [smem:$0x3FAF];
	_ =	sdelay $0x3  }
0x37: {  	[smem:$0x3FAF] =	sst s10  }
0x38: {  	s10 =	sld [smem:$0x3FB0]  }
0x39: {  	_ = 	snop;
	(pc) =	sbr.ind lr, $3  }
0x3a: {  	_ = 	snop  }
0x3b: {  	_ = 	snop  }
0x3c: {  	p2 =	seq.s32 s10, $0x1;
	s10 =	sld [smem:$0x3FAF]  }
0x3d: {  	_ =	shalt  }
0x3e: {  	_ =	shalt  }
0x3f: {  	_ =	shalt  }
0x40: {  	_ =	shalt  }
0x41: {  	_ =	shalt  }
0x42: {  	_ =	shalt  }
0x43: {  	_ =	shalt  }
0x44: {  	_ =	shalt  }
0x45: {  	_ =	shalt  }
0x46: {  	_ =	shalt  }
0x47: {  	_ =	shalt  }
0x48: {  	_ =	shalt  }
0x49: {  	_ =	shalt  }
0x4a: {  	_ =	shalt  }
0x4b: {  	_ =	shalt  }
0x4c: {  	_ =	shalt  }
0x4d: {  	_ =	shalt  }
0x4e: {  	_ =	shalt  }
0x4f: {  	_ =	shalt  }
0x50: {  	_ =	shalt  }
0x51: {  	_ =	shalt  }
0x52: {  	_ =	shalt  }
0x53: {  	_ =	shalt  }
0x54: {  	_ =	shalt  }
0x55: {  	_ =	shalt  }
0x56: {  	_ =	shalt  }
0x57: {  	_ =	shalt  }
0x58: {  	_ =	shalt  }
0x59: {  	_ =	shalt  }
0x5a: {  	_ =	shalt  }
0x5b: {  	_ =	shalt  }
0x5c: {  	_ =	shalt  }
0x5d: {  	_ =	shalt  }
0x5e: {  	_ =	shalt  }
0x5f: {  	_ =	shalt  }
0x60: {  	_ =	shalt  }
0x61: {  	_ =	shalt  }
0x62: {  	_ =	shalt  }
0x63: {  	_ =	shalt  }
0x64: {  	_ =	shalt  }
0x65: {  	_ =	shalt  }
0x66: {  	_ =	shalt  }
0x67: {  	_ =	shalt  }
0x68: {  	_ =	shalt  }
0x69: {  	_ =	shalt  }
0x6a: {  	_ =	shalt  }
0x6b: {  	_ =	shalt  }
0x6c: {  	_ =	shalt  }
0x6d: {  	_ =	shalt  }
0x6e: {  	_ =	shalt  }
0x6f: {  	_ =	shalt  }
0x70: {  	_ =	shalt  }
0x71: {  	_ =	shalt  }
0x72: {  	_ =	shalt  }
0x73: {  	_ =	shalt  }
0x74: {  	_ =	shalt  }
0x75: {  	_ =	shalt  }
0x76: {  	_ =	shalt  }
0x77: {  	_ =	shalt  }
0x78: {  	_ =	shalt  }
0x79: {  	_ =	shalt  }
0x7a: {  	_ =	shalt  }
0x7b: {  	_ =	shalt  }
0x7c: {  	_ =	shalt  }
0x7d: {  	_ =	shalt  }
0x7e: {  	_ =	shalt  }
0x7f: {  	_ =	shalt  }
0x80: {  	_ =	shalt  }
0x81: {  	_ =	shalt  }
0x82: {  	_ =	shalt  }
0x83: {  	_ =	shalt  }
0x84: {  	_ =	shalt  }
0x85: {  	_ =	shalt  }
0x86: {  	_ =	shalt  }
0x87: {  	_ =	shalt  }
.Lfunc_end0:
.L_simem_size_0:
called_computation.1_lowered:
.L_overlay_start_0:
0x88: {  	s2 =	sld [smem:$0x3FD9]  }
0x89: {  	s3 =	sld [smem:$0x3FFE];
	_ =	sdelay $0x1  }
0x8a: {  	s1 =	srdreg.scid  }
0x8b: {  	s0 =	sand.u32 $0x1, s1  }
0x8c: {  	s17 =	sshll.u32 s0, $0xA;
	s2 =	sadd.s32 s3, s2  }
0x8d: {  	s2 =	sadd.s32 s2, s17  }
0x8e: {  	[smem:$0x3FBB] =	sst s2  }
0x8f: {  	_ = 	snop  }
0x90: {  	s2 =	sld [smem:$0x3FC7]  }
0x91: {  	s18 =	sld [smem:$0x3FD0];
	(tm) =	ssettm $0x1  }
0x92: {  	s4 =	sld [smem:$0x3FFB];
	_ =	sdelay $0x3  }
0x93: {  	_ =	strace s4  }
0x94: {  	s4 =	sld [smem:$0x3FFC];
	_ =	sdelay $0x3  }
0x95: {  	_ =	strace s4  }
0x96: {  	s4 =	sld [smem:$0x3FFD];
	_ =	sdelay $0x3  }
0x97: {  	_ =	strace s4  }
0x98: {  	_ =	strace $0x8FFFFFFF  }
0x99: {  	s19 =	sld [smem:$0x3FDB];
	_ =	sdelay $0x1  }
0x9a: {  	s5 =	simm.s32 $_scs_section_size  }
0x9b: {  	s6 =	simm.s32 $_size__tile_overlayer_lowered;
	s7 =	simm.s32 $_tile_overlayer_lowered  }
0x9c: {  	s22 =	simm.s32 $0x1BFF;
	s21 =	sshll.u32 s7, $0x1;
	s4 =	sadd.s32 s5, s19  }
0x9d: {  	s8 =	simm.s32 $0x0;
	s20 =	sshll.u32 s6, $0x1;
	s6 =	sadd.s32 s21, s4  }
0x9e: {  	[timem:s8], [sflag:s22] =	dma.local [hbm:s6], s20  }
0x9f: {  	_ =	swait.ge [sflag:s22], s20  }
0xa0: {  	s5 =	ssub.s32 $0x0, s20;
	[sflag:s22] =	ssyncset.done $0x0  }
0xa1: {  	[sflag:s22] =	ssyncadd.s32 s5;
	_ =	sdelay $0x1  }
0xa2: {  	s23 =	simm.s32 $0x1B8B  }
0xa3: {  	_ =	swait.ge [sflag:s23], $0x1  }
0xa4: {  	[sflag:s23] =	ssyncset.done $0x0  }
0xa5: {  	s25 =	simm.s32 $0x1B8E;
	s24 =	sld [smem:$0x3FFE];
	[sflag:s23] =	ssyncadd.s32 $0xFFFFFFFF  }
0xa6: {  	s26 =	simm.s32 $execute0_lowered;
	[smem:$0x3FD2] =	sst s25  }
0xa7: {  	s6 =	sshll.u32 s26, $0x1;
	_ =	strace $0x80000049;
	[dreg:$0x1] =	wrdreg $0xFFFFFFFF  }
0xa8: {  	s28 =	simm.s32 $_size_execute0_lowered;
	s4 =	sadd.s32 s4, s6;
	[dreg:$0x0] =	wrdreg $0x0  }
0xa9: {  	s6 =	sshll.u32 s28, $0x1;
	[dreg:$0x2] =	wrdreg s4  }
0xaa: {  	[dreg:$0x3] =	wrdreg s6  }
0xab: {  	[dreg:$0x4] =	wrdreg $0xC0  }
0xac: {  	_ =	task [dreg:s8], $0x5FFFF  }
0xad: {  	[dreg:$0x1] =	wrdreg $0xFFFFFFFF  }
0xae: {  	[dreg:$0x0] =	wrdreg $0x60  }
0xaf: {  	[dreg:$0x2] =	wrdreg s18  }
0xb0: {  	[dreg:$0x3] =	wrdreg s24  }
0xb1: {  	[dreg:$0x4] =	wrdreg s2  }
0xb2: {  	[dreg:$0x5] =	wrdreg $0x0  }
0xb3: {  	[dreg:$0x6] =	wrdreg $0x9  }
0xb4: {  	_ =	task.clear_ibuf [dreg:s8], $0x7FFFF;
	_ =	strace $0x90000049  }
0xb5: {  	s29 =	simm.s32 $0x9;
	_ =	strace $0x8000004B  }
0xb6: {  	_ =	swait.ge [sflag:s29], $0x1  }
0xb7: {  	[sflag:s29] =	ssyncadd.s32 $0xFFFFFFFF  }
0xb8: {  	_ =	strace $0x9000004B  }
0xb9: {  	_ =	sfence  }
0xba: {  	s30 =	sld [smem:$0x0];
	_ =	sdelay $0x2  }
0xbb: {  	s31 =	sshll.u32 s1, $0xD;
	s1 =	sshrl.u32 s1, $0x2  }
0xbc: {  	s3 =	sand.u32 $0x4000, s31;
	s1 =	sadd.s32 s1, s30  }
0xbd: {  	s0 =	sor.u32 s3, s0;
	s1 =	sshll.u32 s1, $0x11  }
0xbe: {  	s0 =	sor.u32 s1, s0  }
0xbf: {  	s0 =	sadd.s32 $0x8F2B, s0  }
0xc0: {  	[sflag:s0] =	ssyncadd.remote.s32 $0x1  }
0xc1: {  	_ =	sfence.sel $0xFFFF  }
0xc2: {  	[dreg:$0x0] =	wrdreg $0xFFFFFFFF;
	(pc) =	sbr.abs _section_cstart, $3  }
0xc3: {  	[dreg:$0x1] =	wrdreg $0xFFFFFFFF  }
0xc4: {  	_ =	task.clear_ibuf [dreg:s8], $0x2FFFF;
	_ =	strace $0x9FFFFFFF  }
0xc5: {  	(tm) =	ssettm $0x7FFFFFFF  }
tec
execute0_lowered:
.L_overlay_start_1:
0x0: {  	(tag) =	ssettag $0x1  }
0x1: {  	s1 =	rddreg [dreg:$0x0]  }
0x2: {  	s6 =	rddreg [dreg:$0x1]  }
0x3: {  	s15 =	rddreg [dreg:$0x2]  }
0x4: {  	s0 =	srdreg.scid;
	s3 =	rddreg [dreg:$0x3]  }
0x5: {  	s4 =	simm.s32 $0x0;
	s19 =	simm.s32 $0x2;
	s20 =	simm.s32 $0x14000  }
0x6: {  	s21 =	simm.s32 $0x16780;
	s22 =	simm.s32 $0x18F00;
	s23 =	simm.s32 $0x50  }
0x7: {  	s24 =	simm.s32 $0x1B680;
	s25 =	simm.s32 $0x1;
	s5 =	sand.u32 $0x1, s0  }
0x8: {  	s26 =	simm.s32 $0x1B700;
	s0 =	stileid.u32;
	s7 =	smul.u32 $0x140000, s5  }
0x9: {  	[smem:$0x7FF] =	sst s4;
	s2 =	sshll.u32 s5, $0x4;
	s8 =	smul.u32 $0x14000, s0  }
0xa: {  	s9 =	smul.u32 $0x50000, s0;
	s5 =	ssub.s32 $0x2, s5;
	s2 =	sor.u32 s0, s2  }
0xb: {  	s31 =	sshrl.u32 s5, $0x1;
	s16 =	smul.u32 $0x4E2, s2;
	s2 =	rddreg [dreg:$0x4]  }
0xc: {  	_ =	strace $0x8000004A;
	s7 =	sadd.s32 s8, s7;
	s9 =	sshrl.u32 s9, $0x2  }
0xd: {  	s18 =	ssub.s32 s5, s31;
	s7 =	sshrl.u32 s7, $0x3;
	s5 =	sadd.s32 s9, s3  }
0xe: {  	s14 =	sadd.s32 s16, s6;
	s17 =	sadd.s32 s7, s6;
	s6 =	sadd.s32 $0x2800, s5  }
0xf: {  	s7 =	sadd.s32 $0x5000, s5;
	s8 =	sadd.s32 $0x7800, s5;
	s9 =	sadd.s32 $0xA000, s5  }
0x10: {  	s10 =	sadd.s32 $0xC800, s5;
	s11 =	sadd.s32 $0xF000, s5;
	s12 =	sadd.s32 $0x11800, s5  }
0x11: {  	s15 =	sadd.s32 s15, s16;
	s13 =	sadd.s32 $0xBE00, s14;
	s14 =	sadd.s32 $0x2000, s14  }
0x12: {  	v0 =	vimm.f32 $0.0e+00;
	s16 =	sadd.s32 $0x15C00, s17;
	s17 =	smax.u32 s18, $0x1;
	s18 =	simm.s32 $0x1B780  }
.LBB2_1:
0x13: {  	s28 =	simm.s32 $0x0;
	s29 =	simm.s32 $0x200  }
.LBB2_2:
0x14: {  	p0 =	sne.s32 s29, $0x9E00;
	[tilespmem:s28+$0x1B7F0] =	vst v0  }
0x15: {  	[tilespmem:s28+$0x1B780] =	vst v0  }
0x16: {  	[tilespmem:s28+$0x1B790] =	vst v0  }
.Ltmp0:
0x17: {  	[tilespmem:s28+$0x1B7A0] =	vst v0;
	(pc) =	sbr.rel @p0 .LBB2_2-.Ltmp0, $4  }
0x18: {  	[tilespmem:s28+$0x1B7B0] =	vst v0  }
0x19: {  	[tilespmem:s28+$0x1B7C0] =	vst v0  }
0x1a: {  	[tilespmem:s28+$0x1B7D0] =	vst v0  }
0x1b: {  	[tilespmem:s28+$0x1B7E0] =	vst v0;
	s28 =	sshra.s32 s29, $0x2;
	s29 =	sadd.s32 $0x200, s29  }
0x1c: {  	[tilespmem:s28+$0x1B7F0] =	vst v0  }
0x1d: {  	[tilespmem:s28+$0x1B780] =	vst v0  }
0x1e: {  	[tilespmem:s28+$0x1B790] =	vst v0  }
0x1f: {  	[tilespmem:s28+$0x1B7A0] =	vst v0  }
0x20: {  	[tilespmem:s28+$0x1B7B0] =	vst v0  }
0x21: {  	[tilespmem:s28+$0x1B7C0] =	vst v0  }
0x22: {  	[tilespmem:s28+$0x1B7D0] =	vst v0  }
0x23: {  	[tilespmem:s28+$0x1B7E0] =	vst v0  }
0x24: {  	[spmem:s5] =	stream.linear.scatter [tilespmem:s18], [sflag:$0x2], $0x2800, $0x38;
	[tilespmem:$0x1DF80] =	vst v63  }
0x25: {  	_ =	swait.ge [sflag:s19], $0x2800  }
0x26: {  	[sflag:s19] =	ssyncset.done $0x0  }
0x27: {  	[sflag:s19] =	ssyncadd.s32 $0xFFFFD800  }
0x28: {  	[spmem:s6] =	stream.linear.scatter [tilespmem:s18], [sflag:$0x2], $0x2800, $0x38;
	[tilespmem:$0x1DF80] =	vst v63  }
0x29: {  	_ =	swait.ge [sflag:s19], $0x2800  }
0x2a: {  	[sflag:s19] =	ssyncset.done $0x0  }
0x2b: {  	[sflag:s19] =	ssyncadd.s32 $0xFFFFD800  }
0x2c: {  	[spmem:s7] =	stream.linear.scatter [tilespmem:s18], [sflag:$0x2], $0x2800, $0x38;
	[tilespmem:$0x1DF80] =	vst v63  }
0x2d: {  	_ =	swait.ge [sflag:s19], $0x2800  }
0x2e: {  	[sflag:s19] =	ssyncset.done $0x0  }
0x2f: {  	[sflag:s19] =	ssyncadd.s32 $0xFFFFD800  }
0x30: {  	[spmem:s8] =	stream.linear.scatter [tilespmem:s18], [sflag:$0x2], $0x2800, $0x38;
	[tilespmem:$0x1DF80] =	vst v63  }
0x31: {  	_ =	swait.ge [sflag:s19], $0x2800  }
0x32: {  	[sflag:s19] =	ssyncset.done $0x0  }
0x33: {  	[sflag:s19] =	ssyncadd.s32 $0xFFFFD800  }
0x34: {  	[spmem:s9] =	stream.linear.scatter [tilespmem:s18], [sflag:$0x2], $0x2800, $0x38;
	[tilespmem:$0x1DF80] =	vst v63  }
0x35: {  	_ =	swait.ge [sflag:s19], $0x2800  }
0x36: {  	[sflag:s19] =	ssyncset.done $0x0  }
0x37: {  	[sflag:s19] =	ssyncadd.s32 $0xFFFFD800  }
0x38: {  	[spmem:s10] =	stream.linear.scatter [tilespmem:s18], [sflag:$0x2], $0x2800, $0x38;
	[tilespmem:$0x1DF80] =	vst v63  }
0x39: {  	_ =	swait.ge [sflag:s19], $0x2800  }
0x3a: {  	[sflag:s19] =	ssyncset.done $0x0  }
0x3b: {  	[sflag:s19] =	ssyncadd.s32 $0xFFFFD800  }
0x3c: {  	[spmem:s11] =	stream.linear.scatter [tilespmem:s18], [sflag:$0x2], $0x2800, $0x38;
	[tilespmem:$0x1DF80] =	vst v63  }
0x3d: {  	_ =	swait.ge [sflag:s19], $0x2800  }
0x3e: {  	[sflag:s19] =	ssyncset.done $0x0  }
0x3f: {  	[sflag:s19] =	ssyncadd.s32 $0xFFFFD800  }
0x40: {  	[spmem:s12] =	stream.linear.scatter [tilespmem:s18], [sflag:$0x2], $0x2800, $0x38;
	[tilespmem:$0x1DF80] =	vst v63  }
0x41: {  	_ =	swait.ge [sflag:s19], $0x2800  }
0x42: {  	[sflag:s19] =	ssyncset.done $0x0  }
0x43: {  	s28 =	simm.s32 $0x0;
	[sflag:s19] =	ssyncadd.s32 $0xFFFFD800  }
0x44: {  	[tilespmem:s20], [sflag:$0x2] =	stream.linear.gather [hbm4b:s13+s28], $0x2710, $0x38;
	[tilespmem:$0x1DF80] =	vst v63  }
0x45: {  	_ =	swait.ge [sflag:s19], $0x2710  }
0x46: {  	[sflag:s19] =	ssyncset.done $0x0  }
0x47: {  	[sflag:s19] =	ssyncadd.s32 $0xFFFFD8F0  }
0x48: {  	[tilespmem:s21], [sflag:$0x2] =	stream.linear.gather [hbm4b:s14+s28], $0x2710, $0x38;
	[tilespmem:$0x1DF80] =	vst v63  }
0x49: {  	_ =	swait.ge [sflag:s19], $0x2710  }
0x4a: {  	[sflag:s19] =	ssyncset.done $0x0  }
0x4b: {  	[sflag:s19] =	ssyncadd.s32 $0xFFFFD8F0  }
0x4c: {  	[tilespmem:s22], [sflag:$0x2] =	stream.linear.gather [hbm4b:s15+s28], $0x2710, $0x38;
	[tilespmem:$0x1DF80] =	vst v63  }
0x4d: {  	_ =	swait.ge [sflag:s19], $0x2710  }
0x4e: {  	[sflag:s19] =	ssyncset.done $0x0  }
0x4f: {  	[sflag:s19] =	ssyncadd.s32 $0xFFFFD8F0  }
0x50: {  	[bflag:$0x0] =	sbarrier.arrive $0xFFFF  }
.LBB2_4:
0x51: {  	s29 =	smul.u32 $0x50, s28;
	_ =	sdelay $0x1  }
0x52: {  	v1 =	vld [tilespmem:s29+$0x14000];
	_ =	sdelay $0x4  }
0x53: {  	[tilespmem:$0x1B680] =	vst v1  }
0x54: {  	v1 =	vld [tilespmem:s29+$0x16780];
	_ =	sdelay $0x4  }
0x55: {  	[tilespmem:$0x1B700] =	vst v1  }
0x56: {  	v1 =	vld [tilespmem:s29+$0x14010];
	_ =	sdelay $0x4  }
0x57: {  	[tilespmem:$0x1B690] =	vst v1  }
0x58: {  	v1 =	vld [tilespmem:s29+$0x16790];
	_ =	sdelay $0x4  }
0x59: {  	[tilespmem:$0x1B710] =	vst v1  }
0x5a: {  	v1 =	vld [tilespmem:s29+$0x14020];
	_ =	sdelay $0x4  }
0x5b: {  	[tilespmem:$0x1B6A0] =	vst v1  }
0x5c: {  	v1 =	vld [tilespmem:s29+$0x167A0];
	_ =	sdelay $0x4  }
0x5d: {  	[tilespmem:$0x1B720] =	vst v1  }
0x5e: {  	v1 =	vld [tilespmem:s29+$0x14030];
	_ =	sdelay $0x4  }
0x5f: {  	[tilespmem:$0x1B6B0] =	vst v1  }
0x60: {  	v1 =	vld [tilespmem:s29+$0x167B0];
	_ =	sdelay $0x4  }
0x61: {  	[tilespmem:$0x1B730] =	vst v1  }
0x62: {  	v1 =	vld [tilespmem:s29+$0x14040];
	_ =	sdelay $0x4  }
0x63: {  	[tilespmem:$0x1B6C0] =	vst v1  }
0x64: {  	v1 =	vld [tilespmem:s29+$0x167C0];
	_ =	sdelay $0x4  }
0x65: {  	s29 =	sadd.s32 $0x18F00, s29;
	[tilespmem:$0x1B740] =	vst v1  }
0x66: {  	[tilespmem:s18], [sflag:$0x1] =	stream.indirect.gather [hbm4b:s1+s23], $0x80, s24, s23, $0xb8;
	[tilespmem:$0x1DF80] =	vst v63  }
0x67: {  	v1 =	vmov s29;
	_ =	swait.ge [sflag:s25], $0x2800  }
0x68: {  	[sflag:s25] =	ssyncset.done $0x0  }
0x69: {  	s29 =	simm.s32 $0x0;
	[sflag:s25] =	ssyncadd.s32 $0xFFFFD800  }
.LBB2_5:
0x6a: {  	s30 =	sshll.u32 s29, $0x4  }
0x6b: {  	s30 =	sand.u32 $0x3FFFFFF0, s30  }
0x6c: {  	s31 =	sshll.u32 s29, $0xB;
	v2 =	vld.idx.msk [tilespmem:v1+s30+$0x0 ss:$0x1], $0xffff  }
0x6d: {  	s30 =	sand.u32 $0x3FFFF800, s31  }
0x6e: {  	v3 =	vld [tilespmem:s30+$0x1B780]  }
0x6f: {  	v4 =	vld [tilespmem:s30+$0x1B790]  }
0x70: {  	v5 =	vld [tilespmem:s30+$0x1B7A0]  }
0x71: {  	v7 =	vld [tilespmem:s30+$0x1B7B0];
	v6 =	vbroadcast v2, $0x0  }
0x72: {  	v8 =	vld [tilespmem:s30+$0x1B7C0]  }
0x73: {  	v9 =	vld [tilespmem:s30+$0x1B7D0];
	v3 =	vmul.f32 v6, v3  }
0x74: {  	v10 =	vld [tilespmem:s30+$0x1B7E0];
	v4 =	vmul.f32 v4, v6  }
0x75: {  	v24 =	vld [tilespmem:s30+$0x1B7F0];
	[tilespmem:s30+$0x1B780] =	vst v3;
	v3 =	vmul.f32 v5, v6  }
0x76: {  	v26 =	vld [tilespmem:s30+$0x1B800];
	v25 =	vmul.f32 v7, v6;
	[tilespmem:s30+$0x1B790] =	vst v4  }
0x77: {  	v27 =	vld [tilespmem:s30+$0x1B810];
	[tilespmem:s30+$0x1B7A0] =	vst v3;
	v3 =	vmul.f32 v8, v6  }
0x78: {  	v29 =	vld [tilespmem:s30+$0x1B820];
	v28 =	vmul.f32 v9, v6;
	[tilespmem:s30+$0x1B7B0] =	vst v25  }
0x79: {  	v11 =	vld [tilespmem:s30+$0x1B830];
	v30 =	vbroadcast v2, $0x1;
	[tilespmem:s30+$0x1B7C0] =	vst v3;
	v3 =	vmul.f32 v10, v6  }
0x7a: {  	v32 =	vld [tilespmem:s30+$0x1B840];
	v31 =	vmul.f32 v24, v6;
	[tilespmem:s30+$0x1B7D0] =	vst v28  }
0x7b: {  	v33 =	vld [tilespmem:s30+$0x1B850];
	[tilespmem:s30+$0x1B7E0] =	vst v3;
	v3 =	vmul.f32 v26, v30  }
0x7c: {  	v35 =	vld [tilespmem:s30+$0x1B860];
	v34 =	vmul.f32 v27, v30;
	[tilespmem:s30+$0x1B7F0] =	vst v31  }
0x7d: {  	v36 =	vld [tilespmem:s30+$0x1B870];
	[tilespmem:s30+$0x1B800] =	vst v3;
	v3 =	vmul.f32 v29, v30  }
0x7e: {  	v38 =	vld [tilespmem:s30+$0x1B880];
	v37 =	vmul.f32 v11, v30;
	[tilespmem:s30+$0x1B810] =	vst v34  }
0x7f: {  	v39 =	vld [tilespmem:s30+$0x1B890];
	[tilespmem:s30+$0x1B820] =	vst v3;
	v3 =	vmul.f32 v32, v30  }
0x80: {  	v41 =	vld [tilespmem:s30+$0x1B8A0];
	v40 =	vmul.f32 v33, v30;
	[tilespmem:s30+$0x1B830] =	vst v37  }
0x81: {  	v43 =	vld [tilespmem:s30+$0x1B8B0];
	v42 =	vbroadcast v2, $0x2;
	[tilespmem:s30+$0x1B840] =	vst v3;
	v3 =	vmul.f32 v35, v30  }
0x82: {  	v45 =	vld [tilespmem:s30+$0x1B8C0];
	v44 =	vmul.f32 v36, v30;
	[tilespmem:s30+$0x1B850] =	vst v40  }
0x83: {  	v46 =	vld [tilespmem:s30+$0x1B8D0];
	[tilespmem:s30+$0x1B860] =	vst v3;
	v3 =	vmul.f32 v38, v42  }
0x84: {  	v48 =	vld [tilespmem:s30+$0x1B8E0];
	v47 =	vmul.f32 v39, v42;
	[tilespmem:s30+$0x1B870] =	vst v44  }
0x85: {  	v49 =	vld [tilespmem:s30+$0x1B8F0];
	[tilespmem:s30+$0x1B880] =	vst v3;
	v3 =	vmul.f32 v41, v42  }
0x86: {  	v51 =	vld [tilespmem:s30+$0x1B900];
	v50 =	vmul.f32 v43, v42;
	[tilespmem:s30+$0x1B890] =	vst v47  }
0x87: {  	v52 =	vld [tilespmem:s30+$0x1B910];
	[tilespmem:s30+$0x1B8A0] =	vst v3;
	v3 =	vmul.f32 v45, v42  }
0x88: {  	v54 =	vld [tilespmem:s30+$0x1B920];
	v53 =	vmul.f32 v46, v42;
	[tilespmem:s30+$0x1B8B0] =	vst v50  }
0x89: {  	v56 =	vld [tilespmem:s30+$0x1B930];
	v55 =	vbroadcast v2, $0x3;
	[tilespmem:s30+$0x1B8C0] =	vst v3;
	v3 =	vmul.f32 v48, v42  }
0x8a: {  	v58 =	vld [tilespmem:s30+$0x1B940];
	v57 =	vmul.f32 v49, v42;
	[tilespmem:s30+$0x1B8D0] =	vst v53  }
0x8b: {  	v59 =	vld [tilespmem:s30+$0x1B950];
	[tilespmem:s30+$0x1B8E0] =	vst v3;
	v3 =	vmul.f32 v51, v55  }
0x8c: {  	v61 =	vld [tilespmem:s30+$0x1B960];
	v60 =	vmul.f32 v52, v55;
	[tilespmem:s30+$0x1B8F0] =	vst v57  }
0x8d: {  	v62 =	vld [tilespmem:s30+$0x1B970];
	[tilespmem:s30+$0x1B900] =	vst v3;
	v3 =	vmul.f32 v54, v55  }
0x8e: {  	v12 =	vld [tilespmem:s30+$0x1B980];
	v63 =	vmul.f32 v56, v55;
	[tilespmem:s30+$0x1B910] =	vst v60  }
0x8f: {  	v13 =	vld [tilespmem:s30+$0x1B990];
	[tilespmem:s30+$0x1B920] =	vst v3;
	v3 =	vmul.f32 v58, v55  }
0x90: {  	v15 =	vld [tilespmem:s30+$0x1B9A0];
	v14 =	vmul.f32 v59, v55;
	[tilespmem:s30+$0x1B930] =	vst v63  }
0x91: {  	v17 =	vld [tilespmem:s30+$0x1B9B0];
	v16 =	vbroadcast v2, $0x4;
	[tilespmem:s30+$0x1B940] =	vst v3;
	v3 =	vmul.f32 v61, v55  }
0x92: {  	v19 =	vld [tilespmem:s30+$0x1B9C0];
	v18 =	vmul.f32 v62, v55;
	[tilespmem:s30+$0x1B950] =	vst v14  }
0x93: {  	v20 =	vld [tilespmem:s30+$0x1B9D0];
	[tilespmem:s30+$0x1B960] =	vst v3;
	v3 =	vmul.f32 v12, v16  }
0x94: {  	v22 =	vld [tilespmem:s30+$0x1B9E0];
	v21 =	vmul.f32 v13, v16;
	[tilespmem:s30+$0x1B970] =	vst v18  }
0x95: {  	v23 =	vld [tilespmem:s30+$0x1B9F0];
	[tilespmem:s30+$0x1B980] =	vst v3;
	v3 =	vmul.f32 v15, v16  }
0x96: {  	v24 =	vmul.f32 v17, v16;
	[tilespmem:s30+$0x1B990] =	vst v21;
	v25 =	vld [tilespmem:s30+$0x1BA00]  }
0x97: {  	v33 =	vld [tilespmem:s30+$0x1BA50];
	[tilespmem:s30+$0x1B9A0] =	vst v3;
	v3 =	vmul.f32 v19, v16  }
0x98: {  	v27 =	vmul.f32 v20, v16;
	[tilespmem:s30+$0x1B9B0] =	vst v24;
	v28 =	vld [tilespmem:s30+$0x1BA20]  }
0x99: {  	v36 =	vld [tilespmem:s30+$0x1BA70];
	v29 =	vbroadcast v2, $0x5;
	[tilespmem:s30+$0x1B9C0] =	vst v3;
	v3 =	vmul.f32 v22, v16  }
0x9a: {  	[tilespmem:s30+$0x1B9D0] =	vst v27;
	v31 =	vmul.f32 v23, v16;
	v32 =	vld [tilespmem:s30+$0x1BA40]  }
0x9b: {  	v26 =	vld [tilespmem:s30+$0x1BA10];
	[tilespmem:s30+$0x1B9E0] =	vst v3;
	v3 =	vmul.f32 v25, v29  }
0x9c: {  	[tilespmem:s30+$0x1B9F0] =	vst v31;
	v40 =	vmul.f32 v33, v29;
	v35 =	vld [tilespmem:s30+$0x1BA60]  }
0x9d: {  	v30 =	vld [tilespmem:s30+$0x1BA30];
	[tilespmem:s30+$0x1BA00] =	vst v3;
	v3 =	vmul.f32 v28, v29  }
0x9e: {  	v44 =	vmul.f32 v36, v29;
	[tilespmem:s30+$0x1BA50] =	vst v40;
	v38 =	vld [tilespmem:s30+$0x1BA80]  }
0x9f: {  	v39 =	vld [tilespmem:s30+$0x1BA90];
	[tilespmem:s30+$0x1BA20] =	vst v3;
	v3 =	vmul.f32 v32, v29  }
0xa0: {  	v34 =	vmul.f32 v26, v29;
	[tilespmem:s30+$0x1BA70] =	vst v44;
	v41 =	vld [tilespmem:s30+$0x1BAA0]  }
0xa1: {  	v43 =	vld [tilespmem:s30+$0x1BAB0];
	v42 =	vbroadcast v2, $0x6;
	[tilespmem:s30+$0x1BA40] =	vst v3;
	v3 =	vmul.f32 v35, v29  }
0xa2: {  	[tilespmem:s30+$0x1BA10] =	vst v34;
	v37 =	vmul.f32 v30, v29;
	v45 =	vld [tilespmem:s30+$0x1BAC0]  }
0xa3: {  	v46 =	vld [tilespmem:s30+$0x1BAD0];
	[tilespmem:s30+$0x1BA60] =	vst v3;
	v3 =	vmul.f32 v38, v42  }
0xa4: {  	[tilespmem:s30+$0x1BA30] =	vst v37;
	v48 =	vld [tilespmem:s30+$0x1BAE0];
	v47 =	vmul.f32 v39, v42  }
0xa5: {  	v49 =	vld [tilespmem:s30+$0x1BAF0];
	[tilespmem:s30+$0x1BA80] =	vst v3;
	v3 =	vmul.f32 v41, v42  }
0xa6: {  	v50 =	vmul.f32 v43, v42;
	v51 =	vld [tilespmem:s30+$0x1BB00];
	[tilespmem:s30+$0x1BA90] =	vst v47  }
0xa7: {  	v52 =	vld [tilespmem:s30+$0x1BB10];
	[tilespmem:s30+$0x1BAA0] =	vst v3;
	v3 =	vmul.f32 v45, v42  }
0xa8: {  	v53 =	vmul.f32 v46, v42;
	[tilespmem:s30+$0x1BAB0] =	vst v50;
	v54 =	vld [tilespmem:s30+$0x1BB20]  }
0xa9: {  	v56 =	vld [tilespmem:s30+$0x1BB30];
	v55 =	vbroadcast v2, $0x7;
	[tilespmem:s30+$0x1BAC0] =	vst v3;
	v3 =	vmul.f32 v48, v42  }
0xaa: {  	v57 =	vmul.f32 v49, v42;
	[tilespmem:s30+$0x1BAD0] =	vst v53;
	v58 =	vld [tilespmem:s30+$0x1BB40]  }
0xab: {  	v59 =	vld [tilespmem:s30+$0x1BB50];
	[tilespmem:s30+$0x1BAE0] =	vst v3;
	v3 =	vmul.f32 v51, v55  }
0xac: {  	[tilespmem:s30+$0x1BAF0] =	vst v57;
	v61 =	vld [tilespmem:s30+$0x1BB60];
	v60 =	vmul.f32 v52, v55  }
0xad: {  	v62 =	vld [tilespmem:s30+$0x1BB70];
	[tilespmem:s30+$0x1BB00] =	vst v3;
	v3 =	vmul.f32 v54, v55  }
0xae: {  	v63 =	vmul.f32 v56, v55;
	v12 =	vld [tilespmem:s30+$0x1BB80];
	[tilespmem:s30+$0x1BB10] =	vst v60  }
0xaf: {  	v13 =	vld [tilespmem:s30+$0x1BB90];
	[tilespmem:s30+$0x1BB20] =	vst v3;
	v3 =	vmul.f32 v58, v55  }
0xb0: {  	v14 =	vmul.f32 v59, v55;
	[tilespmem:s30+$0x1BB30] =	vst v63;
	v15 =	vld [tilespmem:s30+$0x1BBA0]  }
0xb1: {  	v17 =	vld [tilespmem:s30+$0x1BBB0];
	v16 =	vbroadcast v2, $0x8;
	[tilespmem:s30+$0x1BB40] =	vst v3;
	v3 =	vmul.f32 v61, v55  }
0xb2: {  	v18 =	vmul.f32 v62, v55;
	[tilespmem:s30+$0x1BB50] =	vst v14;
	v19 =	vld [tilespmem:s30+$0x1BBC0]  }
0xb3: {  	v20 =	vld [tilespmem:s30+$0x1BBD0];
	[tilespmem:s30+$0x1BB60] =	vst v3;
	v3 =	vmul.f32 v12, v16  }
0xb4: {  	[tilespmem:s30+$0x1BB70] =	vst v18;
	v22 =	vld [tilespmem:s30+$0x1BBE0];
	v21 =	vmul.f32 v13, v16  }
0xb5: {  	v23 =	vld [tilespmem:s30+$0x1BBF0];
	[tilespmem:s30+$0x1BB80] =	vst v3;
	v3 =	vmul.f32 v15, v16  }
0xb6: {  	v24 =	vmul.f32 v17, v16;
	v25 =	vld [tilespmem:s30+$0x1BC00];
	[tilespmem:s30+$0x1BB90] =	vst v21  }
0xb7: {  	v26 =	vld [tilespmem:s30+$0x1BC10];
	[tilespmem:s30+$0x1BBA0] =	vst v3;
	v3 =	vmul.f32 v19, v16  }
0xb8: {  	v27 =	vmul.f32 v20, v16;
	[tilespmem:s30+$0x1BBB0] =	vst v24;
	v28 =	vld [tilespmem:s30+$0x1BC20]  }
0xb9: {  	v30 =	vld [tilespmem:s30+$0x1BC30];
	v29 =	vbroadcast v2, $0x9;
	[tilespmem:s30+$0x1BBC0] =	vst v3;
	v3 =	vmul.f32 v22, v16  }
0xba: {  	v31 =	vmul.f32 v23, v16;
	[tilespmem:s30+$0x1BBD0] =	vst v27;
	v32 =	vld [tilespmem:s30+$0x1BC40]  }
0xbb: {  	v33 =	vld [tilespmem:s30+$0x1BC50];
	[tilespmem:s30+$0x1BBE0] =	vst v3;
	v3 =	vmul.f32 v25, v29  }
0xbc: {  	[tilespmem:s30+$0x1BBF0] =	vst v31;
	v35 =	vld [tilespmem:s30+$0x1BC60];
	v34 =	vmul.f32 v26, v29  }
0xbd: {  	v36 =	vld [tilespmem:s30+$0x1BC70];
	[tilespmem:s30+$0x1BC00] =	vst v3;
	v3 =	vmul.f32 v28, v29  }
0xbe: {  	v37 =	vmul.f32 v30, v29;
	v38 =	vld [tilespmem:s30+$0x1BC80];
	[tilespmem:s30+$0x1BC10] =	vst v34  }
0xbf: {  	v39 =	vld [tilespmem:s30+$0x1BC90];
	[tilespmem:s30+$0x1BC20] =	vst v3;
	v3 =	vmul.f32 v32, v29  }
0xc0: {  	v40 =	vmul.f32 v33, v29;
	[tilespmem:s30+$0x1BC30] =	vst v37;
	v41 =	vld [tilespmem:s30+$0x1BCA0]  }
0xc1: {  	v43 =	vld [tilespmem:s30+$0x1BCB0];
	v42 =	vbroadcast v2, $0xA;
	[tilespmem:s30+$0x1BC40] =	vst v3;
	v3 =	vmul.f32 v35, v29  }
0xc2: {  	v44 =	vmul.f32 v36, v29;
	[tilespmem:s30+$0x1BC50] =	vst v40;
	v45 =	vld [tilespmem:s30+$0x1BCC0]  }
0xc3: {  	v46 =	vld [tilespmem:s30+$0x1BCD0];
	[tilespmem:s30+$0x1BC60] =	vst v3;
	v3 =	vmul.f32 v38, v42  }
0xc4: {  	[tilespmem:s30+$0x1BC70] =	vst v44;
	v48 =	vld [tilespmem:s30+$0x1BCE0];
	v47 =	vmul.f32 v39, v42  }
0xc5: {  	v49 =	vld [tilespmem:s30+$0x1BCF0];
	[tilespmem:s30+$0x1BC80] =	vst v3;
	v3 =	vmul.f32 v41, v42  }
0xc6: {  	v50 =	vmul.f32 v43, v42;
	v51 =	vld [tilespmem:s30+$0x1BD00];
	[tilespmem:s30+$0x1BC90] =	vst v47  }
0xc7: {  	v52 =	vld [tilespmem:s30+$0x1BD10];
	[tilespmem:s30+$0x1BCA0] =	vst v3;
	v3 =	vmul.f32 v45, v42  }
0xc8: {  	v53 =	vmul.f32 v46, v42;
	[tilespmem:s30+$0x1BCB0] =	vst v50;
	v54 =	vld [tilespmem:s30+$0x1BD20]  }
0xc9: {  	v56 =	vld [tilespmem:s30+$0x1BD30];
	v55 =	vbroadcast v2, $0xB;
	[tilespmem:s30+$0x1BCC0] =	vst v3;
	v3 =	vmul.f32 v48, v42  }
0xca: {  	v57 =	vmul.f32 v49, v42;
	[tilespmem:s30+$0x1BCD0] =	vst v53;
	v58 =	vld [tilespmem:s30+$0x1BD40]  }
0xcb: {  	v59 =	vld [tilespmem:s30+$0x1BD50];
	[tilespmem:s30+$0x1BCE0] =	vst v3;
	v3 =	vmul.f32 v51, v55  }
0xcc: {  	[tilespmem:s30+$0x1BCF0] =	vst v57;
	v61 =	vld [tilespmem:s30+$0x1BD60];
	v60 =	vmul.f32 v52, v55  }
0xcd: {  	v62 =	vld [tilespmem:s30+$0x1BD70];
	[tilespmem:s30+$0x1BD00] =	vst v3;
	v3 =	vmul.f32 v54, v55  }
0xce: {  	v63 =	vmul.f32 v56, v55;
	v12 =	vld [tilespmem:s30+$0x1BD80];
	[tilespmem:s30+$0x1BD10] =	vst v60  }
0xcf: {  	v13 =	vld [tilespmem:s30+$0x1BD90];
	[tilespmem:s30+$0x1BD20] =	vst v3;
	v3 =	vmul.f32 v58, v55  }
0xd0: {  	v14 =	vmul.f32 v59, v55;
	[tilespmem:s30+$0x1BD30] =	vst v63;
	v15 =	vld [tilespmem:s30+$0x1BDA0]  }
0xd1: {  	v17 =	vld [tilespmem:s30+$0x1BDB0];
	v16 =	vbroadcast v2, $0xC;
	[tilespmem:s30+$0x1BD40] =	vst v3;
	v3 =	vmul.f32 v61, v55  }
0xd2: {  	v18 =	vmul.f32 v62, v55;
	[tilespmem:s30+$0x1BD50] =	vst v14;
	v19 =	vld [tilespmem:s30+$0x1BDC0]  }
0xd3: {  	v20 =	vld [tilespmem:s30+$0x1BDD0];
	[tilespmem:s30+$0x1BD60] =	vst v3;
	v3 =	vmul.f32 v12, v16  }
0xd4: {  	[tilespmem:s30+$0x1BD70] =	vst v18;
	v22 =	vld [tilespmem:s30+$0x1BDE0];
	v21 =	vmul.f32 v13, v16  }
0xd5: {  	v23 =	vld [tilespmem:s30+$0x1BDF0];
	[tilespmem:s30+$0x1BD80] =	vst v3;
	v3 =	vmul.f32 v15, v16  }
0xd6: {  	v24 =	vmul.f32 v17, v16;
	v25 =	vld [tilespmem:s30+$0x1BE00];
	[tilespmem:s30+$0x1BD90] =	vst v21  }
0xd7: {  	v26 =	vld [tilespmem:s30+$0x1BE10];
	[tilespmem:s30+$0x1BDA0] =	vst v3;
	v3 =	vmul.f32 v19, v16  }
0xd8: {  	v27 =	vmul.f32 v20, v16;
	[tilespmem:s30+$0x1BDB0] =	vst v24;
	v28 =	vld [tilespmem:s30+$0x1BE20]  }
0xd9: {  	v30 =	vld [tilespmem:s30+$0x1BE30];
	v29 =	vbroadcast v2, $0xD;
	[tilespmem:s30+$0x1BDC0] =	vst v3;
	v3 =	vmul.f32 v22, v16  }
0xda: {  	v31 =	vmul.f32 v23, v16;
	[tilespmem:s30+$0x1BDD0] =	vst v27;
	v32 =	vld [tilespmem:s30+$0x1BE40]  }
0xdb: {  	v33 =	vld [tilespmem:s30+$0x1BE50];
	[tilespmem:s30+$0x1BDE0] =	vst v3;
	v3 =	vmul.f32 v25, v29  }
0xdc: {  	[tilespmem:s30+$0x1BDF0] =	vst v31;
	v35 =	vld [tilespmem:s30+$0x1BE60];
	v34 =	vmul.f32 v26, v29  }
0xdd: {  	v36 =	vld [tilespmem:s30+$0x1BE70];
	[tilespmem:s30+$0x1BE00] =	vst v3;
	v3 =	vmul.f32 v28, v29  }
0xde: {  	v37 =	vmul.f32 v30, v29;
	v38 =	vld [tilespmem:s30+$0x1BE80];
	[tilespmem:s30+$0x1BE10] =	vst v34  }
0xdf: {  	v39 =	vld [tilespmem:s30+$0x1BE90];
	[tilespmem:s30+$0x1BE20] =	vst v3;
	v3 =	vmul.f32 v32, v29  }
0xe0: {  	v40 =	vmul.f32 v33, v29;
	[tilespmem:s30+$0x1BE30] =	vst v37;
	v41 =	vld [tilespmem:s30+$0x1BEA0]  }
0xe1: {  	v43 =	vld [tilespmem:s30+$0x1BEB0];
	v42 =	vbroadcast v2, $0xE;
	[tilespmem:s30+$0x1BE40] =	vst v3;
	v3 =	vmul.f32 v35, v29  }
0xe2: {  	v44 =	vmul.f32 v36, v29;
	[tilespmem:s30+$0x1BE50] =	vst v40;
	v45 =	vld [tilespmem:s30+$0x1BEC0]  }
0xe3: {  	v46 =	vld [tilespmem:s30+$0x1BED0];
	[tilespmem:s30+$0x1BE60] =	vst v3;
	v3 =	vmul.f32 v38, v42  }
0xe4: {  	[tilespmem:s30+$0x1BE70] =	vst v44;
	v48 =	vld [tilespmem:s30+$0x1BEE0];
	v47 =	vmul.f32 v39, v42  }
0xe5: {  	v49 =	vld [tilespmem:s30+$0x1BEF0];
	[tilespmem:s30+$0x1BE80] =	vst v3;
	v3 =	vmul.f32 v41, v42  }
0xe6: {  	v50 =	vmul.f32 v43, v42;
	v51 =	vld [tilespmem:s30+$0x1BF00];
	[tilespmem:s30+$0x1BE90] =	vst v47  }
0xe7: {  	v52 =	vld [tilespmem:s30+$0x1BF10];
	[tilespmem:s30+$0x1BEA0] =	vst v3;
	v3 =	vmul.f32 v45, v42  }
0xe8: {  	v53 =	vmul.f32 v46, v42;
	[tilespmem:s30+$0x1BEB0] =	vst v50;
	v54 =	vld [tilespmem:s30+$0x1BF20]  }
0xe9: {  	v2 =	vbroadcast v2, $0xF;
	v58 =	vld [tilespmem:s30+$0x1BF50];
	[tilespmem:s30+$0x1BEC0] =	vst v3;
	v3 =	vmul.f32 v48, v42  }
0xea: {  	v57 =	vld [tilespmem:s30+$0x1BF40];
	v56 =	vmul.f32 v49, v42;
	[tilespmem:s30+$0x1BED0] =	vst v53  }
0xeb: {  	v55 =	vld [tilespmem:s30+$0x1BF30];
	[tilespmem:s30+$0x1BEE0] =	vst v3;
	v3 =	vmul.f32 v51, v2  }
0xec: {  	v60 =	vld [tilespmem:s30+$0x1BF60];
	v59 =	vmul.f32 v52, v2;
	[tilespmem:s30+$0x1BEF0] =	vst v56  }
0xed: {  	v61 =	vld [tilespmem:s30+$0x1BF70];
	[tilespmem:s30+$0x1BF00] =	vst v3;
	v3 =	vmul.f32 v54, v2  }
0xee: {  	[tilespmem:s30+$0x1BF10] =	vst v59;
	v63 =	vmul.f32 v58, v2  }
0xef: {  	p0 =	sne.s32 s29, $0x4;
	[tilespmem:s30+$0x1BF20] =	vst v3;
	v3 =	vmul.f32 v57, v2  }
.Ltmp1:
0xf0: {  	v62 =	vmul.f32 v55, v2;
	[tilespmem:s30+$0x1BF50] =	vst v63;
	(pc) =	sbr.rel @p0 .LBB2_5-.Ltmp1, $4  }
0xf1: {  	[tilespmem:s30+$0x1BF40] =	vst v3;
	v3 =	vmul.f32 v60, v2  }
0xf2: {  	[tilespmem:s30+$0x1BF30] =	vst v62;
	v2 =	vmul.f32 v61, v2  }
0xf3: {  	[tilespmem:s30+$0x1BF60] =	vst v3  }
0xf4: {  	s29 =	sadd.s32 $0x1, s29;
	[tilespmem:s30+$0x1BF70] =	vst v2  }
0xf5: {  	s28 =	sadd.s32 $0x1, s28  }
0xf6: {  	p0 =	sne.s32 s28, $0x7D  }
.Ltmp2:
0xf7: {  	_ = 	snop;
	(pc) =	sbr.rel @p0 .LBB2_4-.Ltmp2, $4  }
0xf8: {  	[spmem:s3] =	stream.indirect.scatter.add.f32 [tilespmem:s18], [sflag:$0x2], $0x80, s26, s23, $0xb8;
	[tilespmem:$0x1DF80] =	vst v63  }
0xf9: {  	_ =	swait.ge [sflag:s19], $0x2800  }
0xfa: {  	[sflag:s19] =	ssyncset.done $0x0  }
0xfb: {  	[sflag:s19] =	ssyncadd.s32 $0xFFFFD800  }
0xfc: {  	s4 =	sadd.s32 $0x1, s4  }
0xfd: {  	s28 =	sshll.u32 s0, $0x6;
	[bflag:$0x0] =	sbarrier.arrive $0xFFFF;
	p0 =	sne.s32 s4, s17  }
.Ltmp3:
0xfe: {  	s29 =	sshrl.u32 s5, $0x3;
	s28 =	sor.u32 $0x1C02, s28;
	(pc) =	sbr.rel @p0 .LBB2_1-.Ltmp3, $4  }
0xff: {  	[hbm:s16], [sflag:s28] =	dma.local [spmem:s29], $0x2800  }
0x100: {  	_ =	swait.ge [sflag:s19], $0x2800  }
0x101: {  	[sflag:s19] =	ssyncset.done $0x0  }
0x102: {  	[sflag:s19] =	ssyncadd.s32 $0xFFFFD800  }
0x103: {  	_ =	sfence.sel $0x180000  }
0x104: {  	[bflag:$0x0] =	sbarrier.arrive $0xFFFF  }
0x105: {  	p0 =	sne.s32 s0, $0x0;
	_ =	strace $0x9000004A  }
0x106: {  	s0 =	sadd.s32 @!p0 $0x100000, s2;
	[bflag:$0x2] =	sbarrier.arrive $0xFFFF  }
0x107: {  	[sflag:s0] =	ssyncadd.tile.s32 @!p0 $0x1;
	_ =	shalt  }
.Lfunc_end2:
_tile_overlayer_lowered:
.L_overlay_start_2:
0x108: {  	(tag) =	ssettag $0x2  }
0x109: {  	s0 =	rddreg [dreg:$0x0];
	s2 =	stileid.u32  }
0x10a: {  	s1 =	rddreg [dreg:$0x1];
	p0 =	sne.s32 s2, $0x0  }
0x10b: {  	s3 =	rddreg [dreg:$0x2];
	[bflag:$0x3] =	sbarrier.arrive $0xFFFF;
	s2 =	simm.s32 @!p0 $0x1C02  }
0x10c: {  	[timem:s3], [sflag:s2] =	dma.local @!p0 [hbm:s0], s1  }
0x10d: {  	s0 =	simm.s32 @!p0 $0x2  }
0x10e: {  	_ =	swait.ge @!p0 [sflag:s0], s1  }
0x10f: {  	s1 =	ssub.s32 @!p0 $0x0, s1;
	[sflag:s0] =	ssyncset.done @!p0 $0x0  }
0x110: {  	[sflag:s0] =	ssyncadd.s32 @!p0 s1  }
0x111: {  	[bflag:$0x3] =	sbarrier.arrive $0xFFFF  }
0x112: {  	_ =	shalt  }

</sc_bundles>
